<compile_context>
chip_gen: v7x
topology: tpu7x:2x2x1
jax: 0.10.2.dev20260603
libtpu: 0.0.44.dev20260713+nightly
codegen_flags: <defaults>
</compile_context>

<pallas_src>
import jax
import jax.numpy as jnp
from jax import lax
from jax.experimental import pallas as pl
from jax.experimental.pallas import tpu as pltpu
from jax.experimental.pallas import tpu_sc as plsc

_B = 8
_TOK = 2048
_D = 256
_K = 64
_NREF = 32
_NSRC = 32
_NINST = 64
_NW = 32
_CH = 128
_RPW = 512
_NCHT = 8
_NBUF = 3
_NPTS = _B * _NREF * _K
_SLAB = 3 * _TOK


def _body(feats, pts1d, shp, knn,
          ref_fts, src_fts, ref_pts, src_pts, ref_shp, src_shp,
          idx_v, fb0, fb1, fb2, pts_v, pbuf, sbuf,
          psem, ssa, ssb, posem, gs0, gs1, gs2, os0, os1, os2):
    fbufs = (fb0, fb1, fb2)
    gsems = (gs0, gs1, gs2)
    osems = (os0, os1, os2)

    cid = lax.axis_index("c")
    sid = lax.axis_index("s")
    w = sid * 2 + cid
    scene = w // 4
    q = w % 4
    off = scene * _TOK

    pstage = pltpu.async_copy(pts1d.at[pl.ds(scene * _SLAB, _SLAB)], pts_v, psem)
    ig_ref = scene * _NINST + q * 8
    sin_a = pltpu.async_copy(shp.at[pl.ds(ig_ref, 8)], sbuf.at[pl.ds(0, 8)], ssa)
    sin_b = pltpu.async_copy(shp.at[pl.ds(ig_ref + _NREF, 8)],
                             sbuf.at[pl.ds(8, 8)], ssb)

    koff = (scene * 32 + q * 4) * 128
    pltpu.sync_copy(knn.at[pl.ds(koff, _RPW)], idx_v.at[pl.ds(0, _RPW)])
    pltpu.sync_copy(knn.at[pl.ds(koff + 16 * 128, _RPW)],
                    idx_v.at[pl.ds(_RPW, _RPW)])

    for j in range(64):
        sl = pl.ds(j * 16, 16)
        idx_v[sl] = idx_v[sl] + off

    def fire_gather(ch):
        b = ch % _NBUF
        return pltpu.async_copy(
            feats.at[idx_v.at[pl.ds(ch * _CH, _CH)]], fbufs[b], gsems[b])

    def fire_out(ch):
        b = ch % _NBUF
        out_fts = ref_fts if ch < _NCHT // 2 else src_fts
        chl = ch % (_NCHT // 2)
        return pltpu.async_copy(
            fbufs[b], out_fts.at[pl.ds(w * _RPW + chl * _CH, _CH)], osems[b])

    gd = [None] * _NBUF
    outs = [None] * _NBUF
    pouts = []
    gd[0] = fire_gather(0)
    for ch in range(_NCHT):
        if ch + 1 < _NCHT:
            nb = (ch + 1) % _NBUF
            if outs[nb] is not None:
                outs[nb].wait()
                outs[nb] = None
            gd[nb] = fire_gather(ch + 1)
        if ch == 0:
            pstage.wait()
        for j in range(ch * _CH // 16, (ch + 1) * _CH // 16):
            sl = pl.ds(j * 16, 16)
            loc = idx_v[sl] - off
            for c in range(3):
                pbuf[pl.ds((j // 32) * 1536 + c * _RPW + (j % 32) * 16, 16)] = (
                    plsc.load_gather(pts_v, [loc + c * _TOK]))
        if ch == 1:
            sin_a.wait()
            sin_b.wait()
            pouts.append(pltpu.async_copy(
                sbuf.at[pl.ds(0, 8)], ref_shp.at[pl.ds(w * 8, 8)], ssa))
            pouts.append(pltpu.async_copy(
                sbuf.at[pl.ds(8, 8)], src_shp.at[pl.ds(w * 8, 8)], ssb))
        if ch == _NCHT // 2 - 1 or ch == _NCHT - 1:
            part = (2 * ch + 1) // _NCHT
            out_pts = ref_pts if part == 0 else src_pts
            for c in range(3):
                pouts.append(pltpu.async_copy(
                    pbuf.at[pl.ds(part * 1536 + c * _RPW, _RPW)],
                    out_pts.at[pl.ds(c * _NPTS + w * _RPW, _RPW)], posem))
        b = ch % _NBUF
        gd[b].wait()
        outs[b] = fire_out(ch)
    for b in range(_NBUF):
        if outs[b] is not None:
            outs[b].wait()
    for d in pouts:
        d.wait()


def kernel(feats_f, points_f, instances_shape, instances_knn_indices,
           feats_batch, insts_batch, ref_graph_batch, src_graph_batch):
    pts1d = points_f.reshape(_B, _TOK, 3).transpose(0, 2, 1).reshape(-1)
    knn1d = instances_knn_indices.reshape(-1)

    out_type = (
        jax.ShapeDtypeStruct((_NPTS, _D), jnp.float32),
        jax.ShapeDtypeStruct((_NPTS, _D), jnp.float32),
        jax.ShapeDtypeStruct((3 * _NPTS,), jnp.float32),
        jax.ShapeDtypeStruct((3 * _NPTS,), jnp.float32),
        jax.ShapeDtypeStruct((_B * _NREF, _D), jnp.float32),
        jax.ShapeDtypeStruct((_B * _NSRC, _D), jnp.float32),
    )
    scratch = [
        pltpu.VMEM((2 * _RPW,), jnp.int32),
        pltpu.VMEM((_CH, _D), jnp.float32),
        pltpu.VMEM((_CH, _D), jnp.float32),
        pltpu.VMEM((_CH, _D), jnp.float32),
        pltpu.VMEM((_SLAB,), jnp.float32),
        pltpu.VMEM((2 * 3 * _RPW,), jnp.float32),
        pltpu.VMEM((16, _D), jnp.float32),
    ] + [pltpu.SemaphoreType.DMA] * 10
    mesh = plsc.VectorSubcoreMesh(core_axis_name="c", subcore_axis_name="s",
                                  num_cores=2, num_subcores=16)
    fn = pl.kernel(_body, out_type=out_type, mesh=mesh, scratch_types=scratch,
                   compiler_params=pltpu.CompilerParams(
                       use_tc_tiling_on_sc=True, needs_layout_passes=False))
    r_fts, s_fts, r_pts, s_pts, r_shp, s_shp = fn(
        feats_f, pts1d, instances_shape, knn1d)

    ref_pts = r_pts.reshape(3, _B * _NREF, _K).transpose(1, 2, 0)
    src_pts = s_pts.reshape(3, _B * _NSRC, _K).transpose(1, 2, 0)
    ref_fts = r_fts.reshape(_B * _NREF, _K, _D)
    src_fts = s_fts.reshape(_B * _NSRC, _K, _D)
    ref_batch = ((ref_graph_batch - ref_graph_batch[0]) * _NREF).astype(jnp.int32)
    src_batch = ((src_graph_batch - src_graph_batch[0]) * _NSRC).astype(jnp.int32)
    return (ref_pts, src_pts, ref_fts, src_fts, r_shp, s_shp,
            ref_batch, src_batch)

# --- scband reference (transcript-rebuilt; emitter-appended) ---
"""Pipeline reference for scband-sgnet-83726092468519 (READ-ONLY COPY).

The authoritative reference and input builder live on the scoring server;
editing this copy changes nothing except your own understanding.
"""

import jax, jax.numpy as jnp
import numpy as np

B = 8
TOKENS_PER_SCENE = 2048
TOTAL_TOKENS = B * TOKENS_PER_SCENE
D = 256
K = 64
N_REF = 32
N_SRC = 32
N_INST_PER_SCENE = N_REF + N_SRC
TOTAL_INST = B * N_INST_PER_SCENE
SHAPE_DIM = 256


def setup_inputs(seed: int = 0) -> dict:
    key = jax.random.key(seed)
    k1, k2, k3, k4 = jax.random.split(key, 4)
    feats_f = jax.random.normal(k1, (TOTAL_TOKENS, D), dtype=jnp.float32)
    points_f = jax.random.normal(k2, (TOTAL_TOKENS, 3), dtype=jnp.float32)
    instances_shape = jax.random.normal(k3, (TOTAL_INST, SHAPE_DIM), dtype=jnp.float32)
    instances_knn_indices = jax.random.randint(k4, (TOTAL_INST, K), 0, TOKENS_PER_SCENE, dtype=jnp.int32)
    feats_batch = jnp.arange(B + 1, dtype=jnp.int32)
    insts_batch = jnp.arange(B + 1, dtype=jnp.int32)
    ref_graph_batch = jnp.arange(B + 1, dtype=jnp.int32)
    src_graph_batch = jnp.arange(B + 1, dtype=jnp.int32)
    return {
        'feats_f': feats_f,
        'points_f': points_f,
        'instances_shape': instances_shape,
        'instances_knn_indices': instances_knn_indices,
        'feats_batch': feats_batch,
        'insts_batch': insts_batch,
        'ref_graph_batch': ref_graph_batch,
        'src_graph_batch': src_graph_batch,
    }


def reference(feats_f, points_f, instances_shape, instances_knn_indices,
              feats_batch, insts_batch, ref_graph_batch, src_graph_batch):
    # split_feats_dict: ragged per-scene padded gather of knn points/feats,
    # then split each scene's instances into ref / src partitions.
    fb = feats_batch * TOKENS_PER_SCENE
    ib = insts_batch * N_INST_PER_SCENE
    rb = ref_graph_batch * N_REF
    sb = src_graph_batch * N_SRC

    n_scenes = feats_batch.shape[0] - 1

    ref_pts, src_pts = [], []
    ref_fts, src_fts = [], []
    ref_shp, src_shp = [], []
    for i in range(n_scenes):
        pts = jax.lax.dynamic_slice_in_dim(points_f, fb[i], TOKENS_PER_SCENE, axis=0)
        fts = jax.lax.dynamic_slice_in_dim(feats_f, fb[i], TOKENS_PER_SCENE, axis=0)
        # pad with a zero row so that index == len(points) selects zeros
        padded_pts = jnp.concatenate([pts, jnp.zeros_like(pts[:1])], axis=0)
        padded_fts = jnp.concatenate([fts, jnp.zeros_like(fts[:1])], axis=0)
        knn = jax.lax.dynamic_slice_in_dim(instances_knn_indices, ib[i], N_INST_PER_SCENE, axis=0)
        knn_pts = padded_pts[knn]          # [n_inst, K, 3] gather
        knn_fts = padded_fts[knn]          # [n_inst, K, D] gather
        ref_pts.append(knn_pts[:N_REF])
        src_pts.append(knn_pts[N_REF:N_REF + N_SRC])
        ref_fts.append(knn_fts[:N_REF])
        src_fts.append(knn_fts[N_REF:N_REF + N_SRC])
        shapes = jax.lax.dynamic_slice_in_dim(instances_shape, ib[i], N_INST_PER_SCENE, axis=0)
        ref_shp.append(shapes[:N_REF])
        src_shp.append(shapes[N_REF:N_REF + N_SRC])

    ref_batch = (rb - rb[0]).astype(jnp.int32)
    src_batch = (sb - sb[0]).astype(jnp.int32)

    return (
        jnp.concatenate(ref_pts, axis=0),
        jnp.concatenate(src_pts, axis=0),
        jnp.concatenate(ref_fts, axis=0),
        jnp.concatenate(src_fts, axis=0),
        jnp.concatenate(ref_shp, axis=0),
        jnp.concatenate(src_shp, axis=0),
        ref_batch,
        src_batch,
    )

if __name__ == "__main__":
    import jax
    _d = setup_inputs()
    print(jax.jit(kernel)(*tuple(_d.values())))

</pallas_src>

<mosaic_0001>
#map = affine_map<(d0, d1) -> (0, 0)>
#map1 = affine_map<(d0, d1) -> (0)>
module attributes {stable_mosaic.version = 14 : i64} {
  func.func @_body(%arg0: i32, %arg1: i32, %arg2: memref<16384x256xf32, #tpu.memory_space<hbm>>, %arg3: memref<49152xf32, #tpu.memory_space<hbm>>, %arg4: memref<512x256xf32, #tpu.memory_space<hbm>>, %arg5: memref<32768xi32, #tpu.memory_space<hbm>>, %arg6: memref<16384x256xf32, #tpu.memory_space<hbm>>, %arg7: memref<16384x256xf32, #tpu.memory_space<hbm>>, %arg8: memref<49152xf32, #tpu.memory_space<hbm>>, %arg9: memref<49152xf32, #tpu.memory_space<hbm>>, %arg10: memref<256x256xf32, #tpu.memory_space<hbm>>, %arg11: memref<256x256xf32, #tpu.memory_space<hbm>>, %arg12: memref<1024xi32, #tpu.memory_space<vmem>>, %arg13: memref<128x256xf32, #tpu.memory_space<vmem>>, %arg14: memref<128x256xf32, #tpu.memory_space<vmem>>, %arg15: memref<128x256xf32, #tpu.memory_space<vmem>>, %arg16: memref<6144xf32, #tpu.memory_space<vmem>>, %arg17: memref<3072xf32, #tpu.memory_space<vmem>>, %arg18: memref<16x256xf32, #tpu.memory_space<vmem>>, %arg19: memref<!tpu.dma_semaphore, #tpu.memory_space<semaphore_mem>>, %arg20: memref<!tpu.dma_semaphore, #tpu.memory_space<semaphore_mem>>, %arg21: memref<!tpu.dma_semaphore, #tpu.memory_space<semaphore_mem>>, %arg22: memref<!tpu.dma_semaphore, #tpu.memory_space<semaphore_mem>>, %arg23: memref<!tpu.dma_semaphore, #tpu.memory_space<semaphore_mem>>, %arg24: memref<!tpu.dma_semaphore, #tpu.memory_space<semaphore_mem>>, %arg25: memref<!tpu.dma_semaphore, #tpu.memory_space<semaphore_mem>>, %arg26: memref<!tpu.dma_semaphore, #tpu.memory_space<semaphore_mem>>, %arg27: memref<!tpu.dma_semaphore, #tpu.memory_space<semaphore_mem>>, %arg28: memref<!tpu.dma_semaphore, #tpu.memory_space<semaphore_mem>>) attributes {dimension_semantics = [#tpu.dimension_semantics<core_parallel>, #tpu.dimension_semantics<subcore_parallel>], iteration_bounds = array<i64: 2, 16>, scalar_prefetch = 0 : i64, scratch_operands = 17 : i64, tpu.core_type = #tpu.core_type<sc_vector_subcore>, window_params = [{transform_indices = #map}, {transform_indices = #map1}, {transform_indices = #map}, {transform_indices = #map1}, {transform_indices = #map}, {transform_indices = #map}, {transform_indices = #map1}, {transform_indices = #map1}, {transform_indices = #map}, {transform_indices = #map}]} {
    %mul3A = arith.constant 2 : i32
    %mul3A_0 = arith.muli %arg1, %mul3A : i32
    %add3A = arith.addi %mul3A_0, %arg0 : i32
    %jit3A = arith.constant 4 : i32
    %div3A = arith.divsi %add3A, %jit3A : i32
    %sign3A = arith.constant 0 : i32
    %sign3A_1 = arith.cmpi sgt, %add3A, %sign3A : i32
    %sign3A_2 = arith.extui %sign3A_1 : i1 to i32
    %sign3A_3 = arith.constant 0 : i32
    %sign3A_4 = arith.cmpi slt, %add3A, %sign3A_3 : i32
    %sign3A_5 = arith.extui %sign3A_4 : i1 to i32
    %sign3A_6 = arith.subi %sign3A_2, %sign3A_5 : i32
    %sign3A_7 = arith.constant 0 : i32
    %sign3A_8 = arith.cmpi sgt, %jit3A, %sign3A_7 : i32
    %sign3A_9 = arith.extui %sign3A_8 : i1 to i32
    %sign3A_10 = arith.constant 0 : i32
    %sign3A_11 = arith.cmpi slt, %jit3A, %sign3A_10 : i32
    %sign3A_12 = arith.extui %sign3A_11 : i1 to i32
    %sign3A_13 = arith.subi %sign3A_9, %sign3A_12 : i32
    %ne3A = arith.cmpi ne, %sign3A_6, %sign3A_13 : i32
    %rem3A = arith.remsi %add3A, %jit3A : i32
    %ne3A_14 = arith.constant 0 : i32
    %ne3A_15 = arith.cmpi ne, %rem3A, %ne3A_14 : i32
    %and3A = arith.andi %ne3A, %ne3A_15 : i1
    %sub3A = arith.constant 1 : i32
    %sub3A_16 = arith.subi %div3A, %sub3A : i32
    %select_n3A = arith.select %and3A, %sub3A_16, %div3A : i32
    %jit3A_17 = arith.constant 4 : i32
    %eq3A = arith.constant 0 : i32
    %eq3A_18 = arith.cmpi eq, %jit3A_17, %eq3A : i32
    %jit3A_19 = arith.constant 1 : i32
    %select_n3A_20 = arith.select %eq3A_18, %jit3A_19, %jit3A_17 : i32
    %rem3A_21 = arith.remsi %add3A, %select_n3A_20 : i32
    %ne3A_22 = arith.constant 0 : i32
    %ne3A_23 = arith.cmpi ne, %rem3A_21, %ne3A_22 : i32
    %lt3A = arith.constant 0 : i32
    %lt3A_24 = arith.cmpi slt, %rem3A_21, %lt3A : i32
    %lt3A_25 = arith.constant 0 : i32
    %lt3A_26 = arith.cmpi slt, %select_n3A_20, %lt3A_25 : i32
    %ne3A_27 = arith.xori %lt3A_24, %lt3A_26 : i1
    %and3A_28 = arith.andi %ne3A_27, %ne3A_23 : i1
    %add3A_29 = arith.addi %rem3A_21, %select_n3A_20 : i32
    %select_n3A_30 = arith.select %and3A_28, %add3A_29, %rem3A_21 : i32
    %mul3A_31 = arith.constant 2048 : i32
    %mul3A_32 = arith.muli %select_n3A, %mul3A_31 : i32
    %mul3A_33 = arith.constant 6144 : i32
    %mul3A_34 = arith.muli %select_n3A, %mul3A_33 : i32
    %dma_start3A = tpu.memref_slice %arg3[%mul3A_34] : memref<49152xf32, #tpu.memory_space<hbm>> -> memref<6144xf32, #tpu.memory_space<hbm>>
    %dma_start3A_35 = tpu.memref_slice %arg3[%mul3A_34] : memref<49152xf32, #tpu.memory_space<hbm>> -> memref<6144xf32, #tpu.memory_space<hbm>>
    tpu.enqueue_dma source(%dma_start3A_35 : memref<6144xf32, #tpu.memory_space<hbm>>) target(%arg16 : memref<6144xf32, #tpu.memory_space<vmem>>) target_semaphore(%arg19 : memref<!tpu.dma_semaphore, #tpu.memory_space<semaphore_mem>>)
    %mul3A_36 = arith.constant 64 : i32
    %mul3A_37 = arith.muli %select_n3A, %mul3A_36 : i32
    %mul3A_38 = arith.constant 8 : i32
    %mul3A_39 = arith.muli %select_n3A_30, %mul3A_38 : i32
    %add3A_40 = arith.addi %mul3A_37, %mul3A_39 : i32
    %dma_start3A_41 = arith.constant 0 : i32
    %dma_start3A_42 = arith.constant 0 : i32
    %dma_start3A_43 = tpu.memref_slice %arg18[%dma_start3A_41, %dma_start3A_42] : memref<16x256xf32, #tpu.memory_space<vmem>> -> memref<8x256xf32, #tpu.memory_space<vmem>>
    %dma_start3A_44 = arith.constant 0 : i32
    %dma_start3A_45 = tpu.memref_slice %arg4[%add3A_40, %dma_start3A_44] : memref<512x256xf32, #tpu.memory_space<hbm>> -> memref<8x256xf32, #tpu.memory_space<hbm>>
    %dma_start3A_46 = arith.constant 0 : i32
    %dma_start3A_47 = arith.constant 0 : i32
    %dma_start3A_48 = tpu.memref_slice %arg18[%dma_start3A_46, %dma_start3A_47] : memref<16x256xf32, #tpu.memory_space<vmem>> -> memref<8x256xf32, #tpu.memory_space<vmem>>
    %dma_start3A_49 = arith.constant 0 : i32
    %dma_start3A_50 = tpu.memref_slice %arg4[%add3A_40, %dma_start3A_49] : memref<512x256xf32, #tpu.memory_space<hbm>> -> memref<8x256xf32, #tpu.memory_space<hbm>>
    tpu.enqueue_dma source(%dma_start3A_50 : memref<8x256xf32, #tpu.memory_space<hbm>>) target(%dma_start3A_48 : memref<8x256xf32, #tpu.memory_space<vmem>>) target_semaphore(%arg20 : memref<!tpu.dma_semaphore, #tpu.memory_space<semaphore_mem>>)
    %add3A_51 = arith.constant 32 : i32
    %add3A_52 = arith.addi %add3A_40, %add3A_51 : i32
    %dma_start3A_53 = arith.constant 8 : i32
    %dma_start3A_54 = arith.constant 0 : i32
    %dma_start3A_55 = tpu.memref_slice %arg18[%dma_start3A_53, %dma_start3A_54] : memref<16x256xf32, #tpu.memory_space<vmem>> -> memref<8x256xf32, #tpu.memory_space<vmem>>
    %dma_start3A_56 = arith.constant 0 : i32
    %dma_start3A_57 = tpu.memref_slice %arg4[%add3A_52, %dma_start3A_56] : memref<512x256xf32, #tpu.memory_space<hbm>> -> memref<8x256xf32, #tpu.memory_space<hbm>>
    %dma_start3A_58 = arith.constant 8 : i32
    %dma_start3A_59 = arith.constant 0 : i32
    %dma_start3A_60 = tpu.memref_slice %arg18[%dma_start3A_58, %dma_start3A_59] : memref<16x256xf32, #tpu.memory_space<vmem>> -> memref<8x256xf32, #tpu.memory_space<vmem>>
    %dma_start3A_61 = arith.constant 0 : i32
    %dma_start3A_62 = tpu.memref_slice %arg4[%add3A_52, %dma_start3A_61] : memref<512x256xf32, #tpu.memory_space<hbm>> -> memref<8x256xf32, #tpu.memory_space<hbm>>
    tpu.enqueue_dma source(%dma_start3A_62 : memref<8x256xf32, #tpu.memory_space<hbm>>) target(%dma_start3A_60 : memref<8x256xf32, #tpu.memory_space<vmem>>) target_semaphore(%arg21 : memref<!tpu.dma_semaphore, #tpu.memory_space<semaphore_mem>>)
    %mul3A_63 = arith.constant 32 : i32
    %mul3A_64 = arith.muli %select_n3A, %mul3A_63 : i32
    %mul3A_65 = arith.constant 4 : i32
    %mul3A_66 = arith.muli %select_n3A_30, %mul3A_65 : i32
    %add3A_67 = arith.addi %mul3A_64, %mul3A_66 : i32
    %mul3A_68 = arith.constant 128 : i32
    %mul3A_69 = arith.muli %add3A_67, %mul3A_68 : i32
    "tpu.region"() ({
      %run_scoped3A = tpu.sem_alloc : memref<!tpu.dma_semaphore, #tpu.memory_space<semaphore_mem>>
      %dma_start3A_2198 = arith.constant 0 : i32
      %dma_start3A_2199 = tpu.memref_slice %arg12[%dma_start3A_2198] : memref<1024xi32, #tpu.memory_space<vmem>> -> memref<512xi32, #tpu.memory_space<vmem>>
      %dma_start3A_2200 = tpu.memref_slice %arg5[%mul3A_69] : memref<32768xi32, #tpu.memory_space<hbm>> -> memref<512xi32, #tpu.memory_space<hbm>>
      %dma_start3A_2201 = arith.constant 0 : i32
      %dma_start3A_2202 = tpu.memref_slice %arg12[%dma_start3A_2201] : memref<1024xi32, #tpu.memory_space<vmem>> -> memref<512xi32, #tpu.memory_space<vmem>>
      %dma_start3A_2203 = tpu.memref_slice %arg5[%mul3A_69] : memref<32768xi32, #tpu.memory_space<hbm>> -> memref<512xi32, #tpu.memory_space<hbm>>
      tpu.enqueue_dma source(%dma_start3A_2203 : memref<512xi32, #tpu.memory_space<hbm>>) target(%dma_start3A_2202 : memref<512xi32, #tpu.memory_space<vmem>>) target_semaphore(%run_scoped3A : memref<!tpu.dma_semaphore, #tpu.memory_space<semaphore_mem>>)
      %dma_wait3A_2204 = arith.constant 0 : i32
      %dma_wait3A_2205 = tpu.memref_slice %arg12[%dma_wait3A_2204] : memref<1024xi32, #tpu.memory_space<vmem>> -> memref<512xi32, #tpu.memory_space<vmem>>
      %dma_wait3A_2206 = tpu.memref_slice %arg5[%mul3A_69] : memref<32768xi32, #tpu.memory_space<hbm>> -> memref<512xi32, #tpu.memory_space<hbm>>
      %dma_wait3A_2207 = arith.constant 0 : i32
      %dma_wait3A_2208 = tpu.memref_slice %arg12[%dma_wait3A_2207] : memref<1024xi32, #tpu.memory_space<vmem>> -> memref<512xi32, #tpu.memory_space<vmem>>
      %dma_wait3A_2209 = tpu.memref_slice %arg5[%mul3A_69] : memref<32768xi32, #tpu.memory_space<hbm>> -> memref<512xi32, #tpu.memory_space<hbm>>
      tpu.wait_dma2 semaphore(%run_scoped3A : memref<!tpu.dma_semaphore, #tpu.memory_space<semaphore_mem>>) src(%dma_wait3A_2209 : memref<512xi32, #tpu.memory_space<hbm>>) dst(%dma_wait3A_2208 : memref<512xi32, #tpu.memory_space<vmem>>)
      tpu.yield
    }) : () -> ()
    %add3A_70 = arith.constant 2048 : i32
    %add3A_71 = arith.addi %mul3A_69, %add3A_70 : i32
    "tpu.region"() ({
      %run_scoped3A = tpu.sem_alloc : memref<!tpu.dma_semaphore, #tpu.memory_space<semaphore_mem>>
      %dma_start3A_2198 = arith.constant 512 : i32
      %dma_start3A_2199 = tpu.memref_slice %arg12[%dma_start3A_2198] : memref<1024xi32, #tpu.memory_space<vmem>> -> memref<512xi32, #tpu.memory_space<vmem>>
      %dma_start3A_2200 = tpu.memref_slice %arg5[%add3A_71] : memref<32768xi32, #tpu.memory_space<hbm>> -> memref<512xi32, #tpu.memory_space<hbm>>
      %dma_start3A_2201 = arith.constant 512 : i32
      %dma_start3A_2202 = tpu.memref_slice %arg12[%dma_start3A_2201] : memref<1024xi32, #tpu.memory_space<vmem>> -> memref<512xi32, #tpu.memory_space<vmem>>
      %dma_start3A_2203 = tpu.memref_slice %arg5[%add3A_71] : memref<32768xi32, #tpu.memory_space<hbm>> -> memref<512xi32, #tpu.memory_space<hbm>>
      tpu.enqueue_dma source(%dma_start3A_2203 : memref<512xi32, #tpu.memory_space<hbm>>) target(%dma_start3A_2202 : memref<512xi32, #tpu.memory_space<vmem>>) target_semaphore(%run_scoped3A : memref<!tpu.dma_semaphore, #tpu.memory_space<semaphore_mem>>)
      %dma_wait3A_2204 = arith.constant 512 : i32
      %dma_wait3A_2205 = tpu.memref_slice %arg12[%dma_wait3A_2204] : memref<1024xi32, #tpu.memory_space<vmem>> -> memref<512xi32, #tpu.memory_space<vmem>>
      %dma_wait3A_2206 = tpu.memref_slice %arg5[%add3A_71] : memref<32768xi32, #tpu.memory_space<hbm>> -> memref<512xi32, #tpu.memory_space<hbm>>
      %dma_wait3A_2207 = arith.constant 512 : i32
      %dma_wait3A_2208 = tpu.memref_slice %arg12[%dma_wait3A_2207] : memref<1024xi32, #tpu.memory_space<vmem>> -> memref<512xi32, #tpu.memory_space<vmem>>
      %dma_wait3A_2209 = tpu.memref_slice %arg5[%add3A_71] : memref<32768xi32, #tpu.memory_space<hbm>> -> memref<512xi32, #tpu.memory_space<hbm>>
      tpu.wait_dma2 semaphore(%run_scoped3A : memref<!tpu.dma_semaphore, #tpu.memory_space<semaphore_mem>>) src(%dma_wait3A_2209 : memref<512xi32, #tpu.memory_space<hbm>>) dst(%dma_wait3A_2208 : memref<512xi32, #tpu.memory_space<vmem>>)
      tpu.yield
    }) : () -> ()
    %get3A = arith.constant 0 : index
    %get3A_72 = tpu.vector_load %arg12[%get3A] {strides = array<i32>} : memref<1024xi32, #tpu.memory_space<vmem>>, vector<16xi32>,
    %add3A_73 = vector.broadcast %mul3A_32 : i32 to vector<16xi32>
    %add3A_74 = arith.addi %get3A_72, %add3A_73 : vector<16xi32>
    %swap3A = arith.constant 0 : index
    %swap3A_75 = tpu.vector_load %arg12[%swap3A] {strides = array<i32>} : memref<1024xi32, #tpu.memory_space<vmem>>, vector<16xi32>,
    tpu.vector_store %arg12[%swap3A], %add3A_74 {strides = array<i32>} : memref<1024xi32, #tpu.memory_space<vmem>>, vector<16xi32>,
    %get3A_76 = arith.constant 16 : index
    %get3A_77 = tpu.vector_load %arg12[%get3A_76] {strides = array<i32>} : memref<1024xi32, #tpu.memory_space<vmem>>, vector<16xi32>,
    %add3A_78 = vector.broadcast %mul3A_32 : i32 to vector<16xi32>
    %add3A_79 = arith.addi %get3A_77, %add3A_78 : vector<16xi32>
    %swap3A_80 = arith.constant 16 : index
    %swap3A_81 = tpu.vector_load %arg12[%swap3A_80] {strides = array<i32>} : memref<1024xi32, #tpu.memory_space<vmem>>, vector<16xi32>,
    tpu.vector_store %arg12[%swap3A_80], %add3A_79 {strides = array<i32>} : memref<1024xi32, #tpu.memory_space<vmem>>, vector<16xi32>,
    %get3A_82 = arith.constant 32 : index
    %get3A_83 = tpu.vector_load %arg12[%get3A_82] {strides = array<i32>} : memref<1024xi32, #tpu.memory_space<vmem>>, vector<16xi32>,
    %add3A_84 = vector.broadcast %mul3A_32 : i32 to vector<16xi32>
    %add3A_85 = arith.addi %get3A_83, %add3A_84 : vector<16xi32>
    %swap3A_86 = arith.constant 32 : index
    %swap3A_87 = tpu.vector_load %arg12[%swap3A_86] {strides = array<i32>} : memref<1024xi32, #tpu.memory_space<vmem>>, vector<16xi32>,
    tpu.vector_store %arg12[%swap3A_86], %add3A_85 {strides = array<i32>} : memref<1024xi32, #tpu.memory_space<vmem>>, vector<16xi32>,
    %get3A_88 = arith.constant 48 : index
    %get3A_89 = tpu.vector_load %arg12[%get3A_88] {strides = array<i32>} : memref<1024xi32, #tpu.memory_space<vmem>>, vector<16xi32>,
    %add3A_90 = vector.broadcast %mul3A_32 : i32 to vector<16xi32>
    %add3A_91 = arith.addi %get3A_89, %add3A_90 : vector<16xi32>
    %swap3A_92 = arith.constant 48 : index
    %swap3A_93 = tpu.vector_load %arg12[%swap3A_92] {strides = array<i32>} : memref<1024xi32, #tpu.memory_space<vmem>>, vector<16xi32>,
    tpu.vector_store %arg12[%swap3A_92], %add3A_91 {strides = array<i32>} : memref<1024xi32, #tpu.memory_space<vmem>>, vector<16xi32>,
    %get3A_94 = arith.constant 64 : index
    %get3A_95 = tpu.vector_load %arg12[%get3A_94] {strides = array<i32>} : memref<1024xi32, #tpu.memory_space<vmem>>, vector<16xi32>,
    %add3A_96 = vector.broadcast %mul3A_32 : i32 to vector<16xi32>
    %add3A_97 = arith.addi %get3A_95, %add3A_96 : vector<16xi32>
    %swap3A_98 = arith.constant 64 : index
    %swap3A_99 = tpu.vector_load %arg12[%swap3A_98] {strides = array<i32>} : memref<1024xi32, #tpu.memory_space<vmem>>, vector<16xi32>,
    tpu.vector_store %arg12[%swap3A_98], %add3A_97 {strides = array<i32>} : memref<1024xi32, #tpu.memory_space<vmem>>, vector<16xi32>,
    %get3A_100 = arith.constant 80 : index
    %get3A_101 = tpu.vector_load %arg12[%get3A_100] {strides = array<i32>} : memref<1024xi32, #tpu.memory_space<vmem>>, vector<16xi32>,
    %add3A_102 = vector.broadcast %mul3A_32 : i32 to vector<16xi32>
    %add3A_103 = arith.addi %get3A_101, %add3A_102 : vector<16xi32>
    %swap3A_104 = arith.constant 80 : index
    %swap3A_105 = tpu.vector_load %arg12[%swap3A_104] {strides = array<i32>} : memref<1024xi32, #tpu.memory_space<vmem>>, vector<16xi32>,
    tpu.vector_store %arg12[%swap3A_104], %add3A_103 {strides = array<i32>} : memref<1024xi32, #tpu.memory_space<vmem>>, vector<16xi32>,
    %get3A_106 = arith.constant 96 : index
    %get3A_107 = tpu.vector_load %arg12[%get3A_106] {strides = array<i32>} : memref<1024xi32, #tpu.memory_space<vmem>>, vector<16xi32>,
    %add3A_108 = vector.broadcast %mul3A_32 : i32 to vector<16xi32>
    %add3A_109 = arith.addi %get3A_107, %add3A_108 : vector<16xi32>
    %swap3A_110 = arith.constant 96 : index
    %swap3A_111 = tpu.vector_load %arg12[%swap3A_110] {strides = array<i32>} : memref<1024xi32, #tpu.memory_space<vmem>>, vector<16xi32>,
    tpu.vector_store %arg12[%swap3A_110], %add3A_109 {strides = array<i32>} : memref<1024xi32, #tpu.memory_space<vmem>>, vector<16xi32>,
    %get3A_112 = arith.constant 112 : index
    %get3A_113 = tpu.vector_load %arg12[%get3A_112] {strides = array<i32>} : memref<1024xi32, #tpu.memory_space<vmem>>, vector<16xi32>,
    %add3A_114 = vector.broadcast %mul3A_32 : i32 to vector<16xi32>
    %add3A_115 = arith.addi %get3A_113, %add3A_114 : vector<16xi32>
    %swap3A_116 = arith.constant 112 : index
    %swap3A_117 = tpu.vector_load %arg12[%swap3A_116] {strides = array<i32>} : memref<1024xi32, #tpu.memory_space<vmem>>, vector<16xi32>,
    tpu.vector_store %arg12[%swap3A_116], %add3A_115 {strides = array<i32>} : memref<1024xi32, #tpu.memory_space<vmem>>, vector<16xi32>,
    %get3A_118 = arith.constant 128 : index
    %get3A_119 = tpu.vector_load %arg12[%get3A_118] {strides = array<i32>} : memref<1024xi32, #tpu.memory_space<vmem>>, vector<16xi32>,
    %add3A_120 = vector.broadcast %mul3A_32 : i32 to vector<16xi32>
    %add3A_121 = arith.addi %get3A_119, %add3A_120 : vector<16xi32>
    %swap3A_122 = arith.constant 128 : index
    %swap3A_123 = tpu.vector_load %arg12[%swap3A_122] {strides = array<i32>} : memref<1024xi32, #tpu.memory_space<vmem>>, vector<16xi32>,
    tpu.vector_store %arg12[%swap3A_122], %add3A_121 {strides = array<i32>} : memref<1024xi32, #tpu.memory_space<vmem>>, vector<16xi32>,
    %get3A_124 = arith.constant 144 : index
    %get3A_125 = tpu.vector_load %arg12[%get3A_124] {strides = array<i32>} : memref<1024xi32, #tpu.memory_space<vmem>>, vector<16xi32>,
    %add3A_126 = vector.broadcast %mul3A_32 : i32 to vector<16xi32>
    %add3A_127 = arith.addi %get3A_125, %add3A_126 : vector<16xi32>
    %swap3A_128 = arith.constant 144 : index
    %swap3A_129 = tpu.vector_load %arg12[%swap3A_128] {strides = array<i32>} : memref<1024xi32, #tpu.memory_space<vmem>>, vector<16xi32>,
    tpu.vector_store %arg12[%swap3A_128], %add3A_127 {strides = array<i32>} : memref<1024xi32, #tpu.memory_space<vmem>>, vector<16xi32>,
    %get3A_130 = arith.constant 160 : index
    %get3A_131 = tpu.vector_load %arg12[%get3A_130] {strides = array<i32>} : memref<1024xi32, #tpu.memory_space<vmem>>, vector<16xi32>,
    %add3A_132 = vector.broadcast %mul3A_32 : i32 to vector<16xi32>
    %add3A_133 = arith.addi %get3A_131, %add3A_132 : vector<16xi32>
    %swap3A_134 = arith.constant 160 : index
    %swap3A_135 = tpu.vector_load %arg12[%swap3A_134] {strides = array<i32>} : memref<1024xi32, #tpu.memory_space<vmem>>, vector<16xi32>,
    tpu.vector_store %arg12[%swap3A_134], %add3A_133 {strides = array<i32>} : memref<1024xi32, #tpu.memory_space<vmem>>, vector<16xi32>,
    %get3A_136 = arith.constant 176 : index
    %get3A_137 = tpu.vector_load %arg12[%get3A_136] {strides = array<i32>} : memref<1024xi32, #tpu.memory_space<vmem>>, vector<16xi32>,
    %add3A_138 = vector.broadcast %mul3A_32 : i32 to vector<16xi32>
    %add3A_139 = arith.addi %get3A_137, %add3A_138 : vector<16xi32>
    %swap3A_140 = arith.constant 176 : index
    %swap3A_141 = tpu.vector_load %arg12[%swap3A_140] {strides = array<i32>} : memref<1024xi32, #tpu.memory_space<vmem>>, vector<16xi32>,
    tpu.vector_store %arg12[%swap3A_140], %add3A_139 {strides = array<i32>} : memref<1024xi32, #tpu.memory_space<vmem>>, vector<16xi32>,
    %get3A_142 = arith.constant 192 : index
    %get3A_143 = tpu.vector_load %arg12[%get3A_142] {strides = array<i32>} : memref<1024xi32, #tpu.memory_space<vmem>>, vector<16xi32>,
    %add3A_144 = vector.broadcast %mul3A_32 : i32 to vector<16xi32>
    %add3A_145 = arith.addi %get3A_143, %add3A_144 : vector<16xi32>
    %swap3A_146 = arith.constant 192 : index
    %swap3A_147 = tpu.vector_load %arg12[%swap3A_146] {strides = array<i32>} : memref<1024xi32, #tpu.memory_space<vmem>>, vector<16xi32>,
    tpu.vector_store %arg12[%swap3A_146], %add3A_145 {strides = array<i32>} : memref<1024xi32, #tpu.memory_space<vmem>>, vector<16xi32>,
    %get3A_148 = arith.constant 208 : index
    %get3A_149 = tpu.vector_load %arg12[%get3A_148] {strides = array<i32>} : memref<1024xi32, #tpu.memory_space<vmem>>, vector<16xi32>,
    %add3A_150 = vector.broadcast %mul3A_32 : i32 to vector<16xi32>
    %add3A_151 = arith.addi %get3A_149, %add3A_150 : vector<16xi32>
    %swap3A_152 = arith.constant 208 : index
    %swap3A_153 = tpu.vector_load %arg12[%swap3A_152] {strides = array<i32>} : memref<1024xi32, #tpu.memory_space<vmem>>, vector<16xi32>,
    tpu.vector_store %arg12[%swap3A_152], %add3A_151 {strides = array<i32>} : memref<1024xi32, #tpu.memory_space<vmem>>, vector<16xi32>,
    %get3A_154 = arith.constant 224 : index
    %get3A_155 = tpu.vector_load %arg12[%get3A_154] {strides = array<i32>} : memref<1024xi32, #tpu.memory_space<vmem>>, vector<16xi32>,
    %add3A_156 = vector.broadcast %mul3A_32 : i32 to vector<16xi32>
    %add3A_157 = arith.addi %get3A_155, %add3A_156 : vector<16xi32>
    %swap3A_158 = arith.constant 224 : index
    %swap3A_159 = tpu.vector_load %arg12[%swap3A_158] {strides = array<i32>} : memref<1024xi32, #tpu.memory_space<vmem>>, vector<16xi32>,
    tpu.vector_store %arg12[%swap3A_158], %add3A_157 {strides = array<i32>} : memref<1024xi32, #tpu.memory_space<vmem>>, vector<16xi32>,
    %get3A_160 = arith.constant 240 : index
    %get3A_161 = tpu.vector_load %arg12[%get3A_160] {strides = array<i32>} : memref<1024xi32, #tpu.memory_space<vmem>>, vector<16xi32>,
    %add3A_162 = vector.broadcast %mul3A_32 : i32 to vector<16xi32>
    %add3A_163 = arith.addi %get3A_161, %add3A_162 : vector<16xi32>
    %swap3A_164 = arith.constant 240 : index
    %swap3A_165 = tpu.vector_load %arg12[%swap3A_164] {strides = array<i32>} : memref<1024xi32, #tpu.memory_space<vmem>>, vector<16xi32>,
    tpu.vector_store %arg12[%swap3A_164], %add3A_163 {strides = array<i32>} : memref<1024xi32, #tpu.memory_space<vmem>>, vector<16xi32>,
    %get3A_166 = arith.constant 256 : index
    %get3A_167 = tpu.vector_load %arg12[%get3A_166] {strides = array<i32>} : memref<1024xi32, #tpu.memory_space<vmem>>, vector<16xi32>,
    %add3A_168 = vector.broadcast %mul3A_32 : i32 to vector<16xi32>
    %add3A_169 = arith.addi %get3A_167, %add3A_168 : vector<16xi32>
    %swap3A_170 = arith.constant 256 : index
    %swap3A_171 = tpu.vector_load %arg12[%swap3A_170] {strides = array<i32>} : memref<1024xi32, #tpu.memory_space<vmem>>, vector<16xi32>,
    tpu.vector_store %arg12[%swap3A_170], %add3A_169 {strides = array<i32>} : memref<1024xi32, #tpu.memory_space<vmem>>, vector<16xi32>,
    %get3A_172 = arith.constant 272 : index
    %get3A_173 = tpu.vector_load %arg12[%get3A_172] {strides = array<i32>} : memref<1024xi32, #tpu.memory_space<vmem>>, vector<16xi32>,
    %add3A_174 = vector.broadcast %mul3A_32 : i32 to vector<16xi32>
    %add3A_175 = arith.addi %get3A_173, %add3A_174 : vector<16xi32>
    %swap3A_176 = arith.constant 272 : index
    %swap3A_177 = tpu.vector_load %arg12[%swap3A_176] {strides = array<i32>} : memref<1024xi32, #tpu.memory_space<vmem>>, vector<16xi32>,
    tpu.vector_store %arg12[%swap3A_176], %add3A_175 {strides = array<i32>} : memref<1024xi32, #tpu.memory_space<vmem>>, vector<16xi32>,
    %get3A_178 = arith.constant 288 : index
    %get3A_179 = tpu.vector_load %arg12[%get3A_178] {strides = array<i32>} : memref<1024xi32, #tpu.memory_space<vmem>>, vector<16xi32>,
    %add3A_180 = vector.broadcast %mul3A_32 : i32 to vector<16xi32>
    %add3A_181 = arith.addi %get3A_179, %add3A_180 : vector<16xi32>
    %swap3A_182 = arith.constant 288 : index
    %swap3A_183 = tpu.vector_load %arg12[%swap3A_182] {strides = array<i32>} : memref<1024xi32, #tpu.memory_space<vmem>>, vector<16xi32>,
    tpu.vector_store %arg12[%swap3A_182], %add3A_181 {strides = array<i32>} : memref<1024xi32, #tpu.memory_space<vmem>>, vector<16xi32>,
    %get3A_184 = arith.constant 304 : index
    %get3A_185 = tpu.vector_load %arg12[%get3A_184] {strides = array<i32>} : memref<1024xi32, #tpu.memory_space<vmem>>, vector<16xi32>,
    %add3A_186 = vector.broadcast %mul3A_32 : i32 to vector<16xi32>
    %add3A_187 = arith.addi %get3A_185, %add3A_186 : vector<16xi32>
    %swap3A_188 = arith.constant 304 : index
    %swap3A_189 = tpu.vector_load %arg12[%swap3A_188] {strides = array<i32>} : memref<1024xi32, #tpu.memory_space<vmem>>, vector<16xi32>,
    tpu.vector_store %arg12[%swap3A_188], %add3A_187 {strides = array<i32>} : memref<1024xi32, #tpu.memory_space<vmem>>, vector<16xi32>,
    %get3A_190 = arith.constant 320 : index
    %get3A_191 = tpu.vector_load %arg12[%get3A_190] {strides = array<i32>} : memref<1024xi32, #tpu.memory_space<vmem>>, vector<16xi32>,
    %add3A_192 = vector.broadcast %mul3A_32 : i32 to vector<16xi32>
    %add3A_193 = arith.addi %get3A_191, %add3A_192 : vector<16xi32>
    %swap3A_194 = arith.constant 320 : index
    %swap3A_195 = tpu.vector_load %arg12[%swap3A_194] {strides = array<i32>} : memref<1024xi32, #tpu.memory_space<vmem>>, vector<16xi32>,
    tpu.vector_store %arg12[%swap3A_194], %add3A_193 {strides = array<i32>} : memref<1024xi32, #tpu.memory_space<vmem>>, vector<16xi32>,
    %get3A_196 = arith.constant 336 : index
    %get3A_197 = tpu.vector_load %arg12[%get3A_196] {strides = array<i32>} : memref<1024xi32, #tpu.memory_space<vmem>>, vector<16xi32>,
    %add3A_198 = vector.broadcast %mul3A_32 : i32 to vector<16xi32>
    %add3A_199 = arith.addi %get3A_197, %add3A_198 : vector<16xi32>
    %swap3A_200 = arith.constant 336 : index
    %swap3A_201 = tpu.vector_load %arg12[%swap3A_200] {strides = array<i32>} : memref<1024xi32, #tpu.memory_space<vmem>>, vector<16xi32>,
    tpu.vector_store %arg12[%swap3A_200], %add3A_199 {strides = array<i32>} : memref<1024xi32, #tpu.memory_space<vmem>>, vector<16xi32>,
    %get3A_202 = arith.constant 352 : index
    %get3A_203 = tpu.vector_load %arg12[%get3A_202] {strides = array<i32>} : memref<1024xi32, #tpu.memory_space<vmem>>, vector<16xi32>,
    %add3A_204 = vector.broadcast %mul3A_32 : i32 to vector<16xi32>
    %add3A_205 = arith.addi %get3A_203, %add3A_204 : vector<16xi32>
    %swap3A_206 = arith.constant 352 : index
    %swap3A_207 = tpu.vector_load %arg12[%swap3A_206] {strides = array<i32>} : memref<1024xi32, #tpu.memory_space<vmem>>, vector<16xi32>,
    tpu.vector_store %arg12[%swap3A_206], %add3A_205 {strides = array<i32>} : memref<1024xi32, #tpu.memory_space<vmem>>, vector<16xi32>,
    %get3A_208 = arith.constant 368 : index
    %get3A_209 = tpu.vector_load %arg12[%get3A_208] {strides = array<i32>} : memref<1024xi32, #tpu.memory_space<vmem>>, vector<16xi32>,
    %add3A_210 = vector.broadcast %mul3A_32 : i32 to vector<16xi32>
    %add3A_211 = arith.addi %get3A_209, %add3A_210 : vector<16xi32>
    %swap3A_212 = arith.constant 368 : index
    %swap3A_213 = tpu.vector_load %arg12[%swap3A_212] {strides = array<i32>} : memref<1024xi32, #tpu.memory_space<vmem>>, vector<16xi32>,
    tpu.vector_store %arg12[%swap3A_212], %add3A_211 {strides = array<i32>} : memref<1024xi32, #tpu.memory_space<vmem>>, vector<16xi32>,
    %get3A_214 = arith.constant 384 : index
    %get3A_215 = tpu.vector_load %arg12[%get3A_214] {strides = array<i32>} : memref<1024xi32, #tpu.memory_space<vmem>>, vector<16xi32>,
    %add3A_216 = vector.broadcast %mul3A_32 : i32 to vector<16xi32>
    %add3A_217 = arith.addi %get3A_215, %add3A_216 : vector<16xi32>
    %swap3A_218 = arith.constant 384 : index
    %swap3A_219 = tpu.vector_load %arg12[%swap3A_218] {strides = array<i32>} : memref<1024xi32, #tpu.memory_space<vmem>>, vector<16xi32>,
    tpu.vector_store %arg12[%swap3A_218], %add3A_217 {strides = array<i32>} : memref<1024xi32, #tpu.memory_space<vmem>>, vector<16xi32>,
    %get3A_220 = arith.constant 400 : index
    %get3A_221 = tpu.vector_load %arg12[%get3A_220] {strides = array<i32>} : memref<1024xi32, #tpu.memory_space<vmem>>, vector<16xi32>,
    %add3A_222 = vector.broadcast %mul3A_32 : i32 to vector<16xi32>
    %add3A_223 = arith.addi %get3A_221, %add3A_222 : vector<16xi32>
    %swap3A_224 = arith.constant 400 : index
    %swap3A_225 = tpu.vector_load %arg12[%swap3A_224] {strides = array<i32>} : memref<1024xi32, #tpu.memory_space<vmem>>, vector<16xi32>,
    tpu.vector_store %arg12[%swap3A_224], %add3A_223 {strides = array<i32>} : memref<1024xi32, #tpu.memory_space<vmem>>, vector<16xi32>,
    %get3A_226 = arith.constant 416 : index
    %get3A_227 = tpu.vector_load %arg12[%get3A_226] {strides = array<i32>} : memref<1024xi32, #tpu.memory_space<vmem>>, vector<16xi32>,
    %add3A_228 = vector.broadcast %mul3A_32 : i32 to vector<16xi32>
    %add3A_229 = arith.addi %get3A_227, %add3A_228 : vector<16xi32>
    %swap3A_230 = arith.constant 416 : index
    %swap3A_231 = tpu.vector_load %arg12[%swap3A_230] {strides = array<i32>} : memref<1024xi32, #tpu.memory_space<vmem>>, vector<16xi32>,
    tpu.vector_store %arg12[%swap3A_230], %add3A_229 {strides = array<i32>} : memref<1024xi32, #tpu.memory_space<vmem>>, vector<16xi32>,
    %get3A_232 = arith.constant 432 : index
    %get3A_233 = tpu.vector_load %arg12[%get3A_232] {strides = array<i32>} : memref<1024xi32, #tpu.memory_space<vmem>>, vector<16xi32>,
    %add3A_234 = vector.broadcast %mul3A_32 : i32 to vector<16xi32>
    %add3A_235 = arith.addi %get3A_233, %add3A_234 : vector<16xi32>
    %swap3A_236 = arith.constant 432 : index
    %swap3A_237 = tpu.vector_load %arg12[%swap3A_236] {strides = array<i32>} : memref<1024xi32, #tpu.memory_space<vmem>>, vector<16xi32>,
    tpu.vector_store %arg12[%swap3A_236], %add3A_235 {strides = array<i32>} : memref<1024xi32, #tpu.memory_space<vmem>>, vector<16xi32>,
    %get3A_238 = arith.constant 448 : index
    %get3A_239 = tpu.vector_load %arg12[%get3A_238] {strides = array<i32>} : memref<1024xi32, #tpu.memory_space<vmem>>, vector<16xi32>,
    %add3A_240 = vector.broadcast %mul3A_32 : i32 to vector<16xi32>
    %add3A_241 = arith.addi %get3A_239, %add3A_240 : vector<16xi32>
    %swap3A_242 = arith.constant 448 : index
    %swap3A_243 = tpu.vector_load %arg12[%swap3A_242] {strides = array<i32>} : memref<1024xi32, #tpu.memory_space<vmem>>, vector<16xi32>,
    tpu.vector_store %arg12[%swap3A_242], %add3A_241 {strides = array<i32>} : memref<1024xi32, #tpu.memory_space<vmem>>, vector<16xi32>,
    %get3A_244 = arith.constant 464 : index
    %get3A_245 = tpu.vector_load %arg12[%get3A_244] {strides = array<i32>} : memref<1024xi32, #tpu.memory_space<vmem>>, vector<16xi32>,
    %add3A_246 = vector.broadcast %mul3A_32 : i32 to vector<16xi32>
    %add3A_247 = arith.addi %get3A_245, %add3A_246 : vector<16xi32>
    %swap3A_248 = arith.constant 464 : index
    %swap3A_249 = tpu.vector_load %arg12[%swap3A_248] {strides = array<i32>} : memref<1024xi32, #tpu.memory_space<vmem>>, vector<16xi32>,
    tpu.vector_store %arg12[%swap3A_248], %add3A_247 {strides = array<i32>} : memref<1024xi32, #tpu.memory_space<vmem>>, vector<16xi32>,
    %get3A_250 = arith.constant 480 : index
    %get3A_251 = tpu.vector_load %arg12[%get3A_250] {strides = array<i32>} : memref<1024xi32, #tpu.memory_space<vmem>>, vector<16xi32>,
    %add3A_252 = vector.broadcast %mul3A_32 : i32 to vector<16xi32>
    %add3A_253 = arith.addi %get3A_251, %add3A_252 : vector<16xi32>
    %swap3A_254 = arith.constant 480 : index
    %swap3A_255 = tpu.vector_load %arg12[%swap3A_254] {strides = array<i32>} : memref<1024xi32, #tpu.memory_space<vmem>>, vector<16xi32>,
    tpu.vector_store %arg12[%swap3A_254], %add3A_253 {strides = array<i32>} : memref<1024xi32, #tpu.memory_space<vmem>>, vector<16xi32>,
    %get3A_256 = arith.constant 496 : index
    %get3A_257 = tpu.vector_load %arg12[%get3A_256] {strides = array<i32>} : memref<1024xi32, #tpu.memory_space<vmem>>, vector<16xi32>,
    %add3A_258 = vector.broadcast %mul3A_32 : i32 to vector<16xi32>
    %add3A_259 = arith.addi %get3A_257, %add3A_258 : vector<16xi32>
    %swap3A_260 = arith.constant 496 : index
    %swap3A_261 = tpu.vector_load %arg12[%swap3A_260] {strides = array<i32>} : memref<1024xi32, #tpu.memory_space<vmem>>, vector<16xi32>,
    tpu.vector_store %arg12[%swap3A_260], %add3A_259 {strides = array<i32>} : memref<1024xi32, #tpu.memory_space<vmem>>, vector<16xi32>,
    %get3A_262 = arith.constant 512 : index
    %get3A_263 = tpu.vector_load %arg12[%get3A_262] {strides = array<i32>} : memref<1024xi32, #tpu.memory_space<vmem>>, vector<16xi32>,
    %add3A_264 = vector.broadcast %mul3A_32 : i32 to vector<16xi32>
    %add3A_265 = arith.addi %get3A_263, %add3A_264 : vector<16xi32>
    %swap3A_266 = arith.constant 512 : index
    %swap3A_267 = tpu.vector_load %arg12[%swap3A_266] {strides = array<i32>} : memref<1024xi32, #tpu.memory_space<vmem>>, vector<16xi32>,
    tpu.vector_store %arg12[%swap3A_266], %add3A_265 {strides = array<i32>} : memref<1024xi32, #tpu.memory_space<vmem>>, vector<16xi32>,
    %get3A_268 = arith.constant 528 : index
    %get3A_269 = tpu.vector_load %arg12[%get3A_268] {strides = array<i32>} : memref<1024xi32, #tpu.memory_space<vmem>>, vector<16xi32>,
    %add3A_270 = vector.broadcast %mul3A_32 : i32 to vector<16xi32>
    %add3A_271 = arith.addi %get3A_269, %add3A_270 : vector<16xi32>
    %swap3A_272 = arith.constant 528 : index
    %swap3A_273 = tpu.vector_load %arg12[%swap3A_272] {strides = array<i32>} : memref<1024xi32, #tpu.memory_space<vmem>>, vector<16xi32>,
    tpu.vector_store %arg12[%swap3A_272], %add3A_271 {strides = array<i32>} : memref<1024xi32, #tpu.memory_space<vmem>>, vector<16xi32>,
    %get3A_274 = arith.constant 544 : index
    %get3A_275 = tpu.vector_load %arg12[%get3A_274] {strides = array<i32>} : memref<1024xi32, #tpu.memory_space<vmem>>, vector<16xi32>,
    %add3A_276 = vector.broadcast %mul3A_32 : i32 to vector<16xi32>
    %add3A_277 = arith.addi %get3A_275, %add3A_276 : vector<16xi32>
    %swap3A_278 = arith.constant 544 : index
    %swap3A_279 = tpu.vector_load %arg12[%swap3A_278] {strides = array<i32>} : memref<1024xi32, #tpu.memory_space<vmem>>, vector<16xi32>,
    tpu.vector_store %arg12[%swap3A_278], %add3A_277 {strides = array<i32>} : memref<1024xi32, #tpu.memory_space<vmem>>, vector<16xi32>,
    %get3A_280 = arith.constant 560 : index
    %get3A_281 = tpu.vector_load %arg12[%get3A_280] {strides = array<i32>} : memref<1024xi32, #tpu.memory_space<vmem>>, vector<16xi32>,
    %add3A_282 = vector.broadcast %mul3A_32 : i32 to vector<16xi32>
    %add3A_283 = arith.addi %get3A_281, %add3A_282 : vector<16xi32>
    %swap3A_284 = arith.constant 560 : index
    %swap3A_285 = tpu.vector_load %arg12[%swap3A_284] {strides = array<i32>} : memref<1024xi32, #tpu.memory_space<vmem>>, vector<16xi32>,
    tpu.vector_store %arg12[%swap3A_284], %add3A_283 {strides = array<i32>} : memref<1024xi32, #tpu.memory_space<vmem>>, vector<16xi32>,
    %get3A_286 = arith.constant 576 : index
    %get3A_287 = tpu.vector_load %arg12[%get3A_286] {strides = array<i32>} : memref<1024xi32, #tpu.memory_space<vmem>>, vector<16xi32>,
    %add3A_288 = vector.broadcast %mul3A_32 : i32 to vector<16xi32>
    %add3A_289 = arith.addi %get3A_287, %add3A_288 : vector<16xi32>
    %swap3A_290 = arith.constant 576 : index
    %swap3A_291 = tpu.vector_load %arg12[%swap3A_290] {strides = array<i32>} : memref<1024xi32, #tpu.memory_space<vmem>>, vector<16xi32>,
    tpu.vector_store %arg12[%swap3A_290], %add3A_289 {strides = array<i32>} : memref<1024xi32, #tpu.memory_space<vmem>>, vector<16xi32>,
    %get3A_292 = arith.constant 592 : index
    %get3A_293 = tpu.vector_load %arg12[%get3A_292] {strides = array<i32>} : memref<1024xi32, #tpu.memory_space<vmem>>, vector<16xi32>,
    %add3A_294 = vector.broadcast %mul3A_32 : i32 to vector<16xi32>
    %add3A_295 = arith.addi %get3A_293, %add3A_294 : vector<16xi32>
    %swap3A_296 = arith.constant 592 : index
    %swap3A_297 = tpu.vector_load %arg12[%swap3A_296] {strides = array<i32>} : memref<1024xi32, #tpu.memory_space<vmem>>, vector<16xi32>,
    tpu.vector_store %arg12[%swap3A_296], %add3A_295 {strides = array<i32>} : memref<1024xi32, #tpu.memory_space<vmem>>, vector<16xi32>,
    %get3A_298 = arith.constant 608 : index
    %get3A_299 = tpu.vector_load %arg12[%get3A_298] {strides = array<i32>} : memref<1024xi32, #tpu.memory_space<vmem>>, vector<16xi32>,
    %add3A_300 = vector.broadcast %mul3A_32 : i32 to vector<16xi32>
    %add3A_301 = arith.addi %get3A_299, %add3A_300 : vector<16xi32>
    %swap3A_302 = arith.constant 608 : index
    %swap3A_303 = tpu.vector_load %arg12[%swap3A_302] {strides = array<i32>} : memref<1024xi32, #tpu.memory_space<vmem>>, vector<16xi32>,
    tpu.vector_store %arg12[%swap3A_302], %add3A_301 {strides = array<i32>} : memref<1024xi32, #tpu.memory_space<vmem>>, vector<16xi32>,
    %get3A_304 = arith.constant 624 : index
    %get3A_305 = tpu.vector_load %arg12[%get3A_304] {strides = array<i32>} : memref<1024xi32, #tpu.memory_space<vmem>>, vector<16xi32>,
    %add3A_306 = vector.broadcast %mul3A_32 : i32 to vector<16xi32>
    %add3A_307 = arith.addi %get3A_305, %add3A_306 : vector<16xi32>
    %swap3A_308 = arith.constant 624 : index
    %swap3A_309 = tpu.vector_load %arg12[%swap3A_308] {strides = array<i32>} : memref<1024xi32, #tpu.memory_space<vmem>>, vector<16xi32>,
    tpu.vector_store %arg12[%swap3A_308], %add3A_307 {strides = array<i32>} : memref<1024xi32, #tpu.memory_space<vmem>>, vector<16xi32>,
    %get3A_310 = arith.constant 640 : index
    %get3A_311 = tpu.vector_load %arg12[%get3A_310] {strides = array<i32>} : memref<1024xi32, #tpu.memory_space<vmem>>, vector<16xi32>,
    %add3A_312 = vector.broadcast %mul3A_32 : i32 to vector<16xi32>
    %add3A_313 = arith.addi %get3A_311, %add3A_312 : vector<16xi32>
    %swap3A_314 = arith.constant 640 : index
    %swap3A_315 = tpu.vector_load %arg12[%swap3A_314] {strides = array<i32>} : memref<1024xi32, #tpu.memory_space<vmem>>, vector<16xi32>,
    tpu.vector_store %arg12[%swap3A_314], %add3A_313 {strides = array<i32>} : memref<1024xi32, #tpu.memory_space<vmem>>, vector<16xi32>,
    %get3A_316 = arith.constant 656 : index
    %get3A_317 = tpu.vector_load %arg12[%get3A_316] {strides = array<i32>} : memref<1024xi32, #tpu.memory_space<vmem>>, vector<16xi32>,
    %add3A_318 = vector.broadcast %mul3A_32 : i32 to vector<16xi32>
    %add3A_319 = arith.addi %get3A_317, %add3A_318 : vector<16xi32>
    %swap3A_320 = arith.constant 656 : index
    %swap3A_321 = tpu.vector_load %arg12[%swap3A_320] {strides = array<i32>} : memref<1024xi32, #tpu.memory_space<vmem>>, vector<16xi32>,
    tpu.vector_store %arg12[%swap3A_320], %add3A_319 {strides = array<i32>} : memref<1024xi32, #tpu.memory_space<vmem>>, vector<16xi32>,
    %get3A_322 = arith.constant 672 : index
    %get3A_323 = tpu.vector_load %arg12[%get3A_322] {strides = array<i32>} : memref<1024xi32, #tpu.memory_space<vmem>>, vector<16xi32>,
    %add3A_324 = vector.broadcast %mul3A_32 : i32 to vector<16xi32>
    %add3A_325 = arith.addi %get3A_323, %add3A_324 : vector<16xi32>
    %swap3A_326 = arith.constant 672 : index
    %swap3A_327 = tpu.vector_load %arg12[%swap3A_326] {strides = array<i32>} : memref<1024xi32, #tpu.memory_space<vmem>>, vector<16xi32>,
    tpu.vector_store %arg12[%swap3A_326], %add3A_325 {strides = array<i32>} : memref<1024xi32, #tpu.memory_space<vmem>>, vector<16xi32>,
    %get3A_328 = arith.constant 688 : index
    %get3A_329 = tpu.vector_load %arg12[%get3A_328] {strides = array<i32>} : memref<1024xi32, #tpu.memory_space<vmem>>, vector<16xi32>,
    %add3A_330 = vector.broadcast %mul3A_32 : i32 to vector<16xi32>
    %add3A_331 = arith.addi %get3A_329, %add3A_330 : vector<16xi32>
    %swap3A_332 = arith.constant 688 : index
    %swap3A_333 = tpu.vector_load %arg12[%swap3A_332] {strides = array<i32>} : memref<1024xi32, #tpu.memory_space<vmem>>, vector<16xi32>,
    tpu.vector_store %arg12[%swap3A_332], %add3A_331 {strides = array<i32>} : memref<1024xi32, #tpu.memory_space<vmem>>, vector<16xi32>,
    %get3A_334 = arith.constant 704 : index
    %get3A_335 = tpu.vector_load %arg12[%get3A_334] {strides = array<i32>} : memref<1024xi32, #tpu.memory_space<vmem>>, vector<16xi32>,
    %add3A_336 = vector.broadcast %mul3A_32 : i32 to vector<16xi32>
    %add3A_337 = arith.addi %get3A_335, %add3A_336 : vector<16xi32>
    %swap3A_338 = arith.constant 704 : index
    %swap3A_339 = tpu.vector_load %arg12[%swap3A_338] {strides = array<i32>} : memref<1024xi32, #tpu.memory_space<vmem>>, vector<16xi32>,
    tpu.vector_store %arg12[%swap3A_338], %add3A_337 {strides = array<i32>} : memref<1024xi32, #tpu.memory_space<vmem>>, vector<16xi32>,
    %get3A_340 = arith.constant 720 : index
    %get3A_341 = tpu.vector_load %arg12[%get3A_340] {strides = array<i32>} : memref<1024xi32, #tpu.memory_space<vmem>>, vector<16xi32>,
    %add3A_342 = vector.broadcast %mul3A_32 : i32 to vector<16xi32>
    %add3A_343 = arith.addi %get3A_341, %add3A_342 : vector<16xi32>
    %swap3A_344 = arith.constant 720 : index
    %swap3A_345 = tpu.vector_load %arg12[%swap3A_344] {strides = array<i32>} : memref<1024xi32, #tpu.memory_space<vmem>>, vector<16xi32>,
    tpu.vector_store %arg12[%swap3A_344], %add3A_343 {strides = array<i32>} : memref<1024xi32, #tpu.memory_space<vmem>>, vector<16xi32>,
    %get3A_346 = arith.constant 736 : index
    %get3A_347 = tpu.vector_load %arg12[%get3A_346] {strides = array<i32>} : memref<1024xi32, #tpu.memory_space<vmem>>, vector<16xi32>,
    %add3A_348 = vector.broadcast %mul3A_32 : i32 to vector<16xi32>
    %add3A_349 = arith.addi %get3A_347, %add3A_348 : vector<16xi32>
    %swap3A_350 = arith.constant 736 : index
    %swap3A_351 = tpu.vector_load %arg12[%swap3A_350] {strides = array<i32>} : memref<1024xi32, #tpu.memory_space<vmem>>, vector<16xi32>,
    tpu.vector_store %arg12[%swap3A_350], %add3A_349 {strides = array<i32>} : memref<1024xi32, #tpu.memory_space<vmem>>, vector<16xi32>,
    %get3A_352 = arith.constant 752 : index
    %get3A_353 = tpu.vector_load %arg12[%get3A_352] {strides = array<i32>} : memref<1024xi32, #tpu.memory_space<vmem>>, vector<16xi32>,
    %add3A_354 = vector.broadcast %mul3A_32 : i32 to vector<16xi32>
    %add3A_355 = arith.addi %get3A_353, %add3A_354 : vector<16xi32>
    %swap3A_356 = arith.constant 752 : index
    %swap3A_357 = tpu.vector_load %arg12[%swap3A_356] {strides = array<i32>} : memref<1024xi32, #tpu.memory_space<vmem>>, vector<16xi32>,
    tpu.vector_store %arg12[%swap3A_356], %add3A_355 {strides = array<i32>} : memref<1024xi32, #tpu.memory_space<vmem>>, vector<16xi32>,
    %get3A_358 = arith.constant 768 : index
    %get3A_359 = tpu.vector_load %arg12[%get3A_358] {strides = array<i32>} : memref<1024xi32, #tpu.memory_space<vmem>>, vector<16xi32>,
    %add3A_360 = vector.broadcast %mul3A_32 : i32 to vector<16xi32>
    %add3A_361 = arith.addi %get3A_359, %add3A_360 : vector<16xi32>
    %swap3A_362 = arith.constant 768 : index
    %swap3A_363 = tpu.vector_load %arg12[%swap3A_362] {strides = array<i32>} : memref<1024xi32, #tpu.memory_space<vmem>>, vector<16xi32>,
    tpu.vector_store %arg12[%swap3A_362], %add3A_361 {strides = array<i32>} : memref<1024xi32, #tpu.memory_space<vmem>>, vector<16xi32>,
    %get3A_364 = arith.constant 784 : index
    %get3A_365 = tpu.vector_load %arg12[%get3A_364] {strides = array<i32>} : memref<1024xi32, #tpu.memory_space<vmem>>, vector<16xi32>,
    %add3A_366 = vector.broadcast %mul3A_32 : i32 to vector<16xi32>
    %add3A_367 = arith.addi %get3A_365, %add3A_366 : vector<16xi32>
    %swap3A_368 = arith.constant 784 : index
    %swap3A_369 = tpu.vector_load %arg12[%swap3A_368] {strides = array<i32>} : memref<1024xi32, #tpu.memory_space<vmem>>, vector<16xi32>,
    tpu.vector_store %arg12[%swap3A_368], %add3A_367 {strides = array<i32>} : memref<1024xi32, #tpu.memory_space<vmem>>, vector<16xi32>,
    %get3A_370 = arith.constant 800 : index
    %get3A_371 = tpu.vector_load %arg12[%get3A_370] {strides = array<i32>} : memref<1024xi32, #tpu.memory_space<vmem>>, vector<16xi32>,
    %add3A_372 = vector.broadcast %mul3A_32 : i32 to vector<16xi32>
    %add3A_373 = arith.addi %get3A_371, %add3A_372 : vector<16xi32>
    %swap3A_374 = arith.constant 800 : index
    %swap3A_375 = tpu.vector_load %arg12[%swap3A_374] {strides = array<i32>} : memref<1024xi32, #tpu.memory_space<vmem>>, vector<16xi32>,
    tpu.vector_store %arg12[%swap3A_374], %add3A_373 {strides = array<i32>} : memref<1024xi32, #tpu.memory_space<vmem>>, vector<16xi32>,
    %get3A_376 = arith.constant 816 : index
    %get3A_377 = tpu.vector_load %arg12[%get3A_376] {strides = array<i32>} : memref<1024xi32, #tpu.memory_space<vmem>>, vector<16xi32>,
    %add3A_378 = vector.broadcast %mul3A_32 : i32 to vector<16xi32>
    %add3A_379 = arith.addi %get3A_377, %add3A_378 : vector<16xi32>
    %swap3A_380 = arith.constant 816 : index
    %swap3A_381 = tpu.vector_load %arg12[%swap3A_380] {strides = array<i32>} : memref<1024xi32, #tpu.memory_space<vmem>>, vector<16xi32>,
    tpu.vector_store %arg12[%swap3A_380], %add3A_379 {strides = array<i32>} : memref<1024xi32, #tpu.memory_space<vmem>>, vector<16xi32>,
    %get3A_382 = arith.constant 832 : index
    %get3A_383 = tpu.vector_load %arg12[%get3A_382] {strides = array<i32>} : memref<1024xi32, #tpu.memory_space<vmem>>, vector<16xi32>,
    %add3A_384 = vector.broadcast %mul3A_32 : i32 to vector<16xi32>
    %add3A_385 = arith.addi %get3A_383, %add3A_384 : vector<16xi32>
    %swap3A_386 = arith.constant 832 : index
    %swap3A_387 = tpu.vector_load %arg12[%swap3A_386] {strides = array<i32>} : memref<1024xi32, #tpu.memory_space<vmem>>, vector<16xi32>,
    tpu.vector_store %arg12[%swap3A_386], %add3A_385 {strides = array<i32>} : memref<1024xi32, #tpu.memory_space<vmem>>, vector<16xi32>,
    %get3A_388 = arith.constant 848 : index
    %get3A_389 = tpu.vector_load %arg12[%get3A_388] {strides = array<i32>} : memref<1024xi32, #tpu.memory_space<vmem>>, vector<16xi32>,
    %add3A_390 = vector.broadcast %mul3A_32 : i32 to vector<16xi32>
    %add3A_391 = arith.addi %get3A_389, %add3A_390 : vector<16xi32>
    %swap3A_392 = arith.constant 848 : index
    %swap3A_393 = tpu.vector_load %arg12[%swap3A_392] {strides = array<i32>} : memref<1024xi32, #tpu.memory_space<vmem>>, vector<16xi32>,
    tpu.vector_store %arg12[%swap3A_392], %add3A_391 {strides = array<i32>} : memref<1024xi32, #tpu.memory_space<vmem>>, vector<16xi32>,
    %get3A_394 = arith.constant 864 : index
    %get3A_395 = tpu.vector_load %arg12[%get3A_394] {strides = array<i32>} : memref<1024xi32, #tpu.memory_space<vmem>>, vector<16xi32>,
    %add3A_396 = vector.broadcast %mul3A_32 : i32 to vector<16xi32>
    %add3A_397 = arith.addi %get3A_395, %add3A_396 : vector<16xi32>
    %swap3A_398 = arith.constant 864 : index
    %swap3A_399 = tpu.vector_load %arg12[%swap3A_398] {strides = array<i32>} : memref<1024xi32, #tpu.memory_space<vmem>>, vector<16xi32>,
    tpu.vector_store %arg12[%swap3A_398], %add3A_397 {strides = array<i32>} : memref<1024xi32, #tpu.memory_space<vmem>>, vector<16xi32>,
    %get3A_400 = arith.constant 880 : index
    %get3A_401 = tpu.vector_load %arg12[%get3A_400] {strides = array<i32>} : memref<1024xi32, #tpu.memory_space<vmem>>, vector<16xi32>,
    %add3A_402 = vector.broadcast %mul3A_32 : i32 to vector<16xi32>
    %add3A_403 = arith.addi %get3A_401, %add3A_402 : vector<16xi32>
    %swap3A_404 = arith.constant 880 : index
    %swap3A_405 = tpu.vector_load %arg12[%swap3A_404] {strides = array<i32>} : memref<1024xi32, #tpu.memory_space<vmem>>, vector<16xi32>,
    tpu.vector_store %arg12[%swap3A_404], %add3A_403 {strides = array<i32>} : memref<1024xi32, #tpu.memory_space<vmem>>, vector<16xi32>,
    %get3A_406 = arith.constant 896 : index
    %get3A_407 = tpu.vector_load %arg12[%get3A_406] {strides = array<i32>} : memref<1024xi32, #tpu.memory_space<vmem>>, vector<16xi32>,
    %add3A_408 = vector.broadcast %mul3A_32 : i32 to vector<16xi32>
    %add3A_409 = arith.addi %get3A_407, %add3A_408 : vector<16xi32>
    %swap3A_410 = arith.constant 896 : index
    %swap3A_411 = tpu.vector_load %arg12[%swap3A_410] {strides = array<i32>} : memref<1024xi32, #tpu.memory_space<vmem>>, vector<16xi32>,
    tpu.vector_store %arg12[%swap3A_410], %add3A_409 {strides = array<i32>} : memref<1024xi32, #tpu.memory_space<vmem>>, vector<16xi32>,
    %get3A_412 = arith.constant 912 : index
    %get3A_413 = tpu.vector_load %arg12[%get3A_412] {strides = array<i32>} : memref<1024xi32, #tpu.memory_space<vmem>>, vector<16xi32>,
    %add3A_414 = vector.broadcast %mul3A_32 : i32 to vector<16xi32>
    %add3A_415 = arith.addi %get3A_413, %add3A_414 : vector<16xi32>
    %swap3A_416 = arith.constant 912 : index
    %swap3A_417 = tpu.vector_load %arg12[%swap3A_416] {strides = array<i32>} : memref<1024xi32, #tpu.memory_space<vmem>>, vector<16xi32>,
    tpu.vector_store %arg12[%swap3A_416], %add3A_415 {strides = array<i32>} : memref<1024xi32, #tpu.memory_space<vmem>>, vector<16xi32>,
    %get3A_418 = arith.constant 928 : index
    %get3A_419 = tpu.vector_load %arg12[%get3A_418] {strides = array<i32>} : memref<1024xi32, #tpu.memory_space<vmem>>, vector<16xi32>,
    %add3A_420 = vector.broadcast %mul3A_32 : i32 to vector<16xi32>
    %add3A_421 = arith.addi %get3A_419, %add3A_420 : vector<16xi32>
    %swap3A_422 = arith.constant 928 : index
    %swap3A_423 = tpu.vector_load %arg12[%swap3A_422] {strides = array<i32>} : memref<1024xi32, #tpu.memory_space<vmem>>, vector<16xi32>,
    tpu.vector_store %arg12[%swap3A_422], %add3A_421 {strides = array<i32>} : memref<1024xi32, #tpu.memory_space<vmem>>, vector<16xi32>,
    %get3A_424 = arith.constant 944 : index
    %get3A_425 = tpu.vector_load %arg12[%get3A_424] {strides = array<i32>} : memref<1024xi32, #tpu.memory_space<vmem>>, vector<16xi32>,
    %add3A_426 = vector.broadcast %mul3A_32 : i32 to vector<16xi32>
    %add3A_427 = arith.addi %get3A_425, %add3A_426 : vector<16xi32>
    %swap3A_428 = arith.constant 944 : index
    %swap3A_429 = tpu.vector_load %arg12[%swap3A_428] {strides = array<i32>} : memref<1024xi32, #tpu.memory_space<vmem>>, vector<16xi32>,
    tpu.vector_store %arg12[%swap3A_428], %add3A_427 {strides = array<i32>} : memref<1024xi32, #tpu.memory_space<vmem>>, vector<16xi32>,
    %get3A_430 = arith.constant 960 : index
    %get3A_431 = tpu.vector_load %arg12[%get3A_430] {strides = array<i32>} : memref<1024xi32, #tpu.memory_space<vmem>>, vector<16xi32>,
    %add3A_432 = vector.broadcast %mul3A_32 : i32 to vector<16xi32>
    %add3A_433 = arith.addi %get3A_431, %add3A_432 : vector<16xi32>
    %swap3A_434 = arith.constant 960 : index
    %swap3A_435 = tpu.vector_load %arg12[%swap3A_434] {strides = array<i32>} : memref<1024xi32, #tpu.memory_space<vmem>>, vector<16xi32>,
    tpu.vector_store %arg12[%swap3A_434], %add3A_433 {strides = array<i32>} : memref<1024xi32, #tpu.memory_space<vmem>>, vector<16xi32>,
    %get3A_436 = arith.constant 976 : index
    %get3A_437 = tpu.vector_load %arg12[%get3A_436] {strides = array<i32>} : memref<1024xi32, #tpu.memory_space<vmem>>, vector<16xi32>,
    %add3A_438 = vector.broadcast %mul3A_32 : i32 to vector<16xi32>
    %add3A_439 = arith.addi %get3A_437, %add3A_438 : vector<16xi32>
    %swap3A_440 = arith.constant 976 : index
    %swap3A_441 = tpu.vector_load %arg12[%swap3A_440] {strides = array<i32>} : memref<1024xi32, #tpu.memory_space<vmem>>, vector<16xi32>,
    tpu.vector_store %arg12[%swap3A_440], %add3A_439 {strides = array<i32>} : memref<1024xi32, #tpu.memory_space<vmem>>, vector<16xi32>,
    %get3A_442 = arith.constant 992 : index
    %get3A_443 = tpu.vector_load %arg12[%get3A_442] {strides = array<i32>} : memref<1024xi32, #tpu.memory_space<vmem>>, vector<16xi32>,
    %add3A_444 = vector.broadcast %mul3A_32 : i32 to vector<16xi32>
    %add3A_445 = arith.addi %get3A_443, %add3A_444 : vector<16xi32>
    %swap3A_446 = arith.constant 992 : index
    %swap3A_447 = tpu.vector_load %arg12[%swap3A_446] {strides = array<i32>} : memref<1024xi32, #tpu.memory_space<vmem>>, vector<16xi32>,
    tpu.vector_store %arg12[%swap3A_446], %add3A_445 {strides = array<i32>} : memref<1024xi32, #tpu.memory_space<vmem>>, vector<16xi32>,
    %get3A_448 = arith.constant 1008 : index
    %get3A_449 = tpu.vector_load %arg12[%get3A_448] {strides = array<i32>} : memref<1024xi32, #tpu.memory_space<vmem>>, vector<16xi32>,
    %add3A_450 = vector.broadcast %mul3A_32 : i32 to vector<16xi32>
    %add3A_451 = arith.addi %get3A_449, %add3A_450 : vector<16xi32>
    %swap3A_452 = arith.constant 1008 : index
    %swap3A_453 = tpu.vector_load %arg12[%swap3A_452] {strides = array<i32>} : memref<1024xi32, #tpu.memory_space<vmem>>, vector<16xi32>,
    tpu.vector_store %arg12[%swap3A_452], %add3A_451 {strides = array<i32>} : memref<1024xi32, #tpu.memory_space<vmem>>, vector<16xi32>,
    %dma_start3A_454 = arith.constant 0 : i32
    %dma_start3A_455 = tpu.memref_slice %arg12[%dma_start3A_454] : memref<1024xi32, #tpu.memory_space<vmem>> -> memref<128xi32, #tpu.memory_space<vmem>>
    %dma_start3A_456 = arith.constant 0 : i32
    %dma_start3A_457 = arith.constant 0 : i32
    %dma_start3A_458 = tpu.memref_slice %arg2[%dma_start3A_456, %dma_start3A_457] : memref<16384x256xf32, #tpu.memory_space<hbm>> -> memref<16384x256xf32, #tpu.memory_space<hbm>>
    tpu.enqueue_indirect_dma source(%dma_start3A_458 : memref<16384x256xf32, #tpu.memory_space<hbm>>) target(%arg13 : memref<128x256xf32, #tpu.memory_space<vmem>>) offsets(%dma_start3A_455 : memref<128xi32, #tpu.memory_space<vmem>>) semaphore(%arg23 : memref<!tpu.dma_semaphore, #tpu.memory_space<semaphore_mem>>)
    %dma_start3A_459 = arith.constant 128 : i32
    %dma_start3A_460 = tpu.memref_slice %arg12[%dma_start3A_459] : memref<1024xi32, #tpu.memory_space<vmem>> -> memref<128xi32, #tpu.memory_space<vmem>>
    %dma_start3A_461 = arith.constant 0 : i32
    %dma_start3A_462 = arith.constant 0 : i32
    %dma_start3A_463 = tpu.memref_slice %arg2[%dma_start3A_461, %dma_start3A_462] : memref<16384x256xf32, #tpu.memory_space<hbm>> -> memref<16384x256xf32, #tpu.memory_space<hbm>>
    tpu.enqueue_indirect_dma source(%dma_start3A_463 : memref<16384x256xf32, #tpu.memory_space<hbm>>) target(%arg14 : memref<128x256xf32, #tpu.memory_space<vmem>>) offsets(%dma_start3A_460 : memref<128xi32, #tpu.memory_space<vmem>>) semaphore(%arg24 : memref<!tpu.dma_semaphore, #tpu.memory_space<semaphore_mem>>)
    %dma_wait3A = tpu.memref_slice %arg3[%mul3A_34] : memref<49152xf32, #tpu.memory_space<hbm>> -> memref<6144xf32, #tpu.memory_space<hbm>>
    %dma_wait3A_464 = tpu.memref_slice %arg3[%mul3A_34] : memref<49152xf32, #tpu.memory_space<hbm>> -> memref<6144xf32, #tpu.memory_space<hbm>>
    tpu.wait_dma2 semaphore(%arg19 : memref<!tpu.dma_semaphore, #tpu.memory_space<semaphore_mem>>) src(%dma_wait3A_464 : memref<6144xf32, #tpu.memory_space<hbm>>) dst(%arg16 : memref<6144xf32, #tpu.memory_space<vmem>>)
    %get3A_465 = arith.constant 0 : index
    %get3A_466 = tpu.vector_load %arg12[%get3A_465] {strides = array<i32>} : memref<1024xi32, #tpu.memory_space<vmem>>, vector<16xi32>,
    %sub3A_467 = vector.broadcast %mul3A_32 : i32 to vector<16xi32>
    %sub3A_468 = arith.subi %get3A_466, %sub3A_467 : vector<16xi32>
    %add3A_469 = arith.constant 0 : i32
    %add3A_470 = vector.broadcast %add3A_469 : i32 to vector<16xi32>
    %add3A_471 = arith.addi %sub3A_468, %add3A_470 : vector<16xi32>
    %gather3A = tpu.vector_load_idx %arg16[%add3A_471] : memref<6144xf32, #tpu.memory_space<vmem>>[vector<16xi32>], vector<16xf32>,
    %swap3A_472 = arith.constant 0 : index
    %swap3A_473 = tpu.vector_load %arg17[%swap3A_472] {strides = array<i32>} : memref<3072xf32, #tpu.memory_space<vmem>>, vector<16xf32>,
    tpu.vector_store %arg17[%swap3A_472], %gather3A {strides = array<i32>} : memref<3072xf32, #tpu.memory_space<vmem>>, vector<16xf32>,
    %add3A_474 = arith.constant 2048 : i32
    %add3A_475 = vector.broadcast %add3A_474 : i32 to vector<16xi32>
    %add3A_476 = arith.addi %sub3A_468, %add3A_475 : vector<16xi32>
    %gather3A_477 = tpu.vector_load_idx %arg16[%add3A_476] : memref<6144xf32, #tpu.memory_space<vmem>>[vector<16xi32>], vector<16xf32>,
    %swap3A_478 = arith.constant 512 : index
    %swap3A_479 = tpu.vector_load %arg17[%swap3A_478] {strides = array<i32>} : memref<3072xf32, #tpu.memory_space<vmem>>, vector<16xf32>,
    tpu.vector_store %arg17[%swap3A_478], %gather3A_477 {strides = array<i32>} : memref<3072xf32, #tpu.memory_space<vmem>>, vector<16xf32>,
    %add3A_480 = arith.constant 4096 : i32
    %add3A_481 = vector.broadcast %add3A_480 : i32 to vector<16xi32>
    %add3A_482 = arith.addi %sub3A_468, %add3A_481 : vector<16xi32>
    %gather3A_483 = tpu.vector_load_idx %arg16[%add3A_482] : memref<6144xf32, #tpu.memory_space<vmem>>[vector<16xi32>], vector<16xf32>,
    %swap3A_484 = arith.constant 1024 : index
    %swap3A_485 = tpu.vector_load %arg17[%swap3A_484] {strides = array<i32>} : memref<3072xf32, #tpu.memory_space<vmem>>, vector<16xf32>,
    tpu.vector_store %arg17[%swap3A_484], %gather3A_483 {strides = array<i32>} : memref<3072xf32, #tpu.memory_space<vmem>>, vector<16xf32>,
    %get3A_486 = arith.constant 16 : index
    %get3A_487 = tpu.vector_load %arg12[%get3A_486] {strides = array<i32>} : memref<1024xi32, #tpu.memory_space<vmem>>, vector<16xi32>,
    %sub3A_488 = vector.broadcast %mul3A_32 : i32 to vector<16xi32>
    %sub3A_489 = arith.subi %get3A_487, %sub3A_488 : vector<16xi32>
    %add3A_490 = arith.constant 0 : i32
    %add3A_491 = vector.broadcast %add3A_490 : i32 to vector<16xi32>
    %add3A_492 = arith.addi %sub3A_489, %add3A_491 : vector<16xi32>
    %gather3A_493 = tpu.vector_load_idx %arg16[%add3A_492] : memref<6144xf32, #tpu.memory_space<vmem>>[vector<16xi32>], vector<16xf32>,
    %swap3A_494 = arith.constant 16 : index
    %swap3A_495 = tpu.vector_load %arg17[%swap3A_494] {strides = array<i32>} : memref<3072xf32, #tpu.memory_space<vmem>>, vector<16xf32>,
    tpu.vector_store %arg17[%swap3A_494], %gather3A_493 {strides = array<i32>} : memref<3072xf32, #tpu.memory_space<vmem>>, vector<16xf32>,
    %add3A_496 = arith.constant 2048 : i32
    %add3A_497 = vector.broadcast %add3A_496 : i32 to vector<16xi32>
    %add3A_498 = arith.addi %sub3A_489, %add3A_497 : vector<16xi32>
    %gather3A_499 = tpu.vector_load_idx %arg16[%add3A_498] : memref<6144xf32, #tpu.memory_space<vmem>>[vector<16xi32>], vector<16xf32>,
    %swap3A_500 = arith.constant 528 : index
    %swap3A_501 = tpu.vector_load %arg17[%swap3A_500] {strides = array<i32>} : memref<3072xf32, #tpu.memory_space<vmem>>, vector<16xf32>,
    tpu.vector_store %arg17[%swap3A_500], %gather3A_499 {strides = array<i32>} : memref<3072xf32, #tpu.memory_space<vmem>>, vector<16xf32>,
    %add3A_502 = arith.constant 4096 : i32
    %add3A_503 = vector.broadcast %add3A_502 : i32 to vector<16xi32>
    %add3A_504 = arith.addi %sub3A_489, %add3A_503 : vector<16xi32>
    %gather3A_505 = tpu.vector_load_idx %arg16[%add3A_504] : memref<6144xf32, #tpu.memory_space<vmem>>[vector<16xi32>], vector<16xf32>,
    %swap3A_506 = arith.constant 1040 : index
    %swap3A_507 = tpu.vector_load %arg17[%swap3A_506] {strides = array<i32>} : memref<3072xf32, #tpu.memory_space<vmem>>, vector<16xf32>,
    tpu.vector_store %arg17[%swap3A_506], %gather3A_505 {strides = array<i32>} : memref<3072xf32, #tpu.memory_space<vmem>>, vector<16xf32>,
    %get3A_508 = arith.constant 32 : index
    %get3A_509 = tpu.vector_load %arg12[%get3A_508] {strides = array<i32>} : memref<1024xi32, #tpu.memory_space<vmem>>, vector<16xi32>,
    %sub3A_510 = vector.broadcast %mul3A_32 : i32 to vector<16xi32>
    %sub3A_511 = arith.subi %get3A_509, %sub3A_510 : vector<16xi32>
    %add3A_512 = arith.constant 0 : i32
    %add3A_513 = vector.broadcast %add3A_512 : i32 to vector<16xi32>
    %add3A_514 = arith.addi %sub3A_511, %add3A_513 : vector<16xi32>
    %gather3A_515 = tpu.vector_load_idx %arg16[%add3A_514] : memref<6144xf32, #tpu.memory_space<vmem>>[vector<16xi32>], vector<16xf32>,
    %swap3A_516 = arith.constant 32 : index
    %swap3A_517 = tpu.vector_load %arg17[%swap3A_516] {strides = array<i32>} : memref<3072xf32, #tpu.memory_space<vmem>>, vector<16xf32>,
    tpu.vector_store %arg17[%swap3A_516], %gather3A_515 {strides = array<i32>} : memref<3072xf32, #tpu.memory_space<vmem>>, vector<16xf32>,
    %add3A_518 = arith.constant 2048 : i32
    %add3A_519 = vector.broadcast %add3A_518 : i32 to vector<16xi32>
    %add3A_520 = arith.addi %sub3A_511, %add3A_519 : vector<16xi32>
    %gather3A_521 = tpu.vector_load_idx %arg16[%add3A_520] : memref<6144xf32, #tpu.memory_space<vmem>>[vector<16xi32>], vector<16xf32>,
    %swap3A_522 = arith.constant 544 : index
    %swap3A_523 = tpu.vector_load %arg17[%swap3A_522] {strides = array<i32>} : memref<3072xf32, #tpu.memory_space<vmem>>, vector<16xf32>,
    tpu.vector_store %arg17[%swap3A_522], %gather3A_521 {strides = array<i32>} : memref<3072xf32, #tpu.memory_space<vmem>>, vector<16xf32>,
    %add3A_524 = arith.constant 4096 : i32
    %add3A_525 = vector.broadcast %add3A_524 : i32 to vector<16xi32>
    %add3A_526 = arith.addi %sub3A_511, %add3A_525 : vector<16xi32>
    %gather3A_527 = tpu.vector_load_idx %arg16[%add3A_526] : memref<6144xf32, #tpu.memory_space<vmem>>[vector<16xi32>], vector<16xf32>,
    %swap3A_528 = arith.constant 1056 : index
    %swap3A_529 = tpu.vector_load %arg17[%swap3A_528] {strides = array<i32>} : memref<3072xf32, #tpu.memory_space<vmem>>, vector<16xf32>,
    tpu.vector_store %arg17[%swap3A_528], %gather3A_527 {strides = array<i32>} : memref<3072xf32, #tpu.memory_space<vmem>>, vector<16xf32>,
    %get3A_530 = arith.constant 48 : index
    %get3A_531 = tpu.vector_load %arg12[%get3A_530] {strides = array<i32>} : memref<1024xi32, #tpu.memory_space<vmem>>, vector<16xi32>,
    %sub3A_532 = vector.broadcast %mul3A_32 : i32 to vector<16xi32>
    %sub3A_533 = arith.subi %get3A_531, %sub3A_532 : vector<16xi32>
    %add3A_534 = arith.constant 0 : i32
    %add3A_535 = vector.broadcast %add3A_534 : i32 to vector<16xi32>
    %add3A_536 = arith.addi %sub3A_533, %add3A_535 : vector<16xi32>
    %gather3A_537 = tpu.vector_load_idx %arg16[%add3A_536] : memref<6144xf32, #tpu.memory_space<vmem>>[vector<16xi32>], vector<16xf32>,
    %swap3A_538 = arith.constant 48 : index
    %swap3A_539 = tpu.vector_load %arg17[%swap3A_538] {strides = array<i32>} : memref<3072xf32, #tpu.memory_space<vmem>>, vector<16xf32>,
    tpu.vector_store %arg17[%swap3A_538], %gather3A_537 {strides = array<i32>} : memref<3072xf32, #tpu.memory_space<vmem>>, vector<16xf32>,
    %add3A_540 = arith.constant 2048 : i32
    %add3A_541 = vector.broadcast %add3A_540 : i32 to vector<16xi32>
    %add3A_542 = arith.addi %sub3A_533, %add3A_541 : vector<16xi32>
    %gather3A_543 = tpu.vector_load_idx %arg16[%add3A_542] : memref<6144xf32, #tpu.memory_space<vmem>>[vector<16xi32>], vector<16xf32>,
    %swap3A_544 = arith.constant 560 : index
    %swap3A_545 = tpu.vector_load %arg17[%swap3A_544] {strides = array<i32>} : memref<3072xf32, #tpu.memory_space<vmem>>, vector<16xf32>,
    tpu.vector_store %arg17[%swap3A_544], %gather3A_543 {strides = array<i32>} : memref<3072xf32, #tpu.memory_space<vmem>>, vector<16xf32>,
    %add3A_546 = arith.constant 4096 : i32
    %add3A_547 = vector.broadcast %add3A_546 : i32 to vector<16xi32>
    %add3A_548 = arith.addi %sub3A_533, %add3A_547 : vector<16xi32>
    %gather3A_549 = tpu.vector_load_idx %arg16[%add3A_548] : memref<6144xf32, #tpu.memory_space<vmem>>[vector<16xi32>], vector<16xf32>,
    %swap3A_550 = arith.constant 1072 : index
    %swap3A_551 = tpu.vector_load %arg17[%swap3A_550] {strides = array<i32>} : memref<3072xf32, #tpu.memory_space<vmem>>, vector<16xf32>,
    tpu.vector_store %arg17[%swap3A_550], %gather3A_549 {strides = array<i32>} : memref<3072xf32, #tpu.memory_space<vmem>>, vector<16xf32>,
    %get3A_552 = arith.constant 64 : index
    %get3A_553 = tpu.vector_load %arg12[%get3A_552] {strides = array<i32>} : memref<1024xi32, #tpu.memory_space<vmem>>, vector<16xi32>,
    %sub3A_554 = vector.broadcast %mul3A_32 : i32 to vector<16xi32>
    %sub3A_555 = arith.subi %get3A_553, %sub3A_554 : vector<16xi32>
    %add3A_556 = arith.constant 0 : i32
    %add3A_557 = vector.broadcast %add3A_556 : i32 to vector<16xi32>
    %add3A_558 = arith.addi %sub3A_555, %add3A_557 : vector<16xi32>
    %gather3A_559 = tpu.vector_load_idx %arg16[%add3A_558] : memref<6144xf32, #tpu.memory_space<vmem>>[vector<16xi32>], vector<16xf32>,
    %swap3A_560 = arith.constant 64 : index
    %swap3A_561 = tpu.vector_load %arg17[%swap3A_560] {strides = array<i32>} : memref<3072xf32, #tpu.memory_space<vmem>>, vector<16xf32>,
    tpu.vector_store %arg17[%swap3A_560], %gather3A_559 {strides = array<i32>} : memref<3072xf32, #tpu.memory_space<vmem>>, vector<16xf32>,
    %add3A_562 = arith.constant 2048 : i32
    %add3A_563 = vector.broadcast %add3A_562 : i32 to vector<16xi32>
    %add3A_564 = arith.addi %sub3A_555, %add3A_563 : vector<16xi32>
    %gather3A_565 = tpu.vector_load_idx %arg16[%add3A_564] : memref<6144xf32, #tpu.memory_space<vmem>>[vector<16xi32>], vector<16xf32>,
    %swap3A_566 = arith.constant 576 : index
    %swap3A_567 = tpu.vector_load %arg17[%swap3A_566] {strides = array<i32>} : memref<3072xf32, #tpu.memory_space<vmem>>, vector<16xf32>,
    tpu.vector_store %arg17[%swap3A_566], %gather3A_565 {strides = array<i32>} : memref<3072xf32, #tpu.memory_space<vmem>>, vector<16xf32>,
    %add3A_568 = arith.constant 4096 : i32
    %add3A_569 = vector.broadcast %add3A_568 : i32 to vector<16xi32>
    %add3A_570 = arith.addi %sub3A_555, %add3A_569 : vector<16xi32>
    %gather3A_571 = tpu.vector_load_idx %arg16[%add3A_570] : memref<6144xf32, #tpu.memory_space<vmem>>[vector<16xi32>], vector<16xf32>,
    %swap3A_572 = arith.constant 1088 : index
    %swap3A_573 = tpu.vector_load %arg17[%swap3A_572] {strides = array<i32>} : memref<3072xf32, #tpu.memory_space<vmem>>, vector<16xf32>,
    tpu.vector_store %arg17[%swap3A_572], %gather3A_571 {strides = array<i32>} : memref<3072xf32, #tpu.memory_space<vmem>>, vector<16xf32>,
    %get3A_574 = arith.constant 80 : index
    %get3A_575 = tpu.vector_load %arg12[%get3A_574] {strides = array<i32>} : memref<1024xi32, #tpu.memory_space<vmem>>, vector<16xi32>,
    %sub3A_576 = vector.broadcast %mul3A_32 : i32 to vector<16xi32>
    %sub3A_577 = arith.subi %get3A_575, %sub3A_576 : vector<16xi32>
    %add3A_578 = arith.constant 0 : i32
    %add3A_579 = vector.broadcast %add3A_578 : i32 to vector<16xi32>
    %add3A_580 = arith.addi %sub3A_577, %add3A_579 : vector<16xi32>
    %gather3A_581 = tpu.vector_load_idx %arg16[%add3A_580] : memref<6144xf32, #tpu.memory_space<vmem>>[vector<16xi32>], vector<16xf32>,
    %swap3A_582 = arith.constant 80 : index
    %swap3A_583 = tpu.vector_load %arg17[%swap3A_582] {strides = array<i32>} : memref<3072xf32, #tpu.memory_space<vmem>>, vector<16xf32>,
    tpu.vector_store %arg17[%swap3A_582], %gather3A_581 {strides = array<i32>} : memref<3072xf32, #tpu.memory_space<vmem>>, vector<16xf32>,
    %add3A_584 = arith.constant 2048 : i32
    %add3A_585 = vector.broadcast %add3A_584 : i32 to vector<16xi32>
    %add3A_586 = arith.addi %sub3A_577, %add3A_585 : vector<16xi32>
    %gather3A_587 = tpu.vector_load_idx %arg16[%add3A_586] : memref<6144xf32, #tpu.memory_space<vmem>>[vector<16xi32>], vector<16xf32>,
    %swap3A_588 = arith.constant 592 : index
    %swap3A_589 = tpu.vector_load %arg17[%swap3A_588] {strides = array<i32>} : memref<3072xf32, #tpu.memory_space<vmem>>, vector<16xf32>,
    tpu.vector_store %arg17[%swap3A_588], %gather3A_587 {strides = array<i32>} : memref<3072xf32, #tpu.memory_space<vmem>>, vector<16xf32>,
    %add3A_590 = arith.constant 4096 : i32
    %add3A_591 = vector.broadcast %add3A_590 : i32 to vector<16xi32>
    %add3A_592 = arith.addi %sub3A_577, %add3A_591 : vector<16xi32>
    %gather3A_593 = tpu.vector_load_idx %arg16[%add3A_592] : memref<6144xf32, #tpu.memory_space<vmem>>[vector<16xi32>], vector<16xf32>,
    %swap3A_594 = arith.constant 1104 : index
    %swap3A_595 = tpu.vector_load %arg17[%swap3A_594] {strides = array<i32>} : memref<3072xf32, #tpu.memory_space<vmem>>, vector<16xf32>,
    tpu.vector_store %arg17[%swap3A_594], %gather3A_593 {strides = array<i32>} : memref<3072xf32, #tpu.memory_space<vmem>>, vector<16xf32>,
    %get3A_596 = arith.constant 96 : index
    %get3A_597 = tpu.vector_load %arg12[%get3A_596] {strides = array<i32>} : memref<1024xi32, #tpu.memory_space<vmem>>, vector<16xi32>,
    %sub3A_598 = vector.broadcast %mul3A_32 : i32 to vector<16xi32>
    %sub3A_599 = arith.subi %get3A_597, %sub3A_598 : vector<16xi32>
    %add3A_600 = arith.constant 0 : i32
    %add3A_601 = vector.broadcast %add3A_600 : i32 to vector<16xi32>
    %add3A_602 = arith.addi %sub3A_599, %add3A_601 : vector<16xi32>
    %gather3A_603 = tpu.vector_load_idx %arg16[%add3A_602] : memref<6144xf32, #tpu.memory_space<vmem>>[vector<16xi32>], vector<16xf32>,
    %swap3A_604 = arith.constant 96 : index
    %swap3A_605 = tpu.vector_load %arg17[%swap3A_604] {strides = array<i32>} : memref<3072xf32, #tpu.memory_space<vmem>>, vector<16xf32>,
    tpu.vector_store %arg17[%swap3A_604], %gather3A_603 {strides = array<i32>} : memref<3072xf32, #tpu.memory_space<vmem>>, vector<16xf32>,
    %add3A_606 = arith.constant 2048 : i32
    %add3A_607 = vector.broadcast %add3A_606 : i32 to vector<16xi32>
    %add3A_608 = arith.addi %sub3A_599, %add3A_607 : vector<16xi32>
    %gather3A_609 = tpu.vector_load_idx %arg16[%add3A_608] : memref<6144xf32, #tpu.memory_space<vmem>>[vector<16xi32>], vector<16xf32>,
    %swap3A_610 = arith.constant 608 : index
    %swap3A_611 = tpu.vector_load %arg17[%swap3A_610] {strides = array<i32>} : memref<3072xf32, #tpu.memory_space<vmem>>, vector<16xf32>,
    tpu.vector_store %arg17[%swap3A_610], %gather3A_609 {strides = array<i32>} : memref<3072xf32, #tpu.memory_space<vmem>>, vector<16xf32>,
    %add3A_612 = arith.constant 4096 : i32
    %add3A_613 = vector.broadcast %add3A_612 : i32 to vector<16xi32>
    %add3A_614 = arith.addi %sub3A_599, %add3A_613 : vector<16xi32>
    %gather3A_615 = tpu.vector_load_idx %arg16[%add3A_614] : memref<6144xf32, #tpu.memory_space<vmem>>[vector<16xi32>], vector<16xf32>,
    %swap3A_616 = arith.constant 1120 : index
    %swap3A_617 = tpu.vector_load %arg17[%swap3A_616] {strides = array<i32>} : memref<3072xf32, #tpu.memory_space<vmem>>, vector<16xf32>,
    tpu.vector_store %arg17[%swap3A_616], %gather3A_615 {strides = array<i32>} : memref<3072xf32, #tpu.memory_space<vmem>>, vector<16xf32>,
    %get3A_618 = arith.constant 112 : index
    %get3A_619 = tpu.vector_load %arg12[%get3A_618] {strides = array<i32>} : memref<1024xi32, #tpu.memory_space<vmem>>, vector<16xi32>,
    %sub3A_620 = vector.broadcast %mul3A_32 : i32 to vector<16xi32>
    %sub3A_621 = arith.subi %get3A_619, %sub3A_620 : vector<16xi32>
    %add3A_622 = arith.constant 0 : i32
    %add3A_623 = vector.broadcast %add3A_622 : i32 to vector<16xi32>
    %add3A_624 = arith.addi %sub3A_621, %add3A_623 : vector<16xi32>
    %gather3A_625 = tpu.vector_load_idx %arg16[%add3A_624] : memref<6144xf32, #tpu.memory_space<vmem>>[vector<16xi32>], vector<16xf32>,
    %swap3A_626 = arith.constant 112 : index
    %swap3A_627 = tpu.vector_load %arg17[%swap3A_626] {strides = array<i32>} : memref<3072xf32, #tpu.memory_space<vmem>>, vector<16xf32>,
    tpu.vector_store %arg17[%swap3A_626], %gather3A_625 {strides = array<i32>} : memref<3072xf32, #tpu.memory_space<vmem>>, vector<16xf32>,
    %add3A_628 = arith.constant 2048 : i32
    %add3A_629 = vector.broadcast %add3A_628 : i32 to vector<16xi32>
    %add3A_630 = arith.addi %sub3A_621, %add3A_629 : vector<16xi32>
    %gather3A_631 = tpu.vector_load_idx %arg16[%add3A_630] : memref<6144xf32, #tpu.memory_space<vmem>>[vector<16xi32>], vector<16xf32>,
    %swap3A_632 = arith.constant 624 : index
    %swap3A_633 = tpu.vector_load %arg17[%swap3A_632] {strides = array<i32>} : memref<3072xf32, #tpu.memory_space<vmem>>, vector<16xf32>,
    tpu.vector_store %arg17[%swap3A_632], %gather3A_631 {strides = array<i32>} : memref<3072xf32, #tpu.memory_space<vmem>>, vector<16xf32>,
    %add3A_634 = arith.constant 4096 : i32
    %add3A_635 = vector.broadcast %add3A_634 : i32 to vector<16xi32>
    %add3A_636 = arith.addi %sub3A_621, %add3A_635 : vector<16xi32>
    %gather3A_637 = tpu.vector_load_idx %arg16[%add3A_636] : memref<6144xf32, #tpu.memory_space<vmem>>[vector<16xi32>], vector<16xf32>,
    %swap3A_638 = arith.constant 1136 : index
    %swap3A_639 = tpu.vector_load %arg17[%swap3A_638] {strides = array<i32>} : memref<3072xf32, #tpu.memory_space<vmem>>, vector<16xf32>,
    tpu.vector_store %arg17[%swap3A_638], %gather3A_637 {strides = array<i32>} : memref<3072xf32, #tpu.memory_space<vmem>>, vector<16xf32>,
    %dma_wait3A_640 = arith.constant 0 : i32
    %dma_wait3A_641 = tpu.memref_slice %arg12[%dma_wait3A_640] : memref<1024xi32, #tpu.memory_space<vmem>> -> memref<128xi32, #tpu.memory_space<vmem>>
    %dma_wait3A_642 = arith.constant 0 : i32
    %dma_wait3A_643 = arith.constant 0 : i32
    %dma_wait3A_644 = tpu.memref_slice %arg2[%dma_wait3A_642, %dma_wait3A_643] : memref<16384x256xf32, #tpu.memory_space<hbm>> -> memref<16384x256xf32, #tpu.memory_space<hbm>>
    tpu.wait_indirect_dma semaphore(%arg23 : memref<!tpu.dma_semaphore, #tpu.memory_space<semaphore_mem>>) src(%dma_wait3A_644 : memref<16384x256xf32, #tpu.memory_space<hbm>>) dst(%arg13 : memref<128x256xf32, #tpu.memory_space<vmem>>)
    %mul3A_645 = arith.constant 512 : i32
    %mul3A_646 = arith.muli %add3A, %mul3A_645 : i32
    %add3A_647 = arith.constant 0 : i32
    %add3A_648 = arith.addi %mul3A_646, %add3A_647 : i32
    %dma_start3A_649 = arith.constant 0 : i32
    %dma_start3A_650 = tpu.memref_slice %arg6[%add3A_648, %dma_start3A_649] : memref<16384x256xf32, #tpu.memory_space<hbm>> -> memref<128x256xf32, #tpu.memory_space<hbm>>
    %dma_start3A_651 = arith.constant 0 : i32
    %dma_start3A_652 = tpu.memref_slice %arg6[%add3A_648, %dma_start3A_651] : memref<16384x256xf32, #tpu.memory_space<hbm>> -> memref<128x256xf32, #tpu.memory_space<hbm>>
    tpu.enqueue_dma source(%arg13 : memref<128x256xf32, #tpu.memory_space<vmem>>) target(%dma_start3A_652 : memref<128x256xf32, #tpu.memory_space<hbm>>) target_semaphore(%arg26 : memref<!tpu.dma_semaphore, #tpu.memory_space<semaphore_mem>>)
    %dma_start3A_653 = arith.constant 256 : i32
    %dma_start3A_654 = tpu.memref_slice %arg12[%dma_start3A_653] : memref<1024xi32, #tpu.memory_space<vmem>> -> memref<128xi32, #tpu.memory_space<vmem>>
    %dma_start3A_655 = arith.constant 0 : i32
    %dma_start3A_656 = arith.constant 0 : i32
    %dma_start3A_657 = tpu.memref_slice %arg2[%dma_start3A_655, %dma_start3A_656] : memref<16384x256xf32, #tpu.memory_space<hbm>> -> memref<16384x256xf32, #tpu.memory_space<hbm>>
    tpu.enqueue_indirect_dma source(%dma_start3A_657 : memref<16384x256xf32, #tpu.memory_space<hbm>>) target(%arg15 : memref<128x256xf32, #tpu.memory_space<vmem>>) offsets(%dma_start3A_654 : memref<128xi32, #tpu.memory_space<vmem>>) semaphore(%arg25 : memref<!tpu.dma_semaphore, #tpu.memory_space<semaphore_mem>>)
    %get3A_658 = arith.constant 128 : index
    %get3A_659 = tpu.vector_load %arg12[%get3A_658] {strides = array<i32>} : memref<1024xi32, #tpu.memory_space<vmem>>, vector<16xi32>,
    %sub3A_660 = vector.broadcast %mul3A_32 : i32 to vector<16xi32>
    %sub3A_661 = arith.subi %get3A_659, %sub3A_660 : vector<16xi32>
    %add3A_662 = arith.constant 0 : i32
    %add3A_663 = vector.broadcast %add3A_662 : i32 to vector<16xi32>
    %add3A_664 = arith.addi %sub3A_661, %add3A_663 : vector<16xi32>
    %gather3A_665 = tpu.vector_load_idx %arg16[%add3A_664] : memref<6144xf32, #tpu.memory_space<vmem>>[vector<16xi32>], vector<16xf32>,
    %swap3A_666 = arith.constant 128 : index
    %swap3A_667 = tpu.vector_load %arg17[%swap3A_666] {strides = array<i32>} : memref<3072xf32, #tpu.memory_space<vmem>>, vector<16xf32>,
    tpu.vector_store %arg17[%swap3A_666], %gather3A_665 {strides = array<i32>} : memref<3072xf32, #tpu.memory_space<vmem>>, vector<16xf32>,
    %add3A_668 = arith.constant 2048 : i32
    %add3A_669 = vector.broadcast %add3A_668 : i32 to vector<16xi32>
    %add3A_670 = arith.addi %sub3A_661, %add3A_669 : vector<16xi32>
    %gather3A_671 = tpu.vector_load_idx %arg16[%add3A_670] : memref<6144xf32, #tpu.memory_space<vmem>>[vector<16xi32>], vector<16xf32>,
    %swap3A_672 = arith.constant 640 : index
    %swap3A_673 = tpu.vector_load %arg17[%swap3A_672] {strides = array<i32>} : memref<3072xf32, #tpu.memory_space<vmem>>, vector<16xf32>,
    tpu.vector_store %arg17[%swap3A_672], %gather3A_671 {strides = array<i32>} : memref<3072xf32, #tpu.memory_space<vmem>>, vector<16xf32>,
    %add3A_674 = arith.constant 4096 : i32
    %add3A_675 = vector.broadcast %add3A_674 : i32 to vector<16xi32>
    %add3A_676 = arith.addi %sub3A_661, %add3A_675 : vector<16xi32>
    %gather3A_677 = tpu.vector_load_idx %arg16[%add3A_676] : memref<6144xf32, #tpu.memory_space<vmem>>[vector<16xi32>], vector<16xf32>,
    %swap3A_678 = arith.constant 1152 : index
    %swap3A_679 = tpu.vector_load %arg17[%swap3A_678] {strides = array<i32>} : memref<3072xf32, #tpu.memory_space<vmem>>, vector<16xf32>,
    tpu.vector_store %arg17[%swap3A_678], %gather3A_677 {strides = array<i32>} : memref<3072xf32, #tpu.memory_space<vmem>>, vector<16xf32>,
    %get3A_680 = arith.constant 144 : index
    %get3A_681 = tpu.vector_load %arg12[%get3A_680] {strides = array<i32>} : memref<1024xi32, #tpu.memory_space<vmem>>, vector<16xi32>,
    %sub3A_682 = vector.broadcast %mul3A_32 : i32 to vector<16xi32>
    %sub3A_683 = arith.subi %get3A_681, %sub3A_682 : vector<16xi32>
    %add3A_684 = arith.constant 0 : i32
    %add3A_685 = vector.broadcast %add3A_684 : i32 to vector<16xi32>
    %add3A_686 = arith.addi %sub3A_683, %add3A_685 : vector<16xi32>
    %gather3A_687 = tpu.vector_load_idx %arg16[%add3A_686] : memref<6144xf32, #tpu.memory_space<vmem>>[vector<16xi32>], vector<16xf32>,
    %swap3A_688 = arith.constant 144 : index
    %swap3A_689 = tpu.vector_load %arg17[%swap3A_688] {strides = array<i32>} : memref<3072xf32, #tpu.memory_space<vmem>>, vector<16xf32>,
    tpu.vector_store %arg17[%swap3A_688], %gather3A_687 {strides = array<i32>} : memref<3072xf32, #tpu.memory_space<vmem>>, vector<16xf32>,
    %add3A_690 = arith.constant 2048 : i32
    %add3A_691 = vector.broadcast %add3A_690 : i32 to vector<16xi32>
    %add3A_692 = arith.addi %sub3A_683, %add3A_691 : vector<16xi32>
    %gather3A_693 = tpu.vector_load_idx %arg16[%add3A_692] : memref<6144xf32, #tpu.memory_space<vmem>>[vector<16xi32>], vector<16xf32>,
    %swap3A_694 = arith.constant 656 : index
    %swap3A_695 = tpu.vector_load %arg17[%swap3A_694] {strides = array<i32>} : memref<3072xf32, #tpu.memory_space<vmem>>, vector<16xf32>,
    tpu.vector_store %arg17[%swap3A_694], %gather3A_693 {strides = array<i32>} : memref<3072xf32, #tpu.memory_space<vmem>>, vector<16xf32>,
    %add3A_696 = arith.constant 4096 : i32
    %add3A_697 = vector.broadcast %add3A_696 : i32 to vector<16xi32>
    %add3A_698 = arith.addi %sub3A_683, %add3A_697 : vector<16xi32>
    %gather3A_699 = tpu.vector_load_idx %arg16[%add3A_698] : memref<6144xf32, #tpu.memory_space<vmem>>[vector<16xi32>], vector<16xf32>,
    %swap3A_700 = arith.constant 1168 : index
    %swap3A_701 = tpu.vector_load %arg17[%swap3A_700] {strides = array<i32>} : memref<3072xf32, #tpu.memory_space<vmem>>, vector<16xf32>,
    tpu.vector_store %arg17[%swap3A_700], %gather3A_699 {strides = array<i32>} : memref<3072xf32, #tpu.memory_space<vmem>>, vector<16xf32>,
    %get3A_702 = arith.constant 160 : index
    %get3A_703 = tpu.vector_load %arg12[%get3A_702] {strides = array<i32>} : memref<1024xi32, #tpu.memory_space<vmem>>, vector<16xi32>,
    %sub3A_704 = vector.broadcast %mul3A_32 : i32 to vector<16xi32>
    %sub3A_705 = arith.subi %get3A_703, %sub3A_704 : vector<16xi32>
    %add3A_706 = arith.constant 0 : i32
    %add3A_707 = vector.broadcast %add3A_706 : i32 to vector<16xi32>
    %add3A_708 = arith.addi %sub3A_705, %add3A_707 : vector<16xi32>
    %gather3A_709 = tpu.vector_load_idx %arg16[%add3A_708] : memref<6144xf32, #tpu.memory_space<vmem>>[vector<16xi32>], vector<16xf32>,
    %swap3A_710 = arith.constant 160 : index
    %swap3A_711 = tpu.vector_load %arg17[%swap3A_710] {strides = array<i32>} : memref<3072xf32, #tpu.memory_space<vmem>>, vector<16xf32>,
    tpu.vector_store %arg17[%swap3A_710], %gather3A_709 {strides = array<i32>} : memref<3072xf32, #tpu.memory_space<vmem>>, vector<16xf32>,
    %add3A_712 = arith.constant 2048 : i32
    %add3A_713 = vector.broadcast %add3A_712 : i32 to vector<16xi32>
    %add3A_714 = arith.addi %sub3A_705, %add3A_713 : vector<16xi32>
    %gather3A_715 = tpu.vector_load_idx %arg16[%add3A_714] : memref<6144xf32, #tpu.memory_space<vmem>>[vector<16xi32>], vector<16xf32>,
    %swap3A_716 = arith.constant 672 : index
    %swap3A_717 = tpu.vector_load %arg17[%swap3A_716] {strides = array<i32>} : memref<3072xf32, #tpu.memory_space<vmem>>, vector<16xf32>,
    tpu.vector_store %arg17[%swap3A_716], %gather3A_715 {strides = array<i32>} : memref<3072xf32, #tpu.memory_space<vmem>>, vector<16xf32>,
    %add3A_718 = arith.constant 4096 : i32
    %add3A_719 = vector.broadcast %add3A_718 : i32 to vector<16xi32>
    %add3A_720 = arith.addi %sub3A_705, %add3A_719 : vector<16xi32>
    %gather3A_721 = tpu.vector_load_idx %arg16[%add3A_720] : memref<6144xf32, #tpu.memory_space<vmem>>[vector<16xi32>], vector<16xf32>,
    %swap3A_722 = arith.constant 1184 : index
    %swap3A_723 = tpu.vector_load %arg17[%swap3A_722] {strides = array<i32>} : memref<3072xf32, #tpu.memory_space<vmem>>, vector<16xf32>,
    tpu.vector_store %arg17[%swap3A_722], %gather3A_721 {strides = array<i32>} : memref<3072xf32, #tpu.memory_space<vmem>>, vector<16xf32>,
    %get3A_724 = arith.constant 176 : index
    %get3A_725 = tpu.vector_load %arg12[%get3A_724] {strides = array<i32>} : memref<1024xi32, #tpu.memory_space<vmem>>, vector<16xi32>,
    %sub3A_726 = vector.broadcast %mul3A_32 : i32 to vector<16xi32>
    %sub3A_727 = arith.subi %get3A_725, %sub3A_726 : vector<16xi32>
    %add3A_728 = arith.constant 0 : i32
    %add3A_729 = vector.broadcast %add3A_728 : i32 to vector<16xi32>
    %add3A_730 = arith.addi %sub3A_727, %add3A_729 : vector<16xi32>
    %gather3A_731 = tpu.vector_load_idx %arg16[%add3A_730] : memref<6144xf32, #tpu.memory_space<vmem>>[vector<16xi32>], vector<16xf32>,
    %swap3A_732 = arith.constant 176 : index
    %swap3A_733 = tpu.vector_load %arg17[%swap3A_732] {strides = array<i32>} : memref<3072xf32, #tpu.memory_space<vmem>>, vector<16xf32>,
    tpu.vector_store %arg17[%swap3A_732], %gather3A_731 {strides = array<i32>} : memref<3072xf32, #tpu.memory_space<vmem>>, vector<16xf32>,
    %add3A_734 = arith.constant 2048 : i32
    %add3A_735 = vector.broadcast %add3A_734 : i32 to vector<16xi32>
    %add3A_736 = arith.addi %sub3A_727, %add3A_735 : vector<16xi32>
    %gather3A_737 = tpu.vector_load_idx %arg16[%add3A_736] : memref<6144xf32, #tpu.memory_space<vmem>>[vector<16xi32>], vector<16xf32>,
    %swap3A_738 = arith.constant 688 : index
    %swap3A_739 = tpu.vector_load %arg17[%swap3A_738] {strides = array<i32>} : memref<3072xf32, #tpu.memory_space<vmem>>, vector<16xf32>,
    tpu.vector_store %arg17[%swap3A_738], %gather3A_737 {strides = array<i32>} : memref<3072xf32, #tpu.memory_space<vmem>>, vector<16xf32>,
    %add3A_740 = arith.constant 4096 : i32
    %add3A_741 = vector.broadcast %add3A_740 : i32 to vector<16xi32>
    %add3A_742 = arith.addi %sub3A_727, %add3A_741 : vector<16xi32>
    %gather3A_743 = tpu.vector_load_idx %arg16[%add3A_742] : memref<6144xf32, #tpu.memory_space<vmem>>[vector<16xi32>], vector<16xf32>,
    %swap3A_744 = arith.constant 1200 : index
    %swap3A_745 = tpu.vector_load %arg17[%swap3A_744] {strides = array<i32>} : memref<3072xf32, #tpu.memory_space<vmem>>, vector<16xf32>,
    tpu.vector_store %arg17[%swap3A_744], %gather3A_743 {strides = array<i32>} : memref<3072xf32, #tpu.memory_space<vmem>>, vector<16xf32>,
    %get3A_746 = arith.constant 192 : index
    %get3A_747 = tpu.vector_load %arg12[%get3A_746] {strides = array<i32>} : memref<1024xi32, #tpu.memory_space<vmem>>, vector<16xi32>,
    %sub3A_748 = vector.broadcast %mul3A_32 : i32 to vector<16xi32>
    %sub3A_749 = arith.subi %get3A_747, %sub3A_748 : vector<16xi32>
    %add3A_750 = arith.constant 0 : i32
    %add3A_751 = vector.broadcast %add3A_750 : i32 to vector<16xi32>
    %add3A_752 = arith.addi %sub3A_749, %add3A_751 : vector<16xi32>
    %gather3A_753 = tpu.vector_load_idx %arg16[%add3A_752] : memref<6144xf32, #tpu.memory_space<vmem>>[vector<16xi32>], vector<16xf32>,
    %swap3A_754 = arith.constant 192 : index
    %swap3A_755 = tpu.vector_load %arg17[%swap3A_754] {strides = array<i32>} : memref<3072xf32, #tpu.memory_space<vmem>>, vector<16xf32>,
    tpu.vector_store %arg17[%swap3A_754], %gather3A_753 {strides = array<i32>} : memref<3072xf32, #tpu.memory_space<vmem>>, vector<16xf32>,
    %add3A_756 = arith.constant 2048 : i32
    %add3A_757 = vector.broadcast %add3A_756 : i32 to vector<16xi32>
    %add3A_758 = arith.addi %sub3A_749, %add3A_757 : vector<16xi32>
    %gather3A_759 = tpu.vector_load_idx %arg16[%add3A_758] : memref<6144xf32, #tpu.memory_space<vmem>>[vector<16xi32>], vector<16xf32>,
    %swap3A_760 = arith.constant 704 : index
    %swap3A_761 = tpu.vector_load %arg17[%swap3A_760] {strides = array<i32>} : memref<3072xf32, #tpu.memory_space<vmem>>, vector<16xf32>,
    tpu.vector_store %arg17[%swap3A_760], %gather3A_759 {strides = array<i32>} : memref<3072xf32, #tpu.memory_space<vmem>>, vector<16xf32>,
    %add3A_762 = arith.constant 4096 : i32
    %add3A_763 = vector.broadcast %add3A_762 : i32 to vector<16xi32>
    %add3A_764 = arith.addi %sub3A_749, %add3A_763 : vector<16xi32>
    %gather3A_765 = tpu.vector_load_idx %arg16[%add3A_764] : memref<6144xf32, #tpu.memory_space<vmem>>[vector<16xi32>], vector<16xf32>,
    %swap3A_766 = arith.constant 1216 : index
    %swap3A_767 = tpu.vector_load %arg17[%swap3A_766] {strides = array<i32>} : memref<3072xf32, #tpu.memory_space<vmem>>, vector<16xf32>,
    tpu.vector_store %arg17[%swap3A_766], %gather3A_765 {strides = array<i32>} : memref<3072xf32, #tpu.memory_space<vmem>>, vector<16xf32>,
    %get3A_768 = arith.constant 208 : index
    %get3A_769 = tpu.vector_load %arg12[%get3A_768] {strides = array<i32>} : memref<1024xi32, #tpu.memory_space<vmem>>, vector<16xi32>,
    %sub3A_770 = vector.broadcast %mul3A_32 : i32 to vector<16xi32>
    %sub3A_771 = arith.subi %get3A_769, %sub3A_770 : vector<16xi32>
    %add3A_772 = arith.constant 0 : i32
    %add3A_773 = vector.broadcast %add3A_772 : i32 to vector<16xi32>
    %add3A_774 = arith.addi %sub3A_771, %add3A_773 : vector<16xi32>
    %gather3A_775 = tpu.vector_load_idx %arg16[%add3A_774] : memref<6144xf32, #tpu.memory_space<vmem>>[vector<16xi32>], vector<16xf32>,
    %swap3A_776 = arith.constant 208 : index
    %swap3A_777 = tpu.vector_load %arg17[%swap3A_776] {strides = array<i32>} : memref<3072xf32, #tpu.memory_space<vmem>>, vector<16xf32>,
    tpu.vector_store %arg17[%swap3A_776], %gather3A_775 {strides = array<i32>} : memref<3072xf32, #tpu.memory_space<vmem>>, vector<16xf32>,
    %add3A_778 = arith.constant 2048 : i32
    %add3A_779 = vector.broadcast %add3A_778 : i32 to vector<16xi32>
    %add3A_780 = arith.addi %sub3A_771, %add3A_779 : vector<16xi32>
    %gather3A_781 = tpu.vector_load_idx %arg16[%add3A_780] : memref<6144xf32, #tpu.memory_space<vmem>>[vector<16xi32>], vector<16xf32>,
    %swap3A_782 = arith.constant 720 : index
    %swap3A_783 = tpu.vector_load %arg17[%swap3A_782] {strides = array<i32>} : memref<3072xf32, #tpu.memory_space<vmem>>, vector<16xf32>,
    tpu.vector_store %arg17[%swap3A_782], %gather3A_781 {strides = array<i32>} : memref<3072xf32, #tpu.memory_space<vmem>>, vector<16xf32>,
    %add3A_784 = arith.constant 4096 : i32
    %add3A_785 = vector.broadcast %add3A_784 : i32 to vector<16xi32>
    %add3A_786 = arith.addi %sub3A_771, %add3A_785 : vector<16xi32>
    %gather3A_787 = tpu.vector_load_idx %arg16[%add3A_786] : memref<6144xf32, #tpu.memory_space<vmem>>[vector<16xi32>], vector<16xf32>,
    %swap3A_788 = arith.constant 1232 : index
    %swap3A_789 = tpu.vector_load %arg17[%swap3A_788] {strides = array<i32>} : memref<3072xf32, #tpu.memory_space<vmem>>, vector<16xf32>,
    tpu.vector_store %arg17[%swap3A_788], %gather3A_787 {strides = array<i32>} : memref<3072xf32, #tpu.memory_space<vmem>>, vector<16xf32>,
    %get3A_790 = arith.constant 224 : index
    %get3A_791 = tpu.vector_load %arg12[%get3A_790] {strides = array<i32>} : memref<1024xi32, #tpu.memory_space<vmem>>, vector<16xi32>,
    %sub3A_792 = vector.broadcast %mul3A_32 : i32 to vector<16xi32>
    %sub3A_793 = arith.subi %get3A_791, %sub3A_792 : vector<16xi32>
    %add3A_794 = arith.constant 0 : i32
    %add3A_795 = vector.broadcast %add3A_794 : i32 to vector<16xi32>
    %add3A_796 = arith.addi %sub3A_793, %add3A_795 : vector<16xi32>
    %gather3A_797 = tpu.vector_load_idx %arg16[%add3A_796] : memref<6144xf32, #tpu.memory_space<vmem>>[vector<16xi32>], vector<16xf32>,
    %swap3A_798 = arith.constant 224 : index
    %swap3A_799 = tpu.vector_load %arg17[%swap3A_798] {strides = array<i32>} : memref<3072xf32, #tpu.memory_space<vmem>>, vector<16xf32>,
    tpu.vector_store %arg17[%swap3A_798], %gather3A_797 {strides = array<i32>} : memref<3072xf32, #tpu.memory_space<vmem>>, vector<16xf32>,
    %add3A_800 = arith.constant 2048 : i32
    %add3A_801 = vector.broadcast %add3A_800 : i32 to vector<16xi32>
    %add3A_802 = arith.addi %sub3A_793, %add3A_801 : vector<16xi32>
    %gather3A_803 = tpu.vector_load_idx %arg16[%add3A_802] : memref<6144xf32, #tpu.memory_space<vmem>>[vector<16xi32>], vector<16xf32>,
    %swap3A_804 = arith.constant 736 : index
    %swap3A_805 = tpu.vector_load %arg17[%swap3A_804] {strides = array<i32>} : memref<3072xf32, #tpu.memory_space<vmem>>, vector<16xf32>,
    tpu.vector_store %arg17[%swap3A_804], %gather3A_803 {strides = array<i32>} : memref<3072xf32, #tpu.memory_space<vmem>>, vector<16xf32>,
    %add3A_806 = arith.constant 4096 : i32
    %add3A_807 = vector.broadcast %add3A_806 : i32 to vector<16xi32>
    %add3A_808 = arith.addi %sub3A_793, %add3A_807 : vector<16xi32>
    %gather3A_809 = tpu.vector_load_idx %arg16[%add3A_808] : memref<6144xf32, #tpu.memory_space<vmem>>[vector<16xi32>], vector<16xf32>,
    %swap3A_810 = arith.constant 1248 : index
    %swap3A_811 = tpu.vector_load %arg17[%swap3A_810] {strides = array<i32>} : memref<3072xf32, #tpu.memory_space<vmem>>, vector<16xf32>,
    tpu.vector_store %arg17[%swap3A_810], %gather3A_809 {strides = array<i32>} : memref<3072xf32, #tpu.memory_space<vmem>>, vector<16xf32>,
    %get3A_812 = arith.constant 240 : index
    %get3A_813 = tpu.vector_load %arg12[%get3A_812] {strides = array<i32>} : memref<1024xi32, #tpu.memory_space<vmem>>, vector<16xi32>,
    %sub3A_814 = vector.broadcast %mul3A_32 : i32 to vector<16xi32>
    %sub3A_815 = arith.subi %get3A_813, %sub3A_814 : vector<16xi32>
    %add3A_816 = arith.constant 0 : i32
    %add3A_817 = vector.broadcast %add3A_816 : i32 to vector<16xi32>
    %add3A_818 = arith.addi %sub3A_815, %add3A_817 : vector<16xi32>
    %gather3A_819 = tpu.vector_load_idx %arg16[%add3A_818] : memref<6144xf32, #tpu.memory_space<vmem>>[vector<16xi32>], vector<16xf32>,
    %swap3A_820 = arith.constant 240 : index
    %swap3A_821 = tpu.vector_load %arg17[%swap3A_820] {strides = array<i32>} : memref<3072xf32, #tpu.memory_space<vmem>>, vector<16xf32>,
    tpu.vector_store %arg17[%swap3A_820], %gather3A_819 {strides = array<i32>} : memref<3072xf32, #tpu.memory_space<vmem>>, vector<16xf32>,
    %add3A_822 = arith.constant 2048 : i32
    %add3A_823 = vector.broadcast %add3A_822 : i32 to vector<16xi32>
    %add3A_824 = arith.addi %sub3A_815, %add3A_823 : vector<16xi32>
    %gather3A_825 = tpu.vector_load_idx %arg16[%add3A_824] : memref<6144xf32, #tpu.memory_space<vmem>>[vector<16xi32>], vector<16xf32>,
    %swap3A_826 = arith.constant 752 : index
    %swap3A_827 = tpu.vector_load %arg17[%swap3A_826] {strides = array<i32>} : memref<3072xf32, #tpu.memory_space<vmem>>, vector<16xf32>,
    tpu.vector_store %arg17[%swap3A_826], %gather3A_825 {strides = array<i32>} : memref<3072xf32, #tpu.memory_space<vmem>>, vector<16xf32>,
    %add3A_828 = arith.constant 4096 : i32
    %add3A_829 = vector.broadcast %add3A_828 : i32 to vector<16xi32>
    %add3A_830 = arith.addi %sub3A_815, %add3A_829 : vector<16xi32>
    %gather3A_831 = tpu.vector_load_idx %arg16[%add3A_830] : memref<6144xf32, #tpu.memory_space<vmem>>[vector<16xi32>], vector<16xf32>,
    %swap3A_832 = arith.constant 1264 : index
    %swap3A_833 = tpu.vector_load %arg17[%swap3A_832] {strides = array<i32>} : memref<3072xf32, #tpu.memory_space<vmem>>, vector<16xf32>,
    tpu.vector_store %arg17[%swap3A_832], %gather3A_831 {strides = array<i32>} : memref<3072xf32, #tpu.memory_space<vmem>>, vector<16xf32>,
    %dma_wait3A_834 = arith.constant 0 : i32
    %dma_wait3A_835 = arith.constant 0 : i32
    %dma_wait3A_836 = tpu.memref_slice %arg18[%dma_wait3A_834, %dma_wait3A_835] : memref<16x256xf32, #tpu.memory_space<vmem>> -> memref<8x256xf32, #tpu.memory_space<vmem>>
    %dma_wait3A_837 = arith.constant 0 : i32
    %dma_wait3A_838 = tpu.memref_slice %arg4[%add3A_40, %dma_wait3A_837] : memref<512x256xf32, #tpu.memory_space<hbm>> -> memref<8x256xf32, #tpu.memory_space<hbm>>
    %dma_wait3A_839 = arith.constant 0 : i32
    %dma_wait3A_840 = arith.constant 0 : i32
    %dma_wait3A_841 = tpu.memref_slice %arg18[%dma_wait3A_839, %dma_wait3A_840] : memref<16x256xf32, #tpu.memory_space<vmem>> -> memref<8x256xf32, #tpu.memory_space<vmem>>
    %dma_wait3A_842 = arith.constant 0 : i32
    %dma_wait3A_843 = tpu.memref_slice %arg4[%add3A_40, %dma_wait3A_842] : memref<512x256xf32, #tpu.memory_space<hbm>> -> memref<8x256xf32, #tpu.memory_space<hbm>>
    tpu.wait_dma2 semaphore(%arg20 : memref<!tpu.dma_semaphore, #tpu.memory_space<semaphore_mem>>) src(%dma_wait3A_843 : memref<8x256xf32, #tpu.memory_space<hbm>>) dst(%dma_wait3A_841 : memref<8x256xf32, #tpu.memory_space<vmem>>)
    %dma_wait3A_844 = arith.constant 8 : i32
    %dma_wait3A_845 = arith.constant 0 : i32
    %dma_wait3A_846 = tpu.memref_slice %arg18[%dma_wait3A_844, %dma_wait3A_845] : memref<16x256xf32, #tpu.memory_space<vmem>> -> memref<8x256xf32, #tpu.memory_space<vmem>>
    %dma_wait3A_847 = arith.constant 0 : i32
    %dma_wait3A_848 = tpu.memref_slice %arg4[%add3A_52, %dma_wait3A_847] : memref<512x256xf32, #tpu.memory_space<hbm>> -> memref<8x256xf32, #tpu.memory_space<hbm>>
    %dma_wait3A_849 = arith.constant 8 : i32
    %dma_wait3A_850 = arith.constant 0 : i32
    %dma_wait3A_851 = tpu.memref_slice %arg18[%dma_wait3A_849, %dma_wait3A_850] : memref<16x256xf32, #tpu.memory_space<vmem>> -> memref<8x256xf32, #tpu.memory_space<vmem>>
    %dma_wait3A_852 = arith.constant 0 : i32
    %dma_wait3A_853 = tpu.memref_slice %arg4[%add3A_52, %dma_wait3A_852] : memref<512x256xf32, #tpu.memory_space<hbm>> -> memref<8x256xf32, #tpu.memory_space<hbm>>
    tpu.wait_dma2 semaphore(%arg21 : memref<!tpu.dma_semaphore, #tpu.memory_space<semaphore_mem>>) src(%dma_wait3A_853 : memref<8x256xf32, #tpu.memory_space<hbm>>) dst(%dma_wait3A_851 : memref<8x256xf32, #tpu.memory_space<vmem>>)
    %mul3A_854 = arith.constant 8 : i32
    %mul3A_855 = arith.muli %add3A, %mul3A_854 : i32
    %dma_start3A_856 = arith.constant 0 : i32
    %dma_start3A_857 = arith.constant 0 : i32
    %dma_start3A_858 = tpu.memref_slice %arg18[%dma_start3A_856, %dma_start3A_857] : memref<16x256xf32, #tpu.memory_space<vmem>> -> memref<8x256xf32, #tpu.memory_space<vmem>>
    %dma_start3A_859 = arith.constant 0 : i32
    %dma_start3A_860 = tpu.memref_slice %arg10[%mul3A_855, %dma_start3A_859] : memref<256x256xf32, #tpu.memory_space<hbm>> -> memref<8x256xf32, #tpu.memory_space<hbm>>
    %dma_start3A_861 = arith.constant 0 : i32
    %dma_start3A_862 = tpu.memref_slice %arg10[%mul3A_855, %dma_start3A_861] : memref<256x256xf32, #tpu.memory_space<hbm>> -> memref<8x256xf32, #tpu.memory_space<hbm>>
    %dma_start3A_863 = arith.constant 0 : i32
    %dma_start3A_864 = arith.constant 0 : i32
    %dma_start3A_865 = tpu.memref_slice %arg18[%dma_start3A_863, %dma_start3A_864] : memref<16x256xf32, #tpu.memory_space<vmem>> -> memref<8x256xf32, #tpu.memory_space<vmem>>
    tpu.enqueue_dma source(%dma_start3A_865 : memref<8x256xf32, #tpu.memory_space<vmem>>) target(%dma_start3A_862 : memref<8x256xf32, #tpu.memory_space<hbm>>) target_semaphore(%arg20 : memref<!tpu.dma_semaphore, #tpu.memory_space<semaphore_mem>>)
    %mul3A_866 = arith.constant 8 : i32
    %mul3A_867 = arith.muli %add3A, %mul3A_866 : i32
    %dma_start3A_868 = arith.constant 8 : i32
    %dma_start3A_869 = arith.constant 0 : i32
    %dma_start3A_870 = tpu.memref_slice %arg18[%dma_start3A_868, %dma_start3A_869] : memref<16x256xf32, #tpu.memory_space<vmem>> -> memref<8x256xf32, #tpu.memory_space<vmem>>
    %dma_start3A_871 = arith.constant 0 : i32
    %dma_start3A_872 = tpu.memref_slice %arg11[%mul3A_867, %dma_start3A_871] : memref<256x256xf32, #tpu.memory_space<hbm>> -> memref<8x256xf32, #tpu.memory_space<hbm>>
    %dma_start3A_873 = arith.constant 0 : i32
    %dma_start3A_874 = tpu.memref_slice %arg11[%mul3A_867, %dma_start3A_873] : memref<256x256xf32, #tpu.memory_space<hbm>> -> memref<8x256xf32, #tpu.memory_space<hbm>>
    %dma_start3A_875 = arith.constant 8 : i32
    %dma_start3A_876 = arith.constant 0 : i32
    %dma_start3A_877 = tpu.memref_slice %arg18[%dma_start3A_875, %dma_start3A_876] : memref<16x256xf32, #tpu.memory_space<vmem>> -> memref<8x256xf32, #tpu.memory_space<vmem>>
    tpu.enqueue_dma source(%dma_start3A_877 : memref<8x256xf32, #tpu.memory_space<vmem>>) target(%dma_start3A_874 : memref<8x256xf32, #tpu.memory_space<hbm>>) target_semaphore(%arg21 : memref<!tpu.dma_semaphore, #tpu.memory_space<semaphore_mem>>)
    %dma_wait3A_878 = arith.constant 128 : i32
    %dma_wait3A_879 = tpu.memref_slice %arg12[%dma_wait3A_878] : memref<1024xi32, #tpu.memory_space<vmem>> -> memref<128xi32, #tpu.memory_space<vmem>>
    %dma_wait3A_880 = arith.constant 0 : i32
    %dma_wait3A_881 = arith.constant 0 : i32
    %dma_wait3A_882 = tpu.memref_slice %arg2[%dma_wait3A_880, %dma_wait3A_881] : memref<16384x256xf32, #tpu.memory_space<hbm>> -> memref<16384x256xf32, #tpu.memory_space<hbm>>
    tpu.wait_indirect_dma semaphore(%arg24 : memref<!tpu.dma_semaphore, #tpu.memory_space<semaphore_mem>>) src(%dma_wait3A_882 : memref<16384x256xf32, #tpu.memory_space<hbm>>) dst(%arg14 : memref<128x256xf32, #tpu.memory_space<vmem>>)
    %mul3A_883 = arith.constant 512 : i32
    %mul3A_884 = arith.muli %add3A, %mul3A_883 : i32
    %add3A_885 = arith.constant 128 : i32
    %add3A_886 = arith.addi %mul3A_884, %add3A_885 : i32
    %dma_start3A_887 = arith.constant 0 : i32
    %dma_start3A_888 = tpu.memref_slice %arg6[%add3A_886, %dma_start3A_887] : memref<16384x256xf32, #tpu.memory_space<hbm>> -> memref<128x256xf32, #tpu.memory_space<hbm>>
    %dma_start3A_889 = arith.constant 0 : i32
    %dma_start3A_890 = tpu.memref_slice %arg6[%add3A_886, %dma_start3A_889] : memref<16384x256xf32, #tpu.memory_space<hbm>> -> memref<128x256xf32, #tpu.memory_space<hbm>>
    tpu.enqueue_dma source(%arg14 : memref<128x256xf32, #tpu.memory_space<vmem>>) target(%dma_start3A_890 : memref<128x256xf32, #tpu.memory_space<hbm>>) target_semaphore(%arg27 : memref<!tpu.dma_semaphore, #tpu.memory_space<semaphore_mem>>)
    %dma_wait3A_891 = arith.constant 0 : i32
    %dma_wait3A_892 = tpu.memref_slice %arg6[%add3A_648, %dma_wait3A_891] : memref<16384x256xf32, #tpu.memory_space<hbm>> -> memref<128x256xf32, #tpu.memory_space<hbm>>
    %dma_wait3A_893 = arith.constant 0 : i32
    %dma_wait3A_894 = tpu.memref_slice %arg6[%add3A_648, %dma_wait3A_893] : memref<16384x256xf32, #tpu.memory_space<hbm>> -> memref<128x256xf32, #tpu.memory_space<hbm>>
    tpu.wait_dma2 semaphore(%arg26 : memref<!tpu.dma_semaphore, #tpu.memory_space<semaphore_mem>>) src(%arg13 : memref<128x256xf32, #tpu.memory_space<vmem>>) dst(%dma_wait3A_894 : memref<128x256xf32, #tpu.memory_space<hbm>>)
    %dma_start3A_895 = arith.constant 384 : i32
    %dma_start3A_896 = tpu.memref_slice %arg12[%dma_start3A_895] : memref<1024xi32, #tpu.memory_space<vmem>> -> memref<128xi32, #tpu.memory_space<vmem>>
    %dma_start3A_897 = arith.constant 0 : i32
    %dma_start3A_898 = arith.constant 0 : i32
    %dma_start3A_899 = tpu.memref_slice %arg2[%dma_start3A_897, %dma_start3A_898] : memref<16384x256xf32, #tpu.memory_space<hbm>> -> memref<16384x256xf32, #tpu.memory_space<hbm>>
    tpu.enqueue_indirect_dma source(%dma_start3A_899 : memref<16384x256xf32, #tpu.memory_space<hbm>>) target(%arg13 : memref<128x256xf32, #tpu.memory_space<vmem>>) offsets(%dma_start3A_896 : memref<128xi32, #tpu.memory_space<vmem>>) semaphore(%arg23 : memref<!tpu.dma_semaphore, #tpu.memory_space<semaphore_mem>>)
    %get3A_900 = arith.constant 256 : index
    %get3A_901 = tpu.vector_load %arg12[%get3A_900] {strides = array<i32>} : memref<1024xi32, #tpu.memory_space<vmem>>, vector<16xi32>,
    %sub3A_902 = vector.broadcast %mul3A_32 : i32 to vector<16xi32>
    %sub3A_903 = arith.subi %get3A_901, %sub3A_902 : vector<16xi32>
    %add3A_904 = arith.constant 0 : i32
    %add3A_905 = vector.broadcast %add3A_904 : i32 to vector<16xi32>
    %add3A_906 = arith.addi %sub3A_903, %add3A_905 : vector<16xi32>
    %gather3A_907 = tpu.vector_load_idx %arg16[%add3A_906] : memref<6144xf32, #tpu.memory_space<vmem>>[vector<16xi32>], vector<16xf32>,
    %swap3A_908 = arith.constant 256 : index
    %swap3A_909 = tpu.vector_load %arg17[%swap3A_908] {strides = array<i32>} : memref<3072xf32, #tpu.memory_space<vmem>>, vector<16xf32>,
    tpu.vector_store %arg17[%swap3A_908], %gather3A_907 {strides = array<i32>} : memref<3072xf32, #tpu.memory_space<vmem>>, vector<16xf32>,
    %add3A_910 = arith.constant 2048 : i32
    %add3A_911 = vector.broadcast %add3A_910 : i32 to vector<16xi32>
    %add3A_912 = arith.addi %sub3A_903, %add3A_911 : vector<16xi32>
    %gather3A_913 = tpu.vector_load_idx %arg16[%add3A_912] : memref<6144xf32, #tpu.memory_space<vmem>>[vector<16xi32>], vector<16xf32>,
    %swap3A_914 = arith.constant 768 : index
    %swap3A_915 = tpu.vector_load %arg17[%swap3A_914] {strides = array<i32>} : memref<3072xf32, #tpu.memory_space<vmem>>, vector<16xf32>,
    tpu.vector_store %arg17[%swap3A_914], %gather3A_913 {strides = array<i32>} : memref<3072xf32, #tpu.memory_space<vmem>>, vector<16xf32>,
    %add3A_916 = arith.constant 4096 : i32
    %add3A_917 = vector.broadcast %add3A_916 : i32 to vector<16xi32>
    %add3A_918 = arith.addi %sub3A_903, %add3A_917 : vector<16xi32>
    %gather3A_919 = tpu.vector_load_idx %arg16[%add3A_918] : memref<6144xf32, #tpu.memory_space<vmem>>[vector<16xi32>], vector<16xf32>,
    %swap3A_920 = arith.constant 1280 : index
    %swap3A_921 = tpu.vector_load %arg17[%swap3A_920] {strides = array<i32>} : memref<3072xf32, #tpu.memory_space<vmem>>, vector<16xf32>,
    tpu.vector_store %arg17[%swap3A_920], %gather3A_919 {strides = array<i32>} : memref<3072xf32, #tpu.memory_space<vmem>>, vector<16xf32>,
    %get3A_922 = arith.constant 272 : index
    %get3A_923 = tpu.vector_load %arg12[%get3A_922] {strides = array<i32>} : memref<1024xi32, #tpu.memory_space<vmem>>, vector<16xi32>,
    %sub3A_924 = vector.broadcast %mul3A_32 : i32 to vector<16xi32>
    %sub3A_925 = arith.subi %get3A_923, %sub3A_924 : vector<16xi32>
    %add3A_926 = arith.constant 0 : i32
    %add3A_927 = vector.broadcast %add3A_926 : i32 to vector<16xi32>
    %add3A_928 = arith.addi %sub3A_925, %add3A_927 : vector<16xi32>
    %gather3A_929 = tpu.vector_load_idx %arg16[%add3A_928] : memref<6144xf32, #tpu.memory_space<vmem>>[vector<16xi32>], vector<16xf32>,
    %swap3A_930 = arith.constant 272 : index
    %swap3A_931 = tpu.vector_load %arg17[%swap3A_930] {strides = array<i32>} : memref<3072xf32, #tpu.memory_space<vmem>>, vector<16xf32>,
    tpu.vector_store %arg17[%swap3A_930], %gather3A_929 {strides = array<i32>} : memref<3072xf32, #tpu.memory_space<vmem>>, vector<16xf32>,
    %add3A_932 = arith.constant 2048 : i32
    %add3A_933 = vector.broadcast %add3A_932 : i32 to vector<16xi32>
    %add3A_934 = arith.addi %sub3A_925, %add3A_933 : vector<16xi32>
    %gather3A_935 = tpu.vector_load_idx %arg16[%add3A_934] : memref<6144xf32, #tpu.memory_space<vmem>>[vector<16xi32>], vector<16xf32>,
    %swap3A_936 = arith.constant 784 : index
    %swap3A_937 = tpu.vector_load %arg17[%swap3A_936] {strides = array<i32>} : memref<3072xf32, #tpu.memory_space<vmem>>, vector<16xf32>,
    tpu.vector_store %arg17[%swap3A_936], %gather3A_935 {strides = array<i32>} : memref<3072xf32, #tpu.memory_space<vmem>>, vector<16xf32>,
    %add3A_938 = arith.constant 4096 : i32
    %add3A_939 = vector.broadcast %add3A_938 : i32 to vector<16xi32>
    %add3A_940 = arith.addi %sub3A_925, %add3A_939 : vector<16xi32>
    %gather3A_941 = tpu.vector_load_idx %arg16[%add3A_940] : memref<6144xf32, #tpu.memory_space<vmem>>[vector<16xi32>], vector<16xf32>,
    %swap3A_942 = arith.constant 1296 : index
    %swap3A_943 = tpu.vector_load %arg17[%swap3A_942] {strides = array<i32>} : memref<3072xf32, #tpu.memory_space<vmem>>, vector<16xf32>,
    tpu.vector_store %arg17[%swap3A_942], %gather3A_941 {strides = array<i32>} : memref<3072xf32, #tpu.memory_space<vmem>>, vector<16xf32>,
    %get3A_944 = arith.constant 288 : index
    %get3A_945 = tpu.vector_load %arg12[%get3A_944] {strides = array<i32>} : memref<1024xi32, #tpu.memory_space<vmem>>, vector<16xi32>,
    %sub3A_946 = vector.broadcast %mul3A_32 : i32 to vector<16xi32>
    %sub3A_947 = arith.subi %get3A_945, %sub3A_946 : vector<16xi32>
    %add3A_948 = arith.constant 0 : i32
    %add3A_949 = vector.broadcast %add3A_948 : i32 to vector<16xi32>
    %add3A_950 = arith.addi %sub3A_947, %add3A_949 : vector<16xi32>
    %gather3A_951 = tpu.vector_load_idx %arg16[%add3A_950] : memref<6144xf32, #tpu.memory_space<vmem>>[vector<16xi32>], vector<16xf32>,
    %swap3A_952 = arith.constant 288 : index
    %swap3A_953 = tpu.vector_load %arg17[%swap3A_952] {strides = array<i32>} : memref<3072xf32, #tpu.memory_space<vmem>>, vector<16xf32>,
    tpu.vector_store %arg17[%swap3A_952], %gather3A_951 {strides = array<i32>} : memref<3072xf32, #tpu.memory_space<vmem>>, vector<16xf32>,
    %add3A_954 = arith.constant 2048 : i32
    %add3A_955 = vector.broadcast %add3A_954 : i32 to vector<16xi32>
    %add3A_956 = arith.addi %sub3A_947, %add3A_955 : vector<16xi32>
    %gather3A_957 = tpu.vector_load_idx %arg16[%add3A_956] : memref<6144xf32, #tpu.memory_space<vmem>>[vector<16xi32>], vector<16xf32>,
    %swap3A_958 = arith.constant 800 : index
    %swap3A_959 = tpu.vector_load %arg17[%swap3A_958] {strides = array<i32>} : memref<3072xf32, #tpu.memory_space<vmem>>, vector<16xf32>,
    tpu.vector_store %arg17[%swap3A_958], %gather3A_957 {strides = array<i32>} : memref<3072xf32, #tpu.memory_space<vmem>>, vector<16xf32>,
    %add3A_960 = arith.constant 4096 : i32
    %add3A_961 = vector.broadcast %add3A_960 : i32 to vector<16xi32>
    %add3A_962 = arith.addi %sub3A_947, %add3A_961 : vector<16xi32>
    %gather3A_963 = tpu.vector_load_idx %arg16[%add3A_962] : memref<6144xf32, #tpu.memory_space<vmem>>[vector<16xi32>], vector<16xf32>,
    %swap3A_964 = arith.constant 1312 : index
    %swap3A_965 = tpu.vector_load %arg17[%swap3A_964] {strides = array<i32>} : memref<3072xf32, #tpu.memory_space<vmem>>, vector<16xf32>,
    tpu.vector_store %arg17[%swap3A_964], %gather3A_963 {strides = array<i32>} : memref<3072xf32, #tpu.memory_space<vmem>>, vector<16xf32>,
    %get3A_966 = arith.constant 304 : index
    %get3A_967 = tpu.vector_load %arg12[%get3A_966] {strides = array<i32>} : memref<1024xi32, #tpu.memory_space<vmem>>, vector<16xi32>,
    %sub3A_968 = vector.broadcast %mul3A_32 : i32 to vector<16xi32>
    %sub3A_969 = arith.subi %get3A_967, %sub3A_968 : vector<16xi32>
    %add3A_970 = arith.constant 0 : i32
    %add3A_971 = vector.broadcast %add3A_970 : i32 to vector<16xi32>
    %add3A_972 = arith.addi %sub3A_969, %add3A_971 : vector<16xi32>
    %gather3A_973 = tpu.vector_load_idx %arg16[%add3A_972] : memref<6144xf32, #tpu.memory_space<vmem>>[vector<16xi32>], vector<16xf32>,
    %swap3A_974 = arith.constant 304 : index
    %swap3A_975 = tpu.vector_load %arg17[%swap3A_974] {strides = array<i32>} : memref<3072xf32, #tpu.memory_space<vmem>>, vector<16xf32>,
    tpu.vector_store %arg17[%swap3A_974], %gather3A_973 {strides = array<i32>} : memref<3072xf32, #tpu.memory_space<vmem>>, vector<16xf32>,
    %add3A_976 = arith.constant 2048 : i32
    %add3A_977 = vector.broadcast %add3A_976 : i32 to vector<16xi32>
    %add3A_978 = arith.addi %sub3A_969, %add3A_977 : vector<16xi32>
    %gather3A_979 = tpu.vector_load_idx %arg16[%add3A_978] : memref<6144xf32, #tpu.memory_space<vmem>>[vector<16xi32>], vector<16xf32>,
    %swap3A_980 = arith.constant 816 : index
    %swap3A_981 = tpu.vector_load %arg17[%swap3A_980] {strides = array<i32>} : memref<3072xf32, #tpu.memory_space<vmem>>, vector<16xf32>,
    tpu.vector_store %arg17[%swap3A_980], %gather3A_979 {strides = array<i32>} : memref<3072xf32, #tpu.memory_space<vmem>>, vector<16xf32>,
    %add3A_982 = arith.constant 4096 : i32
    %add3A_983 = vector.broadcast %add3A_982 : i32 to vector<16xi32>
    %add3A_984 = arith.addi %sub3A_969, %add3A_983 : vector<16xi32>
    %gather3A_985 = tpu.vector_load_idx %arg16[%add3A_984] : memref<6144xf32, #tpu.memory_space<vmem>>[vector<16xi32>], vector<16xf32>,
    %swap3A_986 = arith.constant 1328 : index
    %swap3A_987 = tpu.vector_load %arg17[%swap3A_986] {strides = array<i32>} : memref<3072xf32, #tpu.memory_space<vmem>>, vector<16xf32>,
    tpu.vector_store %arg17[%swap3A_986], %gather3A_985 {strides = array<i32>} : memref<3072xf32, #tpu.memory_space<vmem>>, vector<16xf32>,
    %get3A_988 = arith.constant 320 : index
    %get3A_989 = tpu.vector_load %arg12[%get3A_988] {strides = array<i32>} : memref<1024xi32, #tpu.memory_space<vmem>>, vector<16xi32>,
    %sub3A_990 = vector.broadcast %mul3A_32 : i32 to vector<16xi32>
    %sub3A_991 = arith.subi %get3A_989, %sub3A_990 : vector<16xi32>
    %add3A_992 = arith.constant 0 : i32
    %add3A_993 = vector.broadcast %add3A_992 : i32 to vector<16xi32>
    %add3A_994 = arith.addi %sub3A_991, %add3A_993 : vector<16xi32>
    %gather3A_995 = tpu.vector_load_idx %arg16[%add3A_994] : memref<6144xf32, #tpu.memory_space<vmem>>[vector<16xi32>], vector<16xf32>,
    %swap3A_996 = arith.constant 320 : index
    %swap3A_997 = tpu.vector_load %arg17[%swap3A_996] {strides = array<i32>} : memref<3072xf32, #tpu.memory_space<vmem>>, vector<16xf32>,
    tpu.vector_store %arg17[%swap3A_996], %gather3A_995 {strides = array<i32>} : memref<3072xf32, #tpu.memory_space<vmem>>, vector<16xf32>,
    %add3A_998 = arith.constant 2048 : i32
    %add3A_999 = vector.broadcast %add3A_998 : i32 to vector<16xi32>
    %add3A_1000 = arith.addi %sub3A_991, %add3A_999 : vector<16xi32>
    %gather3A_1001 = tpu.vector_load_idx %arg16[%add3A_1000] : memref<6144xf32, #tpu.memory_space<vmem>>[vector<16xi32>], vector<16xf32>,
    %swap3A_1002 = arith.constant 832 : index
    %swap3A_1003 = tpu.vector_load %arg17[%swap3A_1002] {strides = array<i32>} : memref<3072xf32, #tpu.memory_space<vmem>>, vector<16xf32>,
    tpu.vector_store %arg17[%swap3A_1002], %gather3A_1001 {strides = array<i32>} : memref<3072xf32, #tpu.memory_space<vmem>>, vector<16xf32>,
    %add3A_1004 = arith.constant 4096 : i32
    %add3A_1005 = vector.broadcast %add3A_1004 : i32 to vector<16xi32>
    %add3A_1006 = arith.addi %sub3A_991, %add3A_1005 : vector<16xi32>
    %gather3A_1007 = tpu.vector_load_idx %arg16[%add3A_1006] : memref<6144xf32, #tpu.memory_space<vmem>>[vector<16xi32>], vector<16xf32>,
    %swap3A_1008 = arith.constant 1344 : index
    %swap3A_1009 = tpu.vector_load %arg17[%swap3A_1008] {strides = array<i32>} : memref<3072xf32, #tpu.memory_space<vmem>>, vector<16xf32>,
    tpu.vector_store %arg17[%swap3A_1008], %gather3A_1007 {strides = array<i32>} : memref<3072xf32, #tpu.memory_space<vmem>>, vector<16xf32>,
    %get3A_1010 = arith.constant 336 : index
    %get3A_1011 = tpu.vector_load %arg12[%get3A_1010] {strides = array<i32>} : memref<1024xi32, #tpu.memory_space<vmem>>, vector<16xi32>,
    %sub3A_1012 = vector.broadcast %mul3A_32 : i32 to vector<16xi32>
    %sub3A_1013 = arith.subi %get3A_1011, %sub3A_1012 : vector<16xi32>
    %add3A_1014 = arith.constant 0 : i32
    %add3A_1015 = vector.broadcast %add3A_1014 : i32 to vector<16xi32>
    %add3A_1016 = arith.addi %sub3A_1013, %add3A_1015 : vector<16xi32>
    %gather3A_1017 = tpu.vector_load_idx %arg16[%add3A_1016] : memref<6144xf32, #tpu.memory_space<vmem>>[vector<16xi32>], vector<16xf32>,
    %swap3A_1018 = arith.constant 336 : index
    %swap3A_1019 = tpu.vector_load %arg17[%swap3A_1018] {strides = array<i32>} : memref<3072xf32, #tpu.memory_space<vmem>>, vector<16xf32>,
    tpu.vector_store %arg17[%swap3A_1018], %gather3A_1017 {strides = array<i32>} : memref<3072xf32, #tpu.memory_space<vmem>>, vector<16xf32>,
    %add3A_1020 = arith.constant 2048 : i32
    %add3A_1021 = vector.broadcast %add3A_1020 : i32 to vector<16xi32>
    %add3A_1022 = arith.addi %sub3A_1013, %add3A_1021 : vector<16xi32>
    %gather3A_1023 = tpu.vector_load_idx %arg16[%add3A_1022] : memref<6144xf32, #tpu.memory_space<vmem>>[vector<16xi32>], vector<16xf32>,
    %swap3A_1024 = arith.constant 848 : index
    %swap3A_1025 = tpu.vector_load %arg17[%swap3A_1024] {strides = array<i32>} : memref<3072xf32, #tpu.memory_space<vmem>>, vector<16xf32>,
    tpu.vector_store %arg17[%swap3A_1024], %gather3A_1023 {strides = array<i32>} : memref<3072xf32, #tpu.memory_space<vmem>>, vector<16xf32>,
    %add3A_1026 = arith.constant 4096 : i32
    %add3A_1027 = vector.broadcast %add3A_1026 : i32 to vector<16xi32>
    %add3A_1028 = arith.addi %sub3A_1013, %add3A_1027 : vector<16xi32>
    %gather3A_1029 = tpu.vector_load_idx %arg16[%add3A_1028] : memref<6144xf32, #tpu.memory_space<vmem>>[vector<16xi32>], vector<16xf32>,
    %swap3A_1030 = arith.constant 1360 : index
    %swap3A_1031 = tpu.vector_load %arg17[%swap3A_1030] {strides = array<i32>} : memref<3072xf32, #tpu.memory_space<vmem>>, vector<16xf32>,
    tpu.vector_store %arg17[%swap3A_1030], %gather3A_1029 {strides = array<i32>} : memref<3072xf32, #tpu.memory_space<vmem>>, vector<16xf32>,
    %get3A_1032 = arith.constant 352 : index
    %get3A_1033 = tpu.vector_load %arg12[%get3A_1032] {strides = array<i32>} : memref<1024xi32, #tpu.memory_space<vmem>>, vector<16xi32>,
    %sub3A_1034 = vector.broadcast %mul3A_32 : i32 to vector<16xi32>
    %sub3A_1035 = arith.subi %get3A_1033, %sub3A_1034 : vector<16xi32>
    %add3A_1036 = arith.constant 0 : i32
    %add3A_1037 = vector.broadcast %add3A_1036 : i32 to vector<16xi32>
    %add3A_1038 = arith.addi %sub3A_1035, %add3A_1037 : vector<16xi32>
    %gather3A_1039 = tpu.vector_load_idx %arg16[%add3A_1038] : memref<6144xf32, #tpu.memory_space<vmem>>[vector<16xi32>], vector<16xf32>,
    %swap3A_1040 = arith.constant 352 : index
    %swap3A_1041 = tpu.vector_load %arg17[%swap3A_1040] {strides = array<i32>} : memref<3072xf32, #tpu.memory_space<vmem>>, vector<16xf32>,
    tpu.vector_store %arg17[%swap3A_1040], %gather3A_1039 {strides = array<i32>} : memref<3072xf32, #tpu.memory_space<vmem>>, vector<16xf32>,
    %add3A_1042 = arith.constant 2048 : i32
    %add3A_1043 = vector.broadcast %add3A_1042 : i32 to vector<16xi32>
    %add3A_1044 = arith.addi %sub3A_1035, %add3A_1043 : vector<16xi32>
    %gather3A_1045 = tpu.vector_load_idx %arg16[%add3A_1044] : memref<6144xf32, #tpu.memory_space<vmem>>[vector<16xi32>], vector<16xf32>,
    %swap3A_1046 = arith.constant 864 : index
    %swap3A_1047 = tpu.vector_load %arg17[%swap3A_1046] {strides = array<i32>} : memref<3072xf32, #tpu.memory_space<vmem>>, vector<16xf32>,
    tpu.vector_store %arg17[%swap3A_1046], %gather3A_1045 {strides = array<i32>} : memref<3072xf32, #tpu.memory_space<vmem>>, vector<16xf32>,
    %add3A_1048 = arith.constant 4096 : i32
    %add3A_1049 = vector.broadcast %add3A_1048 : i32 to vector<16xi32>
    %add3A_1050 = arith.addi %sub3A_1035, %add3A_1049 : vector<16xi32>
    %gather3A_1051 = tpu.vector_load_idx %arg16[%add3A_1050] : memref<6144xf32, #tpu.memory_space<vmem>>[vector<16xi32>], vector<16xf32>,
    %swap3A_1052 = arith.constant 1376 : index
    %swap3A_1053 = tpu.vector_load %arg17[%swap3A_1052] {strides = array<i32>} : memref<3072xf32, #tpu.memory_space<vmem>>, vector<16xf32>,
    tpu.vector_store %arg17[%swap3A_1052], %gather3A_1051 {strides = array<i32>} : memref<3072xf32, #tpu.memory_space<vmem>>, vector<16xf32>,
    %get3A_1054 = arith.constant 368 : index
    %get3A_1055 = tpu.vector_load %arg12[%get3A_1054] {strides = array<i32>} : memref<1024xi32, #tpu.memory_space<vmem>>, vector<16xi32>,
    %sub3A_1056 = vector.broadcast %mul3A_32 : i32 to vector<16xi32>
    %sub3A_1057 = arith.subi %get3A_1055, %sub3A_1056 : vector<16xi32>
    %add3A_1058 = arith.constant 0 : i32
    %add3A_1059 = vector.broadcast %add3A_1058 : i32 to vector<16xi32>
    %add3A_1060 = arith.addi %sub3A_1057, %add3A_1059 : vector<16xi32>
    %gather3A_1061 = tpu.vector_load_idx %arg16[%add3A_1060] : memref<6144xf32, #tpu.memory_space<vmem>>[vector<16xi32>], vector<16xf32>,
    %swap3A_1062 = arith.constant 368 : index
    %swap3A_1063 = tpu.vector_load %arg17[%swap3A_1062] {strides = array<i32>} : memref<3072xf32, #tpu.memory_space<vmem>>, vector<16xf32>,
    tpu.vector_store %arg17[%swap3A_1062], %gather3A_1061 {strides = array<i32>} : memref<3072xf32, #tpu.memory_space<vmem>>, vector<16xf32>,
    %add3A_1064 = arith.constant 2048 : i32
    %add3A_1065 = vector.broadcast %add3A_1064 : i32 to vector<16xi32>
    %add3A_1066 = arith.addi %sub3A_1057, %add3A_1065 : vector<16xi32>
    %gather3A_1067 = tpu.vector_load_idx %arg16[%add3A_1066] : memref<6144xf32, #tpu.memory_space<vmem>>[vector<16xi32>], vector<16xf32>,
    %swap3A_1068 = arith.constant 880 : index
    %swap3A_1069 = tpu.vector_load %arg17[%swap3A_1068] {strides = array<i32>} : memref<3072xf32, #tpu.memory_space<vmem>>, vector<16xf32>,
    tpu.vector_store %arg17[%swap3A_1068], %gather3A_1067 {strides = array<i32>} : memref<3072xf32, #tpu.memory_space<vmem>>, vector<16xf32>,
    %add3A_1070 = arith.constant 4096 : i32
    %add3A_1071 = vector.broadcast %add3A_1070 : i32 to vector<16xi32>
    %add3A_1072 = arith.addi %sub3A_1057, %add3A_1071 : vector<16xi32>
    %gather3A_1073 = tpu.vector_load_idx %arg16[%add3A_1072] : memref<6144xf32, #tpu.memory_space<vmem>>[vector<16xi32>], vector<16xf32>,
    %swap3A_1074 = arith.constant 1392 : index
    %swap3A_1075 = tpu.vector_load %arg17[%swap3A_1074] {strides = array<i32>} : memref<3072xf32, #tpu.memory_space<vmem>>, vector<16xf32>,
    tpu.vector_store %arg17[%swap3A_1074], %gather3A_1073 {strides = array<i32>} : memref<3072xf32, #tpu.memory_space<vmem>>, vector<16xf32>,
    %dma_wait3A_1076 = arith.constant 256 : i32
    %dma_wait3A_1077 = tpu.memref_slice %arg12[%dma_wait3A_1076] : memref<1024xi32, #tpu.memory_space<vmem>> -> memref<128xi32, #tpu.memory_space<vmem>>
    %dma_wait3A_1078 = arith.constant 0 : i32
    %dma_wait3A_1079 = arith.constant 0 : i32
    %dma_wait3A_1080 = tpu.memref_slice %arg2[%dma_wait3A_1078, %dma_wait3A_1079] : memref<16384x256xf32, #tpu.memory_space<hbm>> -> memref<16384x256xf32, #tpu.memory_space<hbm>>
    tpu.wait_indirect_dma semaphore(%arg25 : memref<!tpu.dma_semaphore, #tpu.memory_space<semaphore_mem>>) src(%dma_wait3A_1080 : memref<16384x256xf32, #tpu.memory_space<hbm>>) dst(%arg15 : memref<128x256xf32, #tpu.memory_space<vmem>>)
    %mul3A_1081 = arith.constant 512 : i32
    %mul3A_1082 = arith.muli %add3A, %mul3A_1081 : i32
    %add3A_1083 = arith.constant 256 : i32
    %add3A_1084 = arith.addi %mul3A_1082, %add3A_1083 : i32
    %dma_start3A_1085 = arith.constant 0 : i32
    %dma_start3A_1086 = tpu.memref_slice %arg6[%add3A_1084, %dma_start3A_1085] : memref<16384x256xf32, #tpu.memory_space<hbm>> -> memref<128x256xf32, #tpu.memory_space<hbm>>
    %dma_start3A_1087 = arith.constant 0 : i32
    %dma_start3A_1088 = tpu.memref_slice %arg6[%add3A_1084, %dma_start3A_1087] : memref<16384x256xf32, #tpu.memory_space<hbm>> -> memref<128x256xf32, #tpu.memory_space<hbm>>
    tpu.enqueue_dma source(%arg15 : memref<128x256xf32, #tpu.memory_space<vmem>>) target(%dma_start3A_1088 : memref<128x256xf32, #tpu.memory_space<hbm>>) target_semaphore(%arg28 : memref<!tpu.dma_semaphore, #tpu.memory_space<semaphore_mem>>)
    %dma_wait3A_1089 = arith.constant 0 : i32
    %dma_wait3A_1090 = tpu.memref_slice %arg6[%add3A_886, %dma_wait3A_1089] : memref<16384x256xf32, #tpu.memory_space<hbm>> -> memref<128x256xf32, #tpu.memory_space<hbm>>
    %dma_wait3A_1091 = arith.constant 0 : i32
    %dma_wait3A_1092 = tpu.memref_slice %arg6[%add3A_886, %dma_wait3A_1091] : memref<16384x256xf32, #tpu.memory_space<hbm>> -> memref<128x256xf32, #tpu.memory_space<hbm>>
    tpu.wait_dma2 semaphore(%arg27 : memref<!tpu.dma_semaphore, #tpu.memory_space<semaphore_mem>>) src(%arg14 : memref<128x256xf32, #tpu.memory_space<vmem>>) dst(%dma_wait3A_1092 : memref<128x256xf32, #tpu.memory_space<hbm>>)
    %dma_start3A_1093 = arith.constant 512 : i32
    %dma_start3A_1094 = tpu.memref_slice %arg12[%dma_start3A_1093] : memref<1024xi32, #tpu.memory_space<vmem>> -> memref<128xi32, #tpu.memory_space<vmem>>
    %dma_start3A_1095 = arith.constant 0 : i32
    %dma_start3A_1096 = arith.constant 0 : i32
    %dma_start3A_1097 = tpu.memref_slice %arg2[%dma_start3A_1095, %dma_start3A_1096] : memref<16384x256xf32, #tpu.memory_space<hbm>> -> memref<16384x256xf32, #tpu.memory_space<hbm>>
    tpu.enqueue_indirect_dma source(%dma_start3A_1097 : memref<16384x256xf32, #tpu.memory_space<hbm>>) target(%arg14 : memref<128x256xf32, #tpu.memory_space<vmem>>) offsets(%dma_start3A_1094 : memref<128xi32, #tpu.memory_space<vmem>>) semaphore(%arg24 : memref<!tpu.dma_semaphore, #tpu.memory_space<semaphore_mem>>)
    %get3A_1098 = arith.constant 384 : index
    %get3A_1099 = tpu.vector_load %arg12[%get3A_1098] {strides = array<i32>} : memref<1024xi32, #tpu.memory_space<vmem>>, vector<16xi32>,
    %sub3A_1100 = vector.broadcast %mul3A_32 : i32 to vector<16xi32>
    %sub3A_1101 = arith.subi %get3A_1099, %sub3A_1100 : vector<16xi32>
    %add3A_1102 = arith.constant 0 : i32
    %add3A_1103 = vector.broadcast %add3A_1102 : i32 to vector<16xi32>
    %add3A_1104 = arith.addi %sub3A_1101, %add3A_1103 : vector<16xi32>
    %gather3A_1105 = tpu.vector_load_idx %arg16[%add3A_1104] : memref<6144xf32, #tpu.memory_space<vmem>>[vector<16xi32>], vector<16xf32>,
    %swap3A_1106 = arith.constant 384 : index
    %swap3A_1107 = tpu.vector_load %arg17[%swap3A_1106] {strides = array<i32>} : memref<3072xf32, #tpu.memory_space<vmem>>, vector<16xf32>,
    tpu.vector_store %arg17[%swap3A_1106], %gather3A_1105 {strides = array<i32>} : memref<3072xf32, #tpu.memory_space<vmem>>, vector<16xf32>,
    %add3A_1108 = arith.constant 2048 : i32
    %add3A_1109 = vector.broadcast %add3A_1108 : i32 to vector<16xi32>
    %add3A_1110 = arith.addi %sub3A_1101, %add3A_1109 : vector<16xi32>
    %gather3A_1111 = tpu.vector_load_idx %arg16[%add3A_1110] : memref<6144xf32, #tpu.memory_space<vmem>>[vector<16xi32>], vector<16xf32>,
    %swap3A_1112 = arith.constant 896 : index
    %swap3A_1113 = tpu.vector_load %arg17[%swap3A_1112] {strides = array<i32>} : memref<3072xf32, #tpu.memory_space<vmem>>, vector<16xf32>,
    tpu.vector_store %arg17[%swap3A_1112], %gather3A_1111 {strides = array<i32>} : memref<3072xf32, #tpu.memory_space<vmem>>, vector<16xf32>,
    %add3A_1114 = arith.constant 4096 : i32
    %add3A_1115 = vector.broadcast %add3A_1114 : i32 to vector<16xi32>
    %add3A_1116 = arith.addi %sub3A_1101, %add3A_1115 : vector<16xi32>
    %gather3A_1117 = tpu.vector_load_idx %arg16[%add3A_1116] : memref<6144xf32, #tpu.memory_space<vmem>>[vector<16xi32>], vector<16xf32>,
    %swap3A_1118 = arith.constant 1408 : index
    %swap3A_1119 = tpu.vector_load %arg17[%swap3A_1118] {strides = array<i32>} : memref<3072xf32, #tpu.memory_space<vmem>>, vector<16xf32>,
    tpu.vector_store %arg17[%swap3A_1118], %gather3A_1117 {strides = array<i32>} : memref<3072xf32, #tpu.memory_space<vmem>>, vector<16xf32>,
    %get3A_1120 = arith.constant 400 : index
    %get3A_1121 = tpu.vector_load %arg12[%get3A_1120] {strides = array<i32>} : memref<1024xi32, #tpu.memory_space<vmem>>, vector<16xi32>,
    %sub3A_1122 = vector.broadcast %mul3A_32 : i32 to vector<16xi32>
    %sub3A_1123 = arith.subi %get3A_1121, %sub3A_1122 : vector<16xi32>
    %add3A_1124 = arith.constant 0 : i32
    %add3A_1125 = vector.broadcast %add3A_1124 : i32 to vector<16xi32>
    %add3A_1126 = arith.addi %sub3A_1123, %add3A_1125 : vector<16xi32>
    %gather3A_1127 = tpu.vector_load_idx %arg16[%add3A_1126] : memref<6144xf32, #tpu.memory_space<vmem>>[vector<16xi32>], vector<16xf32>,
    %swap3A_1128 = arith.constant 400 : index
    %swap3A_1129 = tpu.vector_load %arg17[%swap3A_1128] {strides = array<i32>} : memref<3072xf32, #tpu.memory_space<vmem>>, vector<16xf32>,
    tpu.vector_store %arg17[%swap3A_1128], %gather3A_1127 {strides = array<i32>} : memref<3072xf32, #tpu.memory_space<vmem>>, vector<16xf32>,
    %add3A_1130 = arith.constant 2048 : i32
    %add3A_1131 = vector.broadcast %add3A_1130 : i32 to vector<16xi32>
    %add3A_1132 = arith.addi %sub3A_1123, %add3A_1131 : vector<16xi32>
    %gather3A_1133 = tpu.vector_load_idx %arg16[%add3A_1132] : memref<6144xf32, #tpu.memory_space<vmem>>[vector<16xi32>], vector<16xf32>,
    %swap3A_1134 = arith.constant 912 : index
    %swap3A_1135 = tpu.vector_load %arg17[%swap3A_1134] {strides = array<i32>} : memref<3072xf32, #tpu.memory_space<vmem>>, vector<16xf32>,
    tpu.vector_store %arg17[%swap3A_1134], %gather3A_1133 {strides = array<i32>} : memref<3072xf32, #tpu.memory_space<vmem>>, vector<16xf32>,
    %add3A_1136 = arith.constant 4096 : i32
    %add3A_1137 = vector.broadcast %add3A_1136 : i32 to vector<16xi32>
    %add3A_1138 = arith.addi %sub3A_1123, %add3A_1137 : vector<16xi32>
    %gather3A_1139 = tpu.vector_load_idx %arg16[%add3A_1138] : memref<6144xf32, #tpu.memory_space<vmem>>[vector<16xi32>], vector<16xf32>,
    %swap3A_1140 = arith.constant 1424 : index
    %swap3A_1141 = tpu.vector_load %arg17[%swap3A_1140] {strides = array<i32>} : memref<3072xf32, #tpu.memory_space<vmem>>, vector<16xf32>,
    tpu.vector_store %arg17[%swap3A_1140], %gather3A_1139 {strides = array<i32>} : memref<3072xf32, #tpu.memory_space<vmem>>, vector<16xf32>,
    %get3A_1142 = arith.constant 416 : index
    %get3A_1143 = tpu.vector_load %arg12[%get3A_1142] {strides = array<i32>} : memref<1024xi32, #tpu.memory_space<vmem>>, vector<16xi32>,
    %sub3A_1144 = vector.broadcast %mul3A_32 : i32 to vector<16xi32>
    %sub3A_1145 = arith.subi %get3A_1143, %sub3A_1144 : vector<16xi32>
    %add3A_1146 = arith.constant 0 : i32
    %add3A_1147 = vector.broadcast %add3A_1146 : i32 to vector<16xi32>
    %add3A_1148 = arith.addi %sub3A_1145, %add3A_1147 : vector<16xi32>
    %gather3A_1149 = tpu.vector_load_idx %arg16[%add3A_1148] : memref<6144xf32, #tpu.memory_space<vmem>>[vector<16xi32>], vector<16xf32>,
    %swap3A_1150 = arith.constant 416 : index
    %swap3A_1151 = tpu.vector_load %arg17[%swap3A_1150] {strides = array<i32>} : memref<3072xf32, #tpu.memory_space<vmem>>, vector<16xf32>,
    tpu.vector_store %arg17[%swap3A_1150], %gather3A_1149 {strides = array<i32>} : memref<3072xf32, #tpu.memory_space<vmem>>, vector<16xf32>,
    %add3A_1152 = arith.constant 2048 : i32
    %add3A_1153 = vector.broadcast %add3A_1152 : i32 to vector<16xi32>
    %add3A_1154 = arith.addi %sub3A_1145, %add3A_1153 : vector<16xi32>
    %gather3A_1155 = tpu.vector_load_idx %arg16[%add3A_1154] : memref<6144xf32, #tpu.memory_space<vmem>>[vector<16xi32>], vector<16xf32>,
    %swap3A_1156 = arith.constant 928 : index
    %swap3A_1157 = tpu.vector_load %arg17[%swap3A_1156] {strides = array<i32>} : memref<3072xf32, #tpu.memory_space<vmem>>, vector<16xf32>,
    tpu.vector_store %arg17[%swap3A_1156], %gather3A_1155 {strides = array<i32>} : memref<3072xf32, #tpu.memory_space<vmem>>, vector<16xf32>,
    %add3A_1158 = arith.constant 4096 : i32
    %add3A_1159 = vector.broadcast %add3A_1158 : i32 to vector<16xi32>
    %add3A_1160 = arith.addi %sub3A_1145, %add3A_1159 : vector<16xi32>
    %gather3A_1161 = tpu.vector_load_idx %arg16[%add3A_1160] : memref<6144xf32, #tpu.memory_space<vmem>>[vector<16xi32>], vector<16xf32>,
    %swap3A_1162 = arith.constant 1440 : index
    %swap3A_1163 = tpu.vector_load %arg17[%swap3A_1162] {strides = array<i32>} : memref<3072xf32, #tpu.memory_space<vmem>>, vector<16xf32>,
    tpu.vector_store %arg17[%swap3A_1162], %gather3A_1161 {strides = array<i32>} : memref<3072xf32, #tpu.memory_space<vmem>>, vector<16xf32>,
    %get3A_1164 = arith.constant 432 : index
    %get3A_1165 = tpu.vector_load %arg12[%get3A_1164] {strides = array<i32>} : memref<1024xi32, #tpu.memory_space<vmem>>, vector<16xi32>,
    %sub3A_1166 = vector.broadcast %mul3A_32 : i32 to vector<16xi32>
    %sub3A_1167 = arith.subi %get3A_1165, %sub3A_1166 : vector<16xi32>
    %add3A_1168 = arith.constant 0 : i32
    %add3A_1169 = vector.broadcast %add3A_1168 : i32 to vector<16xi32>
    %add3A_1170 = arith.addi %sub3A_1167, %add3A_1169 : vector<16xi32>
    %gather3A_1171 = tpu.vector_load_idx %arg16[%add3A_1170] : memref<6144xf32, #tpu.memory_space<vmem>>[vector<16xi32>], vector<16xf32>,
    %swap3A_1172 = arith.constant 432 : index
    %swap3A_1173 = tpu.vector_load %arg17[%swap3A_1172] {strides = array<i32>} : memref<3072xf32, #tpu.memory_space<vmem>>, vector<16xf32>,
    tpu.vector_store %arg17[%swap3A_1172], %gather3A_1171 {strides = array<i32>} : memref<3072xf32, #tpu.memory_space<vmem>>, vector<16xf32>,
    %add3A_1174 = arith.constant 2048 : i32
    %add3A_1175 = vector.broadcast %add3A_1174 : i32 to vector<16xi32>
    %add3A_1176 = arith.addi %sub3A_1167, %add3A_1175 : vector<16xi32>
    %gather3A_1177 = tpu.vector_load_idx %arg16[%add3A_1176] : memref<6144xf32, #tpu.memory_space<vmem>>[vector<16xi32>], vector<16xf32>,
    %swap3A_1178 = arith.constant 944 : index
    %swap3A_1179 = tpu.vector_load %arg17[%swap3A_1178] {strides = array<i32>} : memref<3072xf32, #tpu.memory_space<vmem>>, vector<16xf32>,
    tpu.vector_store %arg17[%swap3A_1178], %gather3A_1177 {strides = array<i32>} : memref<3072xf32, #tpu.memory_space<vmem>>, vector<16xf32>,
    %add3A_1180 = arith.constant 4096 : i32
    %add3A_1181 = vector.broadcast %add3A_1180 : i32 to vector<16xi32>
    %add3A_1182 = arith.addi %sub3A_1167, %add3A_1181 : vector<16xi32>
    %gather3A_1183 = tpu.vector_load_idx %arg16[%add3A_1182] : memref<6144xf32, #tpu.memory_space<vmem>>[vector<16xi32>], vector<16xf32>,
    %swap3A_1184 = arith.constant 1456 : index
    %swap3A_1185 = tpu.vector_load %arg17[%swap3A_1184] {strides = array<i32>} : memref<3072xf32, #tpu.memory_space<vmem>>, vector<16xf32>,
    tpu.vector_store %arg17[%swap3A_1184], %gather3A_1183 {strides = array<i32>} : memref<3072xf32, #tpu.memory_space<vmem>>, vector<16xf32>,
    %get3A_1186 = arith.constant 448 : index
    %get3A_1187 = tpu.vector_load %arg12[%get3A_1186] {strides = array<i32>} : memref<1024xi32, #tpu.memory_space<vmem>>, vector<16xi32>,
    %sub3A_1188 = vector.broadcast %mul3A_32 : i32 to vector<16xi32>
    %sub3A_1189 = arith.subi %get3A_1187, %sub3A_1188 : vector<16xi32>
    %add3A_1190 = arith.constant 0 : i32
    %add3A_1191 = vector.broadcast %add3A_1190 : i32 to vector<16xi32>
    %add3A_1192 = arith.addi %sub3A_1189, %add3A_1191 : vector<16xi32>
    %gather3A_1193 = tpu.vector_load_idx %arg16[%add3A_1192] : memref<6144xf32, #tpu.memory_space<vmem>>[vector<16xi32>], vector<16xf32>,
    %swap3A_1194 = arith.constant 448 : index
    %swap3A_1195 = tpu.vector_load %arg17[%swap3A_1194] {strides = array<i32>} : memref<3072xf32, #tpu.memory_space<vmem>>, vector<16xf32>,
    tpu.vector_store %arg17[%swap3A_1194], %gather3A_1193 {strides = array<i32>} : memref<3072xf32, #tpu.memory_space<vmem>>, vector<16xf32>,
    %add3A_1196 = arith.constant 2048 : i32
    %add3A_1197 = vector.broadcast %add3A_1196 : i32 to vector<16xi32>
    %add3A_1198 = arith.addi %sub3A_1189, %add3A_1197 : vector<16xi32>
    %gather3A_1199 = tpu.vector_load_idx %arg16[%add3A_1198] : memref<6144xf32, #tpu.memory_space<vmem>>[vector<16xi32>], vector<16xf32>,
    %swap3A_1200 = arith.constant 960 : index
    %swap3A_1201 = tpu.vector_load %arg17[%swap3A_1200] {strides = array<i32>} : memref<3072xf32, #tpu.memory_space<vmem>>, vector<16xf32>,
    tpu.vector_store %arg17[%swap3A_1200], %gather3A_1199 {strides = array<i32>} : memref<3072xf32, #tpu.memory_space<vmem>>, vector<16xf32>,
    %add3A_1202 = arith.constant 4096 : i32
    %add3A_1203 = vector.broadcast %add3A_1202 : i32 to vector<16xi32>
    %add3A_1204 = arith.addi %sub3A_1189, %add3A_1203 : vector<16xi32>
    %gather3A_1205 = tpu.vector_load_idx %arg16[%add3A_1204] : memref<6144xf32, #tpu.memory_space<vmem>>[vector<16xi32>], vector<16xf32>,
    %swap3A_1206 = arith.constant 1472 : index
    %swap3A_1207 = tpu.vector_load %arg17[%swap3A_1206] {strides = array<i32>} : memref<3072xf32, #tpu.memory_space<vmem>>, vector<16xf32>,
    tpu.vector_store %arg17[%swap3A_1206], %gather3A_1205 {strides = array<i32>} : memref<3072xf32, #tpu.memory_space<vmem>>, vector<16xf32>,
    %get3A_1208 = arith.constant 464 : index
    %get3A_1209 = tpu.vector_load %arg12[%get3A_1208] {strides = array<i32>} : memref<1024xi32, #tpu.memory_space<vmem>>, vector<16xi32>,
    %sub3A_1210 = vector.broadcast %mul3A_32 : i32 to vector<16xi32>
    %sub3A_1211 = arith.subi %get3A_1209, %sub3A_1210 : vector<16xi32>
    %add3A_1212 = arith.constant 0 : i32
    %add3A_1213 = vector.broadcast %add3A_1212 : i32 to vector<16xi32>
    %add3A_1214 = arith.addi %sub3A_1211, %add3A_1213 : vector<16xi32>
    %gather3A_1215 = tpu.vector_load_idx %arg16[%add3A_1214] : memref<6144xf32, #tpu.memory_space<vmem>>[vector<16xi32>], vector<16xf32>,
    %swap3A_1216 = arith.constant 464 : index
    %swap3A_1217 = tpu.vector_load %arg17[%swap3A_1216] {strides = array<i32>} : memref<3072xf32, #tpu.memory_space<vmem>>, vector<16xf32>,
    tpu.vector_store %arg17[%swap3A_1216], %gather3A_1215 {strides = array<i32>} : memref<3072xf32, #tpu.memory_space<vmem>>, vector<16xf32>,
    %add3A_1218 = arith.constant 2048 : i32
    %add3A_1219 = vector.broadcast %add3A_1218 : i32 to vector<16xi32>
    %add3A_1220 = arith.addi %sub3A_1211, %add3A_1219 : vector<16xi32>
    %gather3A_1221 = tpu.vector_load_idx %arg16[%add3A_1220] : memref<6144xf32, #tpu.memory_space<vmem>>[vector<16xi32>], vector<16xf32>,
    %swap3A_1222 = arith.constant 976 : index
    %swap3A_1223 = tpu.vector_load %arg17[%swap3A_1222] {strides = array<i32>} : memref<3072xf32, #tpu.memory_space<vmem>>, vector<16xf32>,
    tpu.vector_store %arg17[%swap3A_1222], %gather3A_1221 {strides = array<i32>} : memref<3072xf32, #tpu.memory_space<vmem>>, vector<16xf32>,
    %add3A_1224 = arith.constant 4096 : i32
    %add3A_1225 = vector.broadcast %add3A_1224 : i32 to vector<16xi32>
    %add3A_1226 = arith.addi %sub3A_1211, %add3A_1225 : vector<16xi32>
    %gather3A_1227 = tpu.vector_load_idx %arg16[%add3A_1226] : memref<6144xf32, #tpu.memory_space<vmem>>[vector<16xi32>], vector<16xf32>,
    %swap3A_1228 = arith.constant 1488 : index
    %swap3A_1229 = tpu.vector_load %arg17[%swap3A_1228] {strides = array<i32>} : memref<3072xf32, #tpu.memory_space<vmem>>, vector<16xf32>,
    tpu.vector_store %arg17[%swap3A_1228], %gather3A_1227 {strides = array<i32>} : memref<3072xf32, #tpu.memory_space<vmem>>, vector<16xf32>,
    %get3A_1230 = arith.constant 480 : index
    %get3A_1231 = tpu.vector_load %arg12[%get3A_1230] {strides = array<i32>} : memref<1024xi32, #tpu.memory_space<vmem>>, vector<16xi32>,
    %sub3A_1232 = vector.broadcast %mul3A_32 : i32 to vector<16xi32>
    %sub3A_1233 = arith.subi %get3A_1231, %sub3A_1232 : vector<16xi32>
    %add3A_1234 = arith.constant 0 : i32
    %add3A_1235 = vector.broadcast %add3A_1234 : i32 to vector<16xi32>
    %add3A_1236 = arith.addi %sub3A_1233, %add3A_1235 : vector<16xi32>
    %gather3A_1237 = tpu.vector_load_idx %arg16[%add3A_1236] : memref<6144xf32, #tpu.memory_space<vmem>>[vector<16xi32>], vector<16xf32>,
    %swap3A_1238 = arith.constant 480 : index
    %swap3A_1239 = tpu.vector_load %arg17[%swap3A_1238] {strides = array<i32>} : memref<3072xf32, #tpu.memory_space<vmem>>, vector<16xf32>,
    tpu.vector_store %arg17[%swap3A_1238], %gather3A_1237 {strides = array<i32>} : memref<3072xf32, #tpu.memory_space<vmem>>, vector<16xf32>,
    %add3A_1240 = arith.constant 2048 : i32
    %add3A_1241 = vector.broadcast %add3A_1240 : i32 to vector<16xi32>
    %add3A_1242 = arith.addi %sub3A_1233, %add3A_1241 : vector<16xi32>
    %gather3A_1243 = tpu.vector_load_idx %arg16[%add3A_1242] : memref<6144xf32, #tpu.memory_space<vmem>>[vector<16xi32>], vector<16xf32>,
    %swap3A_1244 = arith.constant 992 : index
    %swap3A_1245 = tpu.vector_load %arg17[%swap3A_1244] {strides = array<i32>} : memref<3072xf32, #tpu.memory_space<vmem>>, vector<16xf32>,
    tpu.vector_store %arg17[%swap3A_1244], %gather3A_1243 {strides = array<i32>} : memref<3072xf32, #tpu.memory_space<vmem>>, vector<16xf32>,
    %add3A_1246 = arith.constant 4096 : i32
    %add3A_1247 = vector.broadcast %add3A_1246 : i32 to vector<16xi32>
    %add3A_1248 = arith.addi %sub3A_1233, %add3A_1247 : vector<16xi32>
    %gather3A_1249 = tpu.vector_load_idx %arg16[%add3A_1248] : memref<6144xf32, #tpu.memory_space<vmem>>[vector<16xi32>], vector<16xf32>,
    %swap3A_1250 = arith.constant 1504 : index
    %swap3A_1251 = tpu.vector_load %arg17[%swap3A_1250] {strides = array<i32>} : memref<3072xf32, #tpu.memory_space<vmem>>, vector<16xf32>,
    tpu.vector_store %arg17[%swap3A_1250], %gather3A_1249 {strides = array<i32>} : memref<3072xf32, #tpu.memory_space<vmem>>, vector<16xf32>,
    %get3A_1252 = arith.constant 496 : index
    %get3A_1253 = tpu.vector_load %arg12[%get3A_1252] {strides = array<i32>} : memref<1024xi32, #tpu.memory_space<vmem>>, vector<16xi32>,
    %sub3A_1254 = vector.broadcast %mul3A_32 : i32 to vector<16xi32>
    %sub3A_1255 = arith.subi %get3A_1253, %sub3A_1254 : vector<16xi32>
    %add3A_1256 = arith.constant 0 : i32
    %add3A_1257 = vector.broadcast %add3A_1256 : i32 to vector<16xi32>
    %add3A_1258 = arith.addi %sub3A_1255, %add3A_1257 : vector<16xi32>
    %gather3A_1259 = tpu.vector_load_idx %arg16[%add3A_1258] : memref<6144xf32, #tpu.memory_space<vmem>>[vector<16xi32>], vector<16xf32>,
    %swap3A_1260 = arith.constant 496 : index
    %swap3A_1261 = tpu.vector_load %arg17[%swap3A_1260] {strides = array<i32>} : memref<3072xf32, #tpu.memory_space<vmem>>, vector<16xf32>,
    tpu.vector_store %arg17[%swap3A_1260], %gather3A_1259 {strides = array<i32>} : memref<3072xf32, #tpu.memory_space<vmem>>, vector<16xf32>,
    %add3A_1262 = arith.constant 2048 : i32
    %add3A_1263 = vector.broadcast %add3A_1262 : i32 to vector<16xi32>
    %add3A_1264 = arith.addi %sub3A_1255, %add3A_1263 : vector<16xi32>
    %gather3A_1265 = tpu.vector_load_idx %arg16[%add3A_1264] : memref<6144xf32, #tpu.memory_space<vmem>>[vector<16xi32>], vector<16xf32>,
    %swap3A_1266 = arith.constant 1008 : index
    %swap3A_1267 = tpu.vector_load %arg17[%swap3A_1266] {strides = array<i32>} : memref<3072xf32, #tpu.memory_space<vmem>>, vector<16xf32>,
    tpu.vector_store %arg17[%swap3A_1266], %gather3A_1265 {strides = array<i32>} : memref<3072xf32, #tpu.memory_space<vmem>>, vector<16xf32>,
    %add3A_1268 = arith.constant 4096 : i32
    %add3A_1269 = vector.broadcast %add3A_1268 : i32 to vector<16xi32>
    %add3A_1270 = arith.addi %sub3A_1255, %add3A_1269 : vector<16xi32>
    %gather3A_1271 = tpu.vector_load_idx %arg16[%add3A_1270] : memref<6144xf32, #tpu.memory_space<vmem>>[vector<16xi32>], vector<16xf32>,
    %swap3A_1272 = arith.constant 1520 : index
    %swap3A_1273 = tpu.vector_load %arg17[%swap3A_1272] {strides = array<i32>} : memref<3072xf32, #tpu.memory_space<vmem>>, vector<16xf32>,
    tpu.vector_store %arg17[%swap3A_1272], %gather3A_1271 {strides = array<i32>} : memref<3072xf32, #tpu.memory_space<vmem>>, vector<16xf32>,
    %mul3A_1274 = arith.constant 512 : i32
    %mul3A_1275 = arith.muli %add3A, %mul3A_1274 : i32
    %add3A_1276 = arith.constant 0 : i32
    %add3A_1277 = arith.addi %add3A_1276, %mul3A_1275 : i32
    %dma_start3A_1278 = arith.constant 0 : i32
    %dma_start3A_1279 = tpu.memref_slice %arg17[%dma_start3A_1278] : memref<3072xf32, #tpu.memory_space<vmem>> -> memref<512xf32, #tpu.memory_space<vmem>>
    %dma_start3A_1280 = tpu.memref_slice %arg8[%add3A_1277] : memref<49152xf32, #tpu.memory_space<hbm>> -> memref<512xf32, #tpu.memory_space<hbm>>
    %dma_start3A_1281 = tpu.memref_slice %arg8[%add3A_1277] : memref<49152xf32, #tpu.memory_space<hbm>> -> memref<512xf32, #tpu.memory_space<hbm>>
    %dma_start3A_1282 = arith.constant 0 : i32
    %dma_start3A_1283 = tpu.memref_slice %arg17[%dma_start3A_1282] : memref<3072xf32, #tpu.memory_space<vmem>> -> memref<512xf32, #tpu.memory_space<vmem>>
    tpu.enqueue_dma source(%dma_start3A_1283 : memref<512xf32, #tpu.memory_space<vmem>>) target(%dma_start3A_1281 : memref<512xf32, #tpu.memory_space<hbm>>) target_semaphore(%arg22 : memref<!tpu.dma_semaphore, #tpu.memory_space<semaphore_mem>>)
    %mul3A_1284 = arith.constant 512 : i32
    %mul3A_1285 = arith.muli %add3A, %mul3A_1284 : i32
    %add3A_1286 = arith.constant 16384 : i32
    %add3A_1287 = arith.addi %add3A_1286, %mul3A_1285 : i32
    %dma_start3A_1288 = arith.constant 512 : i32
    %dma_start3A_1289 = tpu.memref_slice %arg17[%dma_start3A_1288] : memref<3072xf32, #tpu.memory_space<vmem>> -> memref<512xf32, #tpu.memory_space<vmem>>
    %dma_start3A_1290 = tpu.memref_slice %arg8[%add3A_1287] : memref<49152xf32, #tpu.memory_space<hbm>> -> memref<512xf32, #tpu.memory_space<hbm>>
    %dma_start3A_1291 = tpu.memref_slice %arg8[%add3A_1287] : memref<49152xf32, #tpu.memory_space<hbm>> -> memref<512xf32, #tpu.memory_space<hbm>>
    %dma_start3A_1292 = arith.constant 512 : i32
    %dma_start3A_1293 = tpu.memref_slice %arg17[%dma_start3A_1292] : memref<3072xf32, #tpu.memory_space<vmem>> -> memref<512xf32, #tpu.memory_space<vmem>>
    tpu.enqueue_dma source(%dma_start3A_1293 : memref<512xf32, #tpu.memory_space<vmem>>) target(%dma_start3A_1291 : memref<512xf32, #tpu.memory_space<hbm>>) target_semaphore(%arg22 : memref<!tpu.dma_semaphore, #tpu.memory_space<semaphore_mem>>)
    %mul3A_1294 = arith.constant 512 : i32
    %mul3A_1295 = arith.muli %add3A, %mul3A_1294 : i32
    %add3A_1296 = arith.constant 32768 : i32
    %add3A_1297 = arith.addi %add3A_1296, %mul3A_1295 : i32
    %dma_start3A_1298 = arith.constant 1024 : i32
    %dma_start3A_1299 = tpu.memref_slice %arg17[%dma_start3A_1298] : memref<3072xf32, #tpu.memory_space<vmem>> -> memref<512xf32, #tpu.memory_space<vmem>>
    %dma_start3A_1300 = tpu.memref_slice %arg8[%add3A_1297] : memref<49152xf32, #tpu.memory_space<hbm>> -> memref<512xf32, #tpu.memory_space<hbm>>
    %dma_start3A_1301 = tpu.memref_slice %arg8[%add3A_1297] : memref<49152xf32, #tpu.memory_space<hbm>> -> memref<512xf32, #tpu.memory_space<hbm>>
    %dma_start3A_1302 = arith.constant 1024 : i32
    %dma_start3A_1303 = tpu.memref_slice %arg17[%dma_start3A_1302] : memref<3072xf32, #tpu.memory_space<vmem>> -> memref<512xf32, #tpu.memory_space<vmem>>
    tpu.enqueue_dma source(%dma_start3A_1303 : memref<512xf32, #tpu.memory_space<vmem>>) target(%dma_start3A_1301 : memref<512xf32, #tpu.memory_space<hbm>>) target_semaphore(%arg22 : memref<!tpu.dma_semaphore, #tpu.memory_space<semaphore_mem>>)
    %dma_wait3A_1304 = arith.constant 384 : i32
    %dma_wait3A_1305 = tpu.memref_slice %arg12[%dma_wait3A_1304] : memref<1024xi32, #tpu.memory_space<vmem>> -> memref<128xi32, #tpu.memory_space<vmem>>
    %dma_wait3A_1306 = arith.constant 0 : i32
    %dma_wait3A_1307 = arith.constant 0 : i32
    %dma_wait3A_1308 = tpu.memref_slice %arg2[%dma_wait3A_1306, %dma_wait3A_1307] : memref<16384x256xf32, #tpu.memory_space<hbm>> -> memref<16384x256xf32, #tpu.memory_space<hbm>>
    tpu.wait_indirect_dma semaphore(%arg23 : memref<!tpu.dma_semaphore, #tpu.memory_space<semaphore_mem>>) src(%dma_wait3A_1308 : memref<16384x256xf32, #tpu.memory_space<hbm>>) dst(%arg13 : memref<128x256xf32, #tpu.memory_space<vmem>>)
    %mul3A_1309 = arith.constant 512 : i32
    %mul3A_1310 = arith.muli %add3A, %mul3A_1309 : i32
    %add3A_1311 = arith.constant 384 : i32
    %add3A_1312 = arith.addi %mul3A_1310, %add3A_1311 : i32
    %dma_start3A_1313 = arith.constant 0 : i32
    %dma_start3A_1314 = tpu.memref_slice %arg6[%add3A_1312, %dma_start3A_1313] : memref<16384x256xf32, #tpu.memory_space<hbm>> -> memref<128x256xf32, #tpu.memory_space<hbm>>
    %dma_start3A_1315 = arith.constant 0 : i32
    %dma_start3A_1316 = tpu.memref_slice %arg6[%add3A_1312, %dma_start3A_1315] : memref<16384x256xf32, #tpu.memory_space<hbm>> -> memref<128x256xf32, #tpu.memory_space<hbm>>
    tpu.enqueue_dma source(%arg13 : memref<128x256xf32, #tpu.memory_space<vmem>>) target(%dma_start3A_1316 : memref<128x256xf32, #tpu.memory_space<hbm>>) target_semaphore(%arg26 : memref<!tpu.dma_semaphore, #tpu.memory_space<semaphore_mem>>)
    %dma_wait3A_1317 = arith.constant 0 : i32
    %dma_wait3A_1318 = tpu.memref_slice %arg6[%add3A_1084, %dma_wait3A_1317] : memref<16384x256xf32, #tpu.memory_space<hbm>> -> memref<128x256xf32, #tpu.memory_space<hbm>>
    %dma_wait3A_1319 = arith.constant 0 : i32
    %dma_wait3A_1320 = tpu.memref_slice %arg6[%add3A_1084, %dma_wait3A_1319] : memref<16384x256xf32, #tpu.memory_space<hbm>> -> memref<128x256xf32, #tpu.memory_space<hbm>>
    tpu.wait_dma2 semaphore(%arg28 : memref<!tpu.dma_semaphore, #tpu.memory_space<semaphore_mem>>) src(%arg15 : memref<128x256xf32, #tpu.memory_space<vmem>>) dst(%dma_wait3A_1320 : memref<128x256xf32, #tpu.memory_space<hbm>>)
    %dma_start3A_1321 = arith.constant 640 : i32
    %dma_start3A_1322 = tpu.memref_slice %arg12[%dma_start3A_1321] : memref<1024xi32, #tpu.memory_space<vmem>> -> memref<128xi32, #tpu.memory_space<vmem>>
    %dma_start3A_1323 = arith.constant 0 : i32
    %dma_start3A_1324 = arith.constant 0 : i32
    %dma_start3A_1325 = tpu.memref_slice %arg2[%dma_start3A_1323, %dma_start3A_1324] : memref<16384x256xf32, #tpu.memory_space<hbm>> -> memref<16384x256xf32, #tpu.memory_space<hbm>>
    tpu.enqueue_indirect_dma source(%dma_start3A_1325 : memref<16384x256xf32, #tpu.memory_space<hbm>>) target(%arg15 : memref<128x256xf32, #tpu.memory_space<vmem>>) offsets(%dma_start3A_1322 : memref<128xi32, #tpu.memory_space<vmem>>) semaphore(%arg25 : memref<!tpu.dma_semaphore, #tpu.memory_space<semaphore_mem>>)
    %get3A_1326 = arith.constant 512 : index
    %get3A_1327 = tpu.vector_load %arg12[%get3A_1326] {strides = array<i32>} : memref<1024xi32, #tpu.memory_space<vmem>>, vector<16xi32>,
    %sub3A_1328 = vector.broadcast %mul3A_32 : i32 to vector<16xi32>
    %sub3A_1329 = arith.subi %get3A_1327, %sub3A_1328 : vector<16xi32>
    %add3A_1330 = arith.constant 0 : i32
    %add3A_1331 = vector.broadcast %add3A_1330 : i32 to vector<16xi32>
    %add3A_1332 = arith.addi %sub3A_1329, %add3A_1331 : vector<16xi32>
    %gather3A_1333 = tpu.vector_load_idx %arg16[%add3A_1332] : memref<6144xf32, #tpu.memory_space<vmem>>[vector<16xi32>], vector<16xf32>,
    %swap3A_1334 = arith.constant 1536 : index
    %swap3A_1335 = tpu.vector_load %arg17[%swap3A_1334] {strides = array<i32>} : memref<3072xf32, #tpu.memory_space<vmem>>, vector<16xf32>,
    tpu.vector_store %arg17[%swap3A_1334], %gather3A_1333 {strides = array<i32>} : memref<3072xf32, #tpu.memory_space<vmem>>, vector<16xf32>,
    %add3A_1336 = arith.constant 2048 : i32
    %add3A_1337 = vector.broadcast %add3A_1336 : i32 to vector<16xi32>
    %add3A_1338 = arith.addi %sub3A_1329, %add3A_1337 : vector<16xi32>
    %gather3A_1339 = tpu.vector_load_idx %arg16[%add3A_1338] : memref<6144xf32, #tpu.memory_space<vmem>>[vector<16xi32>], vector<16xf32>,
    %swap3A_1340 = arith.constant 2048 : index
    %swap3A_1341 = tpu.vector_load %arg17[%swap3A_1340] {strides = array<i32>} : memref<3072xf32, #tpu.memory_space<vmem>>, vector<16xf32>,
    tpu.vector_store %arg17[%swap3A_1340], %gather3A_1339 {strides = array<i32>} : memref<3072xf32, #tpu.memory_space<vmem>>, vector<16xf32>,
    %add3A_1342 = arith.constant 4096 : i32
    %add3A_1343 = vector.broadcast %add3A_1342 : i32 to vector<16xi32>
    %add3A_1344 = arith.addi %sub3A_1329, %add3A_1343 : vector<16xi32>
    %gather3A_1345 = tpu.vector_load_idx %arg16[%add3A_1344] : memref<6144xf32, #tpu.memory_space<vmem>>[vector<16xi32>], vector<16xf32>,
    %swap3A_1346 = arith.constant 2560 : index
    %swap3A_1347 = tpu.vector_load %arg17[%swap3A_1346] {strides = array<i32>} : memref<3072xf32, #tpu.memory_space<vmem>>, vector<16xf32>,
    tpu.vector_store %arg17[%swap3A_1346], %gather3A_1345 {strides = array<i32>} : memref<3072xf32, #tpu.memory_space<vmem>>, vector<16xf32>,
    %get3A_1348 = arith.constant 528 : index
    %get3A_1349 = tpu.vector_load %arg12[%get3A_1348] {strides = array<i32>} : memref<1024xi32, #tpu.memory_space<vmem>>, vector<16xi32>,
    %sub3A_1350 = vector.broadcast %mul3A_32 : i32 to vector<16xi32>
    %sub3A_1351 = arith.subi %get3A_1349, %sub3A_1350 : vector<16xi32>
    %add3A_1352 = arith.constant 0 : i32
    %add3A_1353 = vector.broadcast %add3A_1352 : i32 to vector<16xi32>
    %add3A_1354 = arith.addi %sub3A_1351, %add3A_1353 : vector<16xi32>
    %gather3A_1355 = tpu.vector_load_idx %arg16[%add3A_1354] : memref<6144xf32, #tpu.memory_space<vmem>>[vector<16xi32>], vector<16xf32>,
    %swap3A_1356 = arith.constant 1552 : index
    %swap3A_1357 = tpu.vector_load %arg17[%swap3A_1356] {strides = array<i32>} : memref<3072xf32, #tpu.memory_space<vmem>>, vector<16xf32>,
    tpu.vector_store %arg17[%swap3A_1356], %gather3A_1355 {strides = array<i32>} : memref<3072xf32, #tpu.memory_space<vmem>>, vector<16xf32>,
    %add3A_1358 = arith.constant 2048 : i32
    %add3A_1359 = vector.broadcast %add3A_1358 : i32 to vector<16xi32>
    %add3A_1360 = arith.addi %sub3A_1351, %add3A_1359 : vector<16xi32>
    %gather3A_1361 = tpu.vector_load_idx %arg16[%add3A_1360] : memref<6144xf32, #tpu.memory_space<vmem>>[vector<16xi32>], vector<16xf32>,
    %swap3A_1362 = arith.constant 2064 : index
    %swap3A_1363 = tpu.vector_load %arg17[%swap3A_1362] {strides = array<i32>} : memref<3072xf32, #tpu.memory_space<vmem>>, vector<16xf32>,
    tpu.vector_store %arg17[%swap3A_1362], %gather3A_1361 {strides = array<i32>} : memref<3072xf32, #tpu.memory_space<vmem>>, vector<16xf32>,
    %add3A_1364 = arith.constant 4096 : i32
    %add3A_1365 = vector.broadcast %add3A_1364 : i32 to vector<16xi32>
    %add3A_1366 = arith.addi %sub3A_1351, %add3A_1365 : vector<16xi32>
    %gather3A_1367 = tpu.vector_load_idx %arg16[%add3A_1366] : memref<6144xf32, #tpu.memory_space<vmem>>[vector<16xi32>], vector<16xf32>,
    %swap3A_1368 = arith.constant 2576 : index
    %swap3A_1369 = tpu.vector_load %arg17[%swap3A_1368] {strides = array<i32>} : memref<3072xf32, #tpu.memory_space<vmem>>, vector<16xf32>,
    tpu.vector_store %arg17[%swap3A_1368], %gather3A_1367 {strides = array<i32>} : memref<3072xf32, #tpu.memory_space<vmem>>, vector<16xf32>,
    %get3A_1370 = arith.constant 544 : index
    %get3A_1371 = tpu.vector_load %arg12[%get3A_1370] {strides = array<i32>} : memref<1024xi32, #tpu.memory_space<vmem>>, vector<16xi32>,
    %sub3A_1372 = vector.broadcast %mul3A_32 : i32 to vector<16xi32>
    %sub3A_1373 = arith.subi %get3A_1371, %sub3A_1372 : vector<16xi32>
    %add3A_1374 = arith.constant 0 : i32
    %add3A_1375 = vector.broadcast %add3A_1374 : i32 to vector<16xi32>
    %add3A_1376 = arith.addi %sub3A_1373, %add3A_1375 : vector<16xi32>
    %gather3A_1377 = tpu.vector_load_idx %arg16[%add3A_1376] : memref<6144xf32, #tpu.memory_space<vmem>>[vector<16xi32>], vector<16xf32>,
    %swap3A_1378 = arith.constant 1568 : index
    %swap3A_1379 = tpu.vector_load %arg17[%swap3A_1378] {strides = array<i32>} : memref<3072xf32, #tpu.memory_space<vmem>>, vector<16xf32>,
    tpu.vector_store %arg17[%swap3A_1378], %gather3A_1377 {strides = array<i32>} : memref<3072xf32, #tpu.memory_space<vmem>>, vector<16xf32>,
    %add3A_1380 = arith.constant 2048 : i32
    %add3A_1381 = vector.broadcast %add3A_1380 : i32 to vector<16xi32>
    %add3A_1382 = arith.addi %sub3A_1373, %add3A_1381 : vector<16xi32>
    %gather3A_1383 = tpu.vector_load_idx %arg16[%add3A_1382] : memref<6144xf32, #tpu.memory_space<vmem>>[vector<16xi32>], vector<16xf32>,
    %swap3A_1384 = arith.constant 2080 : index
    %swap3A_1385 = tpu.vector_load %arg17[%swap3A_1384] {strides = array<i32>} : memref<3072xf32, #tpu.memory_space<vmem>>, vector<16xf32>,
    tpu.vector_store %arg17[%swap3A_1384], %gather3A_1383 {strides = array<i32>} : memref<3072xf32, #tpu.memory_space<vmem>>, vector<16xf32>,
    %add3A_1386 = arith.constant 4096 : i32
    %add3A_1387 = vector.broadcast %add3A_1386 : i32 to vector<16xi32>
    %add3A_1388 = arith.addi %sub3A_1373, %add3A_1387 : vector<16xi32>
    %gather3A_1389 = tpu.vector_load_idx %arg16[%add3A_1388] : memref<6144xf32, #tpu.memory_space<vmem>>[vector<16xi32>], vector<16xf32>,
    %swap3A_1390 = arith.constant 2592 : index
    %swap3A_1391 = tpu.vector_load %arg17[%swap3A_1390] {strides = array<i32>} : memref<3072xf32, #tpu.memory_space<vmem>>, vector<16xf32>,
    tpu.vector_store %arg17[%swap3A_1390], %gather3A_1389 {strides = array<i32>} : memref<3072xf32, #tpu.memory_space<vmem>>, vector<16xf32>,
    %get3A_1392 = arith.constant 560 : index
    %get3A_1393 = tpu.vector_load %arg12[%get3A_1392] {strides = array<i32>} : memref<1024xi32, #tpu.memory_space<vmem>>, vector<16xi32>,
    %sub3A_1394 = vector.broadcast %mul3A_32 : i32 to vector<16xi32>
    %sub3A_1395 = arith.subi %get3A_1393, %sub3A_1394 : vector<16xi32>
    %add3A_1396 = arith.constant 0 : i32
    %add3A_1397 = vector.broadcast %add3A_1396 : i32 to vector<16xi32>
    %add3A_1398 = arith.addi %sub3A_1395, %add3A_1397 : vector<16xi32>
    %gather3A_1399 = tpu.vector_load_idx %arg16[%add3A_1398] : memref<6144xf32, #tpu.memory_space<vmem>>[vector<16xi32>], vector<16xf32>,
    %swap3A_1400 = arith.constant 1584 : index
    %swap3A_1401 = tpu.vector_load %arg17[%swap3A_1400] {strides = array<i32>} : memref<3072xf32, #tpu.memory_space<vmem>>, vector<16xf32>,
    tpu.vector_store %arg17[%swap3A_1400], %gather3A_1399 {strides = array<i32>} : memref<3072xf32, #tpu.memory_space<vmem>>, vector<16xf32>,
    %add3A_1402 = arith.constant 2048 : i32
    %add3A_1403 = vector.broadcast %add3A_1402 : i32 to vector<16xi32>
    %add3A_1404 = arith.addi %sub3A_1395, %add3A_1403 : vector<16xi32>
    %gather3A_1405 = tpu.vector_load_idx %arg16[%add3A_1404] : memref<6144xf32, #tpu.memory_space<vmem>>[vector<16xi32>], vector<16xf32>,
    %swap3A_1406 = arith.constant 2096 : index
    %swap3A_1407 = tpu.vector_load %arg17[%swap3A_1406] {strides = array<i32>} : memref<3072xf32, #tpu.memory_space<vmem>>, vector<16xf32>,
    tpu.vector_store %arg17[%swap3A_1406], %gather3A_1405 {strides = array<i32>} : memref<3072xf32, #tpu.memory_space<vmem>>, vector<16xf32>,
    %add3A_1408 = arith.constant 4096 : i32
    %add3A_1409 = vector.broadcast %add3A_1408 : i32 to vector<16xi32>
    %add3A_1410 = arith.addi %sub3A_1395, %add3A_1409 : vector<16xi32>
    %gather3A_1411 = tpu.vector_load_idx %arg16[%add3A_1410] : memref<6144xf32, #tpu.memory_space<vmem>>[vector<16xi32>], vector<16xf32>,
    %swap3A_1412 = arith.constant 2608 : index
    %swap3A_1413 = tpu.vector_load %arg17[%swap3A_1412] {strides = array<i32>} : memref<3072xf32, #tpu.memory_space<vmem>>, vector<16xf32>,
    tpu.vector_store %arg17[%swap3A_1412], %gather3A_1411 {strides = array<i32>} : memref<3072xf32, #tpu.memory_space<vmem>>, vector<16xf32>,
    %get3A_1414 = arith.constant 576 : index
    %get3A_1415 = tpu.vector_load %arg12[%get3A_1414] {strides = array<i32>} : memref<1024xi32, #tpu.memory_space<vmem>>, vector<16xi32>,
    %sub3A_1416 = vector.broadcast %mul3A_32 : i32 to vector<16xi32>
    %sub3A_1417 = arith.subi %get3A_1415, %sub3A_1416 : vector<16xi32>
    %add3A_1418 = arith.constant 0 : i32
    %add3A_1419 = vector.broadcast %add3A_1418 : i32 to vector<16xi32>
    %add3A_1420 = arith.addi %sub3A_1417, %add3A_1419 : vector<16xi32>
    %gather3A_1421 = tpu.vector_load_idx %arg16[%add3A_1420] : memref<6144xf32, #tpu.memory_space<vmem>>[vector<16xi32>], vector<16xf32>,
    %swap3A_1422 = arith.constant 1600 : index
    %swap3A_1423 = tpu.vector_load %arg17[%swap3A_1422] {strides = array<i32>} : memref<3072xf32, #tpu.memory_space<vmem>>, vector<16xf32>,
    tpu.vector_store %arg17[%swap3A_1422], %gather3A_1421 {strides = array<i32>} : memref<3072xf32, #tpu.memory_space<vmem>>, vector<16xf32>,
    %add3A_1424 = arith.constant 2048 : i32
    %add3A_1425 = vector.broadcast %add3A_1424 : i32 to vector<16xi32>
    %add3A_1426 = arith.addi %sub3A_1417, %add3A_1425 : vector<16xi32>
    %gather3A_1427 = tpu.vector_load_idx %arg16[%add3A_1426] : memref<6144xf32, #tpu.memory_space<vmem>>[vector<16xi32>], vector<16xf32>,
    %swap3A_1428 = arith.constant 2112 : index
    %swap3A_1429 = tpu.vector_load %arg17[%swap3A_1428] {strides = array<i32>} : memref<3072xf32, #tpu.memory_space<vmem>>, vector<16xf32>,
    tpu.vector_store %arg17[%swap3A_1428], %gather3A_1427 {strides = array<i32>} : memref<3072xf32, #tpu.memory_space<vmem>>, vector<16xf32>,
    %add3A_1430 = arith.constant 4096 : i32
    %add3A_1431 = vector.broadcast %add3A_1430 : i32 to vector<16xi32>
    %add3A_1432 = arith.addi %sub3A_1417, %add3A_1431 : vector<16xi32>
    %gather3A_1433 = tpu.vector_load_idx %arg16[%add3A_1432] : memref<6144xf32, #tpu.memory_space<vmem>>[vector<16xi32>], vector<16xf32>,
    %swap3A_1434 = arith.constant 2624 : index
    %swap3A_1435 = tpu.vector_load %arg17[%swap3A_1434] {strides = array<i32>} : memref<3072xf32, #tpu.memory_space<vmem>>, vector<16xf32>,
    tpu.vector_store %arg17[%swap3A_1434], %gather3A_1433 {strides = array<i32>} : memref<3072xf32, #tpu.memory_space<vmem>>, vector<16xf32>,
    %get3A_1436 = arith.constant 592 : index
    %get3A_1437 = tpu.vector_load %arg12[%get3A_1436] {strides = array<i32>} : memref<1024xi32, #tpu.memory_space<vmem>>, vector<16xi32>,
    %sub3A_1438 = vector.broadcast %mul3A_32 : i32 to vector<16xi32>
    %sub3A_1439 = arith.subi %get3A_1437, %sub3A_1438 : vector<16xi32>
    %add3A_1440 = arith.constant 0 : i32
    %add3A_1441 = vector.broadcast %add3A_1440 : i32 to vector<16xi32>
    %add3A_1442 = arith.addi %sub3A_1439, %add3A_1441 : vector<16xi32>
    %gather3A_1443 = tpu.vector_load_idx %arg16[%add3A_1442] : memref<6144xf32, #tpu.memory_space<vmem>>[vector<16xi32>], vector<16xf32>,
    %swap3A_1444 = arith.constant 1616 : index
    %swap3A_1445 = tpu.vector_load %arg17[%swap3A_1444] {strides = array<i32>} : memref<3072xf32, #tpu.memory_space<vmem>>, vector<16xf32>,
    tpu.vector_store %arg17[%swap3A_1444], %gather3A_1443 {strides = array<i32>} : memref<3072xf32, #tpu.memory_space<vmem>>, vector<16xf32>,
    %add3A_1446 = arith.constant 2048 : i32
    %add3A_1447 = vector.broadcast %add3A_1446 : i32 to vector<16xi32>
    %add3A_1448 = arith.addi %sub3A_1439, %add3A_1447 : vector<16xi32>
    %gather3A_1449 = tpu.vector_load_idx %arg16[%add3A_1448] : memref<6144xf32, #tpu.memory_space<vmem>>[vector<16xi32>], vector<16xf32>,
    %swap3A_1450 = arith.constant 2128 : index
    %swap3A_1451 = tpu.vector_load %arg17[%swap3A_1450] {strides = array<i32>} : memref<3072xf32, #tpu.memory_space<vmem>>, vector<16xf32>,
    tpu.vector_store %arg17[%swap3A_1450], %gather3A_1449 {strides = array<i32>} : memref<3072xf32, #tpu.memory_space<vmem>>, vector<16xf32>,
    %add3A_1452 = arith.constant 4096 : i32
    %add3A_1453 = vector.broadcast %add3A_1452 : i32 to vector<16xi32>
    %add3A_1454 = arith.addi %sub3A_1439, %add3A_1453 : vector<16xi32>
    %gather3A_1455 = tpu.vector_load_idx %arg16[%add3A_1454] : memref<6144xf32, #tpu.memory_space<vmem>>[vector<16xi32>], vector<16xf32>,
    %swap3A_1456 = arith.constant 2640 : index
    %swap3A_1457 = tpu.vector_load %arg17[%swap3A_1456] {strides = array<i32>} : memref<3072xf32, #tpu.memory_space<vmem>>, vector<16xf32>,
    tpu.vector_store %arg17[%swap3A_1456], %gather3A_1455 {strides = array<i32>} : memref<3072xf32, #tpu.memory_space<vmem>>, vector<16xf32>,
    %get3A_1458 = arith.constant 608 : index
    %get3A_1459 = tpu.vector_load %arg12[%get3A_1458] {strides = array<i32>} : memref<1024xi32, #tpu.memory_space<vmem>>, vector<16xi32>,
    %sub3A_1460 = vector.broadcast %mul3A_32 : i32 to vector<16xi32>
    %sub3A_1461 = arith.subi %get3A_1459, %sub3A_1460 : vector<16xi32>
    %add3A_1462 = arith.constant 0 : i32
    %add3A_1463 = vector.broadcast %add3A_1462 : i32 to vector<16xi32>
    %add3A_1464 = arith.addi %sub3A_1461, %add3A_1463 : vector<16xi32>
    %gather3A_1465 = tpu.vector_load_idx %arg16[%add3A_1464] : memref<6144xf32, #tpu.memory_space<vmem>>[vector<16xi32>], vector<16xf32>,
    %swap3A_1466 = arith.constant 1632 : index
    %swap3A_1467 = tpu.vector_load %arg17[%swap3A_1466] {strides = array<i32>} : memref<3072xf32, #tpu.memory_space<vmem>>, vector<16xf32>,
    tpu.vector_store %arg17[%swap3A_1466], %gather3A_1465 {strides = array<i32>} : memref<3072xf32, #tpu.memory_space<vmem>>, vector<16xf32>,
    %add3A_1468 = arith.constant 2048 : i32
    %add3A_1469 = vector.broadcast %add3A_1468 : i32 to vector<16xi32>
    %add3A_1470 = arith.addi %sub3A_1461, %add3A_1469 : vector<16xi32>
    %gather3A_1471 = tpu.vector_load_idx %arg16[%add3A_1470] : memref<6144xf32, #tpu.memory_space<vmem>>[vector<16xi32>], vector<16xf32>,
    %swap3A_1472 = arith.constant 2144 : index
    %swap3A_1473 = tpu.vector_load %arg17[%swap3A_1472] {strides = array<i32>} : memref<3072xf32, #tpu.memory_space<vmem>>, vector<16xf32>,
    tpu.vector_store %arg17[%swap3A_1472], %gather3A_1471 {strides = array<i32>} : memref<3072xf32, #tpu.memory_space<vmem>>, vector<16xf32>,
    %add3A_1474 = arith.constant 4096 : i32
    %add3A_1475 = vector.broadcast %add3A_1474 : i32 to vector<16xi32>
    %add3A_1476 = arith.addi %sub3A_1461, %add3A_1475 : vector<16xi32>
    %gather3A_1477 = tpu.vector_load_idx %arg16[%add3A_1476] : memref<6144xf32, #tpu.memory_space<vmem>>[vector<16xi32>], vector<16xf32>,
    %swap3A_1478 = arith.constant 2656 : index
    %swap3A_1479 = tpu.vector_load %arg17[%swap3A_1478] {strides = array<i32>} : memref<3072xf32, #tpu.memory_space<vmem>>, vector<16xf32>,
    tpu.vector_store %arg17[%swap3A_1478], %gather3A_1477 {strides = array<i32>} : memref<3072xf32, #tpu.memory_space<vmem>>, vector<16xf32>,
    %get3A_1480 = arith.constant 624 : index
    %get3A_1481 = tpu.vector_load %arg12[%get3A_1480] {strides = array<i32>} : memref<1024xi32, #tpu.memory_space<vmem>>, vector<16xi32>,
    %sub3A_1482 = vector.broadcast %mul3A_32 : i32 to vector<16xi32>
    %sub3A_1483 = arith.subi %get3A_1481, %sub3A_1482 : vector<16xi32>
    %add3A_1484 = arith.constant 0 : i32
    %add3A_1485 = vector.broadcast %add3A_1484 : i32 to vector<16xi32>
    %add3A_1486 = arith.addi %sub3A_1483, %add3A_1485 : vector<16xi32>
    %gather3A_1487 = tpu.vector_load_idx %arg16[%add3A_1486] : memref<6144xf32, #tpu.memory_space<vmem>>[vector<16xi32>], vector<16xf32>,
    %swap3A_1488 = arith.constant 1648 : index
    %swap3A_1489 = tpu.vector_load %arg17[%swap3A_1488] {strides = array<i32>} : memref<3072xf32, #tpu.memory_space<vmem>>, vector<16xf32>,
    tpu.vector_store %arg17[%swap3A_1488], %gather3A_1487 {strides = array<i32>} : memref<3072xf32, #tpu.memory_space<vmem>>, vector<16xf32>,
    %add3A_1490 = arith.constant 2048 : i32
    %add3A_1491 = vector.broadcast %add3A_1490 : i32 to vector<16xi32>
    %add3A_1492 = arith.addi %sub3A_1483, %add3A_1491 : vector<16xi32>
    %gather3A_1493 = tpu.vector_load_idx %arg16[%add3A_1492] : memref<6144xf32, #tpu.memory_space<vmem>>[vector<16xi32>], vector<16xf32>,
    %swap3A_1494 = arith.constant 2160 : index
    %swap3A_1495 = tpu.vector_load %arg17[%swap3A_1494] {strides = array<i32>} : memref<3072xf32, #tpu.memory_space<vmem>>, vector<16xf32>,
    tpu.vector_store %arg17[%swap3A_1494], %gather3A_1493 {strides = array<i32>} : memref<3072xf32, #tpu.memory_space<vmem>>, vector<16xf32>,
    %add3A_1496 = arith.constant 4096 : i32
    %add3A_1497 = vector.broadcast %add3A_1496 : i32 to vector<16xi32>
    %add3A_1498 = arith.addi %sub3A_1483, %add3A_1497 : vector<16xi32>
    %gather3A_1499 = tpu.vector_load_idx %arg16[%add3A_1498] : memref<6144xf32, #tpu.memory_space<vmem>>[vector<16xi32>], vector<16xf32>,
    %swap3A_1500 = arith.constant 2672 : index
    %swap3A_1501 = tpu.vector_load %arg17[%swap3A_1500] {strides = array<i32>} : memref<3072xf32, #tpu.memory_space<vmem>>, vector<16xf32>,
    tpu.vector_store %arg17[%swap3A_1500], %gather3A_1499 {strides = array<i32>} : memref<3072xf32, #tpu.memory_space<vmem>>, vector<16xf32>,
    %dma_wait3A_1502 = arith.constant 512 : i32
    %dma_wait3A_1503 = tpu.memref_slice %arg12[%dma_wait3A_1502] : memref<1024xi32, #tpu.memory_space<vmem>> -> memref<128xi32, #tpu.memory_space<vmem>>
    %dma_wait3A_1504 = arith.constant 0 : i32
    %dma_wait3A_1505 = arith.constant 0 : i32
    %dma_wait3A_1506 = tpu.memref_slice %arg2[%dma_wait3A_1504, %dma_wait3A_1505] : memref<16384x256xf32, #tpu.memory_space<hbm>> -> memref<16384x256xf32, #tpu.memory_space<hbm>>
    tpu.wait_indirect_dma semaphore(%arg24 : memref<!tpu.dma_semaphore, #tpu.memory_space<semaphore_mem>>) src(%dma_wait3A_1506 : memref<16384x256xf32, #tpu.memory_space<hbm>>) dst(%arg14 : memref<128x256xf32, #tpu.memory_space<vmem>>)
    %mul3A_1507 = arith.constant 512 : i32
    %mul3A_1508 = arith.muli %add3A, %mul3A_1507 : i32
    %add3A_1509 = arith.constant 0 : i32
    %add3A_1510 = arith.addi %mul3A_1508, %add3A_1509 : i32
    %dma_start3A_1511 = arith.constant 0 : i32
    %dma_start3A_1512 = tpu.memref_slice %arg7[%add3A_1510, %dma_start3A_1511] : memref<16384x256xf32, #tpu.memory_space<hbm>> -> memref<128x256xf32, #tpu.memory_space<hbm>>
    %dma_start3A_1513 = arith.constant 0 : i32
    %dma_start3A_1514 = tpu.memref_slice %arg7[%add3A_1510, %dma_start3A_1513] : memref<16384x256xf32, #tpu.memory_space<hbm>> -> memref<128x256xf32, #tpu.memory_space<hbm>>
    tpu.enqueue_dma source(%arg14 : memref<128x256xf32, #tpu.memory_space<vmem>>) target(%dma_start3A_1514 : memref<128x256xf32, #tpu.memory_space<hbm>>) target_semaphore(%arg27 : memref<!tpu.dma_semaphore, #tpu.memory_space<semaphore_mem>>)
    %dma_wait3A_1515 = arith.constant 0 : i32
    %dma_wait3A_1516 = tpu.memref_slice %arg6[%add3A_1312, %dma_wait3A_1515] : memref<16384x256xf32, #tpu.memory_space<hbm>> -> memref<128x256xf32, #tpu.memory_space<hbm>>
    %dma_wait3A_1517 = arith.constant 0 : i32
    %dma_wait3A_1518 = tpu.memref_slice %arg6[%add3A_1312, %dma_wait3A_1517] : memref<16384x256xf32, #tpu.memory_space<hbm>> -> memref<128x256xf32, #tpu.memory_space<hbm>>
    tpu.wait_dma2 semaphore(%arg26 : memref<!tpu.dma_semaphore, #tpu.memory_space<semaphore_mem>>) src(%arg13 : memref<128x256xf32, #tpu.memory_space<vmem>>) dst(%dma_wait3A_1518 : memref<128x256xf32, #tpu.memory_space<hbm>>)
    %dma_start3A_1519 = arith.constant 768 : i32
    %dma_start3A_1520 = tpu.memref_slice %arg12[%dma_start3A_1519] : memref<1024xi32, #tpu.memory_space<vmem>> -> memref<128xi32, #tpu.memory_space<vmem>>
    %dma_start3A_1521 = arith.constant 0 : i32
    %dma_start3A_1522 = arith.constant 0 : i32
    %dma_start3A_1523 = tpu.memref_slice %arg2[%dma_start3A_1521, %dma_start3A_1522] : memref<16384x256xf32, #tpu.memory_space<hbm>> -> memref<16384x256xf32, #tpu.memory_space<hbm>>
    tpu.enqueue_indirect_dma source(%dma_start3A_1523 : memref<16384x256xf32, #tpu.memory_space<hbm>>) target(%arg13 : memref<128x256xf32, #tpu.memory_space<vmem>>) offsets(%dma_start3A_1520 : memref<128xi32, #tpu.memory_space<vmem>>) semaphore(%arg23 : memref<!tpu.dma_semaphore, #tpu.memory_space<semaphore_mem>>)
    %get3A_1524 = arith.constant 640 : index
    %get3A_1525 = tpu.vector_load %arg12[%get3A_1524] {strides = array<i32>} : memref<1024xi32, #tpu.memory_space<vmem>>, vector<16xi32>,
    %sub3A_1526 = vector.broadcast %mul3A_32 : i32 to vector<16xi32>
    %sub3A_1527 = arith.subi %get3A_1525, %sub3A_1526 : vector<16xi32>
    %add3A_1528 = arith.constant 0 : i32
    %add3A_1529 = vector.broadcast %add3A_1528 : i32 to vector<16xi32>
    %add3A_1530 = arith.addi %sub3A_1527, %add3A_1529 : vector<16xi32>
    %gather3A_1531 = tpu.vector_load_idx %arg16[%add3A_1530] : memref<6144xf32, #tpu.memory_space<vmem>>[vector<16xi32>], vector<16xf32>,
    %swap3A_1532 = arith.constant 1664 : index
    %swap3A_1533 = tpu.vector_load %arg17[%swap3A_1532] {strides = array<i32>} : memref<3072xf32, #tpu.memory_space<vmem>>, vector<16xf32>,
    tpu.vector_store %arg17[%swap3A_1532], %gather3A_1531 {strides = array<i32>} : memref<3072xf32, #tpu.memory_space<vmem>>, vector<16xf32>,
    %add3A_1534 = arith.constant 2048 : i32
    %add3A_1535 = vector.broadcast %add3A_1534 : i32 to vector<16xi32>
    %add3A_1536 = arith.addi %sub3A_1527, %add3A_1535 : vector<16xi32>
    %gather3A_1537 = tpu.vector_load_idx %arg16[%add3A_1536] : memref<6144xf32, #tpu.memory_space<vmem>>[vector<16xi32>], vector<16xf32>,
    %swap3A_1538 = arith.constant 2176 : index
    %swap3A_1539 = tpu.vector_load %arg17[%swap3A_1538] {strides = array<i32>} : memref<3072xf32, #tpu.memory_space<vmem>>, vector<16xf32>,
    tpu.vector_store %arg17[%swap3A_1538], %gather3A_1537 {strides = array<i32>} : memref<3072xf32, #tpu.memory_space<vmem>>, vector<16xf32>,
    %add3A_1540 = arith.constant 4096 : i32
    %add3A_1541 = vector.broadcast %add3A_1540 : i32 to vector<16xi32>
    %add3A_1542 = arith.addi %sub3A_1527, %add3A_1541 : vector<16xi32>
    %gather3A_1543 = tpu.vector_load_idx %arg16[%add3A_1542] : memref<6144xf32, #tpu.memory_space<vmem>>[vector<16xi32>], vector<16xf32>,
    %swap3A_1544 = arith.constant 2688 : index
    %swap3A_1545 = tpu.vector_load %arg17[%swap3A_1544] {strides = array<i32>} : memref<3072xf32, #tpu.memory_space<vmem>>, vector<16xf32>,
    tpu.vector_store %arg17[%swap3A_1544], %gather3A_1543 {strides = array<i32>} : memref<3072xf32, #tpu.memory_space<vmem>>, vector<16xf32>,
    %get3A_1546 = arith.constant 656 : index
    %get3A_1547 = tpu.vector_load %arg12[%get3A_1546] {strides = array<i32>} : memref<1024xi32, #tpu.memory_space<vmem>>, vector<16xi32>,
    %sub3A_1548 = vector.broadcast %mul3A_32 : i32 to vector<16xi32>
    %sub3A_1549 = arith.subi %get3A_1547, %sub3A_1548 : vector<16xi32>
    %add3A_1550 = arith.constant 0 : i32
    %add3A_1551 = vector.broadcast %add3A_1550 : i32 to vector<16xi32>
    %add3A_1552 = arith.addi %sub3A_1549, %add3A_1551 : vector<16xi32>
    %gather3A_1553 = tpu.vector_load_idx %arg16[%add3A_1552] : memref<6144xf32, #tpu.memory_space<vmem>>[vector<16xi32>], vector<16xf32>,
    %swap3A_1554 = arith.constant 1680 : index
    %swap3A_1555 = tpu.vector_load %arg17[%swap3A_1554] {strides = array<i32>} : memref<3072xf32, #tpu.memory_space<vmem>>, vector<16xf32>,
    tpu.vector_store %arg17[%swap3A_1554], %gather3A_1553 {strides = array<i32>} : memref<3072xf32, #tpu.memory_space<vmem>>, vector<16xf32>,
    %add3A_1556 = arith.constant 2048 : i32
    %add3A_1557 = vector.broadcast %add3A_1556 : i32 to vector<16xi32>
    %add3A_1558 = arith.addi %sub3A_1549, %add3A_1557 : vector<16xi32>
    %gather3A_1559 = tpu.vector_load_idx %arg16[%add3A_1558] : memref<6144xf32, #tpu.memory_space<vmem>>[vector<16xi32>], vector<16xf32>,
    %swap3A_1560 = arith.constant 2192 : index
    %swap3A_1561 = tpu.vector_load %arg17[%swap3A_1560] {strides = array<i32>} : memref<3072xf32, #tpu.memory_space<vmem>>, vector<16xf32>,
    tpu.vector_store %arg17[%swap3A_1560], %gather3A_1559 {strides = array<i32>} : memref<3072xf32, #tpu.memory_space<vmem>>, vector<16xf32>,
    %add3A_1562 = arith.constant 4096 : i32
    %add3A_1563 = vector.broadcast %add3A_1562 : i32 to vector<16xi32>
    %add3A_1564 = arith.addi %sub3A_1549, %add3A_1563 : vector<16xi32>
    %gather3A_1565 = tpu.vector_load_idx %arg16[%add3A_1564] : memref<6144xf32, #tpu.memory_space<vmem>>[vector<16xi32>], vector<16xf32>,
    %swap3A_1566 = arith.constant 2704 : index
    %swap3A_1567 = tpu.vector_load %arg17[%swap3A_1566] {strides = array<i32>} : memref<3072xf32, #tpu.memory_space<vmem>>, vector<16xf32>,
    tpu.vector_store %arg17[%swap3A_1566], %gather3A_1565 {strides = array<i32>} : memref<3072xf32, #tpu.memory_space<vmem>>, vector<16xf32>,
    %get3A_1568 = arith.constant 672 : index
    %get3A_1569 = tpu.vector_load %arg12[%get3A_1568] {strides = array<i32>} : memref<1024xi32, #tpu.memory_space<vmem>>, vector<16xi32>,
    %sub3A_1570 = vector.broadcast %mul3A_32 : i32 to vector<16xi32>
    %sub3A_1571 = arith.subi %get3A_1569, %sub3A_1570 : vector<16xi32>
    %add3A_1572 = arith.constant 0 : i32
    %add3A_1573 = vector.broadcast %add3A_1572 : i32 to vector<16xi32>
    %add3A_1574 = arith.addi %sub3A_1571, %add3A_1573 : vector<16xi32>
    %gather3A_1575 = tpu.vector_load_idx %arg16[%add3A_1574] : memref<6144xf32, #tpu.memory_space<vmem>>[vector<16xi32>], vector<16xf32>,
    %swap3A_1576 = arith.constant 1696 : index
    %swap3A_1577 = tpu.vector_load %arg17[%swap3A_1576] {strides = array<i32>} : memref<3072xf32, #tpu.memory_space<vmem>>, vector<16xf32>,
    tpu.vector_store %arg17[%swap3A_1576], %gather3A_1575 {strides = array<i32>} : memref<3072xf32, #tpu.memory_space<vmem>>, vector<16xf32>,
    %add3A_1578 = arith.constant 2048 : i32
    %add3A_1579 = vector.broadcast %add3A_1578 : i32 to vector<16xi32>
    %add3A_1580 = arith.addi %sub3A_1571, %add3A_1579 : vector<16xi32>
    %gather3A_1581 = tpu.vector_load_idx %arg16[%add3A_1580] : memref<6144xf32, #tpu.memory_space<vmem>>[vector<16xi32>], vector<16xf32>,
    %swap3A_1582 = arith.constant 2208 : index
    %swap3A_1583 = tpu.vector_load %arg17[%swap3A_1582] {strides = array<i32>} : memref<3072xf32, #tpu.memory_space<vmem>>, vector<16xf32>,
    tpu.vector_store %arg17[%swap3A_1582], %gather3A_1581 {strides = array<i32>} : memref<3072xf32, #tpu.memory_space<vmem>>, vector<16xf32>,
    %add3A_1584 = arith.constant 4096 : i32
    %add3A_1585 = vector.broadcast %add3A_1584 : i32 to vector<16xi32>
    %add3A_1586 = arith.addi %sub3A_1571, %add3A_1585 : vector<16xi32>
    %gather3A_1587 = tpu.vector_load_idx %arg16[%add3A_1586] : memref<6144xf32, #tpu.memory_space<vmem>>[vector<16xi32>], vector<16xf32>,
    %swap3A_1588 = arith.constant 2720 : index
    %swap3A_1589 = tpu.vector_load %arg17[%swap3A_1588] {strides = array<i32>} : memref<3072xf32, #tpu.memory_space<vmem>>, vector<16xf32>,
    tpu.vector_store %arg17[%swap3A_1588], %gather3A_1587 {strides = array<i32>} : memref<3072xf32, #tpu.memory_space<vmem>>, vector<16xf32>,
    %get3A_1590 = arith.constant 688 : index
    %get3A_1591 = tpu.vector_load %arg12[%get3A_1590] {strides = array<i32>} : memref<1024xi32, #tpu.memory_space<vmem>>, vector<16xi32>,
    %sub3A_1592 = vector.broadcast %mul3A_32 : i32 to vector<16xi32>
    %sub3A_1593 = arith.subi %get3A_1591, %sub3A_1592 : vector<16xi32>
    %add3A_1594 = arith.constant 0 : i32
    %add3A_1595 = vector.broadcast %add3A_1594 : i32 to vector<16xi32>
    %add3A_1596 = arith.addi %sub3A_1593, %add3A_1595 : vector<16xi32>
    %gather3A_1597 = tpu.vector_load_idx %arg16[%add3A_1596] : memref<6144xf32, #tpu.memory_space<vmem>>[vector<16xi32>], vector<16xf32>,
    %swap3A_1598 = arith.constant 1712 : index
    %swap3A_1599 = tpu.vector_load %arg17[%swap3A_1598] {strides = array<i32>} : memref<3072xf32, #tpu.memory_space<vmem>>, vector<16xf32>,
    tpu.vector_store %arg17[%swap3A_1598], %gather3A_1597 {strides = array<i32>} : memref<3072xf32, #tpu.memory_space<vmem>>, vector<16xf32>,
    %add3A_1600 = arith.constant 2048 : i32
    %add3A_1601 = vector.broadcast %add3A_1600 : i32 to vector<16xi32>
    %add3A_1602 = arith.addi %sub3A_1593, %add3A_1601 : vector<16xi32>
    %gather3A_1603 = tpu.vector_load_idx %arg16[%add3A_1602] : memref<6144xf32, #tpu.memory_space<vmem>>[vector<16xi32>], vector<16xf32>,
    %swap3A_1604 = arith.constant 2224 : index
    %swap3A_1605 = tpu.vector_load %arg17[%swap3A_1604] {strides = array<i32>} : memref<3072xf32, #tpu.memory_space<vmem>>, vector<16xf32>,
    tpu.vector_store %arg17[%swap3A_1604], %gather3A_1603 {strides = array<i32>} : memref<3072xf32, #tpu.memory_space<vmem>>, vector<16xf32>,
    %add3A_1606 = arith.constant 4096 : i32
    %add3A_1607 = vector.broadcast %add3A_1606 : i32 to vector<16xi32>
    %add3A_1608 = arith.addi %sub3A_1593, %add3A_1607 : vector<16xi32>
    %gather3A_1609 = tpu.vector_load_idx %arg16[%add3A_1608] : memref<6144xf32, #tpu.memory_space<vmem>>[vector<16xi32>], vector<16xf32>,
    %swap3A_1610 = arith.constant 2736 : index
    %swap3A_1611 = tpu.vector_load %arg17[%swap3A_1610] {strides = array<i32>} : memref<3072xf32, #tpu.memory_space<vmem>>, vector<16xf32>,
    tpu.vector_store %arg17[%swap3A_1610], %gather3A_1609 {strides = array<i32>} : memref<3072xf32, #tpu.memory_space<vmem>>, vector<16xf32>,
    %get3A_1612 = arith.constant 704 : index
    %get3A_1613 = tpu.vector_load %arg12[%get3A_1612] {strides = array<i32>} : memref<1024xi32, #tpu.memory_space<vmem>>, vector<16xi32>,
    %sub3A_1614 = vector.broadcast %mul3A_32 : i32 to vector<16xi32>
    %sub3A_1615 = arith.subi %get3A_1613, %sub3A_1614 : vector<16xi32>
    %add3A_1616 = arith.constant 0 : i32
    %add3A_1617 = vector.broadcast %add3A_1616 : i32 to vector<16xi32>
    %add3A_1618 = arith.addi %sub3A_1615, %add3A_1617 : vector<16xi32>
    %gather3A_1619 = tpu.vector_load_idx %arg16[%add3A_1618] : memref<6144xf32, #tpu.memory_space<vmem>>[vector<16xi32>], vector<16xf32>,
    %swap3A_1620 = arith.constant 1728 : index
    %swap3A_1621 = tpu.vector_load %arg17[%swap3A_1620] {strides = array<i32>} : memref<3072xf32, #tpu.memory_space<vmem>>, vector<16xf32>,
    tpu.vector_store %arg17[%swap3A_1620], %gather3A_1619 {strides = array<i32>} : memref<3072xf32, #tpu.memory_space<vmem>>, vector<16xf32>,
    %add3A_1622 = arith.constant 2048 : i32
    %add3A_1623 = vector.broadcast %add3A_1622 : i32 to vector<16xi32>
    %add3A_1624 = arith.addi %sub3A_1615, %add3A_1623 : vector<16xi32>
    %gather3A_1625 = tpu.vector_load_idx %arg16[%add3A_1624] : memref<6144xf32, #tpu.memory_space<vmem>>[vector<16xi32>], vector<16xf32>,
    %swap3A_1626 = arith.constant 2240 : index
    %swap3A_1627 = tpu.vector_load %arg17[%swap3A_1626] {strides = array<i32>} : memref<3072xf32, #tpu.memory_space<vmem>>, vector<16xf32>,
    tpu.vector_store %arg17[%swap3A_1626], %gather3A_1625 {strides = array<i32>} : memref<3072xf32, #tpu.memory_space<vmem>>, vector<16xf32>,
    %add3A_1628 = arith.constant 4096 : i32
    %add3A_1629 = vector.broadcast %add3A_1628 : i32 to vector<16xi32>
    %add3A_1630 = arith.addi %sub3A_1615, %add3A_1629 : vector<16xi32>
    %gather3A_1631 = tpu.vector_load_idx %arg16[%add3A_1630] : memref<6144xf32, #tpu.memory_space<vmem>>[vector<16xi32>], vector<16xf32>,
    %swap3A_1632 = arith.constant 2752 : index
    %swap3A_1633 = tpu.vector_load %arg17[%swap3A_1632] {strides = array<i32>} : memref<3072xf32, #tpu.memory_space<vmem>>, vector<16xf32>,
    tpu.vector_store %arg17[%swap3A_1632], %gather3A_1631 {strides = array<i32>} : memref<3072xf32, #tpu.memory_space<vmem>>, vector<16xf32>,
    %get3A_1634 = arith.constant 720 : index
    %get3A_1635 = tpu.vector_load %arg12[%get3A_1634] {strides = array<i32>} : memref<1024xi32, #tpu.memory_space<vmem>>, vector<16xi32>,
    %sub3A_1636 = vector.broadcast %mul3A_32 : i32 to vector<16xi32>
    %sub3A_1637 = arith.subi %get3A_1635, %sub3A_1636 : vector<16xi32>
    %add3A_1638 = arith.constant 0 : i32
    %add3A_1639 = vector.broadcast %add3A_1638 : i32 to vector<16xi32>
    %add3A_1640 = arith.addi %sub3A_1637, %add3A_1639 : vector<16xi32>
    %gather3A_1641 = tpu.vector_load_idx %arg16[%add3A_1640] : memref<6144xf32, #tpu.memory_space<vmem>>[vector<16xi32>], vector<16xf32>,
    %swap3A_1642 = arith.constant 1744 : index
    %swap3A_1643 = tpu.vector_load %arg17[%swap3A_1642] {strides = array<i32>} : memref<3072xf32, #tpu.memory_space<vmem>>, vector<16xf32>,
    tpu.vector_store %arg17[%swap3A_1642], %gather3A_1641 {strides = array<i32>} : memref<3072xf32, #tpu.memory_space<vmem>>, vector<16xf32>,
    %add3A_1644 = arith.constant 2048 : i32
    %add3A_1645 = vector.broadcast %add3A_1644 : i32 to vector<16xi32>
    %add3A_1646 = arith.addi %sub3A_1637, %add3A_1645 : vector<16xi32>
    %gather3A_1647 = tpu.vector_load_idx %arg16[%add3A_1646] : memref<6144xf32, #tpu.memory_space<vmem>>[vector<16xi32>], vector<16xf32>,
    %swap3A_1648 = arith.constant 2256 : index
    %swap3A_1649 = tpu.vector_load %arg17[%swap3A_1648] {strides = array<i32>} : memref<3072xf32, #tpu.memory_space<vmem>>, vector<16xf32>,
    tpu.vector_store %arg17[%swap3A_1648], %gather3A_1647 {strides = array<i32>} : memref<3072xf32, #tpu.memory_space<vmem>>, vector<16xf32>,
    %add3A_1650 = arith.constant 4096 : i32
    %add3A_1651 = vector.broadcast %add3A_1650 : i32 to vector<16xi32>
    %add3A_1652 = arith.addi %sub3A_1637, %add3A_1651 : vector<16xi32>
    %gather3A_1653 = tpu.vector_load_idx %arg16[%add3A_1652] : memref<6144xf32, #tpu.memory_space<vmem>>[vector<16xi32>], vector<16xf32>,
    %swap3A_1654 = arith.constant 2768 : index
    %swap3A_1655 = tpu.vector_load %arg17[%swap3A_1654] {strides = array<i32>} : memref<3072xf32, #tpu.memory_space<vmem>>, vector<16xf32>,
    tpu.vector_store %arg17[%swap3A_1654], %gather3A_1653 {strides = array<i32>} : memref<3072xf32, #tpu.memory_space<vmem>>, vector<16xf32>,
    %get3A_1656 = arith.constant 736 : index
    %get3A_1657 = tpu.vector_load %arg12[%get3A_1656] {strides = array<i32>} : memref<1024xi32, #tpu.memory_space<vmem>>, vector<16xi32>,
    %sub3A_1658 = vector.broadcast %mul3A_32 : i32 to vector<16xi32>
    %sub3A_1659 = arith.subi %get3A_1657, %sub3A_1658 : vector<16xi32>
    %add3A_1660 = arith.constant 0 : i32
    %add3A_1661 = vector.broadcast %add3A_1660 : i32 to vector<16xi32>
    %add3A_1662 = arith.addi %sub3A_1659, %add3A_1661 : vector<16xi32>
    %gather3A_1663 = tpu.vector_load_idx %arg16[%add3A_1662] : memref<6144xf32, #tpu.memory_space<vmem>>[vector<16xi32>], vector<16xf32>,
    %swap3A_1664 = arith.constant 1760 : index
    %swap3A_1665 = tpu.vector_load %arg17[%swap3A_1664] {strides = array<i32>} : memref<3072xf32, #tpu.memory_space<vmem>>, vector<16xf32>,
    tpu.vector_store %arg17[%swap3A_1664], %gather3A_1663 {strides = array<i32>} : memref<3072xf32, #tpu.memory_space<vmem>>, vector<16xf32>,
    %add3A_1666 = arith.constant 2048 : i32
    %add3A_1667 = vector.broadcast %add3A_1666 : i32 to vector<16xi32>
    %add3A_1668 = arith.addi %sub3A_1659, %add3A_1667 : vector<16xi32>
    %gather3A_1669 = tpu.vector_load_idx %arg16[%add3A_1668] : memref<6144xf32, #tpu.memory_space<vmem>>[vector<16xi32>], vector<16xf32>,
    %swap3A_1670 = arith.constant 2272 : index
    %swap3A_1671 = tpu.vector_load %arg17[%swap3A_1670] {strides = array<i32>} : memref<3072xf32, #tpu.memory_space<vmem>>, vector<16xf32>,
    tpu.vector_store %arg17[%swap3A_1670], %gather3A_1669 {strides = array<i32>} : memref<3072xf32, #tpu.memory_space<vmem>>, vector<16xf32>,
    %add3A_1672 = arith.constant 4096 : i32
    %add3A_1673 = vector.broadcast %add3A_1672 : i32 to vector<16xi32>
    %add3A_1674 = arith.addi %sub3A_1659, %add3A_1673 : vector<16xi32>
    %gather3A_1675 = tpu.vector_load_idx %arg16[%add3A_1674] : memref<6144xf32, #tpu.memory_space<vmem>>[vector<16xi32>], vector<16xf32>,
    %swap3A_1676 = arith.constant 2784 : index
    %swap3A_1677 = tpu.vector_load %arg17[%swap3A_1676] {strides = array<i32>} : memref<3072xf32, #tpu.memory_space<vmem>>, vector<16xf32>,
    tpu.vector_store %arg17[%swap3A_1676], %gather3A_1675 {strides = array<i32>} : memref<3072xf32, #tpu.memory_space<vmem>>, vector<16xf32>,
    %get3A_1678 = arith.constant 752 : index
    %get3A_1679 = tpu.vector_load %arg12[%get3A_1678] {strides = array<i32>} : memref<1024xi32, #tpu.memory_space<vmem>>, vector<16xi32>,
    %sub3A_1680 = vector.broadcast %mul3A_32 : i32 to vector<16xi32>
    %sub3A_1681 = arith.subi %get3A_1679, %sub3A_1680 : vector<16xi32>
    %add3A_1682 = arith.constant 0 : i32
    %add3A_1683 = vector.broadcast %add3A_1682 : i32 to vector<16xi32>
    %add3A_1684 = arith.addi %sub3A_1681, %add3A_1683 : vector<16xi32>
    %gather3A_1685 = tpu.vector_load_idx %arg16[%add3A_1684] : memref<6144xf32, #tpu.memory_space<vmem>>[vector<16xi32>], vector<16xf32>,
    %swap3A_1686 = arith.constant 1776 : index
    %swap3A_1687 = tpu.vector_load %arg17[%swap3A_1686] {strides = array<i32>} : memref<3072xf32, #tpu.memory_space<vmem>>, vector<16xf32>,
    tpu.vector_store %arg17[%swap3A_1686], %gather3A_1685 {strides = array<i32>} : memref<3072xf32, #tpu.memory_space<vmem>>, vector<16xf32>,
    %add3A_1688 = arith.constant 2048 : i32
    %add3A_1689 = vector.broadcast %add3A_1688 : i32 to vector<16xi32>
    %add3A_1690 = arith.addi %sub3A_1681, %add3A_1689 : vector<16xi32>
    %gather3A_1691 = tpu.vector_load_idx %arg16[%add3A_1690] : memref<6144xf32, #tpu.memory_space<vmem>>[vector<16xi32>], vector<16xf32>,
    %swap3A_1692 = arith.constant 2288 : index
    %swap3A_1693 = tpu.vector_load %arg17[%swap3A_1692] {strides = array<i32>} : memref<3072xf32, #tpu.memory_space<vmem>>, vector<16xf32>,
    tpu.vector_store %arg17[%swap3A_1692], %gather3A_1691 {strides = array<i32>} : memref<3072xf32, #tpu.memory_space<vmem>>, vector<16xf32>,
    %add3A_1694 = arith.constant 4096 : i32
    %add3A_1695 = vector.broadcast %add3A_1694 : i32 to vector<16xi32>
    %add3A_1696 = arith.addi %sub3A_1681, %add3A_1695 : vector<16xi32>
    %gather3A_1697 = tpu.vector_load_idx %arg16[%add3A_1696] : memref<6144xf32, #tpu.memory_space<vmem>>[vector<16xi32>], vector<16xf32>,
    %swap3A_1698 = arith.constant 2800 : index
    %swap3A_1699 = tpu.vector_load %arg17[%swap3A_1698] {strides = array<i32>} : memref<3072xf32, #tpu.memory_space<vmem>>, vector<16xf32>,
    tpu.vector_store %arg17[%swap3A_1698], %gather3A_1697 {strides = array<i32>} : memref<3072xf32, #tpu.memory_space<vmem>>, vector<16xf32>,
    %dma_wait3A_1700 = arith.constant 640 : i32
    %dma_wait3A_1701 = tpu.memref_slice %arg12[%dma_wait3A_1700] : memref<1024xi32, #tpu.memory_space<vmem>> -> memref<128xi32, #tpu.memory_space<vmem>>
    %dma_wait3A_1702 = arith.constant 0 : i32
    %dma_wait3A_1703 = arith.constant 0 : i32
    %dma_wait3A_1704 = tpu.memref_slice %arg2[%dma_wait3A_1702, %dma_wait3A_1703] : memref<16384x256xf32, #tpu.memory_space<hbm>> -> memref<16384x256xf32, #tpu.memory_space<hbm>>
    tpu.wait_indirect_dma semaphore(%arg25 : memref<!tpu.dma_semaphore, #tpu.memory_space<semaphore_mem>>) src(%dma_wait3A_1704 : memref<16384x256xf32, #tpu.memory_space<hbm>>) dst(%arg15 : memref<128x256xf32, #tpu.memory_space<vmem>>)
    %mul3A_1705 = arith.constant 512 : i32
    %mul3A_1706 = arith.muli %add3A, %mul3A_1705 : i32
    %add3A_1707 = arith.constant 128 : i32
    %add3A_1708 = arith.addi %mul3A_1706, %add3A_1707 : i32
    %dma_start3A_1709 = arith.constant 0 : i32
    %dma_start3A_1710 = tpu.memref_slice %arg7[%add3A_1708, %dma_start3A_1709] : memref<16384x256xf32, #tpu.memory_space<hbm>> -> memref<128x256xf32, #tpu.memory_space<hbm>>
    %dma_start3A_1711 = arith.constant 0 : i32
    %dma_start3A_1712 = tpu.memref_slice %arg7[%add3A_1708, %dma_start3A_1711] : memref<16384x256xf32, #tpu.memory_space<hbm>> -> memref<128x256xf32, #tpu.memory_space<hbm>>
    tpu.enqueue_dma source(%arg15 : memref<128x256xf32, #tpu.memory_space<vmem>>) target(%dma_start3A_1712 : memref<128x256xf32, #tpu.memory_space<hbm>>) target_semaphore(%arg28 : memref<!tpu.dma_semaphore, #tpu.memory_space<semaphore_mem>>)
    %dma_wait3A_1713 = arith.constant 0 : i32
    %dma_wait3A_1714 = tpu.memref_slice %arg7[%add3A_1510, %dma_wait3A_1713] : memref<16384x256xf32, #tpu.memory_space<hbm>> -> memref<128x256xf32, #tpu.memory_space<hbm>>
    %dma_wait3A_1715 = arith.constant 0 : i32
    %dma_wait3A_1716 = tpu.memref_slice %arg7[%add3A_1510, %dma_wait3A_1715] : memref<16384x256xf32, #tpu.memory_space<hbm>> -> memref<128x256xf32, #tpu.memory_space<hbm>>
    tpu.wait_dma2 semaphore(%arg27 : memref<!tpu.dma_semaphore, #tpu.memory_space<semaphore_mem>>) src(%arg14 : memref<128x256xf32, #tpu.memory_space<vmem>>) dst(%dma_wait3A_1716 : memref<128x256xf32, #tpu.memory_space<hbm>>)
    %dma_start3A_1717 = arith.constant 896 : i32
    %dma_start3A_1718 = tpu.memref_slice %arg12[%dma_start3A_1717] : memref<1024xi32, #tpu.memory_space<vmem>> -> memref<128xi32, #tpu.memory_space<vmem>>
    %dma_start3A_1719 = arith.constant 0 : i32
    %dma_start3A_1720 = arith.constant 0 : i32
    %dma_start3A_1721 = tpu.memref_slice %arg2[%dma_start3A_1719, %dma_start3A_1720] : memref<16384x256xf32, #tpu.memory_space<hbm>> -> memref<16384x256xf32, #tpu.memory_space<hbm>>
    tpu.enqueue_indirect_dma source(%dma_start3A_1721 : memref<16384x256xf32, #tpu.memory_space<hbm>>) target(%arg14 : memref<128x256xf32, #tpu.memory_space<vmem>>) offsets(%dma_start3A_1718 : memref<128xi32, #tpu.memory_space<vmem>>) semaphore(%arg24 : memref<!tpu.dma_semaphore, #tpu.memory_space<semaphore_mem>>)
    %get3A_1722 = arith.constant 768 : index
    %get3A_1723 = tpu.vector_load %arg12[%get3A_1722] {strides = array<i32>} : memref<1024xi32, #tpu.memory_space<vmem>>, vector<16xi32>,
    %sub3A_1724 = vector.broadcast %mul3A_32 : i32 to vector<16xi32>
    %sub3A_1725 = arith.subi %get3A_1723, %sub3A_1724 : vector<16xi32>
    %add3A_1726 = arith.constant 0 : i32
    %add3A_1727 = vector.broadcast %add3A_1726 : i32 to vector<16xi32>
    %add3A_1728 = arith.addi %sub3A_1725, %add3A_1727 : vector<16xi32>
    %gather3A_1729 = tpu.vector_load_idx %arg16[%add3A_1728] : memref<6144xf32, #tpu.memory_space<vmem>>[vector<16xi32>], vector<16xf32>,
    %swap3A_1730 = arith.constant 1792 : index
    %swap3A_1731 = tpu.vector_load %arg17[%swap3A_1730] {strides = array<i32>} : memref<3072xf32, #tpu.memory_space<vmem>>, vector<16xf32>,
    tpu.vector_store %arg17[%swap3A_1730], %gather3A_1729 {strides = array<i32>} : memref<3072xf32, #tpu.memory_space<vmem>>, vector<16xf32>,
    %add3A_1732 = arith.constant 2048 : i32
    %add3A_1733 = vector.broadcast %add3A_1732 : i32 to vector<16xi32>
    %add3A_1734 = arith.addi %sub3A_1725, %add3A_1733 : vector<16xi32>
    %gather3A_1735 = tpu.vector_load_idx %arg16[%add3A_1734] : memref<6144xf32, #tpu.memory_space<vmem>>[vector<16xi32>], vector<16xf32>,
    %swap3A_1736 = arith.constant 2304 : index
    %swap3A_1737 = tpu.vector_load %arg17[%swap3A_1736] {strides = array<i32>} : memref<3072xf32, #tpu.memory_space<vmem>>, vector<16xf32>,
    tpu.vector_store %arg17[%swap3A_1736], %gather3A_1735 {strides = array<i32>} : memref<3072xf32, #tpu.memory_space<vmem>>, vector<16xf32>,
    %add3A_1738 = arith.constant 4096 : i32
    %add3A_1739 = vector.broadcast %add3A_1738 : i32 to vector<16xi32>
    %add3A_1740 = arith.addi %sub3A_1725, %add3A_1739 : vector<16xi32>
    %gather3A_1741 = tpu.vector_load_idx %arg16[%add3A_1740] : memref<6144xf32, #tpu.memory_space<vmem>>[vector<16xi32>], vector<16xf32>,
    %swap3A_1742 = arith.constant 2816 : index
    %swap3A_1743 = tpu.vector_load %arg17[%swap3A_1742] {strides = array<i32>} : memref<3072xf32, #tpu.memory_space<vmem>>, vector<16xf32>,
    tpu.vector_store %arg17[%swap3A_1742], %gather3A_1741 {strides = array<i32>} : memref<3072xf32, #tpu.memory_space<vmem>>, vector<16xf32>,
    %get3A_1744 = arith.constant 784 : index
    %get3A_1745 = tpu.vector_load %arg12[%get3A_1744] {strides = array<i32>} : memref<1024xi32, #tpu.memory_space<vmem>>, vector<16xi32>,
    %sub3A_1746 = vector.broadcast %mul3A_32 : i32 to vector<16xi32>
    %sub3A_1747 = arith.subi %get3A_1745, %sub3A_1746 : vector<16xi32>
    %add3A_1748 = arith.constant 0 : i32
    %add3A_1749 = vector.broadcast %add3A_1748 : i32 to vector<16xi32>
    %add3A_1750 = arith.addi %sub3A_1747, %add3A_1749 : vector<16xi32>
    %gather3A_1751 = tpu.vector_load_idx %arg16[%add3A_1750] : memref<6144xf32, #tpu.memory_space<vmem>>[vector<16xi32>], vector<16xf32>,
    %swap3A_1752 = arith.constant 1808 : index
    %swap3A_1753 = tpu.vector_load %arg17[%swap3A_1752] {strides = array<i32>} : memref<3072xf32, #tpu.memory_space<vmem>>, vector<16xf32>,
    tpu.vector_store %arg17[%swap3A_1752], %gather3A_1751 {strides = array<i32>} : memref<3072xf32, #tpu.memory_space<vmem>>, vector<16xf32>,
    %add3A_1754 = arith.constant 2048 : i32
    %add3A_1755 = vector.broadcast %add3A_1754 : i32 to vector<16xi32>
    %add3A_1756 = arith.addi %sub3A_1747, %add3A_1755 : vector<16xi32>
    %gather3A_1757 = tpu.vector_load_idx %arg16[%add3A_1756] : memref<6144xf32, #tpu.memory_space<vmem>>[vector<16xi32>], vector<16xf32>,
    %swap3A_1758 = arith.constant 2320 : index
    %swap3A_1759 = tpu.vector_load %arg17[%swap3A_1758] {strides = array<i32>} : memref<3072xf32, #tpu.memory_space<vmem>>, vector<16xf32>,
    tpu.vector_store %arg17[%swap3A_1758], %gather3A_1757 {strides = array<i32>} : memref<3072xf32, #tpu.memory_space<vmem>>, vector<16xf32>,
    %add3A_1760 = arith.constant 4096 : i32
    %add3A_1761 = vector.broadcast %add3A_1760 : i32 to vector<16xi32>
    %add3A_1762 = arith.addi %sub3A_1747, %add3A_1761 : vector<16xi32>
    %gather3A_1763 = tpu.vector_load_idx %arg16[%add3A_1762] : memref<6144xf32, #tpu.memory_space<vmem>>[vector<16xi32>], vector<16xf32>,
    %swap3A_1764 = arith.constant 2832 : index
    %swap3A_1765 = tpu.vector_load %arg17[%swap3A_1764] {strides = array<i32>} : memref<3072xf32, #tpu.memory_space<vmem>>, vector<16xf32>,
    tpu.vector_store %arg17[%swap3A_1764], %gather3A_1763 {strides = array<i32>} : memref<3072xf32, #tpu.memory_space<vmem>>, vector<16xf32>,
    %get3A_1766 = arith.constant 800 : index
    %get3A_1767 = tpu.vector_load %arg12[%get3A_1766] {strides = array<i32>} : memref<1024xi32, #tpu.memory_space<vmem>>, vector<16xi32>,
    %sub3A_1768 = vector.broadcast %mul3A_32 : i32 to vector<16xi32>
    %sub3A_1769 = arith.subi %get3A_1767, %sub3A_1768 : vector<16xi32>
    %add3A_1770 = arith.constant 0 : i32
    %add3A_1771 = vector.broadcast %add3A_1770 : i32 to vector<16xi32>
    %add3A_1772 = arith.addi %sub3A_1769, %add3A_1771 : vector<16xi32>
    %gather3A_1773 = tpu.vector_load_idx %arg16[%add3A_1772] : memref<6144xf32, #tpu.memory_space<vmem>>[vector<16xi32>], vector<16xf32>,
    %swap3A_1774 = arith.constant 1824 : index
    %swap3A_1775 = tpu.vector_load %arg17[%swap3A_1774] {strides = array<i32>} : memref<3072xf32, #tpu.memory_space<vmem>>, vector<16xf32>,
    tpu.vector_store %arg17[%swap3A_1774], %gather3A_1773 {strides = array<i32>} : memref<3072xf32, #tpu.memory_space<vmem>>, vector<16xf32>,
    %add3A_1776 = arith.constant 2048 : i32
    %add3A_1777 = vector.broadcast %add3A_1776 : i32 to vector<16xi32>
    %add3A_1778 = arith.addi %sub3A_1769, %add3A_1777 : vector<16xi32>
    %gather3A_1779 = tpu.vector_load_idx %arg16[%add3A_1778] : memref<6144xf32, #tpu.memory_space<vmem>>[vector<16xi32>], vector<16xf32>,
    %swap3A_1780 = arith.constant 2336 : index
    %swap3A_1781 = tpu.vector_load %arg17[%swap3A_1780] {strides = array<i32>} : memref<3072xf32, #tpu.memory_space<vmem>>, vector<16xf32>,
    tpu.vector_store %arg17[%swap3A_1780], %gather3A_1779 {strides = array<i32>} : memref<3072xf32, #tpu.memory_space<vmem>>, vector<16xf32>,
    %add3A_1782 = arith.constant 4096 : i32
    %add3A_1783 = vector.broadcast %add3A_1782 : i32 to vector<16xi32>
    %add3A_1784 = arith.addi %sub3A_1769, %add3A_1783 : vector<16xi32>
    %gather3A_1785 = tpu.vector_load_idx %arg16[%add3A_1784] : memref<6144xf32, #tpu.memory_space<vmem>>[vector<16xi32>], vector<16xf32>,
    %swap3A_1786 = arith.constant 2848 : index
    %swap3A_1787 = tpu.vector_load %arg17[%swap3A_1786] {strides = array<i32>} : memref<3072xf32, #tpu.memory_space<vmem>>, vector<16xf32>,
    tpu.vector_store %arg17[%swap3A_1786], %gather3A_1785 {strides = array<i32>} : memref<3072xf32, #tpu.memory_space<vmem>>, vector<16xf32>,
    %get3A_1788 = arith.constant 816 : index
    %get3A_1789 = tpu.vector_load %arg12[%get3A_1788] {strides = array<i32>} : memref<1024xi32, #tpu.memory_space<vmem>>, vector<16xi32>,
    %sub3A_1790 = vector.broadcast %mul3A_32 : i32 to vector<16xi32>
    %sub3A_1791 = arith.subi %get3A_1789, %sub3A_1790 : vector<16xi32>
    %add3A_1792 = arith.constant 0 : i32
    %add3A_1793 = vector.broadcast %add3A_1792 : i32 to vector<16xi32>
    %add3A_1794 = arith.addi %sub3A_1791, %add3A_1793 : vector<16xi32>
    %gather3A_1795 = tpu.vector_load_idx %arg16[%add3A_1794] : memref<6144xf32, #tpu.memory_space<vmem>>[vector<16xi32>], vector<16xf32>,
    %swap3A_1796 = arith.constant 1840 : index
    %swap3A_1797 = tpu.vector_load %arg17[%swap3A_1796] {strides = array<i32>} : memref<3072xf32, #tpu.memory_space<vmem>>, vector<16xf32>,
    tpu.vector_store %arg17[%swap3A_1796], %gather3A_1795 {strides = array<i32>} : memref<3072xf32, #tpu.memory_space<vmem>>, vector<16xf32>,
    %add3A_1798 = arith.constant 2048 : i32
    %add3A_1799 = vector.broadcast %add3A_1798 : i32 to vector<16xi32>
    %add3A_1800 = arith.addi %sub3A_1791, %add3A_1799 : vector<16xi32>
    %gather3A_1801 = tpu.vector_load_idx %arg16[%add3A_1800] : memref<6144xf32, #tpu.memory_space<vmem>>[vector<16xi32>], vector<16xf32>,
    %swap3A_1802 = arith.constant 2352 : index
    %swap3A_1803 = tpu.vector_load %arg17[%swap3A_1802] {strides = array<i32>} : memref<3072xf32, #tpu.memory_space<vmem>>, vector<16xf32>,
    tpu.vector_store %arg17[%swap3A_1802], %gather3A_1801 {strides = array<i32>} : memref<3072xf32, #tpu.memory_space<vmem>>, vector<16xf32>,
    %add3A_1804 = arith.constant 4096 : i32
    %add3A_1805 = vector.broadcast %add3A_1804 : i32 to vector<16xi32>
    %add3A_1806 = arith.addi %sub3A_1791, %add3A_1805 : vector<16xi32>
    %gather3A_1807 = tpu.vector_load_idx %arg16[%add3A_1806] : memref<6144xf32, #tpu.memory_space<vmem>>[vector<16xi32>], vector<16xf32>,
    %swap3A_1808 = arith.constant 2864 : index
    %swap3A_1809 = tpu.vector_load %arg17[%swap3A_1808] {strides = array<i32>} : memref<3072xf32, #tpu.memory_space<vmem>>, vector<16xf32>,
    tpu.vector_store %arg17[%swap3A_1808], %gather3A_1807 {strides = array<i32>} : memref<3072xf32, #tpu.memory_space<vmem>>, vector<16xf32>,
    %get3A_1810 = arith.constant 832 : index
    %get3A_1811 = tpu.vector_load %arg12[%get3A_1810] {strides = array<i32>} : memref<1024xi32, #tpu.memory_space<vmem>>, vector<16xi32>,
    %sub3A_1812 = vector.broadcast %mul3A_32 : i32 to vector<16xi32>
    %sub3A_1813 = arith.subi %get3A_1811, %sub3A_1812 : vector<16xi32>
    %add3A_1814 = arith.constant 0 : i32
    %add3A_1815 = vector.broadcast %add3A_1814 : i32 to vector<16xi32>
    %add3A_1816 = arith.addi %sub3A_1813, %add3A_1815 : vector<16xi32>
    %gather3A_1817 = tpu.vector_load_idx %arg16[%add3A_1816] : memref<6144xf32, #tpu.memory_space<vmem>>[vector<16xi32>], vector<16xf32>,
    %swap3A_1818 = arith.constant 1856 : index
    %swap3A_1819 = tpu.vector_load %arg17[%swap3A_1818] {strides = array<i32>} : memref<3072xf32, #tpu.memory_space<vmem>>, vector<16xf32>,
    tpu.vector_store %arg17[%swap3A_1818], %gather3A_1817 {strides = array<i32>} : memref<3072xf32, #tpu.memory_space<vmem>>, vector<16xf32>,
    %add3A_1820 = arith.constant 2048 : i32
    %add3A_1821 = vector.broadcast %add3A_1820 : i32 to vector<16xi32>
    %add3A_1822 = arith.addi %sub3A_1813, %add3A_1821 : vector<16xi32>
    %gather3A_1823 = tpu.vector_load_idx %arg16[%add3A_1822] : memref<6144xf32, #tpu.memory_space<vmem>>[vector<16xi32>], vector<16xf32>,
    %swap3A_1824 = arith.constant 2368 : index
    %swap3A_1825 = tpu.vector_load %arg17[%swap3A_1824] {strides = array<i32>} : memref<3072xf32, #tpu.memory_space<vmem>>, vector<16xf32>,
    tpu.vector_store %arg17[%swap3A_1824], %gather3A_1823 {strides = array<i32>} : memref<3072xf32, #tpu.memory_space<vmem>>, vector<16xf32>,
    %add3A_1826 = arith.constant 4096 : i32
    %add3A_1827 = vector.broadcast %add3A_1826 : i32 to vector<16xi32>
    %add3A_1828 = arith.addi %sub3A_1813, %add3A_1827 : vector<16xi32>
    %gather3A_1829 = tpu.vector_load_idx %arg16[%add3A_1828] : memref<6144xf32, #tpu.memory_space<vmem>>[vector<16xi32>], vector<16xf32>,
    %swap3A_1830 = arith.constant 2880 : index
    %swap3A_1831 = tpu.vector_load %arg17[%swap3A_1830] {strides = array<i32>} : memref<3072xf32, #tpu.memory_space<vmem>>, vector<16xf32>,
    tpu.vector_store %arg17[%swap3A_1830], %gather3A_1829 {strides = array<i32>} : memref<3072xf32, #tpu.memory_space<vmem>>, vector<16xf32>,
    %get3A_1832 = arith.constant 848 : index
    %get3A_1833 = tpu.vector_load %arg12[%get3A_1832] {strides = array<i32>} : memref<1024xi32, #tpu.memory_space<vmem>>, vector<16xi32>,
    %sub3A_1834 = vector.broadcast %mul3A_32 : i32 to vector<16xi32>
    %sub3A_1835 = arith.subi %get3A_1833, %sub3A_1834 : vector<16xi32>
    %add3A_1836 = arith.constant 0 : i32
    %add3A_1837 = vector.broadcast %add3A_1836 : i32 to vector<16xi32>
    %add3A_1838 = arith.addi %sub3A_1835, %add3A_1837 : vector<16xi32>
    %gather3A_1839 = tpu.vector_load_idx %arg16[%add3A_1838] : memref<6144xf32, #tpu.memory_space<vmem>>[vector<16xi32>], vector<16xf32>,
    %swap3A_1840 = arith.constant 1872 : index
    %swap3A_1841 = tpu.vector_load %arg17[%swap3A_1840] {strides = array<i32>} : memref<3072xf32, #tpu.memory_space<vmem>>, vector<16xf32>,
    tpu.vector_store %arg17[%swap3A_1840], %gather3A_1839 {strides = array<i32>} : memref<3072xf32, #tpu.memory_space<vmem>>, vector<16xf32>,
    %add3A_1842 = arith.constant 2048 : i32
    %add3A_1843 = vector.broadcast %add3A_1842 : i32 to vector<16xi32>
    %add3A_1844 = arith.addi %sub3A_1835, %add3A_1843 : vector<16xi32>
    %gather3A_1845 = tpu.vector_load_idx %arg16[%add3A_1844] : memref<6144xf32, #tpu.memory_space<vmem>>[vector<16xi32>], vector<16xf32>,
    %swap3A_1846 = arith.constant 2384 : index
    %swap3A_1847 = tpu.vector_load %arg17[%swap3A_1846] {strides = array<i32>} : memref<3072xf32, #tpu.memory_space<vmem>>, vector<16xf32>,
    tpu.vector_store %arg17[%swap3A_1846], %gather3A_1845 {strides = array<i32>} : memref<3072xf32, #tpu.memory_space<vmem>>, vector<16xf32>,
    %add3A_1848 = arith.constant 4096 : i32
    %add3A_1849 = vector.broadcast %add3A_1848 : i32 to vector<16xi32>
    %add3A_1850 = arith.addi %sub3A_1835, %add3A_1849 : vector<16xi32>
    %gather3A_1851 = tpu.vector_load_idx %arg16[%add3A_1850] : memref<6144xf32, #tpu.memory_space<vmem>>[vector<16xi32>], vector<16xf32>,
    %swap3A_1852 = arith.constant 2896 : index
    %swap3A_1853 = tpu.vector_load %arg17[%swap3A_1852] {strides = array<i32>} : memref<3072xf32, #tpu.memory_space<vmem>>, vector<16xf32>,
    tpu.vector_store %arg17[%swap3A_1852], %gather3A_1851 {strides = array<i32>} : memref<3072xf32, #tpu.memory_space<vmem>>, vector<16xf32>,
    %get3A_1854 = arith.constant 864 : index
    %get3A_1855 = tpu.vector_load %arg12[%get3A_1854] {strides = array<i32>} : memref<1024xi32, #tpu.memory_space<vmem>>, vector<16xi32>,
    %sub3A_1856 = vector.broadcast %mul3A_32 : i32 to vector<16xi32>
    %sub3A_1857 = arith.subi %get3A_1855, %sub3A_1856 : vector<16xi32>
    %add3A_1858 = arith.constant 0 : i32
    %add3A_1859 = vector.broadcast %add3A_1858 : i32 to vector<16xi32>
    %add3A_1860 = arith.addi %sub3A_1857, %add3A_1859 : vector<16xi32>
    %gather3A_1861 = tpu.vector_load_idx %arg16[%add3A_1860] : memref<6144xf32, #tpu.memory_space<vmem>>[vector<16xi32>], vector<16xf32>,
    %swap3A_1862 = arith.constant 1888 : index
    %swap3A_1863 = tpu.vector_load %arg17[%swap3A_1862] {strides = array<i32>} : memref<3072xf32, #tpu.memory_space<vmem>>, vector<16xf32>,
    tpu.vector_store %arg17[%swap3A_1862], %gather3A_1861 {strides = array<i32>} : memref<3072xf32, #tpu.memory_space<vmem>>, vector<16xf32>,
    %add3A_1864 = arith.constant 2048 : i32
    %add3A_1865 = vector.broadcast %add3A_1864 : i32 to vector<16xi32>
    %add3A_1866 = arith.addi %sub3A_1857, %add3A_1865 : vector<16xi32>
    %gather3A_1867 = tpu.vector_load_idx %arg16[%add3A_1866] : memref<6144xf32, #tpu.memory_space<vmem>>[vector<16xi32>], vector<16xf32>,
    %swap3A_1868 = arith.constant 2400 : index
    %swap3A_1869 = tpu.vector_load %arg17[%swap3A_1868] {strides = array<i32>} : memref<3072xf32, #tpu.memory_space<vmem>>, vector<16xf32>,
    tpu.vector_store %arg17[%swap3A_1868], %gather3A_1867 {strides = array<i32>} : memref<3072xf32, #tpu.memory_space<vmem>>, vector<16xf32>,
    %add3A_1870 = arith.constant 4096 : i32
    %add3A_1871 = vector.broadcast %add3A_1870 : i32 to vector<16xi32>
    %add3A_1872 = arith.addi %sub3A_1857, %add3A_1871 : vector<16xi32>
    %gather3A_1873 = tpu.vector_load_idx %arg16[%add3A_1872] : memref<6144xf32, #tpu.memory_space<vmem>>[vector<16xi32>], vector<16xf32>,
    %swap3A_1874 = arith.constant 2912 : index
    %swap3A_1875 = tpu.vector_load %arg17[%swap3A_1874] {strides = array<i32>} : memref<3072xf32, #tpu.memory_space<vmem>>, vector<16xf32>,
    tpu.vector_store %arg17[%swap3A_1874], %gather3A_1873 {strides = array<i32>} : memref<3072xf32, #tpu.memory_space<vmem>>, vector<16xf32>,
    %get3A_1876 = arith.constant 880 : index
    %get3A_1877 = tpu.vector_load %arg12[%get3A_1876] {strides = array<i32>} : memref<1024xi32, #tpu.memory_space<vmem>>, vector<16xi32>,
    %sub3A_1878 = vector.broadcast %mul3A_32 : i32 to vector<16xi32>
    %sub3A_1879 = arith.subi %get3A_1877, %sub3A_1878 : vector<16xi32>
    %add3A_1880 = arith.constant 0 : i32
    %add3A_1881 = vector.broadcast %add3A_1880 : i32 to vector<16xi32>
    %add3A_1882 = arith.addi %sub3A_1879, %add3A_1881 : vector<16xi32>
    %gather3A_1883 = tpu.vector_load_idx %arg16[%add3A_1882] : memref<6144xf32, #tpu.memory_space<vmem>>[vector<16xi32>], vector<16xf32>,
    %swap3A_1884 = arith.constant 1904 : index
    %swap3A_1885 = tpu.vector_load %arg17[%swap3A_1884] {strides = array<i32>} : memref<3072xf32, #tpu.memory_space<vmem>>, vector<16xf32>,
    tpu.vector_store %arg17[%swap3A_1884], %gather3A_1883 {strides = array<i32>} : memref<3072xf32, #tpu.memory_space<vmem>>, vector<16xf32>,
    %add3A_1886 = arith.constant 2048 : i32
    %add3A_1887 = vector.broadcast %add3A_1886 : i32 to vector<16xi32>
    %add3A_1888 = arith.addi %sub3A_1879, %add3A_1887 : vector<16xi32>
    %gather3A_1889 = tpu.vector_load_idx %arg16[%add3A_1888] : memref<6144xf32, #tpu.memory_space<vmem>>[vector<16xi32>], vector<16xf32>,
    %swap3A_1890 = arith.constant 2416 : index
    %swap3A_1891 = tpu.vector_load %arg17[%swap3A_1890] {strides = array<i32>} : memref<3072xf32, #tpu.memory_space<vmem>>, vector<16xf32>,
    tpu.vector_store %arg17[%swap3A_1890], %gather3A_1889 {strides = array<i32>} : memref<3072xf32, #tpu.memory_space<vmem>>, vector<16xf32>,
    %add3A_1892 = arith.constant 4096 : i32
    %add3A_1893 = vector.broadcast %add3A_1892 : i32 to vector<16xi32>
    %add3A_1894 = arith.addi %sub3A_1879, %add3A_1893 : vector<16xi32>
    %gather3A_1895 = tpu.vector_load_idx %arg16[%add3A_1894] : memref<6144xf32, #tpu.memory_space<vmem>>[vector<16xi32>], vector<16xf32>,
    %swap3A_1896 = arith.constant 2928 : index
    %swap3A_1897 = tpu.vector_load %arg17[%swap3A_1896] {strides = array<i32>} : memref<3072xf32, #tpu.memory_space<vmem>>, vector<16xf32>,
    tpu.vector_store %arg17[%swap3A_1896], %gather3A_1895 {strides = array<i32>} : memref<3072xf32, #tpu.memory_space<vmem>>, vector<16xf32>,
    %dma_wait3A_1898 = arith.constant 768 : i32
    %dma_wait3A_1899 = tpu.memref_slice %arg12[%dma_wait3A_1898] : memref<1024xi32, #tpu.memory_space<vmem>> -> memref<128xi32, #tpu.memory_space<vmem>>
    %dma_wait3A_1900 = arith.constant 0 : i32
    %dma_wait3A_1901 = arith.constant 0 : i32
    %dma_wait3A_1902 = tpu.memref_slice %arg2[%dma_wait3A_1900, %dma_wait3A_1901] : memref<16384x256xf32, #tpu.memory_space<hbm>> -> memref<16384x256xf32, #tpu.memory_space<hbm>>
    tpu.wait_indirect_dma semaphore(%arg23 : memref<!tpu.dma_semaphore, #tpu.memory_space<semaphore_mem>>) src(%dma_wait3A_1902 : memref<16384x256xf32, #tpu.memory_space<hbm>>) dst(%arg13 : memref<128x256xf32, #tpu.memory_space<vmem>>)
    %mul3A_1903 = arith.constant 512 : i32
    %mul3A_1904 = arith.muli %add3A, %mul3A_1903 : i32
    %add3A_1905 = arith.constant 256 : i32
    %add3A_1906 = arith.addi %mul3A_1904, %add3A_1905 : i32
    %dma_start3A_1907 = arith.constant 0 : i32
    %dma_start3A_1908 = tpu.memref_slice %arg7[%add3A_1906, %dma_start3A_1907] : memref<16384x256xf32, #tpu.memory_space<hbm>> -> memref<128x256xf32, #tpu.memory_space<hbm>>
    %dma_start3A_1909 = arith.constant 0 : i32
    %dma_start3A_1910 = tpu.memref_slice %arg7[%add3A_1906, %dma_start3A_1909] : memref<16384x256xf32, #tpu.memory_space<hbm>> -> memref<128x256xf32, #tpu.memory_space<hbm>>
    tpu.enqueue_dma source(%arg13 : memref<128x256xf32, #tpu.memory_space<vmem>>) target(%dma_start3A_1910 : memref<128x256xf32, #tpu.memory_space<hbm>>) target_semaphore(%arg26 : memref<!tpu.dma_semaphore, #tpu.memory_space<semaphore_mem>>)
    %get3A_1911 = arith.constant 896 : index
    %get3A_1912 = tpu.vector_load %arg12[%get3A_1911] {strides = array<i32>} : memref<1024xi32, #tpu.memory_space<vmem>>, vector<16xi32>,
    %sub3A_1913 = vector.broadcast %mul3A_32 : i32 to vector<16xi32>
    %sub3A_1914 = arith.subi %get3A_1912, %sub3A_1913 : vector<16xi32>
    %add3A_1915 = arith.constant 0 : i32
    %add3A_1916 = vector.broadcast %add3A_1915 : i32 to vector<16xi32>
    %add3A_1917 = arith.addi %sub3A_1914, %add3A_1916 : vector<16xi32>
    %gather3A_1918 = tpu.vector_load_idx %arg16[%add3A_1917] : memref<6144xf32, #tpu.memory_space<vmem>>[vector<16xi32>], vector<16xf32>,
    %swap3A_1919 = arith.constant 1920 : index
    %swap3A_1920 = tpu.vector_load %arg17[%swap3A_1919] {strides = array<i32>} : memref<3072xf32, #tpu.memory_space<vmem>>, vector<16xf32>,
    tpu.vector_store %arg17[%swap3A_1919], %gather3A_1918 {strides = array<i32>} : memref<3072xf32, #tpu.memory_space<vmem>>, vector<16xf32>,
    %add3A_1921 = arith.constant 2048 : i32
    %add3A_1922 = vector.broadcast %add3A_1921 : i32 to vector<16xi32>
    %add3A_1923 = arith.addi %sub3A_1914, %add3A_1922 : vector<16xi32>
    %gather3A_1924 = tpu.vector_load_idx %arg16[%add3A_1923] : memref<6144xf32, #tpu.memory_space<vmem>>[vector<16xi32>], vector<16xf32>,
    %swap3A_1925 = arith.constant 2432 : index
    %swap3A_1926 = tpu.vector_load %arg17[%swap3A_1925] {strides = array<i32>} : memref<3072xf32, #tpu.memory_space<vmem>>, vector<16xf32>,
    tpu.vector_store %arg17[%swap3A_1925], %gather3A_1924 {strides = array<i32>} : memref<3072xf32, #tpu.memory_space<vmem>>, vector<16xf32>,
    %add3A_1927 = arith.constant 4096 : i32
    %add3A_1928 = vector.broadcast %add3A_1927 : i32 to vector<16xi32>
    %add3A_1929 = arith.addi %sub3A_1914, %add3A_1928 : vector<16xi32>
    %gather3A_1930 = tpu.vector_load_idx %arg16[%add3A_1929] : memref<6144xf32, #tpu.memory_space<vmem>>[vector<16xi32>], vector<16xf32>,
    %swap3A_1931 = arith.constant 2944 : index
    %swap3A_1932 = tpu.vector_load %arg17[%swap3A_1931] {strides = array<i32>} : memref<3072xf32, #tpu.memory_space<vmem>>, vector<16xf32>,
    tpu.vector_store %arg17[%swap3A_1931], %gather3A_1930 {strides = array<i32>} : memref<3072xf32, #tpu.memory_space<vmem>>, vector<16xf32>,
    %get3A_1933 = arith.constant 912 : index
    %get3A_1934 = tpu.vector_load %arg12[%get3A_1933] {strides = array<i32>} : memref<1024xi32, #tpu.memory_space<vmem>>, vector<16xi32>,
    %sub3A_1935 = vector.broadcast %mul3A_32 : i32 to vector<16xi32>
    %sub3A_1936 = arith.subi %get3A_1934, %sub3A_1935 : vector<16xi32>
    %add3A_1937 = arith.constant 0 : i32
    %add3A_1938 = vector.broadcast %add3A_1937 : i32 to vector<16xi32>
    %add3A_1939 = arith.addi %sub3A_1936, %add3A_1938 : vector<16xi32>
    %gather3A_1940 = tpu.vector_load_idx %arg16[%add3A_1939] : memref<6144xf32, #tpu.memory_space<vmem>>[vector<16xi32>], vector<16xf32>,
    %swap3A_1941 = arith.constant 1936 : index
    %swap3A_1942 = tpu.vector_load %arg17[%swap3A_1941] {strides = array<i32>} : memref<3072xf32, #tpu.memory_space<vmem>>, vector<16xf32>,
    tpu.vector_store %arg17[%swap3A_1941], %gather3A_1940 {strides = array<i32>} : memref<3072xf32, #tpu.memory_space<vmem>>, vector<16xf32>,
    %add3A_1943 = arith.constant 2048 : i32
    %add3A_1944 = vector.broadcast %add3A_1943 : i32 to vector<16xi32>
    %add3A_1945 = arith.addi %sub3A_1936, %add3A_1944 : vector<16xi32>
    %gather3A_1946 = tpu.vector_load_idx %arg16[%add3A_1945] : memref<6144xf32, #tpu.memory_space<vmem>>[vector<16xi32>], vector<16xf32>,
    %swap3A_1947 = arith.constant 2448 : index
    %swap3A_1948 = tpu.vector_load %arg17[%swap3A_1947] {strides = array<i32>} : memref<3072xf32, #tpu.memory_space<vmem>>, vector<16xf32>,
    tpu.vector_store %arg17[%swap3A_1947], %gather3A_1946 {strides = array<i32>} : memref<3072xf32, #tpu.memory_space<vmem>>, vector<16xf32>,
    %add3A_1949 = arith.constant 4096 : i32
    %add3A_1950 = vector.broadcast %add3A_1949 : i32 to vector<16xi32>
    %add3A_1951 = arith.addi %sub3A_1936, %add3A_1950 : vector<16xi32>
    %gather3A_1952 = tpu.vector_load_idx %arg16[%add3A_1951] : memref<6144xf32, #tpu.memory_space<vmem>>[vector<16xi32>], vector<16xf32>,
    %swap3A_1953 = arith.constant 2960 : index
    %swap3A_1954 = tpu.vector_load %arg17[%swap3A_1953] {strides = array<i32>} : memref<3072xf32, #tpu.memory_space<vmem>>, vector<16xf32>,
    tpu.vector_store %arg17[%swap3A_1953], %gather3A_1952 {strides = array<i32>} : memref<3072xf32, #tpu.memory_space<vmem>>, vector<16xf32>,
    %get3A_1955 = arith.constant 928 : index
    %get3A_1956 = tpu.vector_load %arg12[%get3A_1955] {strides = array<i32>} : memref<1024xi32, #tpu.memory_space<vmem>>, vector<16xi32>,
    %sub3A_1957 = vector.broadcast %mul3A_32 : i32 to vector<16xi32>
    %sub3A_1958 = arith.subi %get3A_1956, %sub3A_1957 : vector<16xi32>
    %add3A_1959 = arith.constant 0 : i32
    %add3A_1960 = vector.broadcast %add3A_1959 : i32 to vector<16xi32>
    %add3A_1961 = arith.addi %sub3A_1958, %add3A_1960 : vector<16xi32>
    %gather3A_1962 = tpu.vector_load_idx %arg16[%add3A_1961] : memref<6144xf32, #tpu.memory_space<vmem>>[vector<16xi32>], vector<16xf32>,
    %swap3A_1963 = arith.constant 1952 : index
    %swap3A_1964 = tpu.vector_load %arg17[%swap3A_1963] {strides = array<i32>} : memref<3072xf32, #tpu.memory_space<vmem>>, vector<16xf32>,
    tpu.vector_store %arg17[%swap3A_1963], %gather3A_1962 {strides = array<i32>} : memref<3072xf32, #tpu.memory_space<vmem>>, vector<16xf32>,
    %add3A_1965 = arith.constant 2048 : i32
    %add3A_1966 = vector.broadcast %add3A_1965 : i32 to vector<16xi32>
    %add3A_1967 = arith.addi %sub3A_1958, %add3A_1966 : vector<16xi32>
    %gather3A_1968 = tpu.vector_load_idx %arg16[%add3A_1967] : memref<6144xf32, #tpu.memory_space<vmem>>[vector<16xi32>], vector<16xf32>,
    %swap3A_1969 = arith.constant 2464 : index
    %swap3A_1970 = tpu.vector_load %arg17[%swap3A_1969] {strides = array<i32>} : memref<3072xf32, #tpu.memory_space<vmem>>, vector<16xf32>,
    tpu.vector_store %arg17[%swap3A_1969], %gather3A_1968 {strides = array<i32>} : memref<3072xf32, #tpu.memory_space<vmem>>, vector<16xf32>,
    %add3A_1971 = arith.constant 4096 : i32
    %add3A_1972 = vector.broadcast %add3A_1971 : i32 to vector<16xi32>
    %add3A_1973 = arith.addi %sub3A_1958, %add3A_1972 : vector<16xi32>
    %gather3A_1974 = tpu.vector_load_idx %arg16[%add3A_1973] : memref<6144xf32, #tpu.memory_space<vmem>>[vector<16xi32>], vector<16xf32>,
    %swap3A_1975 = arith.constant 2976 : index
    %swap3A_1976 = tpu.vector_load %arg17[%swap3A_1975] {strides = array<i32>} : memref<3072xf32, #tpu.memory_space<vmem>>, vector<16xf32>,
    tpu.vector_store %arg17[%swap3A_1975], %gather3A_1974 {strides = array<i32>} : memref<3072xf32, #tpu.memory_space<vmem>>, vector<16xf32>,
    %get3A_1977 = arith.constant 944 : index
    %get3A_1978 = tpu.vector_load %arg12[%get3A_1977] {strides = array<i32>} : memref<1024xi32, #tpu.memory_space<vmem>>, vector<16xi32>,
    %sub3A_1979 = vector.broadcast %mul3A_32 : i32 to vector<16xi32>
    %sub3A_1980 = arith.subi %get3A_1978, %sub3A_1979 : vector<16xi32>
    %add3A_1981 = arith.constant 0 : i32
    %add3A_1982 = vector.broadcast %add3A_1981 : i32 to vector<16xi32>
    %add3A_1983 = arith.addi %sub3A_1980, %add3A_1982 : vector<16xi32>
    %gather3A_1984 = tpu.vector_load_idx %arg16[%add3A_1983] : memref<6144xf32, #tpu.memory_space<vmem>>[vector<16xi32>], vector<16xf32>,
    %swap3A_1985 = arith.constant 1968 : index
    %swap3A_1986 = tpu.vector_load %arg17[%swap3A_1985] {strides = array<i32>} : memref<3072xf32, #tpu.memory_space<vmem>>, vector<16xf32>,
    tpu.vector_store %arg17[%swap3A_1985], %gather3A_1984 {strides = array<i32>} : memref<3072xf32, #tpu.memory_space<vmem>>, vector<16xf32>,
    %add3A_1987 = arith.constant 2048 : i32
    %add3A_1988 = vector.broadcast %add3A_1987 : i32 to vector<16xi32>
    %add3A_1989 = arith.addi %sub3A_1980, %add3A_1988 : vector<16xi32>
    %gather3A_1990 = tpu.vector_load_idx %arg16[%add3A_1989] : memref<6144xf32, #tpu.memory_space<vmem>>[vector<16xi32>], vector<16xf32>,
    %swap3A_1991 = arith.constant 2480 : index
    %swap3A_1992 = tpu.vector_load %arg17[%swap3A_1991] {strides = array<i32>} : memref<3072xf32, #tpu.memory_space<vmem>>, vector<16xf32>,
    tpu.vector_store %arg17[%swap3A_1991], %gather3A_1990 {strides = array<i32>} : memref<3072xf32, #tpu.memory_space<vmem>>, vector<16xf32>,
    %add3A_1993 = arith.constant 4096 : i32
    %add3A_1994 = vector.broadcast %add3A_1993 : i32 to vector<16xi32>
    %add3A_1995 = arith.addi %sub3A_1980, %add3A_1994 : vector<16xi32>
    %gather3A_1996 = tpu.vector_load_idx %arg16[%add3A_1995] : memref<6144xf32, #tpu.memory_space<vmem>>[vector<16xi32>], vector<16xf32>,
    %swap3A_1997 = arith.constant 2992 : index
    %swap3A_1998 = tpu.vector_load %arg17[%swap3A_1997] {strides = array<i32>} : memref<3072xf32, #tpu.memory_space<vmem>>, vector<16xf32>,
    tpu.vector_store %arg17[%swap3A_1997], %gather3A_1996 {strides = array<i32>} : memref<3072xf32, #tpu.memory_space<vmem>>, vector<16xf32>,
    %get3A_1999 = arith.constant 960 : index
    %get3A_2000 = tpu.vector_load %arg12[%get3A_1999] {strides = array<i32>} : memref<1024xi32, #tpu.memory_space<vmem>>, vector<16xi32>,
    %sub3A_2001 = vector.broadcast %mul3A_32 : i32 to vector<16xi32>
    %sub3A_2002 = arith.subi %get3A_2000, %sub3A_2001 : vector<16xi32>
    %add3A_2003 = arith.constant 0 : i32
    %add3A_2004 = vector.broadcast %add3A_2003 : i32 to vector<16xi32>
    %add3A_2005 = arith.addi %sub3A_2002, %add3A_2004 : vector<16xi32>
    %gather3A_2006 = tpu.vector_load_idx %arg16[%add3A_2005] : memref<6144xf32, #tpu.memory_space<vmem>>[vector<16xi32>], vector<16xf32>,
    %swap3A_2007 = arith.constant 1984 : index
    %swap3A_2008 = tpu.vector_load %arg17[%swap3A_2007] {strides = array<i32>} : memref<3072xf32, #tpu.memory_space<vmem>>, vector<16xf32>,
    tpu.vector_store %arg17[%swap3A_2007], %gather3A_2006 {strides = array<i32>} : memref<3072xf32, #tpu.memory_space<vmem>>, vector<16xf32>,
    %add3A_2009 = arith.constant 2048 : i32
    %add3A_2010 = vector.broadcast %add3A_2009 : i32 to vector<16xi32>
    %add3A_2011 = arith.addi %sub3A_2002, %add3A_2010 : vector<16xi32>
    %gather3A_2012 = tpu.vector_load_idx %arg16[%add3A_2011] : memref<6144xf32, #tpu.memory_space<vmem>>[vector<16xi32>], vector<16xf32>,
    %swap3A_2013 = arith.constant 2496 : index
    %swap3A_2014 = tpu.vector_load %arg17[%swap3A_2013] {strides = array<i32>} : memref<3072xf32, #tpu.memory_space<vmem>>, vector<16xf32>,
    tpu.vector_store %arg17[%swap3A_2013], %gather3A_2012 {strides = array<i32>} : memref<3072xf32, #tpu.memory_space<vmem>>, vector<16xf32>,
    %add3A_2015 = arith.constant 4096 : i32
    %add3A_2016 = vector.broadcast %add3A_2015 : i32 to vector<16xi32>
    %add3A_2017 = arith.addi %sub3A_2002, %add3A_2016 : vector<16xi32>
    %gather3A_2018 = tpu.vector_load_idx %arg16[%add3A_2017] : memref<6144xf32, #tpu.memory_space<vmem>>[vector<16xi32>], vector<16xf32>,
    %swap3A_2019 = arith.constant 3008 : index
    %swap3A_2020 = tpu.vector_load %arg17[%swap3A_2019] {strides = array<i32>} : memref<3072xf32, #tpu.memory_space<vmem>>, vector<16xf32>,
    tpu.vector_store %arg17[%swap3A_2019], %gather3A_2018 {strides = array<i32>} : memref<3072xf32, #tpu.memory_space<vmem>>, vector<16xf32>,
    %get3A_2021 = arith.constant 976 : index
    %get3A_2022 = tpu.vector_load %arg12[%get3A_2021] {strides = array<i32>} : memref<1024xi32, #tpu.memory_space<vmem>>, vector<16xi32>,
    %sub3A_2023 = vector.broadcast %mul3A_32 : i32 to vector<16xi32>
    %sub3A_2024 = arith.subi %get3A_2022, %sub3A_2023 : vector<16xi32>
    %add3A_2025 = arith.constant 0 : i32
    %add3A_2026 = vector.broadcast %add3A_2025 : i32 to vector<16xi32>
    %add3A_2027 = arith.addi %sub3A_2024, %add3A_2026 : vector<16xi32>
    %gather3A_2028 = tpu.vector_load_idx %arg16[%add3A_2027] : memref<6144xf32, #tpu.memory_space<vmem>>[vector<16xi32>], vector<16xf32>,
    %swap3A_2029 = arith.constant 2000 : index
    %swap3A_2030 = tpu.vector_load %arg17[%swap3A_2029] {strides = array<i32>} : memref<3072xf32, #tpu.memory_space<vmem>>, vector<16xf32>,
    tpu.vector_store %arg17[%swap3A_2029], %gather3A_2028 {strides = array<i32>} : memref<3072xf32, #tpu.memory_space<vmem>>, vector<16xf32>,
    %add3A_2031 = arith.constant 2048 : i32
    %add3A_2032 = vector.broadcast %add3A_2031 : i32 to vector<16xi32>
    %add3A_2033 = arith.addi %sub3A_2024, %add3A_2032 : vector<16xi32>
    %gather3A_2034 = tpu.vector_load_idx %arg16[%add3A_2033] : memref<6144xf32, #tpu.memory_space<vmem>>[vector<16xi32>], vector<16xf32>,
    %swap3A_2035 = arith.constant 2512 : index
    %swap3A_2036 = tpu.vector_load %arg17[%swap3A_2035] {strides = array<i32>} : memref<3072xf32, #tpu.memory_space<vmem>>, vector<16xf32>,
    tpu.vector_store %arg17[%swap3A_2035], %gather3A_2034 {strides = array<i32>} : memref<3072xf32, #tpu.memory_space<vmem>>, vector<16xf32>,
    %add3A_2037 = arith.constant 4096 : i32
    %add3A_2038 = vector.broadcast %add3A_2037 : i32 to vector<16xi32>
    %add3A_2039 = arith.addi %sub3A_2024, %add3A_2038 : vector<16xi32>
    %gather3A_2040 = tpu.vector_load_idx %arg16[%add3A_2039] : memref<6144xf32, #tpu.memory_space<vmem>>[vector<16xi32>], vector<16xf32>,
    %swap3A_2041 = arith.constant 3024 : index
    %swap3A_2042 = tpu.vector_load %arg17[%swap3A_2041] {strides = array<i32>} : memref<3072xf32, #tpu.memory_space<vmem>>, vector<16xf32>,
    tpu.vector_store %arg17[%swap3A_2041], %gather3A_2040 {strides = array<i32>} : memref<3072xf32, #tpu.memory_space<vmem>>, vector<16xf32>,
    %get3A_2043 = arith.constant 992 : index
    %get3A_2044 = tpu.vector_load %arg12[%get3A_2043] {strides = array<i32>} : memref<1024xi32, #tpu.memory_space<vmem>>, vector<16xi32>,
    %sub3A_2045 = vector.broadcast %mul3A_32 : i32 to vector<16xi32>
    %sub3A_2046 = arith.subi %get3A_2044, %sub3A_2045 : vector<16xi32>
    %add3A_2047 = arith.constant 0 : i32
    %add3A_2048 = vector.broadcast %add3A_2047 : i32 to vector<16xi32>
    %add3A_2049 = arith.addi %sub3A_2046, %add3A_2048 : vector<16xi32>
    %gather3A_2050 = tpu.vector_load_idx %arg16[%add3A_2049] : memref<6144xf32, #tpu.memory_space<vmem>>[vector<16xi32>], vector<16xf32>,
    %swap3A_2051 = arith.constant 2016 : index
    %swap3A_2052 = tpu.vector_load %arg17[%swap3A_2051] {strides = array<i32>} : memref<3072xf32, #tpu.memory_space<vmem>>, vector<16xf32>,
    tpu.vector_store %arg17[%swap3A_2051], %gather3A_2050 {strides = array<i32>} : memref<3072xf32, #tpu.memory_space<vmem>>, vector<16xf32>,
    %add3A_2053 = arith.constant 2048 : i32
    %add3A_2054 = vector.broadcast %add3A_2053 : i32 to vector<16xi32>
    %add3A_2055 = arith.addi %sub3A_2046, %add3A_2054 : vector<16xi32>
    %gather3A_2056 = tpu.vector_load_idx %arg16[%add3A_2055] : memref<6144xf32, #tpu.memory_space<vmem>>[vector<16xi32>], vector<16xf32>,
    %swap3A_2057 = arith.constant 2528 : index
    %swap3A_2058 = tpu.vector_load %arg17[%swap3A_2057] {strides = array<i32>} : memref<3072xf32, #tpu.memory_space<vmem>>, vector<16xf32>,
    tpu.vector_store %arg17[%swap3A_2057], %gather3A_2056 {strides = array<i32>} : memref<3072xf32, #tpu.memory_space<vmem>>, vector<16xf32>,
    %add3A_2059 = arith.constant 4096 : i32
    %add3A_2060 = vector.broadcast %add3A_2059 : i32 to vector<16xi32>
    %add3A_2061 = arith.addi %sub3A_2046, %add3A_2060 : vector<16xi32>
    %gather3A_2062 = tpu.vector_load_idx %arg16[%add3A_2061] : memref<6144xf32, #tpu.memory_space<vmem>>[vector<16xi32>], vector<16xf32>,
    %swap3A_2063 = arith.constant 3040 : index
    %swap3A_2064 = tpu.vector_load %arg17[%swap3A_2063] {strides = array<i32>} : memref<3072xf32, #tpu.memory_space<vmem>>, vector<16xf32>,
    tpu.vector_store %arg17[%swap3A_2063], %gather3A_2062 {strides = array<i32>} : memref<3072xf32, #tpu.memory_space<vmem>>, vector<16xf32>,
    %get3A_2065 = arith.constant 1008 : index
    %get3A_2066 = tpu.vector_load %arg12[%get3A_2065] {strides = array<i32>} : memref<1024xi32, #tpu.memory_space<vmem>>, vector<16xi32>,
    %sub3A_2067 = vector.broadcast %mul3A_32 : i32 to vector<16xi32>
    %sub3A_2068 = arith.subi %get3A_2066, %sub3A_2067 : vector<16xi32>
    %add3A_2069 = arith.constant 0 : i32
    %add3A_2070 = vector.broadcast %add3A_2069 : i32 to vector<16xi32>
    %add3A_2071 = arith.addi %sub3A_2068, %add3A_2070 : vector<16xi32>
    %gather3A_2072 = tpu.vector_load_idx %arg16[%add3A_2071] : memref<6144xf32, #tpu.memory_space<vmem>>[vector<16xi32>], vector<16xf32>,
    %swap3A_2073 = arith.constant 2032 : index
    %swap3A_2074 = tpu.vector_load %arg17[%swap3A_2073] {strides = array<i32>} : memref<3072xf32, #tpu.memory_space<vmem>>, vector<16xf32>,
    tpu.vector_store %arg17[%swap3A_2073], %gather3A_2072 {strides = array<i32>} : memref<3072xf32, #tpu.memory_space<vmem>>, vector<16xf32>,
    %add3A_2075 = arith.constant 2048 : i32
    %add3A_2076 = vector.broadcast %add3A_2075 : i32 to vector<16xi32>
    %add3A_2077 = arith.addi %sub3A_2068, %add3A_2076 : vector<16xi32>
    %gather3A_2078 = tpu.vector_load_idx %arg16[%add3A_2077] : memref<6144xf32, #tpu.memory_space<vmem>>[vector<16xi32>], vector<16xf32>,
    %swap3A_2079 = arith.constant 2544 : index
    %swap3A_2080 = tpu.vector_load %arg17[%swap3A_2079] {strides = array<i32>} : memref<3072xf32, #tpu.memory_space<vmem>>, vector<16xf32>,
    tpu.vector_store %arg17[%swap3A_2079], %gather3A_2078 {strides = array<i32>} : memref<3072xf32, #tpu.memory_space<vmem>>, vector<16xf32>,
    %add3A_2081 = arith.constant 4096 : i32
    %add3A_2082 = vector.broadcast %add3A_2081 : i32 to vector<16xi32>
    %add3A_2083 = arith.addi %sub3A_2068, %add3A_2082 : vector<16xi32>
    %gather3A_2084 = tpu.vector_load_idx %arg16[%add3A_2083] : memref<6144xf32, #tpu.memory_space<vmem>>[vector<16xi32>], vector<16xf32>,
    %swap3A_2085 = arith.constant 3056 : index
    %swap3A_2086 = tpu.vector_load %arg17[%swap3A_2085] {strides = array<i32>} : memref<3072xf32, #tpu.memory_space<vmem>>, vector<16xf32>,
    tpu.vector_store %arg17[%swap3A_2085], %gather3A_2084 {strides = array<i32>} : memref<3072xf32, #tpu.memory_space<vmem>>, vector<16xf32>,
    %mul3A_2087 = arith.constant 512 : i32
    %mul3A_2088 = arith.muli %add3A, %mul3A_2087 : i32
    %add3A_2089 = arith.constant 0 : i32
    %add3A_2090 = arith.addi %add3A_2089, %mul3A_2088 : i32
    %dma_start3A_2091 = arith.constant 1536 : i32
    %dma_start3A_2092 = tpu.memref_slice %arg17[%dma_start3A_2091] : memref<3072xf32, #tpu.memory_space<vmem>> -> memref<512xf32, #tpu.memory_space<vmem>>
    %dma_start3A_2093 = tpu.memref_slice %arg9[%add3A_2090] : memref<49152xf32, #tpu.memory_space<hbm>> -> memref<512xf32, #tpu.memory_space<hbm>>
    %dma_start3A_2094 = tpu.memref_slice %arg9[%add3A_2090] : memref<49152xf32, #tpu.memory_space<hbm>> -> memref<512xf32, #tpu.memory_space<hbm>>
    %dma_start3A_2095 = arith.constant 1536 : i32
    %dma_start3A_2096 = tpu.memref_slice %arg17[%dma_start3A_2095] : memref<3072xf32, #tpu.memory_space<vmem>> -> memref<512xf32, #tpu.memory_space<vmem>>
    tpu.enqueue_dma source(%dma_start3A_2096 : memref<512xf32, #tpu.memory_space<vmem>>) target(%dma_start3A_2094 : memref<512xf32, #tpu.memory_space<hbm>>) target_semaphore(%arg22 : memref<!tpu.dma_semaphore, #tpu.memory_space<semaphore_mem>>)
    %mul3A_2097 = arith.constant 512 : i32
    %mul3A_2098 = arith.muli %add3A, %mul3A_2097 : i32
    %add3A_2099 = arith.constant 16384 : i32
    %add3A_2100 = arith.addi %add3A_2099, %mul3A_2098 : i32
    %dma_start3A_2101 = arith.constant 2048 : i32
    %dma_start3A_2102 = tpu.memref_slice %arg17[%dma_start3A_2101] : memref<3072xf32, #tpu.memory_space<vmem>> -> memref<512xf32, #tpu.memory_space<vmem>>
    %dma_start3A_2103 = tpu.memref_slice %arg9[%add3A_2100] : memref<49152xf32, #tpu.memory_space<hbm>> -> memref<512xf32, #tpu.memory_space<hbm>>
    %dma_start3A_2104 = tpu.memref_slice %arg9[%add3A_2100] : memref<49152xf32, #tpu.memory_space<hbm>> -> memref<512xf32, #tpu.memory_space<hbm>>
    %dma_start3A_2105 = arith.constant 2048 : i32
    %dma_start3A_2106 = tpu.memref_slice %arg17[%dma_start3A_2105] : memref<3072xf32, #tpu.memory_space<vmem>> -> memref<512xf32, #tpu.memory_space<vmem>>
    tpu.enqueue_dma source(%dma_start3A_2106 : memref<512xf32, #tpu.memory_space<vmem>>) target(%dma_start3A_2104 : memref<512xf32, #tpu.memory_space<hbm>>) target_semaphore(%arg22 : memref<!tpu.dma_semaphore, #tpu.memory_space<semaphore_mem>>)
    %mul3A_2107 = arith.constant 512 : i32
    %mul3A_2108 = arith.muli %add3A, %mul3A_2107 : i32
    %add3A_2109 = arith.constant 32768 : i32
    %add3A_2110 = arith.addi %add3A_2109, %mul3A_2108 : i32
    %dma_start3A_2111 = arith.constant 2560 : i32
    %dma_start3A_2112 = tpu.memref_slice %arg17[%dma_start3A_2111] : memref<3072xf32, #tpu.memory_space<vmem>> -> memref<512xf32, #tpu.memory_space<vmem>>
    %dma_start3A_2113 = tpu.memref_slice %arg9[%add3A_2110] : memref<49152xf32, #tpu.memory_space<hbm>> -> memref<512xf32, #tpu.memory_space<hbm>>
    %dma_start3A_2114 = tpu.memref_slice %arg9[%add3A_2110] : memref<49152xf32, #tpu.memory_space<hbm>> -> memref<512xf32, #tpu.memory_space<hbm>>
    %dma_start3A_2115 = arith.constant 2560 : i32
    %dma_start3A_2116 = tpu.memref_slice %arg17[%dma_start3A_2115] : memref<3072xf32, #tpu.memory_space<vmem>> -> memref<512xf32, #tpu.memory_space<vmem>>
    tpu.enqueue_dma source(%dma_start3A_2116 : memref<512xf32, #tpu.memory_space<vmem>>) target(%dma_start3A_2114 : memref<512xf32, #tpu.memory_space<hbm>>) target_semaphore(%arg22 : memref<!tpu.dma_semaphore, #tpu.memory_space<semaphore_mem>>)
    %dma_wait3A_2117 = arith.constant 896 : i32
    %dma_wait3A_2118 = tpu.memref_slice %arg12[%dma_wait3A_2117] : memref<1024xi32, #tpu.memory_space<vmem>> -> memref<128xi32, #tpu.memory_space<vmem>>
    %dma_wait3A_2119 = arith.constant 0 : i32
    %dma_wait3A_2120 = arith.constant 0 : i32
    %dma_wait3A_2121 = tpu.memref_slice %arg2[%dma_wait3A_2119, %dma_wait3A_2120] : memref<16384x256xf32, #tpu.memory_space<hbm>> -> memref<16384x256xf32, #tpu.memory_space<hbm>>
    tpu.wait_indirect_dma semaphore(%arg24 : memref<!tpu.dma_semaphore, #tpu.memory_space<semaphore_mem>>) src(%dma_wait3A_2121 : memref<16384x256xf32, #tpu.memory_space<hbm>>) dst(%arg14 : memref<128x256xf32, #tpu.memory_space<vmem>>)
    %mul3A_2122 = arith.constant 512 : i32
    %mul3A_2123 = arith.muli %add3A, %mul3A_2122 : i32
    %add3A_2124 = arith.constant 384 : i32
    %add3A_2125 = arith.addi %mul3A_2123, %add3A_2124 : i32
    %dma_start3A_2126 = arith.constant 0 : i32
    %dma_start3A_2127 = tpu.memref_slice %arg7[%add3A_2125, %dma_start3A_2126] : memref<16384x256xf32, #tpu.memory_space<hbm>> -> memref<128x256xf32, #tpu.memory_space<hbm>>
    %dma_start3A_2128 = arith.constant 0 : i32
    %dma_start3A_2129 = tpu.memref_slice %arg7[%add3A_2125, %dma_start3A_2128] : memref<16384x256xf32, #tpu.memory_space<hbm>> -> memref<128x256xf32, #tpu.memory_space<hbm>>
    tpu.enqueue_dma source(%arg14 : memref<128x256xf32, #tpu.memory_space<vmem>>) target(%dma_start3A_2129 : memref<128x256xf32, #tpu.memory_space<hbm>>) target_semaphore(%arg27 : memref<!tpu.dma_semaphore, #tpu.memory_space<semaphore_mem>>)
    %dma_wait3A_2130 = arith.constant 0 : i32
    %dma_wait3A_2131 = tpu.memref_slice %arg7[%add3A_1906, %dma_wait3A_2130] : memref<16384x256xf32, #tpu.memory_space<hbm>> -> memref<128x256xf32, #tpu.memory_space<hbm>>
    %dma_wait3A_2132 = arith.constant 0 : i32
    %dma_wait3A_2133 = tpu.memref_slice %arg7[%add3A_1906, %dma_wait3A_2132] : memref<16384x256xf32, #tpu.memory_space<hbm>> -> memref<128x256xf32, #tpu.memory_space<hbm>>
    tpu.wait_dma2 semaphore(%arg26 : memref<!tpu.dma_semaphore, #tpu.memory_space<semaphore_mem>>) src(%arg13 : memref<128x256xf32, #tpu.memory_space<vmem>>) dst(%dma_wait3A_2133 : memref<128x256xf32, #tpu.memory_space<hbm>>)
    %dma_wait3A_2134 = arith.constant 0 : i32
    %dma_wait3A_2135 = tpu.memref_slice %arg7[%add3A_2125, %dma_wait3A_2134] : memref<16384x256xf32, #tpu.memory_space<hbm>> -> memref<128x256xf32, #tpu.memory_space<hbm>>
    %dma_wait3A_2136 = arith.constant 0 : i32
    %dma_wait3A_2137 = tpu.memref_slice %arg7[%add3A_2125, %dma_wait3A_2136] : memref<16384x256xf32, #tpu.memory_space<hbm>> -> memref<128x256xf32, #tpu.memory_space<hbm>>
    tpu.wait_dma2 semaphore(%arg27 : memref<!tpu.dma_semaphore, #tpu.memory_space<semaphore_mem>>) src(%arg14 : memref<128x256xf32, #tpu.memory_space<vmem>>) dst(%dma_wait3A_2137 : memref<128x256xf32, #tpu.memory_space<hbm>>)
    %dma_wait3A_2138 = arith.constant 0 : i32
    %dma_wait3A_2139 = tpu.memref_slice %arg7[%add3A_1708, %dma_wait3A_2138] : memref<16384x256xf32, #tpu.memory_space<hbm>> -> memref<128x256xf32, #tpu.memory_space<hbm>>
    %dma_wait3A_2140 = arith.constant 0 : i32
    %dma_wait3A_2141 = tpu.memref_slice %arg7[%add3A_1708, %dma_wait3A_2140] : memref<16384x256xf32, #tpu.memory_space<hbm>> -> memref<128x256xf32, #tpu.memory_space<hbm>>
    tpu.wait_dma2 semaphore(%arg28 : memref<!tpu.dma_semaphore, #tpu.memory_space<semaphore_mem>>) src(%arg15 : memref<128x256xf32, #tpu.memory_space<vmem>>) dst(%dma_wait3A_2141 : memref<128x256xf32, #tpu.memory_space<hbm>>)
    %dma_wait3A_2142 = arith.constant 0 : i32
    %dma_wait3A_2143 = arith.constant 0 : i32
    %dma_wait3A_2144 = tpu.memref_slice %arg18[%dma_wait3A_2142, %dma_wait3A_2143] : memref<16x256xf32, #tpu.memory_space<vmem>> -> memref<8x256xf32, #tpu.memory_space<vmem>>
    %dma_wait3A_2145 = arith.constant 0 : i32
    %dma_wait3A_2146 = tpu.memref_slice %arg10[%mul3A_855, %dma_wait3A_2145] : memref<256x256xf32, #tpu.memory_space<hbm>> -> memref<8x256xf32, #tpu.memory_space<hbm>>
    %dma_wait3A_2147 = arith.constant 0 : i32
    %dma_wait3A_2148 = tpu.memref_slice %arg10[%mul3A_855, %dma_wait3A_2147] : memref<256x256xf32, #tpu.memory_space<hbm>> -> memref<8x256xf32, #tpu.memory_space<hbm>>
    %dma_wait3A_2149 = arith.constant 0 : i32
    %dma_wait3A_2150 = arith.constant 0 : i32
    %dma_wait3A_2151 = tpu.memref_slice %arg18[%dma_wait3A_2149, %dma_wait3A_2150] : memref<16x256xf32, #tpu.memory_space<vmem>> -> memref<8x256xf32, #tpu.memory_space<vmem>>
    tpu.wait_dma2 semaphore(%arg20 : memref<!tpu.dma_semaphore, #tpu.memory_space<semaphore_mem>>) src(%dma_wait3A_2151 : memref<8x256xf32, #tpu.memory_space<vmem>>) dst(%dma_wait3A_2148 : memref<8x256xf32, #tpu.memory_space<hbm>>)
    %dma_wait3A_2152 = arith.constant 8 : i32
    %dma_wait3A_2153 = arith.constant 0 : i32
    %dma_wait3A_2154 = tpu.memref_slice %arg18[%dma_wait3A_2152, %dma_wait3A_2153] : memref<16x256xf32, #tpu.memory_space<vmem>> -> memref<8x256xf32, #tpu.memory_space<vmem>>
    %dma_wait3A_2155 = arith.constant 0 : i32
    %dma_wait3A_2156 = tpu.memref_slice %arg11[%mul3A_867, %dma_wait3A_2155] : memref<256x256xf32, #tpu.memory_space<hbm>> -> memref<8x256xf32, #tpu.memory_space<hbm>>
    %dma_wait3A_2157 = arith.constant 0 : i32
    %dma_wait3A_2158 = tpu.memref_slice %arg11[%mul3A_867, %dma_wait3A_2157] : memref<256x256xf32, #tpu.memory_space<hbm>> -> memref<8x256xf32, #tpu.memory_space<hbm>>
    %dma_wait3A_2159 = arith.constant 8 : i32
    %dma_wait3A_2160 = arith.constant 0 : i32
    %dma_wait3A_2161 = tpu.memref_slice %arg18[%dma_wait3A_2159, %dma_wait3A_2160] : memref<16x256xf32, #tpu.memory_space<vmem>> -> memref<8x256xf32, #tpu.memory_space<vmem>>
    tpu.wait_dma2 semaphore(%arg21 : memref<!tpu.dma_semaphore, #tpu.memory_space<semaphore_mem>>) src(%dma_wait3A_2161 : memref<8x256xf32, #tpu.memory_space<vmem>>) dst(%dma_wait3A_2158 : memref<8x256xf32, #tpu.memory_space<hbm>>)
    %dma_wait3A_2162 = arith.constant 0 : i32
    %dma_wait3A_2163 = tpu.memref_slice %arg17[%dma_wait3A_2162] : memref<3072xf32, #tpu.memory_space<vmem>> -> memref<512xf32, #tpu.memory_space<vmem>>
    %dma_wait3A_2164 = tpu.memref_slice %arg8[%add3A_1277] : memref<49152xf32, #tpu.memory_space<hbm>> -> memref<512xf32, #tpu.memory_space<hbm>>
    %dma_wait3A_2165 = tpu.memref_slice %arg8[%add3A_1277] : memref<49152xf32, #tpu.memory_space<hbm>> -> memref<512xf32, #tpu.memory_space<hbm>>
    %dma_wait3A_2166 = arith.constant 0 : i32
    %dma_wait3A_2167 = tpu.memref_slice %arg17[%dma_wait3A_2166] : memref<3072xf32, #tpu.memory_space<vmem>> -> memref<512xf32, #tpu.memory_space<vmem>>
    tpu.wait_dma2 semaphore(%arg22 : memref<!tpu.dma_semaphore, #tpu.memory_space<semaphore_mem>>) src(%dma_wait3A_2167 : memref<512xf32, #tpu.memory_space<vmem>>) dst(%dma_wait3A_2165 : memref<512xf32, #tpu.memory_space<hbm>>)
    %dma_wait3A_2168 = arith.constant 512 : i32
    %dma_wait3A_2169 = tpu.memref_slice %arg17[%dma_wait3A_2168] : memref<3072xf32, #tpu.memory_space<vmem>> -> memref<512xf32, #tpu.memory_space<vmem>>
    %dma_wait3A_2170 = tpu.memref_slice %arg8[%add3A_1287] : memref<49152xf32, #tpu.memory_space<hbm>> -> memref<512xf32, #tpu.memory_space<hbm>>
    %dma_wait3A_2171 = tpu.memref_slice %arg8[%add3A_1287] : memref<49152xf32, #tpu.memory_space<hbm>> -> memref<512xf32, #tpu.memory_space<hbm>>
    %dma_wait3A_2172 = arith.constant 512 : i32
    %dma_wait3A_2173 = tpu.memref_slice %arg17[%dma_wait3A_2172] : memref<3072xf32, #tpu.memory_space<vmem>> -> memref<512xf32, #tpu.memory_space<vmem>>
    tpu.wait_dma2 semaphore(%arg22 : memref<!tpu.dma_semaphore, #tpu.memory_space<semaphore_mem>>) src(%dma_wait3A_2173 : memref<512xf32, #tpu.memory_space<vmem>>) dst(%dma_wait3A_2171 : memref<512xf32, #tpu.memory_space<hbm>>)
    %dma_wait3A_2174 = arith.constant 1024 : i32
    %dma_wait3A_2175 = tpu.memref_slice %arg17[%dma_wait3A_2174] : memref<3072xf32, #tpu.memory_space<vmem>> -> memref<512xf32, #tpu.memory_space<vmem>>
    %dma_wait3A_2176 = tpu.memref_slice %arg8[%add3A_1297] : memref<49152xf32, #tpu.memory_space<hbm>> -> memref<512xf32, #tpu.memory_space<hbm>>
    %dma_wait3A_2177 = tpu.memref_slice %arg8[%add3A_1297] : memref<49152xf32, #tpu.memory_space<hbm>> -> memref<512xf32, #tpu.memory_space<hbm>>
    %dma_wait3A_2178 = arith.constant 1024 : i32
    %dma_wait3A_2179 = tpu.memref_slice %arg17[%dma_wait3A_2178] : memref<3072xf32, #tpu.memory_space<vmem>> -> memref<512xf32, #tpu.memory_space<vmem>>
    tpu.wait_dma2 semaphore(%arg22 : memref<!tpu.dma_semaphore, #tpu.memory_space<semaphore_mem>>) src(%dma_wait3A_2179 : memref<512xf32, #tpu.memory_space<vmem>>) dst(%dma_wait3A_2177 : memref<512xf32, #tpu.memory_space<hbm>>)
    %dma_wait3A_2180 = arith.constant 1536 : i32
    %dma_wait3A_2181 = tpu.memref_slice %arg17[%dma_wait3A_2180] : memref<3072xf32, #tpu.memory_space<vmem>> -> memref<512xf32, #tpu.memory_space<vmem>>
    %dma_wait3A_2182 = tpu.memref_slice %arg9[%add3A_2090] : memref<49152xf32, #tpu.memory_space<hbm>> -> memref<512xf32, #tpu.memory_space<hbm>>
    %dma_wait3A_2183 = tpu.memref_slice %arg9[%add3A_2090] : memref<49152xf32, #tpu.memory_space<hbm>> -> memref<512xf32, #tpu.memory_space<hbm>>
    %dma_wait3A_2184 = arith.constant 1536 : i32
    %dma_wait3A_2185 = tpu.memref_slice %arg17[%dma_wait3A_2184] : memref<3072xf32, #tpu.memory_space<vmem>> -> memref<512xf32, #tpu.memory_space<vmem>>
    tpu.wait_dma2 semaphore(%arg22 : memref<!tpu.dma_semaphore, #tpu.memory_space<semaphore_mem>>) src(%dma_wait3A_2185 : memref<512xf32, #tpu.memory_space<vmem>>) dst(%dma_wait3A_2183 : memref<512xf32, #tpu.memory_space<hbm>>)
    %dma_wait3A_2186 = arith.constant 2048 : i32
    %dma_wait3A_2187 = tpu.memref_slice %arg17[%dma_wait3A_2186] : memref<3072xf32, #tpu.memory_space<vmem>> -> memref<512xf32, #tpu.memory_space<vmem>>
    %dma_wait3A_2188 = tpu.memref_slice %arg9[%add3A_2100] : memref<49152xf32, #tpu.memory_space<hbm>> -> memref<512xf32, #tpu.memory_space<hbm>>
    %dma_wait3A_2189 = tpu.memref_slice %arg9[%add3A_2100] : memref<49152xf32, #tpu.memory_space<hbm>> -> memref<512xf32, #tpu.memory_space<hbm>>
    %dma_wait3A_2190 = arith.constant 2048 : i32
    %dma_wait3A_2191 = tpu.memref_slice %arg17[%dma_wait3A_2190] : memref<3072xf32, #tpu.memory_space<vmem>> -> memref<512xf32, #tpu.memory_space<vmem>>
    tpu.wait_dma2 semaphore(%arg22 : memref<!tpu.dma_semaphore, #tpu.memory_space<semaphore_mem>>) src(%dma_wait3A_2191 : memref<512xf32, #tpu.memory_space<vmem>>) dst(%dma_wait3A_2189 : memref<512xf32, #tpu.memory_space<hbm>>)
    %dma_wait3A_2192 = arith.constant 2560 : i32
    %dma_wait3A_2193 = tpu.memref_slice %arg17[%dma_wait3A_2192] : memref<3072xf32, #tpu.memory_space<vmem>> -> memref<512xf32, #tpu.memory_space<vmem>>
    %dma_wait3A_2194 = tpu.memref_slice %arg9[%add3A_2110] : memref<49152xf32, #tpu.memory_space<hbm>> -> memref<512xf32, #tpu.memory_space<hbm>>
    %dma_wait3A_2195 = tpu.memref_slice %arg9[%add3A_2110] : memref<49152xf32, #tpu.memory_space<hbm>> -> memref<512xf32, #tpu.memory_space<hbm>>
    %dma_wait3A_2196 = arith.constant 2560 : i32
    %dma_wait3A_2197 = tpu.memref_slice %arg17[%dma_wait3A_2196] : memref<3072xf32, #tpu.memory_space<vmem>> -> memref<512xf32, #tpu.memory_space<vmem>>
    tpu.wait_dma2 semaphore(%arg22 : memref<!tpu.dma_semaphore, #tpu.memory_space<semaphore_mem>>) src(%dma_wait3A_2197 : memref<512xf32, #tpu.memory_space<vmem>>) dst(%dma_wait3A_2195 : memref<512xf32, #tpu.memory_space<hbm>>)
    return
  }
}

</mosaic_0001>

<sc_bundles>
// kernel: kernel.3.cloned.1.call-start
scs
__scs_entry_jumppad:
0x0: {  	(pc) =	sbr.rel $0x88, $3  }
0x1: {  	(tag) =	ssettag $0x0;
	lr =	simm.s32 $0x1  }
0x2: {  	[smem:$0x3F9B] =	sst lr;
	_ =	strace $0xD0000000  }
0x3: {  	_ = 	snop  }
0x4: {  	_ = 	snop  }
0x5: {  	_ = 	snop  }
0x6: {  	_ = 	snop  }
0x7: {  	_ = 	snop  }
__scs_overlays_trampoline_lowered:
0x8: {  	[smem:$0x3FAA] =	sst s0  }
0x9: {  	[smem:$0x3FAB] =	sst s1  }
0xa: {  	[smem:$0x3FAC] =	sst s2  }
0xb: {  	[smem:$0x3FAD] =	sst s3  }
0xc: {  	[smem:$0x3FAE] =	sst s4  }
0xd: {  	[smem:$0x3FAF] =	sst s5  }
0xe: {  	[smem:$0x3FB0] =	sst s6  }
0xf: {  	[smem:$0x3FB1] =	sst s7  }
0x10: {  	[smem:$0x3FB2] =	sst s8  }
0x11: {  	[smem:$0x3FB3] =	sst s9;
	s0 =	simm.s32 @!p0 $0x0  }
0x12: {  	s1 =	sld [smem:$0x3F99];
	s0 =	simm.s32 @p0 $0x1  }
0x13: {  	[smem:$0x3FB4] =	sst s0;
	s0 =	simm.s32 @!p1 $0x0  }
0x14: {  	s2 =	sld [smem:$0x3F98];
	s0 =	simm.s32 @p1 $0x1  }
0x15: {  	[smem:$0x3FB5] =	sst s0;
	s0 =	simm.s32 @!p2 $0x0  }
0x16: {  	s3 =	sld [smem:$0x3FDB];
	s0 =	simm.s32 @p2 $0x1  }
0x17: {  	s4 =	simm.s32 $0x1BF5;
	[smem:$0x3FB7] =	sst s0  }
0x18: {  	s0 =	sld [smem:$0x3F9A];
	_ =	swait.ge [sflag:s4], $0x0  }
0x19: {  	s7 =	sld [smem:$0x3F9B]  }
0x1a: {  	s8 =	sadd.s32 $0xFFFFE003, lr  }
0x1b: {  	s9 =	sadd.s32 $0xFFFFFEF7, lr;
	s5 =	simm.s32 $0xFFFFFFFF;
	p2 =	slt.u32 s8, $0xFFFFF086  }
0x1c: {  	p1 =	slt.u32 s9, $0xF7A;
	s5 =	simm.s32 @!p2 $0x0  }
0x1d: {  	s5 =	simm.s32 @p1 $0x1;
	p0 =	seq.s32 s7, s2  }
0x1e: {  	s7 =	smul.u32 @!p0 $0xF7A, s2;
	p2 =	seq.s32 @!p0 s5, $0x0  }
0x1f: {  	s9 =	smul.u32 $0xF7A, s1;
	s8 =	simm.s32 @!p0 $0x1BF5;
	p2 =	por !p2, p0  }
0x20: {  	[sflag:s8] =	ssyncset.s32 @!p0 $0xFFFFF086;
	s6 =	sadd.s32 @!p0 s3, s7;
	s7 =	simm.s32 @!p0 $0x108  }
0x21: {  	s3 =	sadd.s32 s3, s9;
	s6 =	sadd.s32 @!p0 $0x88, s6;
	s7 =	simm.s32 @p2 $0x1082  }
0x22: {  	[simem:s7], [sflag:s8] =	dma.local @!p0 [hbm:s6], $0xF7A  }
0x23: {  	s9 =	sor.u32 $0xD0000000, s2;
	s6 =	simm.s32 $0x108;
	_ =	swait.ge @!p0 [sflag:s8], $0x0  }
0x24: {  	s3 =	sadd.s32 $0x88, s3;
	s6 =	simm.s32 @!p1 $0x1082;
	[sflag:s4] =	ssyncset.s32 $0xFFFFF086  }
0x25: {  	[simem:s6], [sflag:s4] =	dma.local [hbm:s3], $0xF7A  }
0x26: {  	[smem:$0x3F9B] =	sst s1;
	(tag) =	ssettag s2;
	_ =	strace s9  }
0x27: {  	s1 =	sld [smem:$0x3FAB]  }
0x28: {  	s2 =	sld [smem:$0x3FAC]  }
0x29: {  	s4 =	sld [smem:$0x3FAE]  }
0x2a: {  	p0 =	seq.s32 s5, $0x0;
	s5 =	sld [smem:$0x3FAF]  }
0x2b: {  	s6 =	sld [smem:$0x3FB0]  }
0x2c: {  	s7 =	sld [smem:$0x3FB1]  }
0x2d: {  	s3 =	simm.s32 $0x108;
	s8 =	sld [smem:$0x3FB2]  }
0x2e: {  	s3 =	simm.s32 @!p0 $0x1082;
	s9 =	sld [smem:$0x3FB3]  }
0x2f: {  	lr =	sadd.s32 s0, s3;
	s0 =	sld [smem:$0x3FAA]  }
0x30: {  	s3 =	sld [smem:$0x3FAD]  }
0x31: {  	[smem:$0x3FB6] =	sst s10  }
0x32: {  	s10 =	sld [smem:$0x3FB4];
	_ =	sdelay $0x3  }
0x33: {  	p0 =	seq.s32 s10, $0x1;
	s10 =	sld [smem:$0x3FB6];
	_ =	sdelay $0x3  }
0x34: {  	[smem:$0x3FB6] =	sst s10  }
0x35: {  	s10 =	sld [smem:$0x3FB5];
	_ =	sdelay $0x3  }
0x36: {  	p1 =	seq.s32 s10, $0x1;
	s10 =	sld [smem:$0x3FB6];
	_ =	sdelay $0x3  }
0x37: {  	[smem:$0x3FB6] =	sst s10  }
0x38: {  	s10 =	sld [smem:$0x3FB7]  }
0x39: {  	_ = 	snop;
	(pc) =	sbr.ind lr, $3  }
0x3a: {  	_ = 	snop  }
0x3b: {  	_ = 	snop  }
0x3c: {  	p2 =	seq.s32 s10, $0x1;
	s10 =	sld [smem:$0x3FB6]  }
0x3d: {  	_ =	shalt  }
0x3e: {  	_ =	shalt  }
0x3f: {  	_ =	shalt  }
0x40: {  	_ =	shalt  }
0x41: {  	_ =	shalt  }
0x42: {  	_ =	shalt  }
0x43: {  	_ =	shalt  }
0x44: {  	_ =	shalt  }
0x45: {  	_ =	shalt  }
0x46: {  	_ =	shalt  }
0x47: {  	_ =	shalt  }
0x48: {  	_ =	shalt  }
0x49: {  	_ =	shalt  }
0x4a: {  	_ =	shalt  }
0x4b: {  	_ =	shalt  }
0x4c: {  	_ =	shalt  }
0x4d: {  	_ =	shalt  }
0x4e: {  	_ =	shalt  }
0x4f: {  	_ =	shalt  }
0x50: {  	_ =	shalt  }
0x51: {  	_ =	shalt  }
0x52: {  	_ =	shalt  }
0x53: {  	_ =	shalt  }
0x54: {  	_ =	shalt  }
0x55: {  	_ =	shalt  }
0x56: {  	_ =	shalt  }
0x57: {  	_ =	shalt  }
0x58: {  	_ =	shalt  }
0x59: {  	_ =	shalt  }
0x5a: {  	_ =	shalt  }
0x5b: {  	_ =	shalt  }
0x5c: {  	_ =	shalt  }
0x5d: {  	_ =	shalt  }
0x5e: {  	_ =	shalt  }
0x5f: {  	_ =	shalt  }
0x60: {  	_ =	shalt  }
0x61: {  	_ =	shalt  }
0x62: {  	_ =	shalt  }
0x63: {  	_ =	shalt  }
0x64: {  	_ =	shalt  }
0x65: {  	_ =	shalt  }
0x66: {  	_ =	shalt  }
0x67: {  	_ =	shalt  }
0x68: {  	_ =	shalt  }
0x69: {  	_ =	shalt  }
0x6a: {  	_ =	shalt  }
0x6b: {  	_ =	shalt  }
0x6c: {  	_ =	shalt  }
0x6d: {  	_ =	shalt  }
0x6e: {  	_ =	shalt  }
0x6f: {  	_ =	shalt  }
0x70: {  	_ =	shalt  }
0x71: {  	_ =	shalt  }
0x72: {  	_ =	shalt  }
0x73: {  	_ =	shalt  }
0x74: {  	_ =	shalt  }
0x75: {  	_ =	shalt  }
0x76: {  	_ =	shalt  }
0x77: {  	_ =	shalt  }
0x78: {  	_ =	shalt  }
0x79: {  	_ =	shalt  }
0x7a: {  	_ =	shalt  }
0x7b: {  	_ =	shalt  }
0x7c: {  	_ =	shalt  }
0x7d: {  	_ =	shalt  }
0x7e: {  	_ =	shalt  }
0x7f: {  	_ =	shalt  }
0x80: {  	_ =	shalt  }
0x81: {  	_ =	shalt  }
0x82: {  	_ =	shalt  }
0x83: {  	_ =	shalt  }
0x84: {  	_ =	shalt  }
0x85: {  	_ =	shalt  }
0x86: {  	_ =	shalt  }
0x87: {  	_ =	shalt  }
.Lfunc_end0:
.L_simem_size_0:
called_computation_lowered:
.L_overlay_start_0:
0x88: {  	s2 =	sld [smem:$0x3FD9]  }
0x89: {  	s3 =	sld [smem:$0x3FFE];
	_ =	sdelay $0x1  }
0x8a: {  	s1 =	srdreg.scid  }
0x8b: {  	s0 =	sand.u32 $0x1, s1  }
0x8c: {  	s14 =	sshll.u32 s0, $0xA;
	s2 =	sadd.s32 s3, s2  }
0x8d: {  	s2 =	sadd.s32 s2, s14  }
0x8e: {  	[smem:$0x3FC2] =	sst s2  }
0x8f: {  	_ = 	snop  }
0x90: {  	s2 =	sld [smem:$0x3FD0];
	_ =	sdelay $0x1  }
0x91: {  	s15 =	sld [smem:$0x3FC9]  }
0x92: {  	s5 =	simm.s32 $0xA;
	s6 =	simm.s32 $0x10;
	s4 =	sld [smem:$0x3FC7]  }
0x93: {  	[smem:s6], [sflag:s5] =	dma.local [hbm:s2], $0x1  }
0x94: {  	_ =	swait.eq [sflag:s5], $0x1  }
0x95: {  	s16 =	sld [smem:$0x10]  }
0x96: {  	s17 =	sld [smem:$0x11]  }
0x97: {  	s7 =	sld [smem:$0x12]  }
0x98: {  	s8 =	sld [smem:$0x13];
	[sflag:s5] =	ssyncset.done $0x0  }
0x99: {  	s9 =	sld [smem:$0x14];
	[sflag:s5] =	ssyncadd.s32 $0xFFFFFFFF  }
0x9a: {  	s18 =	sld [smem:$0x15];
	(tm) =	ssettm $0x1  }
0x9b: {  	s10 =	sld [smem:$0x3FFB];
	_ =	sdelay $0x3  }
0x9c: {  	_ =	strace s10  }
0x9d: {  	s10 =	sld [smem:$0x3FFC];
	_ =	sdelay $0x3  }
0x9e: {  	_ =	strace s10  }
0x9f: {  	s10 =	sld [smem:$0x3FFD];
	_ =	sdelay $0x3  }
0xa0: {  	_ =	strace s10  }
0xa1: {  	_ =	strace $0x8FFFFFFF  }
0xa2: {  	s19 =	sld [smem:$0x3FDB];
	_ =	sdelay $0x1  }
0xa3: {  	s11 =	simm.s32 $_scs_section_size  }
0xa4: {  	s12 =	simm.s32 $_size__tile_overlayer_lowered;
	s13 =	simm.s32 $_tile_overlayer_lowered  }
0xa5: {  	s22 =	simm.s32 $0x1BFF;
	s21 =	sshll.u32 s13, $0x1;
	s10 =	sadd.s32 s11, s19  }
0xa6: {  	s20 =	sshll.u32 s12, $0x1;
	s14 =	simm.s32 $0x0;
	s12 =	sadd.s32 s21, s10  }
0xa7: {  	[timem:s14], [sflag:s22] =	dma.local [hbm:s12], s20  }
0xa8: {  	_ =	swait.ge [sflag:s22], s20  }
0xa9: {  	s11 =	ssub.s32 $0x0, s20;
	[sflag:s22] =	ssyncset.done $0x0  }
0xaa: {  	[sflag:s22] =	ssyncadd.s32 s11;
	_ =	sdelay $0x1  }
0xab: {  	s23 =	simm.s32 $0x1B8B  }
0xac: {  	_ =	swait.ge [sflag:s23], $0x1  }
0xad: {  	[sflag:s23] =	ssyncset.done $0x0  }
0xae: {  	s25 =	simm.s32 $0x1B8E;
	s24 =	sld [smem:$0x3FFE];
	[sflag:s23] =	ssyncadd.s32 $0xFFFFFFFF  }
0xaf: {  	s26 =	simm.s32 $execute0_lowered;
	[smem:$0x3FD2] =	sst s25  }
0xb0: {  	s12 =	sshll.u32 s26, $0x1;
	_ =	strace $0x80000046;
	[dreg:$0x1] =	wrdreg $0xFFFFFFFF  }
0xb1: {  	s28 =	simm.s32 $_size_execute0_lowered;
	s10 =	sadd.s32 s10, s12;
	[dreg:$0x0] =	wrdreg $0x0  }
0xb2: {  	s12 =	sshll.u32 s28, $0x1;
	[dreg:$0x2] =	wrdreg s10  }
0xb3: {  	[dreg:$0x3] =	wrdreg s12  }
0xb4: {  	[dreg:$0x4] =	wrdreg $0xC0  }
0xb5: {  	_ =	task [dreg:s14], $0x5FFFF  }
0xb6: {  	[dreg:$0x1] =	wrdreg $0xFFFFFFFF  }
0xb7: {  	[dreg:$0x0] =	wrdreg $0x60  }
0xb8: {  	[dreg:$0x2] =	wrdreg s15  }
0xb9: {  	[dreg:$0x3] =	wrdreg s17  }
0xba: {  	[dreg:$0x4] =	wrdreg s4  }
0xbb: {  	[dreg:$0x5] =	wrdreg s24  }
0xbc: {  	[dreg:$0x6] =	wrdreg s7  }
0xbd: {  	[dreg:$0x7] =	wrdreg s8  }
0xbe: {  	[dreg:$0x8] =	wrdreg s16  }
0xbf: {  	[dreg:$0x9] =	wrdreg s9  }
0xc0: {  	[dreg:$0xa] =	wrdreg s18  }
0xc1: {  	[dreg:$0xb] =	wrdreg $0x9  }
0xc2: {  	_ =	task.clear_ibuf [dreg:s14], $0xCFFFF;
	_ =	strace $0x90000046  }
0xc3: {  	s29 =	simm.s32 $0x9;
	_ =	strace $0x80000048  }
0xc4: {  	_ =	swait.ge [sflag:s29], $0x1  }
0xc5: {  	[sflag:s29] =	ssyncadd.s32 $0xFFFFFFFF  }
0xc6: {  	_ =	strace $0x90000048  }
0xc7: {  	_ =	sfence  }
0xc8: {  	s30 =	sld [smem:$0x0];
	_ =	sdelay $0x2  }
0xc9: {  	s31 =	sshll.u32 s1, $0xD;
	s1 =	sshrl.u32 s1, $0x2  }
0xca: {  	s3 =	sand.u32 $0x4000, s31;
	s1 =	sadd.s32 s1, s30  }
0xcb: {  	s0 =	sor.u32 s3, s0;
	s1 =	sshll.u32 s1, $0x11  }
0xcc: {  	s0 =	sor.u32 s1, s0  }
0xcd: {  	s0 =	sadd.s32 $0x8F2B, s0  }
0xce: {  	[sflag:s0] =	ssyncadd.remote.s32 $0x1  }
0xcf: {  	_ =	sfence.sel $0xFFFF  }
0xd0: {  	[dreg:$0x0] =	wrdreg $0xFFFFFFFF;
	(pc) =	sbr.abs _section_cstart, $3  }
0xd1: {  	[dreg:$0x1] =	wrdreg $0xFFFFFFFF  }
0xd2: {  	_ =	task.clear_ibuf [dreg:s14], $0x2FFFF;
	_ =	strace $0x9FFFFFFF  }
0xd3: {  	(tm) =	ssettm $0x7FFFFFFF  }
tec
execute0_lowered:
.L_overlay_start_1:
0x0: {  	(tag) =	ssettag $0x1  }
0x1: {  	s0 =	rddreg [dreg:$0x0]  }
0x2: {  	s4 =	rddreg [dreg:$0x1]  }
0x3: {  	s5 =	rddreg [dreg:$0x2]  }
0x4: {  	s2 =	rddreg [dreg:$0x3]  }
0x5: {  	s6 =	rddreg [dreg:$0x4]  }
0x6: {  	s1 =	rddreg [dreg:$0x5]  }
0x7: {  	s7 =	rddreg [dreg:$0x6]  }
0x8: {  	s8 =	rddreg [dreg:$0x7]  }
0x9: {  	s9 =	rddreg [dreg:$0x8]  }
0xa: {  	s10 =	srdreg.scid;
	s12 =	stileid.u32  }
0xb: {  	s3 =	simm.s32 $0x0;
	s29 =	simm.s32 $0x4;
	s10 =	sand.u32 $0x1, s10  }
0xc: {  	s11 =	sshll.u32 s12, $0x1;
	[smem:$0x7FF] =	sst s3;
	s12 =	sshrl.u32 s12, $0x1  }
0xd: {  	s11 =	sor.u32 s10, s11;
	_ =	strace $0x80000047;
	s14 =	smul.u32 $0x300, s12  }
0xe: {  	s22 =	sshll.u32 s12, $0xB;
	s12 =	sshll.u32 s12, $0x9;
	s13 =	sand.u32 $0x3, s11  }
0xf: {  	s15 =	sshll.u32 s13, $0x8;
	s4 =	sadd.s32 s4, s14;
	s14 =	sshll.u32 s11, $0x8  }
0x10: {  	s15 =	sor.u32 s22, s15;
	[dreg:$0xa] =	wrdreg s4;
	s16 =	sadd.s32 s9, s14  }
0x11: {  	s13 =	sshll.u32 s13, $0x6;
	s25 =	sadd.s32 s5, s15;
	[dreg:$0x10] =	wrdreg s16  }
0x12: {  	s12 =	sor.u32 s12, s13;
	s15 =	sadd.s32 s8, s14;
	[smem:$0x7F8] =	sst s25  }
0x13: {  	s26 =	sadd.s32 s12, s2;
	s30 =	sadd.s32 $0x400, s25;
	[dreg:$0xf] =	wrdreg s15  }
0x14: {  	s28 =	simm.s32 $0x3;
	s31 =	sadd.s32 $0xE00, s26;
	[dreg:$0xb] =	wrdreg s30  }
0x15: {  	s5 =	sshll.u32 s11, $0xE;
	s12 =	sadd.s32 $0xF00, s26;
	[dreg:$0xc] =	wrdreg s31  }
0x16: {  	s11 =	sshll.u32 s11, $0x6;
	s13 =	sadd.s32 s6, s5;
	[dreg:$0xd] =	wrdreg s12  }
0x17: {  	s2 =	sadd.s32 $0x1E00, s2;
	s21 =	sadd.s32 s7, s11;
	[dreg:$0xe] =	wrdreg s13  }
0x18: {  	s17 =	sor.u32 $0x1000, s5;
	s16 =	sadd.s32 s2, s11;
	[dreg:$0x13] =	wrdreg s21  }
0x19: {  	s19 =	sor.u32 $0x2000, s5;
	s18 =	sadd.s32 s6, s17;
	[dreg:$0x1a] =	wrdreg s16  }
0x1a: {  	s23 =	sor.u32 $0x800, s11;
	s20 =	sadd.s32 s6, s19;
	[dreg:$0x11] =	wrdreg s18  }
0x1b: {  	s25 =	sor.u32 $0x1000, s11;
	s24 =	sadd.s32 s7, s23;
	[dreg:$0x12] =	wrdreg s20  }
0x1c: {  	v0 =	vmov s22;
	s22 =	simm.s32 $0x6;
	s26 =	sadd.s32 s7, s25;
	[dreg:$0x14] =	wrdreg s24  }
0x1d: {  	s8 =	simm.s32 $0x5;
	s14 =	sadd.s32 s1, s17;
	[dreg:$0x15] =	wrdreg s26  }
0x1e: {  	s11 =	simm.s32 $0x12C00;
	s15 =	sadd.s32 s1, s19;
	[dreg:$0x18] =	wrdreg s14  }
0x1f: {  	s30 =	sor.u32 $0x3000, s5;
	s21 =	simm.s32 $0x200;
	[dreg:$0x19] =	wrdreg s15  }
0x20: {  	s17 =	ssub.s32 $0x2, s10;
	s31 =	sadd.s32 s6, s30;
	[dreg:$0x1e] =	wrdreg s21  }
0x21: {  	s10 =	simm.s32 $0x12400;
	s6 =	sadd.s32 s1, s5;
	[dreg:$0x16] =	wrdreg s31  }
0x22: {  	s12 =	simm.s32 $0x13400;
	s18 =	sadd.s32 s2, s23;
	[dreg:$0x17] =	wrdreg s6  }
0x23: {  	s13 =	simm.s32 $0x13C00;
	s2 =	sadd.s32 s2, s25;
	[dreg:$0x1b] =	wrdreg s18  }
0x24: {  	s16 =	simm.s32 $0x15400;
	s1 =	sadd.s32 s1, s30;
	[dreg:$0x1c] =	wrdreg s2  }
0x25: {  	s19 =	sshrl.u32 s17, $0x1;
	s23 =	simm.s32 $0x19C00;
	[dreg:$0x1d] =	wrdreg s1  }
0x26: {  	s24 =	simm.s32 $0x19E00;
	s25 =	simm.s32 $0x1A000;
	[dreg:$0x1f] =	wrdreg s23  }
0x27: {  	s26 =	simm.s32 $0x1A200;
	s30 =	simm.s32 $0x1A400;
	[smem:$0x7F9] =	sst s24  }
0x28: {  	s14 =	simm.s32 $0x14400;
	s15 =	simm.s32 $0x14C00;
	[smem:$0x7FA] =	sst s25  }
0x29: {  	s21 =	simm.s32 $0x17400;
	s20 =	ssub.s32 s17, s19;
	[smem:$0x7FB] =	sst s26  }
0x2a: {  	s6 =	simm.s32 $0x18400;
	[smem:$0x7FC] =	sst s30;
	s31 =	simm.s32 $0x1A600  }
0x2b: {  	v3 =	vlaneseq.u32;
	s23 =	simm.s32 $0x8;
	s25 =	simm.s32 $0x9;
	s17 =	simm.s32 $0x15C00  }
0x2c: {  	vm0 =	vmmov $0xffff;
	v2 =	vshrl.u32 v3, $0x3;
	s19 =	simm.s32 $0x16400;
	s24 =	simm.s32 $0x17C00;
	s18 =	simm.s32 $0x2  }
0x2d: {  	v1 =	vand.u32 $0x7, v3;
	v3 =	vor.u32 $0x8, v3;
	v2 =	vmul.u32 $0x8, v2;
	s5 =	smax.u32 s20, $0x1;
	[smem:$0x7FD] =	sst s31;
	s20 =	simm.s32 $0x16C00  }
.LBB2_1:
0x2e: {  	s30 =	rddreg [dreg:$0xa]  }
0x2f: {  	s1 =	sld [smem:$0x7F8]  }
0x30: {  	[tilespmem:s6], [sflag:$0x1] =	stream.linear.gather [hbm4b:s30+s3], $0x1800, $0x38;
	[tilespmem:$0x1B800] =	vst v63  }
0x31: {  	s2 =	simm.s32 $0x1A800  }
0x32: {  	[tilespmem:s2], [sflag:$0x2] =	stream.linear.gather [hbm4b:s1+s3], $0x800, $0x38;
	[tilespmem:$0x1B800] =	vst v63  }
0x33: {  	s7 =	rddreg [dreg:$0xb];
	s1 =	simm.s32 $0x1B000  }
0x34: {  	[tilespmem:s1], [sflag:$0x3] =	stream.linear.gather [hbm4b:s7+s3], $0x800, $0x38;
	[tilespmem:$0x1B800] =	vst v63  }
0x35: {  	s31 =	rddreg [dreg:$0xc];
	s4 =	simm.s32 $0xB  }
0x36: {  	[tilespmem:s3], [sflag:$0xB] =	stream.linear.gather [hbm4b:s31+s3], $0x200, $0x38;
	[tilespmem:$0x1B800] =	vst v63  }
0x37: {  	_ =	swait.ge [sflag:s4], $0x200  }
0x38: {  	s9 =	rddreg [dreg:$0xd];
	[sflag:s4] =	ssyncset.done $0x0  }
0x39: {  	s26 =	rddreg [dreg:$0x1e];
	[sflag:s4] =	ssyncadd.s32 $0xFFFFFE00  }
0x3a: {  	[tilespmem:s26], [sflag:$0xB] =	stream.linear.gather [hbm4b:s9+s3], $0x200, $0x38;
	[tilespmem:$0x1B800] =	vst v63  }
0x3b: {  	_ =	swait.ge [sflag:s4], $0x200  }
0x3c: {  	[sflag:s4] =	ssyncset.done $0x0  }
0x3d: {  	[sflag:s4] =	ssyncadd.s32 $0xFFFFFE00  }
0x3e: {  	v4 =	vld [tilespmem:$0x0]  }
0x3f: {  	v6 =	vld [tilespmem:$0x10]  }
0x40: {  	v7 =	vld [tilespmem:$0x20]  }
0x41: {  	v8 =	vld [tilespmem:$0x30]  }
0x42: {  	v9 =	vld [tilespmem:$0x40]  }
0x43: {  	v10 =	vld [tilespmem:$0x50];
	v5 =	vadd.s32 v0, v4  }
0x44: {  	v11 =	vld [tilespmem:$0x60];
	v6 =	vadd.s32 v0, v6;
	[tilespmem:$0x0] =	vst v5  }
0x45: {  	v46 =	vld [tilespmem:$0x70];
	v45 =	vadd.s32 v0, v7;
	[tilespmem:$0x10] =	vst v6  }
0x46: {  	v48 =	vld [tilespmem:$0x80];
	v47 =	vadd.s32 v0, v8;
	[tilespmem:$0x20] =	vst v45  }
0x47: {  	v50 =	vld [tilespmem:$0x90];
	v49 =	vadd.s32 v0, v9;
	[tilespmem:$0x30] =	vst v47  }
0x48: {  	v52 =	vld [tilespmem:$0xA0];
	v51 =	vadd.s32 v0, v10;
	[tilespmem:$0x40] =	vst v49  }
0x49: {  	v54 =	vld [tilespmem:$0xB0];
	v53 =	vadd.s32 v0, v11;
	[tilespmem:$0x50] =	vst v51  }
0x4a: {  	v56 =	vld [tilespmem:$0xC0];
	v55 =	vadd.s32 v0, v46;
	[tilespmem:$0x60] =	vst v53  }
0x4b: {  	v58 =	vld [tilespmem:$0xD0];
	v57 =	vadd.s32 v0, v48;
	[tilespmem:$0x70] =	vst v55  }
0x4c: {  	v60 =	vld [tilespmem:$0xE0];
	v59 =	vadd.s32 v0, v50;
	[tilespmem:$0x80] =	vst v57  }
0x4d: {  	v62 =	vld [tilespmem:$0xF0];
	v61 =	vadd.s32 v0, v52;
	[tilespmem:$0x90] =	vst v59  }
0x4e: {  	v12 =	vld [tilespmem:$0x100];
	v63 =	vadd.s32 v0, v54;
	[tilespmem:$0xA0] =	vst v61  }
0x4f: {  	v14 =	vld [tilespmem:$0x110];
	v13 =	vadd.s32 v0, v56;
	[tilespmem:$0xB0] =	vst v63  }
0x50: {  	v16 =	vld [tilespmem:$0x120];
	v15 =	vadd.s32 v0, v58;
	[tilespmem:$0xC0] =	vst v13  }
0x51: {  	v18 =	vld [tilespmem:$0x130];
	v17 =	vadd.s32 v0, v60;
	[tilespmem:$0xD0] =	vst v15  }
0x52: {  	v20 =	vld [tilespmem:$0x140];
	v19 =	vadd.s32 v0, v62;
	[tilespmem:$0xE0] =	vst v17  }
0x53: {  	v22 =	vld [tilespmem:$0x150];
	v21 =	vadd.s32 v0, v12;
	[tilespmem:$0xF0] =	vst v19  }
0x54: {  	v24 =	vld [tilespmem:$0x160];
	v23 =	vadd.s32 v0, v14;
	[tilespmem:$0x100] =	vst v21  }
0x55: {  	v26 =	vld [tilespmem:$0x170];
	v25 =	vadd.s32 v0, v16;
	[tilespmem:$0x110] =	vst v23  }
0x56: {  	v28 =	vld [tilespmem:$0x180];
	v27 =	vadd.s32 v0, v18;
	[tilespmem:$0x120] =	vst v25  }
0x57: {  	v30 =	vld [tilespmem:$0x190];
	v29 =	vadd.s32 v0, v20;
	[tilespmem:$0x130] =	vst v27  }
0x58: {  	v32 =	vld [tilespmem:$0x1A0];
	v31 =	vadd.s32 v0, v22;
	[tilespmem:$0x140] =	vst v29  }
0x59: {  	v34 =	vld [tilespmem:$0x1B0];
	v33 =	vadd.s32 v0, v24;
	[tilespmem:$0x150] =	vst v31  }
0x5a: {  	v36 =	vld [tilespmem:$0x1C0];
	v35 =	vadd.s32 v0, v26;
	[tilespmem:$0x160] =	vst v33  }
0x5b: {  	v38 =	vld [tilespmem:$0x1D0];
	v37 =	vadd.s32 v0, v28;
	[tilespmem:$0x170] =	vst v35  }
0x5c: {  	v40 =	vld [tilespmem:$0x1E0];
	v39 =	vadd.s32 v0, v30;
	[tilespmem:$0x180] =	vst v37  }
0x5d: {  	v42 =	vld [tilespmem:$0x1F0];
	v41 =	vadd.s32 v0, v32;
	[tilespmem:$0x190] =	vst v39  }
0x5e: {  	v44 =	vld [tilespmem:$0x200];
	v43 =	vadd.s32 v0, v34;
	[tilespmem:$0x1A0] =	vst v41  }
0x5f: {  	v46 =	vld [tilespmem:$0x210];
	[tilespmem:$0x1B0] =	vst v43;
	v45 =	vadd.s32 v0, v36  }
0x60: {  	v48 =	vld [tilespmem:$0x220];
	v47 =	vadd.s32 v0, v38;
	[tilespmem:$0x1C0] =	vst v45  }
0x61: {  	v50 =	vld [tilespmem:$0x230];
	v49 =	vadd.s32 v0, v40;
	[tilespmem:$0x1D0] =	vst v47  }
0x62: {  	v52 =	vld [tilespmem:$0x240];
	v51 =	vadd.s32 v0, v42;
	[tilespmem:$0x1E0] =	vst v49  }
0x63: {  	v54 =	vld [tilespmem:$0x250];
	v53 =	vadd.s32 v0, v44;
	[tilespmem:$0x1F0] =	vst v51  }
0x64: {  	v56 =	vld [tilespmem:$0x260];
	[tilespmem:$0x200] =	vst v53;
	v55 =	vadd.s32 v0, v46  }
0x65: {  	v58 =	vld [tilespmem:$0x270];
	v57 =	vadd.s32 v0, v48;
	[tilespmem:$0x210] =	vst v55  }
0x66: {  	v60 =	vld [tilespmem:$0x280];
	v59 =	vadd.s32 v0, v50;
	[tilespmem:$0x220] =	vst v57  }
0x67: {  	v62 =	vld [tilespmem:$0x290];
	v61 =	vadd.s32 v0, v52;
	[tilespmem:$0x230] =	vst v59  }
0x68: {  	v12 =	vld [tilespmem:$0x2A0];
	v63 =	vadd.s32 v0, v54;
	[tilespmem:$0x240] =	vst v61  }
0x69: {  	v14 =	vld [tilespmem:$0x2B0];
	v13 =	vadd.s32 v0, v56;
	[tilespmem:$0x250] =	vst v63  }
0x6a: {  	v16 =	vld [tilespmem:$0x2C0];
	v15 =	vadd.s32 v0, v58;
	[tilespmem:$0x260] =	vst v13  }
0x6b: {  	v18 =	vld [tilespmem:$0x2D0];
	v17 =	vadd.s32 v0, v60;
	[tilespmem:$0x270] =	vst v15  }
0x6c: {  	v20 =	vld [tilespmem:$0x2E0];
	v19 =	vadd.s32 v0, v62;
	[tilespmem:$0x280] =	vst v17  }
0x6d: {  	v22 =	vld [tilespmem:$0x2F0];
	v21 =	vadd.s32 v0, v12;
	[tilespmem:$0x290] =	vst v19  }
0x6e: {  	v24 =	vld [tilespmem:$0x300];
	v23 =	vadd.s32 v0, v14;
	[tilespmem:$0x2A0] =	vst v21  }
0x6f: {  	v26 =	vld [tilespmem:$0x310];
	v25 =	vadd.s32 v0, v16;
	[tilespmem:$0x2B0] =	vst v23  }
0x70: {  	v28 =	vld [tilespmem:$0x320];
	v27 =	vadd.s32 v0, v18;
	[tilespmem:$0x2C0] =	vst v25  }
0x71: {  	v30 =	vld [tilespmem:$0x330];
	v29 =	vadd.s32 v0, v20;
	[tilespmem:$0x2D0] =	vst v27  }
0x72: {  	v32 =	vld [tilespmem:$0x340];
	v31 =	vadd.s32 v0, v22;
	[tilespmem:$0x2E0] =	vst v29  }
0x73: {  	v34 =	vld [tilespmem:$0x350];
	v33 =	vadd.s32 v0, v24;
	[tilespmem:$0x2F0] =	vst v31  }
0x74: {  	v36 =	vld [tilespmem:$0x360];
	v35 =	vadd.s32 v0, v26;
	[tilespmem:$0x300] =	vst v33  }
0x75: {  	v38 =	vld [tilespmem:$0x370];
	v37 =	vadd.s32 v0, v28;
	[tilespmem:$0x310] =	vst v35  }
0x76: {  	v40 =	vld [tilespmem:$0x380];
	v39 =	vadd.s32 v0, v30;
	[tilespmem:$0x320] =	vst v37  }
0x77: {  	v42 =	vld [tilespmem:$0x390];
	v41 =	vadd.s32 v0, v32;
	[tilespmem:$0x330] =	vst v39  }
0x78: {  	v44 =	vld [tilespmem:$0x3A0];
	v43 =	vadd.s32 v0, v34;
	[tilespmem:$0x340] =	vst v41  }
0x79: {  	v46 =	vld [tilespmem:$0x3B0];
	[tilespmem:$0x350] =	vst v43;
	v45 =	vadd.s32 v0, v36  }
0x7a: {  	v5 =	vshll.u32 v5, $0x1;
	v48 =	vld [tilespmem:$0x3C0];
	v47 =	vadd.s32 v0, v38;
	[tilespmem:$0x360] =	vst v45  }
0x7b: {  	v4 =	vand.u32 $0x7, v4;
	v5 =	vand.u32 $0xFFFFFFF0, v5;
	v50 =	vld [tilespmem:$0x3D0];
	v49 =	vadd.s32 v0, v40;
	[tilespmem:$0x370] =	vst v47  }
0x7c: {  	v4 =	vor.u32 v4, v5;
	v52 =	vld [tilespmem:$0x3E0];
	v51 =	vadd.s32 v0, v42;
	[tilespmem:$0x380] =	vst v49  }
0x7d: {  	v53 =	vld [tilespmem:$0x3F0];
	v54 =	vperm.xlane v4, v1;
	v5 =	vadd.s32 v0, v44;
	[tilespmem:$0x390] =	vst v51  }
0x7e: {  	[tilespmem:$0x3A0] =	vst v5;
	v5 =	vadd.s32 v0, v46  }
0x7f: {  	v4 =	vperm.xlane v4, v3;
	v8 =	vadd.s32 v2, v54;
	[tilespmem:$0x3B0] =	vst v5;
	v5 =	vadd.s32 v0, v48  }
0x80: {  	[tilespmem:$0x3C0] =	vst v5;
	v5 =	vadd.s32 v0, v50  }
0x81: {  	v4 =	vadd.s32 v2, v4;
	[tilespmem:$0x3D0] =	vst v5;
	v5 =	vadd.s32 v0, v52  }
0x82: {  	[tilespmem:$0x3E0] =	vst v5;
	v5 =	vadd.s32 v0, v53  }
0x83: {  	s7 =	simm.s32 $0x400;
	[tilespmem:$0x3F0] =	vst v5  }
0x84: {  	[tilespmem:s7], [sflag:$0x5] =	stream.indirect_vreg.gather [hbm4b:s0+s3], $0x80, v8, vm0, $0xb8;
	[tilespmem:$0x1B800] =	vst v63  }
0x85: {  	s9 =	simm.s32 $0xC00  }
0x86: {  	[tilespmem:s9], [sflag:$0x5] =	stream.indirect_vreg.gather [hbm4b:s0+s3], $0x80, v4, vm0, $0xb8;
	[tilespmem:$0x1B800] =	vst v63  }
0x87: {  	v4 =	vld [tilespmem:$0x10];
	_ =	sdelay $0x4  }
0x88: {  	v5 =	vshll.u32 v4, $0x1  }
0x89: {  	v4 =	vand.u32 $0x7, v4;
	v5 =	vand.u32 $0xFFFFFFF0, v5  }
0x8a: {  	v4 =	vor.u32 v4, v5  }
0x8b: {  	v5 =	vperm.xlane v4, v1;
	_ =	sdelay $0x1  }
0x8c: {  	v4 =	vperm.xlane v4, v3;
	v5 =	vadd.s32 v2, v5;
	_ =	sdelay $0x1  }
0x8d: {  	v4 =	vadd.s32 v2, v4;
	_ =	sdelay $0x1  }
0x8e: {  	s30 =	simm.s32 $0x1400  }
0x8f: {  	[tilespmem:s30], [sflag:$0x5] =	stream.indirect_vreg.gather [hbm4b:s0+s3], $0x80, v5, vm0, $0xb8;
	[tilespmem:$0x1B800] =	vst v63  }
0x90: {  	s31 =	simm.s32 $0x1C00  }
0x91: {  	[tilespmem:s31], [sflag:$0x5] =	stream.indirect_vreg.gather [hbm4b:s0+s3], $0x80, v4, vm0, $0xb8;
	[tilespmem:$0x1B800] =	vst v63  }
0x92: {  	v4 =	vld [tilespmem:$0x20];
	_ =	sdelay $0x4  }
0x93: {  	v5 =	vshll.u32 v4, $0x1  }
0x94: {  	v4 =	vand.u32 $0x7, v4;
	v5 =	vand.u32 $0xFFFFFFF0, v5  }
0x95: {  	v4 =	vor.u32 v4, v5  }
0x96: {  	v5 =	vperm.xlane v4, v1;
	_ =	sdelay $0x1  }
0x97: {  	v4 =	vperm.xlane v4, v3;
	v5 =	vadd.s32 v2, v5;
	_ =	sdelay $0x1  }
0x98: {  	v4 =	vadd.s32 v2, v4;
	_ =	sdelay $0x1  }
0x99: {  	s7 =	simm.s32 $0x2400  }
0x9a: {  	[tilespmem:s7], [sflag:$0x5] =	stream.indirect_vreg.gather [hbm4b:s0+s3], $0x80, v5, vm0, $0xb8;
	[tilespmem:$0x1B800] =	vst v63  }
0x9b: {  	s9 =	simm.s32 $0x2C00  }
0x9c: {  	[tilespmem:s9], [sflag:$0x5] =	stream.indirect_vreg.gather [hbm4b:s0+s3], $0x80, v4, vm0, $0xb8;
	[tilespmem:$0x1B800] =	vst v63  }
0x9d: {  	v4 =	vld [tilespmem:$0x30];
	_ =	sdelay $0x4  }
0x9e: {  	v5 =	vshll.u32 v4, $0x1  }
0x9f: {  	v4 =	vand.u32 $0x7, v4;
	v5 =	vand.u32 $0xFFFFFFF0, v5  }
0xa0: {  	v4 =	vor.u32 v4, v5  }
0xa1: {  	v5 =	vperm.xlane v4, v1;
	_ =	sdelay $0x1  }
0xa2: {  	v4 =	vperm.xlane v4, v3;
	v5 =	vadd.s32 v2, v5;
	_ =	sdelay $0x1  }
0xa3: {  	v4 =	vadd.s32 v2, v4;
	_ =	sdelay $0x1  }
0xa4: {  	s30 =	simm.s32 $0x3400  }
0xa5: {  	[tilespmem:s30], [sflag:$0x5] =	stream.indirect_vreg.gather [hbm4b:s0+s3], $0x80, v5, vm0, $0xb8;
	[tilespmem:$0x1B800] =	vst v63  }
0xa6: {  	s31 =	simm.s32 $0x3C00  }
0xa7: {  	[tilespmem:s31], [sflag:$0x5] =	stream.indirect_vreg.gather [hbm4b:s0+s3], $0x80, v4, vm0, $0xb8;
	[tilespmem:$0x1B800] =	vst v63  }
0xa8: {  	v4 =	vld [tilespmem:$0x40];
	_ =	sdelay $0x4  }
0xa9: {  	v5 =	vshll.u32 v4, $0x1  }
0xaa: {  	v4 =	vand.u32 $0x7, v4;
	v5 =	vand.u32 $0xFFFFFFF0, v5  }
0xab: {  	v4 =	vor.u32 v4, v5  }
0xac: {  	v5 =	vperm.xlane v4, v1;
	_ =	sdelay $0x1  }
0xad: {  	v4 =	vperm.xlane v4, v3;
	v5 =	vadd.s32 v2, v5;
	_ =	sdelay $0x1  }
0xae: {  	v4 =	vadd.s32 v2, v4;
	_ =	sdelay $0x1  }
0xaf: {  	s7 =	simm.s32 $0x4400  }
0xb0: {  	[tilespmem:s7], [sflag:$0x5] =	stream.indirect_vreg.gather [hbm4b:s0+s3], $0x80, v5, vm0, $0xb8;
	[tilespmem:$0x1B800] =	vst v63  }
0xb1: {  	s9 =	simm.s32 $0x4C00  }
0xb2: {  	[tilespmem:s9], [sflag:$0x5] =	stream.indirect_vreg.gather [hbm4b:s0+s3], $0x80, v4, vm0, $0xb8;
	[tilespmem:$0x1B800] =	vst v63  }
0xb3: {  	v4 =	vld [tilespmem:$0x50];
	_ =	sdelay $0x4  }
0xb4: {  	v5 =	vshll.u32 v4, $0x1  }
0xb5: {  	v4 =	vand.u32 $0x7, v4;
	v5 =	vand.u32 $0xFFFFFFF0, v5  }
0xb6: {  	v4 =	vor.u32 v4, v5  }
0xb7: {  	v5 =	vperm.xlane v4, v1;
	_ =	sdelay $0x1  }
0xb8: {  	v4 =	vperm.xlane v4, v3;
	v5 =	vadd.s32 v2, v5;
	_ =	sdelay $0x1  }
0xb9: {  	v4 =	vadd.s32 v2, v4;
	_ =	sdelay $0x1  }
0xba: {  	s30 =	simm.s32 $0x5400  }
0xbb: {  	[tilespmem:s30], [sflag:$0x5] =	stream.indirect_vreg.gather [hbm4b:s0+s3], $0x80, v5, vm0, $0xb8;
	[tilespmem:$0x1B800] =	vst v63  }
0xbc: {  	s31 =	simm.s32 $0x5C00  }
0xbd: {  	[tilespmem:s31], [sflag:$0x5] =	stream.indirect_vreg.gather [hbm4b:s0+s3], $0x80, v4, vm0, $0xb8;
	[tilespmem:$0x1B800] =	vst v63  }
0xbe: {  	v4 =	vld [tilespmem:$0x60];
	_ =	sdelay $0x4  }
0xbf: {  	v5 =	vshll.u32 v4, $0x1  }
0xc0: {  	v4 =	vand.u32 $0x7, v4;
	v5 =	vand.u32 $0xFFFFFFF0, v5  }
0xc1: {  	v4 =	vor.u32 v4, v5  }
0xc2: {  	v5 =	vperm.xlane v4, v1;
	_ =	sdelay $0x1  }
0xc3: {  	v4 =	vperm.xlane v4, v3;
	v5 =	vadd.s32 v2, v5;
	_ =	sdelay $0x1  }
0xc4: {  	v4 =	vadd.s32 v2, v4;
	_ =	sdelay $0x1  }
0xc5: {  	s7 =	simm.s32 $0x6400  }
0xc6: {  	[tilespmem:s7], [sflag:$0x5] =	stream.indirect_vreg.gather [hbm4b:s0+s3], $0x80, v5, vm0, $0xb8;
	[tilespmem:$0x1B800] =	vst v63  }
0xc7: {  	s9 =	simm.s32 $0x6C00  }
0xc8: {  	[tilespmem:s9], [sflag:$0x5] =	stream.indirect_vreg.gather [hbm4b:s0+s3], $0x80, v4, vm0, $0xb8;
	[tilespmem:$0x1B800] =	vst v63  }
0xc9: {  	v4 =	vld [tilespmem:$0x70];
	_ =	sdelay $0x4  }
0xca: {  	v5 =	vshll.u32 v4, $0x1  }
0xcb: {  	v4 =	vand.u32 $0x7, v4;
	v5 =	vand.u32 $0xFFFFFFF0, v5  }
0xcc: {  	v4 =	vor.u32 v4, v5  }
0xcd: {  	v5 =	vperm.xlane v4, v1;
	_ =	sdelay $0x1  }
0xce: {  	v4 =	vperm.xlane v4, v3;
	v5 =	vadd.s32 v2, v5;
	_ =	sdelay $0x1  }
0xcf: {  	v4 =	vadd.s32 v2, v4;
	_ =	sdelay $0x1  }
0xd0: {  	s30 =	simm.s32 $0x7400  }
0xd1: {  	[tilespmem:s30], [sflag:$0x5] =	stream.indirect_vreg.gather [hbm4b:s0+s3], $0x80, v5, vm0, $0xb8;
	[tilespmem:$0x1B800] =	vst v63  }
0xd2: {  	s31 =	simm.s32 $0x7C00  }
0xd3: {  	[tilespmem:s31], [sflag:$0x5] =	stream.indirect_vreg.gather [hbm4b:s0+s3], $0x80, v4, vm0, $0xb8;
	[tilespmem:$0x1B800] =	vst v63  }
0xd4: {  	v4 =	vld [tilespmem:$0x80];
	_ =	sdelay $0x4  }
0xd5: {  	v5 =	vshll.u32 v4, $0x1  }
0xd6: {  	v4 =	vand.u32 $0x7, v4;
	v5 =	vand.u32 $0xFFFFFFF0, v5  }
0xd7: {  	v4 =	vor.u32 v4, v5  }
0xd8: {  	v5 =	vperm.xlane v4, v1;
	_ =	sdelay $0x1  }
0xd9: {  	v4 =	vperm.xlane v4, v3;
	v5 =	vadd.s32 v2, v5;
	_ =	sdelay $0x1  }
0xda: {  	v4 =	vadd.s32 v2, v4;
	_ =	sdelay $0x1  }
0xdb: {  	s7 =	simm.s32 $0x8400  }
0xdc: {  	[tilespmem:s7], [sflag:$0x6] =	stream.indirect_vreg.gather [hbm4b:s0+s3], $0x80, v5, vm0, $0xb8;
	[tilespmem:$0x1B800] =	vst v63  }
0xdd: {  	s9 =	simm.s32 $0x8C00  }
0xde: {  	[tilespmem:s9], [sflag:$0x6] =	stream.indirect_vreg.gather [hbm4b:s0+s3], $0x80, v4, vm0, $0xb8;
	[tilespmem:$0x1B800] =	vst v63  }
0xdf: {  	v4 =	vld [tilespmem:$0x90];
	_ =	sdelay $0x4  }
0xe0: {  	v5 =	vshll.u32 v4, $0x1  }
0xe1: {  	v4 =	vand.u32 $0x7, v4;
	v5 =	vand.u32 $0xFFFFFFF0, v5  }
0xe2: {  	v4 =	vor.u32 v4, v5  }
0xe3: {  	v5 =	vperm.xlane v4, v1;
	_ =	sdelay $0x1  }
0xe4: {  	v4 =	vperm.xlane v4, v3;
	v5 =	vadd.s32 v2, v5;
	_ =	sdelay $0x1  }
0xe5: {  	v4 =	vadd.s32 v2, v4;
	_ =	sdelay $0x1  }
0xe6: {  	s30 =	simm.s32 $0x9400  }
0xe7: {  	[tilespmem:s30], [sflag:$0x6] =	stream.indirect_vreg.gather [hbm4b:s0+s3], $0x80, v5, vm0, $0xb8;
	[tilespmem:$0x1B800] =	vst v63  }
0xe8: {  	s31 =	simm.s32 $0x9C00  }
0xe9: {  	[tilespmem:s31], [sflag:$0x6] =	stream.indirect_vreg.gather [hbm4b:s0+s3], $0x80, v4, vm0, $0xb8;
	[tilespmem:$0x1B800] =	vst v63  }
0xea: {  	v4 =	vld [tilespmem:$0xA0];
	_ =	sdelay $0x4  }
0xeb: {  	v5 =	vshll.u32 v4, $0x1  }
0xec: {  	v4 =	vand.u32 $0x7, v4;
	v5 =	vand.u32 $0xFFFFFFF0, v5  }
0xed: {  	v4 =	vor.u32 v4, v5  }
0xee: {  	v5 =	vperm.xlane v4, v1;
	_ =	sdelay $0x1  }
0xef: {  	v4 =	vperm.xlane v4, v3;
	v5 =	vadd.s32 v2, v5;
	_ =	sdelay $0x1  }
0xf0: {  	v4 =	vadd.s32 v2, v4;
	_ =	sdelay $0x1  }
0xf1: {  	s9 =	simm.s32 $0xA400  }
0xf2: {  	[tilespmem:s9], [sflag:$0x6] =	stream.indirect_vreg.gather [hbm4b:s0+s3], $0x80, v5, vm0, $0xb8;
	[tilespmem:$0x1B800] =	vst v63  }
0xf3: {  	s30 =	simm.s32 $0xAC00  }
0xf4: {  	[tilespmem:s30], [sflag:$0x6] =	stream.indirect_vreg.gather [hbm4b:s0+s3], $0x80, v4, vm0, $0xb8;
	[tilespmem:$0x1B800] =	vst v63  }
0xf5: {  	v4 =	vld [tilespmem:$0xB0];
	_ =	sdelay $0x4  }
0xf6: {  	v5 =	vshll.u32 v4, $0x1  }
0xf7: {  	v4 =	vand.u32 $0x7, v4;
	v5 =	vand.u32 $0xFFFFFFF0, v5  }
0xf8: {  	v4 =	vor.u32 v4, v5  }
0xf9: {  	v5 =	vperm.xlane v4, v1;
	_ =	sdelay $0x1  }
0xfa: {  	v4 =	vperm.xlane v4, v3;
	v5 =	vadd.s32 v2, v5;
	_ =	sdelay $0x1  }
0xfb: {  	v4 =	vadd.s32 v2, v4;
	_ =	sdelay $0x1  }
0xfc: {  	s31 =	simm.s32 $0xB400  }
0xfd: {  	[tilespmem:s31], [sflag:$0x6] =	stream.indirect_vreg.gather [hbm4b:s0+s3], $0x80, v5, vm0, $0xb8;
	[tilespmem:$0x1B800] =	vst v63  }
0xfe: {  	s9 =	simm.s32 $0xBC00  }
0xff: {  	[tilespmem:s9], [sflag:$0x6] =	stream.indirect_vreg.gather [hbm4b:s0+s3], $0x80, v4, vm0, $0xb8;
	[tilespmem:$0x1B800] =	vst v63  }
0x100: {  	v4 =	vld [tilespmem:$0xC0];
	_ =	sdelay $0x4  }
0x101: {  	v5 =	vshll.u32 v4, $0x1  }
0x102: {  	v4 =	vand.u32 $0x7, v4;
	v5 =	vand.u32 $0xFFFFFFF0, v5  }
0x103: {  	v4 =	vor.u32 v4, v5  }
0x104: {  	v5 =	vperm.xlane v4, v1;
	_ =	sdelay $0x1  }
0x105: {  	v4 =	vperm.xlane v4, v3;
	v5 =	vadd.s32 v2, v5;
	_ =	sdelay $0x1  }
0x106: {  	v4 =	vadd.s32 v2, v4;
	_ =	sdelay $0x1  }
0x107: {  	s30 =	simm.s32 $0xC400  }
0x108: {  	[tilespmem:s30], [sflag:$0x6] =	stream.indirect_vreg.gather [hbm4b:s0+s3], $0x80, v5, vm0, $0xb8;
	[tilespmem:$0x1B800] =	vst v63  }
0x109: {  	s31 =	simm.s32 $0xCC00  }
0x10a: {  	[tilespmem:s31], [sflag:$0x6] =	stream.indirect_vreg.gather [hbm4b:s0+s3], $0x80, v4, vm0, $0xb8;
	[tilespmem:$0x1B800] =	vst v63  }
0x10b: {  	v4 =	vld [tilespmem:$0xD0];
	_ =	sdelay $0x4  }
0x10c: {  	v5 =	vshll.u32 v4, $0x1  }
0x10d: {  	v4 =	vand.u32 $0x7, v4;
	v5 =	vand.u32 $0xFFFFFFF0, v5  }
0x10e: {  	v4 =	vor.u32 v4, v5  }
0x10f: {  	v5 =	vperm.xlane v4, v1;
	_ =	sdelay $0x1  }
0x110: {  	v4 =	vperm.xlane v4, v3;
	v5 =	vadd.s32 v2, v5;
	_ =	sdelay $0x1  }
0x111: {  	v4 =	vadd.s32 v2, v4;
	_ =	sdelay $0x1  }
0x112: {  	s9 =	simm.s32 $0xD400  }
0x113: {  	[tilespmem:s9], [sflag:$0x6] =	stream.indirect_vreg.gather [hbm4b:s0+s3], $0x80, v5, vm0, $0xb8;
	[tilespmem:$0x1B800] =	vst v63  }
0x114: {  	s30 =	simm.s32 $0xDC00  }
0x115: {  	[tilespmem:s30], [sflag:$0x6] =	stream.indirect_vreg.gather [hbm4b:s0+s3], $0x80, v4, vm0, $0xb8;
	[tilespmem:$0x1B800] =	vst v63  }
0x116: {  	v4 =	vld [tilespmem:$0xE0];
	_ =	sdelay $0x4  }
0x117: {  	v5 =	vshll.u32 v4, $0x1  }
0x118: {  	v4 =	vand.u32 $0x7, v4;
	v5 =	vand.u32 $0xFFFFFFF0, v5  }
0x119: {  	v4 =	vor.u32 v4, v5  }
0x11a: {  	v5 =	vperm.xlane v4, v1;
	_ =	sdelay $0x1  }
0x11b: {  	v4 =	vperm.xlane v4, v3;
	v5 =	vadd.s32 v2, v5;
	_ =	sdelay $0x1  }
0x11c: {  	v4 =	vadd.s32 v2, v4;
	_ =	sdelay $0x1  }
0x11d: {  	s31 =	simm.s32 $0xE400  }
0x11e: {  	[tilespmem:s31], [sflag:$0x6] =	stream.indirect_vreg.gather [hbm4b:s0+s3], $0x80, v5, vm0, $0xb8;
	[tilespmem:$0x1B800] =	vst v63  }
0x11f: {  	s9 =	simm.s32 $0xEC00  }
0x120: {  	[tilespmem:s9], [sflag:$0x6] =	stream.indirect_vreg.gather [hbm4b:s0+s3], $0x80, v4, vm0, $0xb8;
	[tilespmem:$0x1B800] =	vst v63  }
0x121: {  	v4 =	vld [tilespmem:$0xF0];
	_ =	sdelay $0x4  }
0x122: {  	v5 =	vshll.u32 v4, $0x1  }
0x123: {  	v4 =	vand.u32 $0x7, v4;
	v5 =	vand.u32 $0xFFFFFFF0, v5  }
0x124: {  	v4 =	vor.u32 v4, v5  }
0x125: {  	v5 =	vperm.xlane v4, v1;
	_ =	sdelay $0x1  }
0x126: {  	v4 =	vperm.xlane v4, v3;
	v5 =	vadd.s32 v2, v5;
	_ =	sdelay $0x1  }
0x127: {  	v4 =	vadd.s32 v2, v4;
	_ =	sdelay $0x1  }
0x128: {  	s30 =	simm.s32 $0xF400  }
0x129: {  	[tilespmem:s30], [sflag:$0x6] =	stream.indirect_vreg.gather [hbm4b:s0+s3], $0x80, v5, vm0, $0xb8;
	[tilespmem:$0x1B800] =	vst v63  }
0x12a: {  	s4 =	simm.s32 $0x1;
	s31 =	simm.s32 $0xFC00  }
0x12b: {  	[tilespmem:s31], [sflag:$0x6] =	stream.indirect_vreg.gather [hbm4b:s0+s3], $0x80, v4, vm0, $0xb8;
	[tilespmem:$0x1B800] =	vst v63  }
0x12c: {  	_ =	swait.ge [sflag:s4], $0x1800  }
0x12d: {  	[sflag:s4] =	ssyncset.done $0x0  }
0x12e: {  	[sflag:s4] =	ssyncadd.s32 $0xFFFFE800  }
0x12f: {  	v4 =	vld [tilespmem:$0x0];
	_ =	sdelay $0x4  }
0x130: {  	v5 =	vsub.s32 v4, v0  }
0x131: {  	v4 =	vand.u32 $0x7F, v4;
	v5 =	vand.u32 $0xFFFFFF80, v5  }
0x132: {  	v4 =	vor.u32 v4, v5;
	_ =	sdelay $0x4  }
0x133: {  	v5 =	vld.idx.msk [tilespmem:v4+s6+$0x0], $0xffff  }
0x134: {  	v55 =	vadd.s32 $0x800, v4;
	_ =	sdelay $0x3  }
0x135: {  	v56 =	vld [tilespmem:$0x10];
	[tilespmem:$0x19C00] =	vst v5  }
0x136: {  	v5 =	vld.idx.msk [tilespmem:v55+s6+$0x0], $0xffff  }
0x137: {  	v4 =	vadd.s32 $0x1000, v4;
	_ =	sdelay $0x3  }
0x138: {  	[tilespmem:$0x19E00] =	vst v5;
	v5 =	vsub.s32 v56, v0  }
0x139: {  	v6 =	vand.u32 $0x7F, v56;
	v4 =	vld.idx.msk [tilespmem:v4+s6+$0x0], $0xffff;
	v5 =	vand.u32 $0xFFFFFF80, v5  }
0x13a: {  	v5 =	vor.u32 v6, v5;
	_ =	sdelay $0x3  }
0x13b: {  	[tilespmem:$0x1A000] =	vst v4  }
0x13c: {  	v4 =	vld.idx.msk [tilespmem:v5+s6+$0x0], $0xffff  }
0x13d: {  	v6 =	vadd.s32 $0x800, v5;
	_ =	sdelay $0x3  }
0x13e: {  	v57 =	vld [tilespmem:$0x20];
	[tilespmem:$0x19C10] =	vst v4  }
0x13f: {  	v4 =	vld.idx.msk [tilespmem:v6+s6+$0x0], $0xffff  }
0x140: {  	v5 =	vadd.s32 $0x1000, v5;
	_ =	sdelay $0x3  }
0x141: {  	[tilespmem:$0x19E10] =	vst v4;
	v4 =	vsub.s32 v57, v0  }
0x142: {  	v6 =	vand.u32 $0x7F, v57;
	v5 =	vld.idx.msk [tilespmem:v5+s6+$0x0], $0xffff;
	v4 =	vand.u32 $0xFFFFFF80, v4  }
0x143: {  	v4 =	vor.u32 v6, v4;
	_ =	sdelay $0x3  }
0x144: {  	[tilespmem:$0x1A010] =	vst v5  }
0x145: {  	v5 =	vld.idx.msk [tilespmem:v4+s6+$0x0], $0xffff  }
0x146: {  	v6 =	vadd.s32 $0x800, v4;
	_ =	sdelay $0x3  }
0x147: {  	v58 =	vld [tilespmem:$0x30];
	[tilespmem:$0x19C20] =	vst v5  }
0x148: {  	v5 =	vld.idx.msk [tilespmem:v6+s6+$0x0], $0xffff  }
0x149: {  	v4 =	vadd.s32 $0x1000, v4;
	_ =	sdelay $0x3  }
0x14a: {  	[tilespmem:$0x19E20] =	vst v5;
	v5 =	vsub.s32 v58, v0  }
0x14b: {  	v6 =	vand.u32 $0x7F, v58;
	v4 =	vld.idx.msk [tilespmem:v4+s6+$0x0], $0xffff;
	v5 =	vand.u32 $0xFFFFFF80, v5  }
0x14c: {  	v5 =	vor.u32 v6, v5;
	_ =	sdelay $0x3  }
0x14d: {  	[tilespmem:$0x1A020] =	vst v4  }
0x14e: {  	v4 =	vld.idx.msk [tilespmem:v5+s6+$0x0], $0xffff  }
0x14f: {  	v6 =	vadd.s32 $0x800, v5;
	_ =	sdelay $0x3  }
0x150: {  	v59 =	vld [tilespmem:$0x40];
	[tilespmem:$0x19C30] =	vst v4  }
0x151: {  	v4 =	vld.idx.msk [tilespmem:v6+s6+$0x0], $0xffff  }
0x152: {  	v5 =	vadd.s32 $0x1000, v5;
	_ =	sdelay $0x3  }
0x153: {  	[tilespmem:$0x19E30] =	vst v4;
	v4 =	vsub.s32 v59, v0  }
0x154: {  	v6 =	vand.u32 $0x7F, v59;
	v5 =	vld.idx.msk [tilespmem:v5+s6+$0x0], $0xffff;
	v4 =	vand.u32 $0xFFFFFF80, v4  }
0x155: {  	v4 =	vor.u32 v6, v4;
	_ =	sdelay $0x3  }
0x156: {  	[tilespmem:$0x1A030] =	vst v5  }
0x157: {  	v5 =	vld.idx.msk [tilespmem:v4+s6+$0x0], $0xffff  }
0x158: {  	v6 =	vadd.s32 $0x800, v4;
	_ =	sdelay $0x3  }
0x159: {  	v60 =	vld [tilespmem:$0x50];
	[tilespmem:$0x19C40] =	vst v5  }
0x15a: {  	v5 =	vld.idx.msk [tilespmem:v6+s6+$0x0], $0xffff  }
0x15b: {  	v4 =	vadd.s32 $0x1000, v4;
	_ =	sdelay $0x3  }
0x15c: {  	[tilespmem:$0x19E40] =	vst v5;
	v5 =	vsub.s32 v60, v0  }
0x15d: {  	v6 =	vand.u32 $0x7F, v60;
	v4 =	vld.idx.msk [tilespmem:v4+s6+$0x0], $0xffff;
	v5 =	vand.u32 $0xFFFFFF80, v5  }
0x15e: {  	v5 =	vor.u32 v6, v5;
	_ =	sdelay $0x3  }
0x15f: {  	[tilespmem:$0x1A040] =	vst v4  }
0x160: {  	v4 =	vld.idx.msk [tilespmem:v5+s6+$0x0], $0xffff  }
0x161: {  	v6 =	vadd.s32 $0x800, v5;
	_ =	sdelay $0x3  }
0x162: {  	v61 =	vld [tilespmem:$0x60];
	[tilespmem:$0x19C50] =	vst v4  }
0x163: {  	v4 =	vld.idx.msk [tilespmem:v6+s6+$0x0], $0xffff  }
0x164: {  	v5 =	vadd.s32 $0x1000, v5;
	_ =	sdelay $0x3  }
0x165: {  	[tilespmem:$0x19E50] =	vst v4;
	v4 =	vsub.s32 v61, v0  }
0x166: {  	v6 =	vand.u32 $0x7F, v61;
	v5 =	vld.idx.msk [tilespmem:v5+s6+$0x0], $0xffff;
	v4 =	vand.u32 $0xFFFFFF80, v4  }
0x167: {  	v4 =	vor.u32 v6, v4;
	_ =	sdelay $0x3  }
0x168: {  	[tilespmem:$0x1A050] =	vst v5  }
0x169: {  	v5 =	vld.idx.msk [tilespmem:v4+s6+$0x0], $0xffff  }
0x16a: {  	v6 =	vadd.s32 $0x800, v4;
	_ =	sdelay $0x3  }
0x16b: {  	v62 =	vld [tilespmem:$0x70];
	[tilespmem:$0x19C60] =	vst v5  }
0x16c: {  	v5 =	vld.idx.msk [tilespmem:v6+s6+$0x0], $0xffff  }
0x16d: {  	v4 =	vadd.s32 $0x1000, v4;
	_ =	sdelay $0x3  }
0x16e: {  	[tilespmem:$0x19E60] =	vst v5;
	v5 =	vsub.s32 v62, v0  }
0x16f: {  	v6 =	vand.u32 $0x7F, v62;
	v4 =	vld.idx.msk [tilespmem:v4+s6+$0x0], $0xffff;
	v5 =	vand.u32 $0xFFFFFF80, v5  }
0x170: {  	v5 =	vor.u32 v6, v5;
	_ =	sdelay $0x3  }
0x171: {  	[tilespmem:$0x1A060] =	vst v4  }
0x172: {  	v4 =	vld.idx.msk [tilespmem:v5+s6+$0x0], $0xffff  }
0x173: {  	v6 =	vadd.s32 $0x800, v5;
	_ =	sdelay $0x3  }
0x174: {  	[tilespmem:$0x19C70] =	vst v4  }
0x175: {  	v4 =	vld.idx.msk [tilespmem:v6+s6+$0x0], $0xffff  }
0x176: {  	v5 =	vadd.s32 $0x1000, v5;
	_ =	sdelay $0x3  }
0x177: {  	[tilespmem:$0x19E70] =	vst v4  }
0x178: {  	v4 =	vld.idx.msk [tilespmem:v5+s6+$0x0], $0xffff;
	_ =	sdelay $0x4  }
0x179: {  	[tilespmem:$0x1A070] =	vst v4  }
0x17a: {  	_ =	swait.ge [sflag:s8], $0x8000  }
0x17b: {  	[sflag:s8] =	ssyncset.done $0x0  }
0x17c: {  	s26 =	simm.s32 $0x400;
	s9 =	rddreg [dreg:$0xe];
	[sflag:s8] =	ssyncadd.s32 $0xFFFF8000  }
0x17d: {  	[hbm4b:s9+s3] =	stream.linear.scatter [tilespmem:s26], [sflag:$0x8], $0x8000, $0x38;
	[tilespmem:$0x1B800] =	vst v63  }
0x17e: {  	v4 =	vld [tilespmem:$0x100];
	_ =	sdelay $0x4  }
0x17f: {  	v5 =	vshll.u32 v4, $0x1  }
0x180: {  	v4 =	vand.u32 $0x7, v4;
	v5 =	vand.u32 $0xFFFFFFF0, v5  }
0x181: {  	v4 =	vor.u32 v4, v5  }
0x182: {  	v5 =	vperm.xlane v4, v1;
	_ =	sdelay $0x1  }
0x183: {  	v4 =	vperm.xlane v4, v3;
	v5 =	vadd.s32 v2, v5;
	_ =	sdelay $0x1  }
0x184: {  	v4 =	vadd.s32 v2, v4;
	_ =	sdelay $0x1  }
0x185: {  	s4 =	simm.s32 $0x10400  }
0x186: {  	[tilespmem:s4], [sflag:$0x7] =	stream.indirect_vreg.gather [hbm4b:s0+s3], $0x80, v5, vm0, $0xb8;
	[tilespmem:$0x1B800] =	vst v63  }
0x187: {  	s9 =	simm.s32 $0x10C00  }
0x188: {  	[tilespmem:s9], [sflag:$0x7] =	stream.indirect_vreg.gather [hbm4b:s0+s3], $0x80, v4, vm0, $0xb8;
	[tilespmem:$0x1B800] =	vst v63  }
0x189: {  	v4 =	vld [tilespmem:$0x110];
	_ =	sdelay $0x4  }
0x18a: {  	v5 =	vshll.u32 v4, $0x1  }
0x18b: {  	v4 =	vand.u32 $0x7, v4;
	v5 =	vand.u32 $0xFFFFFFF0, v5  }
0x18c: {  	v4 =	vor.u32 v4, v5  }
0x18d: {  	v5 =	vperm.xlane v4, v1;
	_ =	sdelay $0x1  }
0x18e: {  	v4 =	vperm.xlane v4, v3;
	v5 =	vadd.s32 v2, v5;
	_ =	sdelay $0x1  }
0x18f: {  	v4 =	vadd.s32 v2, v4;
	_ =	sdelay $0x1  }
0x190: {  	s31 =	simm.s32 $0x11400  }
0x191: {  	[tilespmem:s31], [sflag:$0x7] =	stream.indirect_vreg.gather [hbm4b:s0+s3], $0x80, v5, vm0, $0xb8;
	[tilespmem:$0x1B800] =	vst v63  }
0x192: {  	s9 =	simm.s32 $0x11C00  }
0x193: {  	[tilespmem:s9], [sflag:$0x7] =	stream.indirect_vreg.gather [hbm4b:s0+s3], $0x80, v4, vm0, $0xb8;
	[tilespmem:$0x1B800] =	vst v63  }
0x194: {  	v4 =	vld [tilespmem:$0x120];
	_ =	sdelay $0x4  }
0x195: {  	v5 =	vshll.u32 v4, $0x1  }
0x196: {  	v4 =	vand.u32 $0x7, v4;
	v5 =	vand.u32 $0xFFFFFFF0, v5  }
0x197: {  	v4 =	vor.u32 v4, v5  }
0x198: {  	v5 =	vperm.xlane v4, v1;
	_ =	sdelay $0x1  }
0x199: {  	v4 =	vperm.xlane v4, v3;
	v5 =	vadd.s32 v2, v5;
	_ =	sdelay $0x1  }
0x19a: {  	v4 =	vadd.s32 v2, v4;
	_ =	sdelay $0x2  }
0x19b: {  	[tilespmem:s10], [sflag:$0x7] =	stream.indirect_vreg.gather [hbm4b:s0+s3], $0x80, v5, vm0, $0xb8;
	[tilespmem:$0x1B800] =	vst v63  }
0x19c: {  	_ = 	snop  }
0x19d: {  	[tilespmem:s11], [sflag:$0x7] =	stream.indirect_vreg.gather [hbm4b:s0+s3], $0x80, v4, vm0, $0xb8;
	[tilespmem:$0x1B800] =	vst v63  }
0x19e: {  	v4 =	vld [tilespmem:$0x130];
	_ =	sdelay $0x4  }
0x19f: {  	v5 =	vshll.u32 v4, $0x1  }
0x1a0: {  	v4 =	vand.u32 $0x7, v4;
	v5 =	vand.u32 $0xFFFFFFF0, v5  }
0x1a1: {  	v4 =	vor.u32 v4, v5  }
0x1a2: {  	v5 =	vperm.xlane v4, v1;
	_ =	sdelay $0x1  }
0x1a3: {  	v4 =	vperm.xlane v4, v3;
	v5 =	vadd.s32 v2, v5;
	_ =	sdelay $0x1  }
0x1a4: {  	v4 =	vadd.s32 v2, v4;
	_ =	sdelay $0x2  }
0x1a5: {  	[tilespmem:s12], [sflag:$0x7] =	stream.indirect_vreg.gather [hbm4b:s0+s3], $0x80, v5, vm0, $0xb8;
	[tilespmem:$0x1B800] =	vst v63  }
0x1a6: {  	_ = 	snop  }
0x1a7: {  	[tilespmem:s13], [sflag:$0x7] =	stream.indirect_vreg.gather [hbm4b:s0+s3], $0x80, v4, vm0, $0xb8;
	[tilespmem:$0x1B800] =	vst v63  }
0x1a8: {  	v4 =	vld [tilespmem:$0x140];
	_ =	sdelay $0x4  }
0x1a9: {  	v5 =	vshll.u32 v4, $0x1  }
0x1aa: {  	v4 =	vand.u32 $0x7, v4;
	v5 =	vand.u32 $0xFFFFFFF0, v5  }
0x1ab: {  	v4 =	vor.u32 v4, v5  }
0x1ac: {  	v5 =	vperm.xlane v4, v1;
	_ =	sdelay $0x1  }
0x1ad: {  	v4 =	vperm.xlane v4, v3;
	v5 =	vadd.s32 v2, v5;
	_ =	sdelay $0x1  }
0x1ae: {  	v4 =	vadd.s32 v2, v4;
	_ =	sdelay $0x2  }
0x1af: {  	[tilespmem:s14], [sflag:$0x7] =	stream.indirect_vreg.gather [hbm4b:s0+s3], $0x80, v5, vm0, $0xb8;
	[tilespmem:$0x1B800] =	vst v63  }
0x1b0: {  	_ = 	snop  }
0x1b1: {  	[tilespmem:s15], [sflag:$0x7] =	stream.indirect_vreg.gather [hbm4b:s0+s3], $0x80, v4, vm0, $0xb8;
	[tilespmem:$0x1B800] =	vst v63  }
0x1b2: {  	v4 =	vld [tilespmem:$0x150];
	_ =	sdelay $0x4  }
0x1b3: {  	v5 =	vshll.u32 v4, $0x1  }
0x1b4: {  	v4 =	vand.u32 $0x7, v4;
	v5 =	vand.u32 $0xFFFFFFF0, v5  }
0x1b5: {  	v4 =	vor.u32 v4, v5  }
0x1b6: {  	v5 =	vperm.xlane v4, v1;
	_ =	sdelay $0x1  }
0x1b7: {  	v4 =	vperm.xlane v4, v3;
	v5 =	vadd.s32 v2, v5;
	_ =	sdelay $0x1  }
0x1b8: {  	v4 =	vadd.s32 v2, v4;
	_ =	sdelay $0x2  }
0x1b9: {  	[tilespmem:s16], [sflag:$0x7] =	stream.indirect_vreg.gather [hbm4b:s0+s3], $0x80, v5, vm0, $0xb8;
	[tilespmem:$0x1B800] =	vst v63  }
0x1ba: {  	_ = 	snop  }
0x1bb: {  	[tilespmem:s17], [sflag:$0x7] =	stream.indirect_vreg.gather [hbm4b:s0+s3], $0x80, v4, vm0, $0xb8;
	[tilespmem:$0x1B800] =	vst v63  }
0x1bc: {  	v4 =	vld [tilespmem:$0x160];
	_ =	sdelay $0x4  }
0x1bd: {  	v5 =	vshll.u32 v4, $0x1  }
0x1be: {  	v4 =	vand.u32 $0x7, v4;
	v5 =	vand.u32 $0xFFFFFFF0, v5  }
0x1bf: {  	v4 =	vor.u32 v4, v5  }
0x1c0: {  	v5 =	vperm.xlane v4, v1;
	_ =	sdelay $0x1  }
0x1c1: {  	v4 =	vperm.xlane v4, v3;
	v5 =	vadd.s32 v2, v5;
	_ =	sdelay $0x1  }
0x1c2: {  	v4 =	vadd.s32 v2, v4;
	_ =	sdelay $0x2  }
0x1c3: {  	[tilespmem:s19], [sflag:$0x7] =	stream.indirect_vreg.gather [hbm4b:s0+s3], $0x80, v5, vm0, $0xb8;
	[tilespmem:$0x1B800] =	vst v63  }
0x1c4: {  	_ = 	snop  }
0x1c5: {  	[tilespmem:s20], [sflag:$0x7] =	stream.indirect_vreg.gather [hbm4b:s0+s3], $0x80, v4, vm0, $0xb8;
	[tilespmem:$0x1B800] =	vst v63  }
0x1c6: {  	v4 =	vld [tilespmem:$0x170];
	_ =	sdelay $0x4  }
0x1c7: {  	v5 =	vshll.u32 v4, $0x1  }
0x1c8: {  	v4 =	vand.u32 $0x7, v4;
	v5 =	vand.u32 $0xFFFFFFF0, v5  }
0x1c9: {  	v4 =	vor.u32 v4, v5  }
0x1ca: {  	v5 =	vperm.xlane v4, v1;
	_ =	sdelay $0x1  }
0x1cb: {  	v4 =	vperm.xlane v4, v3;
	v5 =	vadd.s32 v2, v5;
	_ =	sdelay $0x1  }
0x1cc: {  	v4 =	vadd.s32 v2, v4;
	_ =	sdelay $0x2  }
0x1cd: {  	[tilespmem:s21], [sflag:$0x7] =	stream.indirect_vreg.gather [hbm4b:s0+s3], $0x80, v5, vm0, $0xb8;
	[tilespmem:$0x1B800] =	vst v63  }
0x1ce: {  	_ = 	snop  }
0x1cf: {  	[tilespmem:s24], [sflag:$0x7] =	stream.indirect_vreg.gather [hbm4b:s0+s3], $0x80, v4, vm0, $0xb8;
	[tilespmem:$0x1B800] =	vst v63  }
0x1d0: {  	v4 =	vld [tilespmem:$0x80];
	_ =	sdelay $0x4  }
0x1d1: {  	v5 =	vsub.s32 v4, v0  }
0x1d2: {  	v4 =	vand.u32 $0x7F, v4;
	v5 =	vand.u32 $0xFFFFFF80, v5  }
0x1d3: {  	v4 =	vor.u32 v4, v5;
	_ =	sdelay $0x4  }
0x1d4: {  	v5 =	vld.idx.msk [tilespmem:v4+s6+$0x0], $0xffff  }
0x1d5: {  	v63 =	vadd.s32 $0x800, v4;
	_ =	sdelay $0x3  }
0x1d6: {  	v9 =	vld [tilespmem:$0x90];
	[tilespmem:$0x19C80] =	vst v5  }
0x1d7: {  	v5 =	vld.idx.msk [tilespmem:v63+s6+$0x0], $0xffff  }
0x1d8: {  	v4 =	vadd.s32 $0x1000, v4;
	_ =	sdelay $0x3  }
0x1d9: {  	[tilespmem:$0x19E80] =	vst v5;
	v5 =	vsub.s32 v9, v0  }
0x1da: {  	v6 =	vand.u32 $0x7F, v9;
	v4 =	vld.idx.msk [tilespmem:v4+s6+$0x0], $0xffff;
	v5 =	vand.u32 $0xFFFFFF80, v5  }
0x1db: {  	v5 =	vor.u32 v6, v5;
	_ =	sdelay $0x3  }
0x1dc: {  	[tilespmem:$0x1A080] =	vst v4  }
0x1dd: {  	v4 =	vld.idx.msk [tilespmem:v5+s6+$0x0], $0xffff  }
0x1de: {  	v6 =	vadd.s32 $0x800, v5;
	_ =	sdelay $0x3  }
0x1df: {  	v10 =	vld [tilespmem:$0xA0];
	[tilespmem:$0x19C90] =	vst v4  }
0x1e0: {  	v4 =	vld.idx.msk [tilespmem:v6+s6+$0x0], $0xffff  }
0x1e1: {  	v5 =	vadd.s32 $0x1000, v5;
	_ =	sdelay $0x3  }
0x1e2: {  	[tilespmem:$0x19E90] =	vst v4;
	v4 =	vsub.s32 v10, v0  }
0x1e3: {  	v6 =	vand.u32 $0x7F, v10;
	v5 =	vld.idx.msk [tilespmem:v5+s6+$0x0], $0xffff;
	v4 =	vand.u32 $0xFFFFFF80, v4  }
0x1e4: {  	v4 =	vor.u32 v6, v4;
	_ =	sdelay $0x3  }
0x1e5: {  	[tilespmem:$0x1A090] =	vst v5  }
0x1e6: {  	v5 =	vld.idx.msk [tilespmem:v4+s6+$0x0], $0xffff  }
0x1e7: {  	v6 =	vadd.s32 $0x800, v4;
	_ =	sdelay $0x3  }
0x1e8: {  	v11 =	vld [tilespmem:$0xB0];
	[tilespmem:$0x19CA0] =	vst v5  }
0x1e9: {  	v5 =	vld.idx.msk [tilespmem:v6+s6+$0x0], $0xffff  }
0x1ea: {  	v4 =	vadd.s32 $0x1000, v4;
	_ =	sdelay $0x3  }
0x1eb: {  	[tilespmem:$0x19EA0] =	vst v5;
	v5 =	vsub.s32 v11, v0  }
0x1ec: {  	v6 =	vand.u32 $0x7F, v11;
	v4 =	vld.idx.msk [tilespmem:v4+s6+$0x0], $0xffff;
	v5 =	vand.u32 $0xFFFFFF80, v5  }
0x1ed: {  	v5 =	vor.u32 v6, v5;
	_ =	sdelay $0x3  }
0x1ee: {  	[tilespmem:$0x1A0A0] =	vst v4  }
0x1ef: {  	v4 =	vld.idx.msk [tilespmem:v5+s6+$0x0], $0xffff  }
0x1f0: {  	v6 =	vadd.s32 $0x800, v5;
	_ =	sdelay $0x3  }
0x1f1: {  	v12 =	vld [tilespmem:$0xC0];
	[tilespmem:$0x19CB0] =	vst v4  }
0x1f2: {  	v4 =	vld.idx.msk [tilespmem:v6+s6+$0x0], $0xffff  }
0x1f3: {  	v5 =	vadd.s32 $0x1000, v5;
	_ =	sdelay $0x3  }
0x1f4: {  	[tilespmem:$0x19EB0] =	vst v4;
	v4 =	vsub.s32 v12, v0  }
0x1f5: {  	v6 =	vand.u32 $0x7F, v12;
	v5 =	vld.idx.msk [tilespmem:v5+s6+$0x0], $0xffff;
	v4 =	vand.u32 $0xFFFFFF80, v4  }
0x1f6: {  	v4 =	vor.u32 v6, v4;
	_ =	sdelay $0x3  }
0x1f7: {  	[tilespmem:$0x1A0B0] =	vst v5  }
0x1f8: {  	v5 =	vld.idx.msk [tilespmem:v4+s6+$0x0], $0xffff  }
0x1f9: {  	v6 =	vadd.s32 $0x800, v4;
	_ =	sdelay $0x3  }
0x1fa: {  	v13 =	vld [tilespmem:$0xD0];
	[tilespmem:$0x19CC0] =	vst v5  }
0x1fb: {  	v5 =	vld.idx.msk [tilespmem:v6+s6+$0x0], $0xffff  }
0x1fc: {  	v4 =	vadd.s32 $0x1000, v4;
	_ =	sdelay $0x3  }
0x1fd: {  	[tilespmem:$0x19EC0] =	vst v5;
	v5 =	vsub.s32 v13, v0  }
0x1fe: {  	v6 =	vand.u32 $0x7F, v13;
	v4 =	vld.idx.msk [tilespmem:v4+s6+$0x0], $0xffff;
	v5 =	vand.u32 $0xFFFFFF80, v5  }
0x1ff: {  	v5 =	vor.u32 v6, v5;
	_ =	sdelay $0x3  }
0x200: {  	[tilespmem:$0x1A0C0] =	vst v4  }
0x201: {  	v4 =	vld.idx.msk [tilespmem:v5+s6+$0x0], $0xffff  }
0x202: {  	v6 =	vadd.s32 $0x800, v5;
	_ =	sdelay $0x3  }
0x203: {  	v14 =	vld [tilespmem:$0xE0];
	[tilespmem:$0x19CD0] =	vst v4  }
0x204: {  	v4 =	vld.idx.msk [tilespmem:v6+s6+$0x0], $0xffff  }
0x205: {  	v5 =	vadd.s32 $0x1000, v5;
	_ =	sdelay $0x3  }
0x206: {  	[tilespmem:$0x19ED0] =	vst v4;
	v4 =	vsub.s32 v14, v0  }
0x207: {  	v6 =	vand.u32 $0x7F, v14;
	v5 =	vld.idx.msk [tilespmem:v5+s6+$0x0], $0xffff;
	v4 =	vand.u32 $0xFFFFFF80, v4  }
0x208: {  	v4 =	vor.u32 v6, v4;
	_ =	sdelay $0x3  }
0x209: {  	[tilespmem:$0x1A0D0] =	vst v5  }
0x20a: {  	v5 =	vld.idx.msk [tilespmem:v4+s6+$0x0], $0xffff  }
0x20b: {  	v6 =	vadd.s32 $0x800, v4;
	_ =	sdelay $0x3  }
0x20c: {  	v15 =	vld [tilespmem:$0xF0];
	[tilespmem:$0x19CE0] =	vst v5  }
0x20d: {  	v5 =	vld.idx.msk [tilespmem:v6+s6+$0x0], $0xffff  }
0x20e: {  	v4 =	vadd.s32 $0x1000, v4;
	_ =	sdelay $0x3  }
0x20f: {  	[tilespmem:$0x19EE0] =	vst v5;
	v5 =	vsub.s32 v15, v0  }
0x210: {  	v6 =	vand.u32 $0x7F, v15;
	v4 =	vld.idx.msk [tilespmem:v4+s6+$0x0], $0xffff;
	v5 =	vand.u32 $0xFFFFFF80, v5  }
0x211: {  	v5 =	vor.u32 v6, v5;
	_ =	sdelay $0x3  }
0x212: {  	[tilespmem:$0x1A0E0] =	vst v4  }
0x213: {  	v4 =	vld.idx.msk [tilespmem:v5+s6+$0x0], $0xffff  }
0x214: {  	v6 =	vadd.s32 $0x800, v5;
	_ =	sdelay $0x3  }
0x215: {  	[tilespmem:$0x19CF0] =	vst v4  }
0x216: {  	v4 =	vld.idx.msk [tilespmem:v6+s6+$0x0], $0xffff  }
0x217: {  	v5 =	vadd.s32 $0x1000, v5;
	_ =	sdelay $0x3  }
0x218: {  	[tilespmem:$0x19EF0] =	vst v4  }
0x219: {  	v4 =	vld.idx.msk [tilespmem:v5+s6+$0x0], $0xffff;
	_ =	sdelay $0x4  }
0x21a: {  	[tilespmem:$0x1A0F0] =	vst v4  }
0x21b: {  	_ =	swait.ge [sflag:s18], $0x800  }
0x21c: {  	[sflag:s18] =	ssyncset.done $0x0  }
0x21d: {  	[sflag:s18] =	ssyncadd.s32 $0xFFFFF800  }
0x21e: {  	_ =	swait.ge [sflag:s28], $0x800  }
0x21f: {  	[sflag:s28] =	ssyncset.done $0x0  }
0x220: {  	s30 =	rddreg [dreg:$0xf];
	[sflag:s28] =	ssyncadd.s32 $0xFFFFF800  }
0x221: {  	[hbm4b:s30+s3] =	stream.linear.scatter [tilespmem:s2], [sflag:$0x2], $0x800, $0x38;
	[tilespmem:$0x1B800] =	vst v63  }
0x222: {  	s31 =	rddreg [dreg:$0x10]  }
0x223: {  	[hbm4b:s31+s3] =	stream.linear.scatter [tilespmem:s1], [sflag:$0x3], $0x800, $0x38;
	[tilespmem:$0x1B800] =	vst v63  }
0x224: {  	_ =	swait.ge [sflag:s22], $0x8000  }
0x225: {  	[sflag:s22] =	ssyncset.done $0x0  }
0x226: {  	s7 =	simm.s32 $0x8400;
	s2 =	rddreg [dreg:$0x11];
	[sflag:s22] =	ssyncadd.s32 $0xFFFF8000  }
0x227: {  	[hbm4b:s2+s3] =	stream.linear.scatter [tilespmem:s7], [sflag:$0x9], $0x8000, $0x38;
	[tilespmem:$0x1B800] =	vst v63  }
0x228: {  	_ =	swait.ge [sflag:s23], $0x8000  }
0x229: {  	[sflag:s23] =	ssyncset.done $0x0  }
0x22a: {  	[sflag:s23] =	ssyncadd.s32 $0xFFFF8000  }
0x22b: {  	v4 =	vld [tilespmem:$0x180];
	_ =	sdelay $0x4  }
0x22c: {  	v5 =	vshll.u32 v4, $0x1  }
0x22d: {  	v4 =	vand.u32 $0x7, v4;
	v5 =	vand.u32 $0xFFFFFFF0, v5  }
0x22e: {  	v4 =	vor.u32 v4, v5  }
0x22f: {  	v5 =	vperm.xlane v4, v1;
	_ =	sdelay $0x1  }
0x230: {  	v4 =	vperm.xlane v4, v3;
	v5 =	vadd.s32 v2, v5;
	_ =	sdelay $0x1  }
0x231: {  	v4 =	vadd.s32 v2, v4;
	_ =	sdelay $0x2  }
0x232: {  	[tilespmem:s26], [sflag:$0x5] =	stream.indirect_vreg.gather [hbm4b:s0+s3], $0x80, v5, vm0, $0xb8;
	[tilespmem:$0x1B800] =	vst v63  }
0x233: {  	s26 =	simm.s32 $0xC00  }
0x234: {  	[tilespmem:s26], [sflag:$0x5] =	stream.indirect_vreg.gather [hbm4b:s0+s3], $0x80, v4, vm0, $0xb8;
	[tilespmem:$0x1B800] =	vst v63  }
0x235: {  	v4 =	vld [tilespmem:$0x190];
	_ =	sdelay $0x4  }
0x236: {  	v5 =	vshll.u32 v4, $0x1  }
0x237: {  	v4 =	vand.u32 $0x7, v4;
	v5 =	vand.u32 $0xFFFFFFF0, v5  }
0x238: {  	v4 =	vor.u32 v4, v5  }
0x239: {  	v5 =	vperm.xlane v4, v1;
	_ =	sdelay $0x1  }
0x23a: {  	v4 =	vperm.xlane v4, v3;
	v5 =	vadd.s32 v2, v5;
	_ =	sdelay $0x1  }
0x23b: {  	v4 =	vadd.s32 v2, v4;
	_ =	sdelay $0x1  }
0x23c: {  	s30 =	simm.s32 $0x1400  }
0x23d: {  	[tilespmem:s30], [sflag:$0x5] =	stream.indirect_vreg.gather [hbm4b:s0+s3], $0x80, v5, vm0, $0xb8;
	[tilespmem:$0x1B800] =	vst v63  }
0x23e: {  	s31 =	simm.s32 $0x1C00  }
0x23f: {  	[tilespmem:s31], [sflag:$0x5] =	stream.indirect_vreg.gather [hbm4b:s0+s3], $0x80, v4, vm0, $0xb8;
	[tilespmem:$0x1B800] =	vst v63  }
0x240: {  	v4 =	vld [tilespmem:$0x1A0];
	_ =	sdelay $0x4  }
0x241: {  	v5 =	vshll.u32 v4, $0x1  }
0x242: {  	v4 =	vand.u32 $0x7, v4;
	v5 =	vand.u32 $0xFFFFFFF0, v5  }
0x243: {  	v4 =	vor.u32 v4, v5  }
0x244: {  	v5 =	vperm.xlane v4, v1;
	_ =	sdelay $0x1  }
0x245: {  	v4 =	vperm.xlane v4, v3;
	v5 =	vadd.s32 v2, v5;
	_ =	sdelay $0x1  }
0x246: {  	v4 =	vadd.s32 v2, v4;
	_ =	sdelay $0x1  }
0x247: {  	s2 =	simm.s32 $0x2400  }
0x248: {  	[tilespmem:s2], [sflag:$0x5] =	stream.indirect_vreg.gather [hbm4b:s0+s3], $0x80, v5, vm0, $0xb8;
	[tilespmem:$0x1B800] =	vst v63  }
0x249: {  	s26 =	simm.s32 $0x2C00  }
0x24a: {  	[tilespmem:s26], [sflag:$0x5] =	stream.indirect_vreg.gather [hbm4b:s0+s3], $0x80, v4, vm0, $0xb8;
	[tilespmem:$0x1B800] =	vst v63  }
0x24b: {  	v4 =	vld [tilespmem:$0x1B0];
	_ =	sdelay $0x4  }
0x24c: {  	v5 =	vshll.u32 v4, $0x1  }
0x24d: {  	v4 =	vand.u32 $0x7, v4;
	v5 =	vand.u32 $0xFFFFFFF0, v5  }
0x24e: {  	v4 =	vor.u32 v4, v5  }
0x24f: {  	v5 =	vperm.xlane v4, v1;
	_ =	sdelay $0x1  }
0x250: {  	v4 =	vperm.xlane v4, v3;
	v5 =	vadd.s32 v2, v5;
	_ =	sdelay $0x1  }
0x251: {  	v4 =	vadd.s32 v2, v4;
	_ =	sdelay $0x1  }
0x252: {  	s30 =	simm.s32 $0x3400  }
0x253: {  	[tilespmem:s30], [sflag:$0x5] =	stream.indirect_vreg.gather [hbm4b:s0+s3], $0x80, v5, vm0, $0xb8;
	[tilespmem:$0x1B800] =	vst v63  }
0x254: {  	s31 =	simm.s32 $0x3C00  }
0x255: {  	[tilespmem:s31], [sflag:$0x5] =	stream.indirect_vreg.gather [hbm4b:s0+s3], $0x80, v4, vm0, $0xb8;
	[tilespmem:$0x1B800] =	vst v63  }
0x256: {  	v4 =	vld [tilespmem:$0x1C0];
	_ =	sdelay $0x4  }
0x257: {  	v5 =	vshll.u32 v4, $0x1  }
0x258: {  	v4 =	vand.u32 $0x7, v4;
	v5 =	vand.u32 $0xFFFFFFF0, v5  }
0x259: {  	v4 =	vor.u32 v4, v5  }
0x25a: {  	v5 =	vperm.xlane v4, v1;
	_ =	sdelay $0x1  }
0x25b: {  	v4 =	vperm.xlane v4, v3;
	v5 =	vadd.s32 v2, v5;
	_ =	sdelay $0x1  }
0x25c: {  	v4 =	vadd.s32 v2, v4;
	_ =	sdelay $0x1  }
0x25d: {  	s2 =	simm.s32 $0x4400  }
0x25e: {  	[tilespmem:s2], [sflag:$0x5] =	stream.indirect_vreg.gather [hbm4b:s0+s3], $0x80, v5, vm0, $0xb8;
	[tilespmem:$0x1B800] =	vst v63  }
0x25f: {  	s26 =	simm.s32 $0x4C00  }
0x260: {  	[tilespmem:s26], [sflag:$0x5] =	stream.indirect_vreg.gather [hbm4b:s0+s3], $0x80, v4, vm0, $0xb8;
	[tilespmem:$0x1B800] =	vst v63  }
0x261: {  	v4 =	vld [tilespmem:$0x1D0];
	_ =	sdelay $0x4  }
0x262: {  	v5 =	vshll.u32 v4, $0x1  }
0x263: {  	v4 =	vand.u32 $0x7, v4;
	v5 =	vand.u32 $0xFFFFFFF0, v5  }
0x264: {  	v4 =	vor.u32 v4, v5  }
0x265: {  	v5 =	vperm.xlane v4, v1;
	_ =	sdelay $0x1  }
0x266: {  	v4 =	vperm.xlane v4, v3;
	v5 =	vadd.s32 v2, v5;
	_ =	sdelay $0x1  }
0x267: {  	v4 =	vadd.s32 v2, v4;
	_ =	sdelay $0x1  }
0x268: {  	s30 =	simm.s32 $0x5400  }
0x269: {  	[tilespmem:s30], [sflag:$0x5] =	stream.indirect_vreg.gather [hbm4b:s0+s3], $0x80, v5, vm0, $0xb8;
	[tilespmem:$0x1B800] =	vst v63  }
0x26a: {  	s31 =	simm.s32 $0x5C00  }
0x26b: {  	[tilespmem:s31], [sflag:$0x5] =	stream.indirect_vreg.gather [hbm4b:s0+s3], $0x80, v4, vm0, $0xb8;
	[tilespmem:$0x1B800] =	vst v63  }
0x26c: {  	v4 =	vld [tilespmem:$0x1E0];
	_ =	sdelay $0x4  }
0x26d: {  	v5 =	vshll.u32 v4, $0x1  }
0x26e: {  	v4 =	vand.u32 $0x7, v4;
	v5 =	vand.u32 $0xFFFFFFF0, v5  }
0x26f: {  	v4 =	vor.u32 v4, v5  }
0x270: {  	v5 =	vperm.xlane v4, v1;
	_ =	sdelay $0x1  }
0x271: {  	v4 =	vperm.xlane v4, v3;
	v5 =	vadd.s32 v2, v5;
	_ =	sdelay $0x1  }
0x272: {  	v4 =	vadd.s32 v2, v4;
	_ =	sdelay $0x1  }
0x273: {  	s2 =	simm.s32 $0x6400  }
0x274: {  	[tilespmem:s2], [sflag:$0x5] =	stream.indirect_vreg.gather [hbm4b:s0+s3], $0x80, v5, vm0, $0xb8;
	[tilespmem:$0x1B800] =	vst v63  }
0x275: {  	s26 =	simm.s32 $0x6C00  }
0x276: {  	[tilespmem:s26], [sflag:$0x5] =	stream.indirect_vreg.gather [hbm4b:s0+s3], $0x80, v4, vm0, $0xb8;
	[tilespmem:$0x1B800] =	vst v63  }
0x277: {  	v4 =	vld [tilespmem:$0x1F0];
	_ =	sdelay $0x4  }
0x278: {  	v5 =	vshll.u32 v4, $0x1  }
0x279: {  	v4 =	vand.u32 $0x7, v4;
	v5 =	vand.u32 $0xFFFFFFF0, v5  }
0x27a: {  	v4 =	vor.u32 v4, v5  }
0x27b: {  	v5 =	vperm.xlane v4, v1;
	_ =	sdelay $0x1  }
0x27c: {  	v4 =	vperm.xlane v4, v3;
	v5 =	vadd.s32 v2, v5;
	_ =	sdelay $0x1  }
0x27d: {  	v4 =	vadd.s32 v2, v4;
	_ =	sdelay $0x1  }
0x27e: {  	s30 =	simm.s32 $0x7400  }
0x27f: {  	[tilespmem:s30], [sflag:$0x5] =	stream.indirect_vreg.gather [hbm4b:s0+s3], $0x80, v5, vm0, $0xb8;
	[tilespmem:$0x1B800] =	vst v63  }
0x280: {  	s31 =	simm.s32 $0x7C00  }
0x281: {  	[tilespmem:s31], [sflag:$0x5] =	stream.indirect_vreg.gather [hbm4b:s0+s3], $0x80, v4, vm0, $0xb8;
	[tilespmem:$0x1B800] =	vst v63  }
0x282: {  	v4 =	vld [tilespmem:$0x100];
	_ =	sdelay $0x4  }
0x283: {  	v5 =	vsub.s32 v4, v0  }
0x284: {  	v4 =	vand.u32 $0x7F, v4;
	v5 =	vand.u32 $0xFFFFFF80, v5  }
0x285: {  	v4 =	vor.u32 v4, v5;
	_ =	sdelay $0x4  }
0x286: {  	v5 =	vld.idx.msk [tilespmem:v4+s6+$0x0], $0xffff  }
0x287: {  	v16 =	vadd.s32 $0x800, v4;
	_ =	sdelay $0x3  }
0x288: {  	[tilespmem:$0x19D00] =	vst v5  }
0x289: {  	v5 =	vld.idx.msk [tilespmem:v16+s6+$0x0], $0xffff;
	_ =	sdelay $0x4  }
0x28a: {  	[tilespmem:$0x19F00] =	vst v5  }
0x28b: {  	v5 =	vld [tilespmem:$0x110]  }
0x28c: {  	v4 =	vadd.s32 $0x1000, v4;
	_ =	sdelay $0x3  }
0x28d: {  	v17 =	vsub.s32 v5, v0  }
0x28e: {  	v4 =	vld.idx.msk [tilespmem:v4+s6+$0x0], $0xffff;
	v5 =	vand.u32 $0x7F, v5;
	v6 =	vand.u32 $0xFFFFFF80, v17  }
0x28f: {  	v5 =	vor.u32 v5, v6;
	_ =	sdelay $0x3  }
0x290: {  	[tilespmem:$0x1A100] =	vst v4  }
0x291: {  	v4 =	vld.idx.msk [tilespmem:v5+s6+$0x0], $0xffff  }
0x292: {  	v6 =	vadd.s32 $0x800, v5;
	_ =	sdelay $0x3  }
0x293: {  	v18 =	vld [tilespmem:$0x120];
	[tilespmem:$0x19D10] =	vst v4  }
0x294: {  	v4 =	vld.idx.msk [tilespmem:v6+s6+$0x0], $0xffff  }
0x295: {  	v5 =	vadd.s32 $0x1000, v5;
	_ =	sdelay $0x3  }
0x296: {  	[tilespmem:$0x19F10] =	vst v4;
	v4 =	vsub.s32 v18, v0  }
0x297: {  	v6 =	vand.u32 $0x7F, v18;
	v5 =	vld.idx.msk [tilespmem:v5+s6+$0x0], $0xffff;
	v4 =	vand.u32 $0xFFFFFF80, v4  }
0x298: {  	v4 =	vor.u32 v6, v4;
	_ =	sdelay $0x3  }
0x299: {  	[tilespmem:$0x1A110] =	vst v5  }
0x29a: {  	v5 =	vld.idx.msk [tilespmem:v4+s6+$0x0], $0xffff  }
0x29b: {  	v6 =	vadd.s32 $0x800, v4;
	_ =	sdelay $0x3  }
0x29c: {  	v19 =	vld [tilespmem:$0x130];
	[tilespmem:$0x19D20] =	vst v5  }
0x29d: {  	v5 =	vld.idx.msk [tilespmem:v6+s6+$0x0], $0xffff  }
0x29e: {  	v4 =	vadd.s32 $0x1000, v4;
	_ =	sdelay $0x3  }
0x29f: {  	[tilespmem:$0x19F20] =	vst v5;
	v5 =	vsub.s32 v19, v0  }
0x2a0: {  	v6 =	vand.u32 $0x7F, v19;
	v4 =	vld.idx.msk [tilespmem:v4+s6+$0x0], $0xffff;
	v5 =	vand.u32 $0xFFFFFF80, v5  }
0x2a1: {  	v5 =	vor.u32 v6, v5;
	_ =	sdelay $0x3  }
0x2a2: {  	[tilespmem:$0x1A120] =	vst v4  }
0x2a3: {  	v4 =	vld.idx.msk [tilespmem:v5+s6+$0x0], $0xffff  }
0x2a4: {  	v6 =	vadd.s32 $0x800, v5;
	_ =	sdelay $0x3  }
0x2a5: {  	v20 =	vld [tilespmem:$0x140];
	[tilespmem:$0x19D30] =	vst v4  }
0x2a6: {  	v4 =	vld.idx.msk [tilespmem:v6+s6+$0x0], $0xffff  }
0x2a7: {  	v5 =	vadd.s32 $0x1000, v5;
	_ =	sdelay $0x3  }
0x2a8: {  	[tilespmem:$0x19F30] =	vst v4;
	v4 =	vsub.s32 v20, v0  }
0x2a9: {  	v6 =	vand.u32 $0x7F, v20;
	v5 =	vld.idx.msk [tilespmem:v5+s6+$0x0], $0xffff;
	v4 =	vand.u32 $0xFFFFFF80, v4  }
0x2aa: {  	v4 =	vor.u32 v6, v4;
	_ =	sdelay $0x3  }
0x2ab: {  	[tilespmem:$0x1A130] =	vst v5  }
0x2ac: {  	v5 =	vld.idx.msk [tilespmem:v4+s6+$0x0], $0xffff  }
0x2ad: {  	v6 =	vadd.s32 $0x800, v4;
	_ =	sdelay $0x3  }
0x2ae: {  	v21 =	vld [tilespmem:$0x150];
	[tilespmem:$0x19D40] =	vst v5  }
0x2af: {  	v5 =	vld.idx.msk [tilespmem:v6+s6+$0x0], $0xffff  }
0x2b0: {  	v4 =	vadd.s32 $0x1000, v4;
	_ =	sdelay $0x3  }
0x2b1: {  	[tilespmem:$0x19F40] =	vst v5;
	v5 =	vsub.s32 v21, v0  }
0x2b2: {  	v6 =	vand.u32 $0x7F, v21;
	v4 =	vld.idx.msk [tilespmem:v4+s6+$0x0], $0xffff;
	v5 =	vand.u32 $0xFFFFFF80, v5  }
0x2b3: {  	v5 =	vor.u32 v6, v5;
	_ =	sdelay $0x3  }
0x2b4: {  	[tilespmem:$0x1A140] =	vst v4  }
0x2b5: {  	v4 =	vld.idx.msk [tilespmem:v5+s6+$0x0], $0xffff  }
0x2b6: {  	v6 =	vadd.s32 $0x800, v5;
	_ =	sdelay $0x3  }
0x2b7: {  	v22 =	vld [tilespmem:$0x160];
	[tilespmem:$0x19D50] =	vst v4  }
0x2b8: {  	v4 =	vld.idx.msk [tilespmem:v6+s6+$0x0], $0xffff  }
0x2b9: {  	v5 =	vadd.s32 $0x1000, v5;
	_ =	sdelay $0x3  }
0x2ba: {  	[tilespmem:$0x19F50] =	vst v4;
	v4 =	vsub.s32 v22, v0  }
0x2bb: {  	v6 =	vand.u32 $0x7F, v22;
	v5 =	vld.idx.msk [tilespmem:v5+s6+$0x0], $0xffff;
	v4 =	vand.u32 $0xFFFFFF80, v4  }
0x2bc: {  	v4 =	vor.u32 v6, v4;
	_ =	sdelay $0x3  }
0x2bd: {  	[tilespmem:$0x1A150] =	vst v5  }
0x2be: {  	v5 =	vld.idx.msk [tilespmem:v4+s6+$0x0], $0xffff  }
0x2bf: {  	v6 =	vadd.s32 $0x800, v4;
	_ =	sdelay $0x3  }
0x2c0: {  	v23 =	vld [tilespmem:$0x170];
	[tilespmem:$0x19D60] =	vst v5  }
0x2c1: {  	v5 =	vld.idx.msk [tilespmem:v6+s6+$0x0], $0xffff  }
0x2c2: {  	v4 =	vadd.s32 $0x1000, v4;
	_ =	sdelay $0x3  }
0x2c3: {  	[tilespmem:$0x19F60] =	vst v5;
	v5 =	vsub.s32 v23, v0  }
0x2c4: {  	v6 =	vand.u32 $0x7F, v23;
	v4 =	vld.idx.msk [tilespmem:v4+s6+$0x0], $0xffff;
	v5 =	vand.u32 $0xFFFFFF80, v5  }
0x2c5: {  	v5 =	vor.u32 v6, v5;
	_ =	sdelay $0x3  }
0x2c6: {  	[tilespmem:$0x1A160] =	vst v4  }
0x2c7: {  	v4 =	vld.idx.msk [tilespmem:v5+s6+$0x0], $0xffff  }
0x2c8: {  	v6 =	vadd.s32 $0x800, v5;
	_ =	sdelay $0x3  }
0x2c9: {  	[tilespmem:$0x19D70] =	vst v4  }
0x2ca: {  	v4 =	vld.idx.msk [tilespmem:v6+s6+$0x0], $0xffff  }
0x2cb: {  	v5 =	vadd.s32 $0x1000, v5;
	_ =	sdelay $0x3  }
0x2cc: {  	[tilespmem:$0x19F70] =	vst v4  }
0x2cd: {  	v4 =	vld.idx.msk [tilespmem:v5+s6+$0x0], $0xffff;
	_ =	sdelay $0x4  }
0x2ce: {  	s26 =	simm.s32 $0x7;
	[tilespmem:$0x1A170] =	vst v4  }
0x2cf: {  	_ =	swait.ge [sflag:s26], $0x8000  }
0x2d0: {  	[sflag:s26] =	ssyncset.done $0x0  }
0x2d1: {  	s2 =	rddreg [dreg:$0x12];
	[sflag:s26] =	ssyncadd.s32 $0xFFFF8000  }
0x2d2: {  	[hbm4b:s2+s3] =	stream.linear.scatter [tilespmem:s4], [sflag:$0xA], $0x8000, $0x38;
	[tilespmem:$0x1B800] =	vst v63  }
0x2d3: {  	_ =	swait.ge [sflag:s25], $0x8000  }
0x2d4: {  	[sflag:s25] =	ssyncset.done $0x0  }
0x2d5: {  	[sflag:s25] =	ssyncadd.s32 $0xFFFF8000  }
0x2d6: {  	v4 =	vld [tilespmem:$0x200];
	_ =	sdelay $0x4  }
0x2d7: {  	v5 =	vshll.u32 v4, $0x1  }
0x2d8: {  	v4 =	vand.u32 $0x7, v4;
	v5 =	vand.u32 $0xFFFFFFF0, v5  }
0x2d9: {  	v4 =	vor.u32 v4, v5  }
0x2da: {  	v5 =	vperm.xlane v4, v1;
	_ =	sdelay $0x1  }
0x2db: {  	v4 =	vperm.xlane v4, v3;
	v5 =	vadd.s32 v2, v5;
	_ =	sdelay $0x1  }
0x2dc: {  	v4 =	vadd.s32 v2, v4;
	_ =	sdelay $0x2  }
0x2dd: {  	[tilespmem:s7], [sflag:$0x6] =	stream.indirect_vreg.gather [hbm4b:s0+s3], $0x80, v5, vm0, $0xb8;
	[tilespmem:$0x1B800] =	vst v63  }
0x2de: {  	s7 =	simm.s32 $0x8C00  }
0x2df: {  	[tilespmem:s7], [sflag:$0x6] =	stream.indirect_vreg.gather [hbm4b:s0+s3], $0x80, v4, vm0, $0xb8;
	[tilespmem:$0x1B800] =	vst v63  }
0x2e0: {  	v4 =	vld [tilespmem:$0x210];
	_ =	sdelay $0x4  }
0x2e1: {  	v5 =	vshll.u32 v4, $0x1  }
0x2e2: {  	v4 =	vand.u32 $0x7, v4;
	v5 =	vand.u32 $0xFFFFFFF0, v5  }
0x2e3: {  	v4 =	vor.u32 v4, v5  }
0x2e4: {  	v5 =	vperm.xlane v4, v1;
	_ =	sdelay $0x1  }
0x2e5: {  	v4 =	vperm.xlane v4, v3;
	v5 =	vadd.s32 v2, v5;
	_ =	sdelay $0x1  }
0x2e6: {  	v4 =	vadd.s32 v2, v4;
	_ =	sdelay $0x1  }
0x2e7: {  	s30 =	simm.s32 $0x9400  }
0x2e8: {  	[tilespmem:s30], [sflag:$0x6] =	stream.indirect_vreg.gather [hbm4b:s0+s3], $0x80, v5, vm0, $0xb8;
	[tilespmem:$0x1B800] =	vst v63  }
0x2e9: {  	s31 =	simm.s32 $0x9C00  }
0x2ea: {  	[tilespmem:s31], [sflag:$0x6] =	stream.indirect_vreg.gather [hbm4b:s0+s3], $0x80, v4, vm0, $0xb8;
	[tilespmem:$0x1B800] =	vst v63  }
0x2eb: {  	v4 =	vld [tilespmem:$0x220];
	_ =	sdelay $0x4  }
0x2ec: {  	v5 =	vshll.u32 v4, $0x1  }
0x2ed: {  	v4 =	vand.u32 $0x7, v4;
	v5 =	vand.u32 $0xFFFFFFF0, v5  }
0x2ee: {  	v4 =	vor.u32 v4, v5  }
0x2ef: {  	v5 =	vperm.xlane v4, v1;
	_ =	sdelay $0x1  }
0x2f0: {  	v4 =	vperm.xlane v4, v3;
	v5 =	vadd.s32 v2, v5;
	_ =	sdelay $0x1  }
0x2f1: {  	v4 =	vadd.s32 v2, v4;
	_ =	sdelay $0x1  }
0x2f2: {  	s2 =	simm.s32 $0xA400  }
0x2f3: {  	[tilespmem:s2], [sflag:$0x6] =	stream.indirect_vreg.gather [hbm4b:s0+s3], $0x80, v5, vm0, $0xb8;
	[tilespmem:$0x1B800] =	vst v63  }
0x2f4: {  	s7 =	simm.s32 $0xAC00  }
0x2f5: {  	[tilespmem:s7], [sflag:$0x6] =	stream.indirect_vreg.gather [hbm4b:s0+s3], $0x80, v4, vm0, $0xb8;
	[tilespmem:$0x1B800] =	vst v63  }
0x2f6: {  	v4 =	vld [tilespmem:$0x230];
	_ =	sdelay $0x4  }
0x2f7: {  	v5 =	vshll.u32 v4, $0x1  }
0x2f8: {  	v4 =	vand.u32 $0x7, v4;
	v5 =	vand.u32 $0xFFFFFFF0, v5  }
0x2f9: {  	v4 =	vor.u32 v4, v5  }
0x2fa: {  	v5 =	vperm.xlane v4, v1;
	_ =	sdelay $0x1  }
0x2fb: {  	v4 =	vperm.xlane v4, v3;
	v5 =	vadd.s32 v2, v5;
	_ =	sdelay $0x1  }
0x2fc: {  	v4 =	vadd.s32 v2, v4;
	_ =	sdelay $0x1  }
0x2fd: {  	s30 =	simm.s32 $0xB400  }
0x2fe: {  	[tilespmem:s30], [sflag:$0x6] =	stream.indirect_vreg.gather [hbm4b:s0+s3], $0x80, v5, vm0, $0xb8;
	[tilespmem:$0x1B800] =	vst v63  }
0x2ff: {  	s31 =	simm.s32 $0xBC00  }
0x300: {  	[tilespmem:s31], [sflag:$0x6] =	stream.indirect_vreg.gather [hbm4b:s0+s3], $0x80, v4, vm0, $0xb8;
	[tilespmem:$0x1B800] =	vst v63  }
0x301: {  	v4 =	vld [tilespmem:$0x240];
	_ =	sdelay $0x4  }
0x302: {  	v5 =	vshll.u32 v4, $0x1  }
0x303: {  	v4 =	vand.u32 $0x7, v4;
	v5 =	vand.u32 $0xFFFFFFF0, v5  }
0x304: {  	v4 =	vor.u32 v4, v5  }
0x305: {  	v5 =	vperm.xlane v4, v1;
	_ =	sdelay $0x1  }
0x306: {  	v4 =	vperm.xlane v4, v3;
	v5 =	vadd.s32 v2, v5;
	_ =	sdelay $0x1  }
0x307: {  	v4 =	vadd.s32 v2, v4;
	_ =	sdelay $0x1  }
0x308: {  	s2 =	simm.s32 $0xC400  }
0x309: {  	[tilespmem:s2], [sflag:$0x6] =	stream.indirect_vreg.gather [hbm4b:s0+s3], $0x80, v5, vm0, $0xb8;
	[tilespmem:$0x1B800] =	vst v63  }
0x30a: {  	s7 =	simm.s32 $0xCC00  }
0x30b: {  	[tilespmem:s7], [sflag:$0x6] =	stream.indirect_vreg.gather [hbm4b:s0+s3], $0x80, v4, vm0, $0xb8;
	[tilespmem:$0x1B800] =	vst v63  }
0x30c: {  	v4 =	vld [tilespmem:$0x250];
	_ =	sdelay $0x4  }
0x30d: {  	v5 =	vshll.u32 v4, $0x1  }
0x30e: {  	v4 =	vand.u32 $0x7, v4;
	v5 =	vand.u32 $0xFFFFFFF0, v5  }
0x30f: {  	v4 =	vor.u32 v4, v5  }
0x310: {  	v5 =	vperm.xlane v4, v1;
	_ =	sdelay $0x1  }
0x311: {  	v4 =	vperm.xlane v4, v3;
	v5 =	vadd.s32 v2, v5;
	_ =	sdelay $0x1  }
0x312: {  	v4 =	vadd.s32 v2, v4;
	_ =	sdelay $0x1  }
0x313: {  	s30 =	simm.s32 $0xD400  }
0x314: {  	[tilespmem:s30], [sflag:$0x6] =	stream.indirect_vreg.gather [hbm4b:s0+s3], $0x80, v5, vm0, $0xb8;
	[tilespmem:$0x1B800] =	vst v63  }
0x315: {  	s31 =	simm.s32 $0xDC00  }
0x316: {  	[tilespmem:s31], [sflag:$0x6] =	stream.indirect_vreg.gather [hbm4b:s0+s3], $0x80, v4, vm0, $0xb8;
	[tilespmem:$0x1B800] =	vst v63  }
0x317: {  	v4 =	vld [tilespmem:$0x260];
	_ =	sdelay $0x4  }
0x318: {  	v5 =	vshll.u32 v4, $0x1  }
0x319: {  	v4 =	vand.u32 $0x7, v4;
	v5 =	vand.u32 $0xFFFFFFF0, v5  }
0x31a: {  	v4 =	vor.u32 v4, v5  }
0x31b: {  	v5 =	vperm.xlane v4, v1;
	_ =	sdelay $0x1  }
0x31c: {  	v4 =	vperm.xlane v4, v3;
	v5 =	vadd.s32 v2, v5;
	_ =	sdelay $0x1  }
0x31d: {  	v4 =	vadd.s32 v2, v4;
	_ =	sdelay $0x1  }
0x31e: {  	s2 =	simm.s32 $0xE400  }
0x31f: {  	[tilespmem:s2], [sflag:$0x6] =	stream.indirect_vreg.gather [hbm4b:s0+s3], $0x80, v5, vm0, $0xb8;
	[tilespmem:$0x1B800] =	vst v63  }
0x320: {  	s7 =	simm.s32 $0xEC00  }
0x321: {  	[tilespmem:s7], [sflag:$0x6] =	stream.indirect_vreg.gather [hbm4b:s0+s3], $0x80, v4, vm0, $0xb8;
	[tilespmem:$0x1B800] =	vst v63  }
0x322: {  	v4 =	vld [tilespmem:$0x270];
	_ =	sdelay $0x4  }
0x323: {  	v5 =	vshll.u32 v4, $0x1  }
0x324: {  	v4 =	vand.u32 $0x7, v4;
	v5 =	vand.u32 $0xFFFFFFF0, v5  }
0x325: {  	v4 =	vor.u32 v4, v5  }
0x326: {  	v5 =	vperm.xlane v4, v1;
	_ =	sdelay $0x1  }
0x327: {  	v4 =	vperm.xlane v4, v3;
	v5 =	vadd.s32 v2, v5;
	_ =	sdelay $0x1  }
0x328: {  	v4 =	vadd.s32 v2, v4;
	_ =	sdelay $0x1  }
0x329: {  	s30 =	simm.s32 $0xF400  }
0x32a: {  	[tilespmem:s30], [sflag:$0x6] =	stream.indirect_vreg.gather [hbm4b:s0+s3], $0x80, v5, vm0, $0xb8;
	[tilespmem:$0x1B800] =	vst v63  }
0x32b: {  	s31 =	simm.s32 $0xFC00  }
0x32c: {  	[tilespmem:s31], [sflag:$0x6] =	stream.indirect_vreg.gather [hbm4b:s0+s3], $0x80, v4, vm0, $0xb8;
	[tilespmem:$0x1B800] =	vst v63  }
0x32d: {  	v4 =	vld [tilespmem:$0x180];
	_ =	sdelay $0x4  }
0x32e: {  	v5 =	vsub.s32 v4, v0  }
0x32f: {  	v4 =	vand.u32 $0x7F, v4;
	v5 =	vand.u32 $0xFFFFFF80, v5  }
0x330: {  	v4 =	vor.u32 v4, v5;
	_ =	sdelay $0x4  }
0x331: {  	v5 =	vld.idx.msk [tilespmem:v4+s6+$0x0], $0xffff  }
0x332: {  	v24 =	vadd.s32 $0x800, v4;
	_ =	sdelay $0x3  }
0x333: {  	v25 =	vld [tilespmem:$0x190];
	[tilespmem:$0x19D80] =	vst v5  }
0x334: {  	v5 =	vld.idx.msk [tilespmem:v24+s6+$0x0], $0xffff  }
0x335: {  	v4 =	vadd.s32 $0x1000, v4;
	_ =	sdelay $0x3  }
0x336: {  	[tilespmem:$0x19F80] =	vst v5;
	v5 =	vsub.s32 v25, v0  }
0x337: {  	v6 =	vand.u32 $0x7F, v25;
	v4 =	vld.idx.msk [tilespmem:v4+s6+$0x0], $0xffff;
	v5 =	vand.u32 $0xFFFFFF80, v5  }
0x338: {  	v5 =	vor.u32 v6, v5;
	_ =	sdelay $0x3  }
0x339: {  	[tilespmem:$0x1A180] =	vst v4  }
0x33a: {  	v4 =	vld.idx.msk [tilespmem:v5+s6+$0x0], $0xffff  }
0x33b: {  	v6 =	vadd.s32 $0x800, v5;
	_ =	sdelay $0x3  }
0x33c: {  	v26 =	vld [tilespmem:$0x1A0];
	[tilespmem:$0x19D90] =	vst v4  }
0x33d: {  	v4 =	vld.idx.msk [tilespmem:v6+s6+$0x0], $0xffff  }
0x33e: {  	v5 =	vadd.s32 $0x1000, v5;
	_ =	sdelay $0x3  }
0x33f: {  	[tilespmem:$0x19F90] =	vst v4;
	v4 =	vsub.s32 v26, v0  }
0x340: {  	v6 =	vand.u32 $0x7F, v26;
	v5 =	vld.idx.msk [tilespmem:v5+s6+$0x0], $0xffff;
	v4 =	vand.u32 $0xFFFFFF80, v4  }
0x341: {  	v4 =	vor.u32 v6, v4;
	_ =	sdelay $0x3  }
0x342: {  	[tilespmem:$0x1A190] =	vst v5  }
0x343: {  	v5 =	vld.idx.msk [tilespmem:v4+s6+$0x0], $0xffff  }
0x344: {  	v6 =	vadd.s32 $0x800, v4;
	_ =	sdelay $0x3  }
0x345: {  	v27 =	vld [tilespmem:$0x1B0];
	[tilespmem:$0x19DA0] =	vst v5  }
0x346: {  	v5 =	vld.idx.msk [tilespmem:v6+s6+$0x0], $0xffff  }
0x347: {  	v4 =	vadd.s32 $0x1000, v4;
	_ =	sdelay $0x3  }
0x348: {  	[tilespmem:$0x19FA0] =	vst v5;
	v5 =	vsub.s32 v27, v0  }
0x349: {  	v6 =	vand.u32 $0x7F, v27;
	v4 =	vld.idx.msk [tilespmem:v4+s6+$0x0], $0xffff;
	v5 =	vand.u32 $0xFFFFFF80, v5  }
0x34a: {  	v5 =	vor.u32 v6, v5;
	_ =	sdelay $0x3  }
0x34b: {  	[tilespmem:$0x1A1A0] =	vst v4  }
0x34c: {  	v4 =	vld.idx.msk [tilespmem:v5+s6+$0x0], $0xffff  }
0x34d: {  	v6 =	vadd.s32 $0x800, v5;
	_ =	sdelay $0x3  }
0x34e: {  	v28 =	vld [tilespmem:$0x1C0];
	[tilespmem:$0x19DB0] =	vst v4  }
0x34f: {  	v4 =	vld.idx.msk [tilespmem:v6+s6+$0x0], $0xffff  }
0x350: {  	v5 =	vadd.s32 $0x1000, v5;
	_ =	sdelay $0x3  }
0x351: {  	[tilespmem:$0x19FB0] =	vst v4;
	v4 =	vsub.s32 v28, v0  }
0x352: {  	v6 =	vand.u32 $0x7F, v28;
	v5 =	vld.idx.msk [tilespmem:v5+s6+$0x0], $0xffff;
	v4 =	vand.u32 $0xFFFFFF80, v4  }
0x353: {  	v4 =	vor.u32 v6, v4;
	_ =	sdelay $0x3  }
0x354: {  	[tilespmem:$0x1A1B0] =	vst v5  }
0x355: {  	v5 =	vld.idx.msk [tilespmem:v4+s6+$0x0], $0xffff  }
0x356: {  	v6 =	vadd.s32 $0x800, v4;
	_ =	sdelay $0x3  }
0x357: {  	v29 =	vld [tilespmem:$0x1D0];
	[tilespmem:$0x19DC0] =	vst v5  }
0x358: {  	v5 =	vld.idx.msk [tilespmem:v6+s6+$0x0], $0xffff  }
0x359: {  	v4 =	vadd.s32 $0x1000, v4;
	_ =	sdelay $0x3  }
0x35a: {  	[tilespmem:$0x19FC0] =	vst v5;
	v5 =	vsub.s32 v29, v0  }
0x35b: {  	v6 =	vand.u32 $0x7F, v29;
	v4 =	vld.idx.msk [tilespmem:v4+s6+$0x0], $0xffff;
	v5 =	vand.u32 $0xFFFFFF80, v5  }
0x35c: {  	v5 =	vor.u32 v6, v5;
	_ =	sdelay $0x3  }
0x35d: {  	[tilespmem:$0x1A1C0] =	vst v4  }
0x35e: {  	v4 =	vld.idx.msk [tilespmem:v5+s6+$0x0], $0xffff  }
0x35f: {  	v6 =	vadd.s32 $0x800, v5;
	_ =	sdelay $0x3  }
0x360: {  	v30 =	vld [tilespmem:$0x1E0];
	[tilespmem:$0x19DD0] =	vst v4  }
0x361: {  	v4 =	vld.idx.msk [tilespmem:v6+s6+$0x0], $0xffff  }
0x362: {  	v5 =	vadd.s32 $0x1000, v5;
	_ =	sdelay $0x3  }
0x363: {  	[tilespmem:$0x19FD0] =	vst v4;
	v4 =	vsub.s32 v30, v0  }
0x364: {  	v6 =	vand.u32 $0x7F, v30;
	v5 =	vld.idx.msk [tilespmem:v5+s6+$0x0], $0xffff;
	v4 =	vand.u32 $0xFFFFFF80, v4  }
0x365: {  	v4 =	vor.u32 v6, v4;
	_ =	sdelay $0x3  }
0x366: {  	[tilespmem:$0x1A1D0] =	vst v5  }
0x367: {  	v5 =	vld.idx.msk [tilespmem:v4+s6+$0x0], $0xffff  }
0x368: {  	v6 =	vadd.s32 $0x800, v4;
	_ =	sdelay $0x3  }
0x369: {  	v31 =	vld [tilespmem:$0x1F0];
	[tilespmem:$0x19DE0] =	vst v5  }
0x36a: {  	v5 =	vld.idx.msk [tilespmem:v6+s6+$0x0], $0xffff  }
0x36b: {  	v4 =	vadd.s32 $0x1000, v4;
	_ =	sdelay $0x3  }
0x36c: {  	[tilespmem:$0x19FE0] =	vst v5;
	v5 =	vsub.s32 v31, v0  }
0x36d: {  	v6 =	vand.u32 $0x7F, v31;
	v4 =	vld.idx.msk [tilespmem:v4+s6+$0x0], $0xffff;
	v5 =	vand.u32 $0xFFFFFF80, v5  }
0x36e: {  	v5 =	vor.u32 v6, v5;
	_ =	sdelay $0x3  }
0x36f: {  	[tilespmem:$0x1A1E0] =	vst v4  }
0x370: {  	v4 =	vld.idx.msk [tilespmem:v5+s6+$0x0], $0xffff  }
0x371: {  	v6 =	vadd.s32 $0x800, v5;
	_ =	sdelay $0x3  }
0x372: {  	[tilespmem:$0x19DF0] =	vst v4  }
0x373: {  	v4 =	vld.idx.msk [tilespmem:v6+s6+$0x0], $0xffff  }
0x374: {  	v5 =	vadd.s32 $0x1000, v5;
	_ =	sdelay $0x3  }
0x375: {  	[tilespmem:$0x19FF0] =	vst v4  }
0x376: {  	v4 =	vld.idx.msk [tilespmem:v5+s6+$0x0], $0xffff;
	_ =	sdelay $0x1  }
0x377: {  	s1 =	sld [smem:$0x7F9]  }
0x378: {  	s2 =	rddreg [dreg:$0x13]  }
0x379: {  	s7 =	rddreg [dreg:$0x1f]  }
0x37a: {  	s30 =	rddreg [dreg:$0x14];
	[tilespmem:$0x1A1F0] =	vst v4  }
0x37b: {  	[hbm4b:s2+s3] =	stream.linear.scatter [tilespmem:s7], [sflag:$0x4], $0x200, $0x38;
	[tilespmem:$0x1B800] =	vst v63  }
0x37c: {  	s7 =	sld [smem:$0x7FA]  }
0x37d: {  	[hbm4b:s30+s3] =	stream.linear.scatter [tilespmem:s1], [sflag:$0x4], $0x200, $0x38;
	[tilespmem:$0x1B800] =	vst v63  }
0x37e: {  	s2 =	rddreg [dreg:$0x15]  }
0x37f: {  	[hbm4b:s2+s3] =	stream.linear.scatter [tilespmem:s7], [sflag:$0x4], $0x200, $0x38;
	[tilespmem:$0x1B800] =	vst v63  }
0x380: {  	_ =	swait.ge [sflag:s8], $0x8000  }
0x381: {  	[sflag:s8] =	ssyncset.done $0x0  }
0x382: {  	s30 =	simm.s32 $0x400;
	s7 =	rddreg [dreg:$0x16];
	[sflag:s8] =	ssyncadd.s32 $0xFFFF8000  }
0x383: {  	[hbm4b:s7+s3] =	stream.linear.scatter [tilespmem:s30], [sflag:$0x8], $0x8000, $0x38;
	[tilespmem:$0x1B800] =	vst v63  }
0x384: {  	s7 =	simm.s32 $0xA  }
0x385: {  	_ =	swait.ge [sflag:s7], $0x8000  }
0x386: {  	[sflag:s7] =	ssyncset.done $0x0  }
0x387: {  	[sflag:s7] =	ssyncadd.s32 $0xFFFF8000  }
0x388: {  	v4 =	vld [tilespmem:$0x280];
	_ =	sdelay $0x4  }
0x389: {  	v5 =	vshll.u32 v4, $0x1  }
0x38a: {  	v4 =	vand.u32 $0x7, v4;
	v5 =	vand.u32 $0xFFFFFFF0, v5  }
0x38b: {  	v4 =	vor.u32 v4, v5  }
0x38c: {  	v5 =	vperm.xlane v4, v1;
	_ =	sdelay $0x1  }
0x38d: {  	v4 =	vperm.xlane v4, v3;
	v5 =	vadd.s32 v2, v5;
	_ =	sdelay $0x1  }
0x38e: {  	v4 =	vadd.s32 v2, v4;
	_ =	sdelay $0x2  }
0x38f: {  	[tilespmem:s4], [sflag:$0x7] =	stream.indirect_vreg.gather [hbm4b:s0+s3], $0x80, v5, vm0, $0xb8;
	[tilespmem:$0x1B800] =	vst v63  }
0x390: {  	s31 =	simm.s32 $0x10C00  }
0x391: {  	[tilespmem:s31], [sflag:$0x7] =	stream.indirect_vreg.gather [hbm4b:s0+s3], $0x80, v4, vm0, $0xb8;
	[tilespmem:$0x1B800] =	vst v63  }
0x392: {  	v4 =	vld [tilespmem:$0x290];
	_ =	sdelay $0x4  }
0x393: {  	v5 =	vshll.u32 v4, $0x1  }
0x394: {  	v4 =	vand.u32 $0x7, v4;
	v5 =	vand.u32 $0xFFFFFFF0, v5  }
0x395: {  	v4 =	vor.u32 v4, v5  }
0x396: {  	v5 =	vperm.xlane v4, v1;
	_ =	sdelay $0x1  }
0x397: {  	v4 =	vperm.xlane v4, v3;
	v5 =	vadd.s32 v2, v5;
	_ =	sdelay $0x1  }
0x398: {  	v4 =	vadd.s32 v2, v4;
	_ =	sdelay $0x1  }
0x399: {  	s2 =	simm.s32 $0x11400  }
0x39a: {  	[tilespmem:s2], [sflag:$0x7] =	stream.indirect_vreg.gather [hbm4b:s0+s3], $0x80, v5, vm0, $0xb8;
	[tilespmem:$0x1B800] =	vst v63  }
0x39b: {  	_ = 	snop  }
0x39c: {  	[tilespmem:s9], [sflag:$0x7] =	stream.indirect_vreg.gather [hbm4b:s0+s3], $0x80, v4, vm0, $0xb8;
	[tilespmem:$0x1B800] =	vst v63  }
0x39d: {  	v4 =	vld [tilespmem:$0x2A0];
	_ =	sdelay $0x4  }
0x39e: {  	v5 =	vshll.u32 v4, $0x1  }
0x39f: {  	v4 =	vand.u32 $0x7, v4;
	v5 =	vand.u32 $0xFFFFFFF0, v5  }
0x3a0: {  	v4 =	vor.u32 v4, v5  }
0x3a1: {  	v5 =	vperm.xlane v4, v1;
	_ =	sdelay $0x1  }
0x3a2: {  	v4 =	vperm.xlane v4, v3;
	v5 =	vadd.s32 v2, v5;
	_ =	sdelay $0x1  }
0x3a3: {  	v4 =	vadd.s32 v2, v4;
	_ =	sdelay $0x2  }
0x3a4: {  	[tilespmem:s10], [sflag:$0x7] =	stream.indirect_vreg.gather [hbm4b:s0+s3], $0x80, v5, vm0, $0xb8;
	[tilespmem:$0x1B800] =	vst v63  }
0x3a5: {  	_ = 	snop  }
0x3a6: {  	[tilespmem:s11], [sflag:$0x7] =	stream.indirect_vreg.gather [hbm4b:s0+s3], $0x80, v4, vm0, $0xb8;
	[tilespmem:$0x1B800] =	vst v63  }
0x3a7: {  	v4 =	vld [tilespmem:$0x2B0];
	_ =	sdelay $0x4  }
0x3a8: {  	v5 =	vshll.u32 v4, $0x1  }
0x3a9: {  	v4 =	vand.u32 $0x7, v4;
	v5 =	vand.u32 $0xFFFFFFF0, v5  }
0x3aa: {  	v4 =	vor.u32 v4, v5  }
0x3ab: {  	v5 =	vperm.xlane v4, v1;
	_ =	sdelay $0x1  }
0x3ac: {  	v4 =	vperm.xlane v4, v3;
	v5 =	vadd.s32 v2, v5;
	_ =	sdelay $0x1  }
0x3ad: {  	v4 =	vadd.s32 v2, v4;
	_ =	sdelay $0x2  }
0x3ae: {  	[tilespmem:s12], [sflag:$0x7] =	stream.indirect_vreg.gather [hbm4b:s0+s3], $0x80, v5, vm0, $0xb8;
	[tilespmem:$0x1B800] =	vst v63  }
0x3af: {  	_ = 	snop  }
0x3b0: {  	[tilespmem:s13], [sflag:$0x7] =	stream.indirect_vreg.gather [hbm4b:s0+s3], $0x80, v4, vm0, $0xb8;
	[tilespmem:$0x1B800] =	vst v63  }
0x3b1: {  	v4 =	vld [tilespmem:$0x2C0];
	_ =	sdelay $0x4  }
0x3b2: {  	v5 =	vshll.u32 v4, $0x1  }
0x3b3: {  	v4 =	vand.u32 $0x7, v4;
	v5 =	vand.u32 $0xFFFFFFF0, v5  }
0x3b4: {  	v4 =	vor.u32 v4, v5  }
0x3b5: {  	v5 =	vperm.xlane v4, v1;
	_ =	sdelay $0x1  }
0x3b6: {  	v4 =	vperm.xlane v4, v3;
	v5 =	vadd.s32 v2, v5;
	_ =	sdelay $0x1  }
0x3b7: {  	v4 =	vadd.s32 v2, v4;
	_ =	sdelay $0x2  }
0x3b8: {  	[tilespmem:s14], [sflag:$0x7] =	stream.indirect_vreg.gather [hbm4b:s0+s3], $0x80, v5, vm0, $0xb8;
	[tilespmem:$0x1B800] =	vst v63  }
0x3b9: {  	_ = 	snop  }
0x3ba: {  	[tilespmem:s15], [sflag:$0x7] =	stream.indirect_vreg.gather [hbm4b:s0+s3], $0x80, v4, vm0, $0xb8;
	[tilespmem:$0x1B800] =	vst v63  }
0x3bb: {  	v4 =	vld [tilespmem:$0x2D0];
	_ =	sdelay $0x4  }
0x3bc: {  	v5 =	vshll.u32 v4, $0x1  }
0x3bd: {  	v4 =	vand.u32 $0x7, v4;
	v5 =	vand.u32 $0xFFFFFFF0, v5  }
0x3be: {  	v4 =	vor.u32 v4, v5  }
0x3bf: {  	v5 =	vperm.xlane v4, v1;
	_ =	sdelay $0x1  }
0x3c0: {  	v4 =	vperm.xlane v4, v3;
	v5 =	vadd.s32 v2, v5;
	_ =	sdelay $0x1  }
0x3c1: {  	v4 =	vadd.s32 v2, v4;
	_ =	sdelay $0x2  }
0x3c2: {  	[tilespmem:s16], [sflag:$0x7] =	stream.indirect_vreg.gather [hbm4b:s0+s3], $0x80, v5, vm0, $0xb8;
	[tilespmem:$0x1B800] =	vst v63  }
0x3c3: {  	_ = 	snop  }
0x3c4: {  	[tilespmem:s17], [sflag:$0x7] =	stream.indirect_vreg.gather [hbm4b:s0+s3], $0x80, v4, vm0, $0xb8;
	[tilespmem:$0x1B800] =	vst v63  }
0x3c5: {  	v4 =	vld [tilespmem:$0x2E0];
	_ =	sdelay $0x4  }
0x3c6: {  	v5 =	vshll.u32 v4, $0x1  }
0x3c7: {  	v4 =	vand.u32 $0x7, v4;
	v5 =	vand.u32 $0xFFFFFFF0, v5  }
0x3c8: {  	v4 =	vor.u32 v4, v5  }
0x3c9: {  	v5 =	vperm.xlane v4, v1;
	_ =	sdelay $0x1  }
0x3ca: {  	v4 =	vperm.xlane v4, v3;
	v5 =	vadd.s32 v2, v5;
	_ =	sdelay $0x1  }
0x3cb: {  	v4 =	vadd.s32 v2, v4;
	_ =	sdelay $0x2  }
0x3cc: {  	[tilespmem:s19], [sflag:$0x7] =	stream.indirect_vreg.gather [hbm4b:s0+s3], $0x80, v5, vm0, $0xb8;
	[tilespmem:$0x1B800] =	vst v63  }
0x3cd: {  	_ = 	snop  }
0x3ce: {  	[tilespmem:s20], [sflag:$0x7] =	stream.indirect_vreg.gather [hbm4b:s0+s3], $0x80, v4, vm0, $0xb8;
	[tilespmem:$0x1B800] =	vst v63  }
0x3cf: {  	v4 =	vld [tilespmem:$0x2F0];
	_ =	sdelay $0x4  }
0x3d0: {  	v5 =	vshll.u32 v4, $0x1  }
0x3d1: {  	v4 =	vand.u32 $0x7, v4;
	v5 =	vand.u32 $0xFFFFFFF0, v5  }
0x3d2: {  	v4 =	vor.u32 v4, v5  }
0x3d3: {  	v5 =	vperm.xlane v4, v1;
	_ =	sdelay $0x1  }
0x3d4: {  	v4 =	vperm.xlane v4, v3;
	v5 =	vadd.s32 v2, v5;
	_ =	sdelay $0x1  }
0x3d5: {  	v4 =	vadd.s32 v2, v4;
	_ =	sdelay $0x2  }
0x3d6: {  	[tilespmem:s21], [sflag:$0x7] =	stream.indirect_vreg.gather [hbm4b:s0+s3], $0x80, v5, vm0, $0xb8;
	[tilespmem:$0x1B800] =	vst v63  }
0x3d7: {  	_ = 	snop  }
0x3d8: {  	[tilespmem:s24], [sflag:$0x7] =	stream.indirect_vreg.gather [hbm4b:s0+s3], $0x80, v4, vm0, $0xb8;
	[tilespmem:$0x1B800] =	vst v63  }
0x3d9: {  	v4 =	vld [tilespmem:$0x200];
	_ =	sdelay $0x4  }
0x3da: {  	v5 =	vsub.s32 v4, v0  }
0x3db: {  	v4 =	vand.u32 $0x7F, v4;
	v5 =	vand.u32 $0xFFFFFF80, v5  }
0x3dc: {  	v4 =	vor.u32 v4, v5;
	_ =	sdelay $0x4  }
0x3dd: {  	v5 =	vld.idx.msk [tilespmem:v4+s6+$0x0], $0xffff  }
0x3de: {  	v32 =	vadd.s32 $0x800, v4;
	_ =	sdelay $0x3  }
0x3df: {  	v33 =	vld [tilespmem:$0x210];
	[tilespmem:$0x1A200] =	vst v5  }
0x3e0: {  	v5 =	vld.idx.msk [tilespmem:v32+s6+$0x0], $0xffff  }
0x3e1: {  	v4 =	vadd.s32 $0x1000, v4;
	_ =	sdelay $0x3  }
0x3e2: {  	[tilespmem:$0x1A400] =	vst v5;
	v5 =	vsub.s32 v33, v0  }
0x3e3: {  	v6 =	vand.u32 $0x7F, v33;
	v4 =	vld.idx.msk [tilespmem:v4+s6+$0x0], $0xffff;
	v5 =	vand.u32 $0xFFFFFF80, v5  }
0x3e4: {  	v5 =	vor.u32 v6, v5;
	_ =	sdelay $0x3  }
0x3e5: {  	[tilespmem:$0x1A600] =	vst v4  }
0x3e6: {  	v4 =	vld.idx.msk [tilespmem:v5+s6+$0x0], $0xffff  }
0x3e7: {  	v6 =	vadd.s32 $0x800, v5;
	_ =	sdelay $0x3  }
0x3e8: {  	v34 =	vld [tilespmem:$0x220];
	[tilespmem:$0x1A210] =	vst v4  }
0x3e9: {  	v4 =	vld.idx.msk [tilespmem:v6+s6+$0x0], $0xffff  }
0x3ea: {  	v5 =	vadd.s32 $0x1000, v5;
	_ =	sdelay $0x3  }
0x3eb: {  	[tilespmem:$0x1A410] =	vst v4;
	v4 =	vsub.s32 v34, v0  }
0x3ec: {  	v6 =	vand.u32 $0x7F, v34;
	v5 =	vld.idx.msk [tilespmem:v5+s6+$0x0], $0xffff;
	v4 =	vand.u32 $0xFFFFFF80, v4  }
0x3ed: {  	v4 =	vor.u32 v6, v4;
	_ =	sdelay $0x3  }
0x3ee: {  	[tilespmem:$0x1A610] =	vst v5  }
0x3ef: {  	v5 =	vld.idx.msk [tilespmem:v4+s6+$0x0], $0xffff  }
0x3f0: {  	v6 =	vadd.s32 $0x800, v4;
	_ =	sdelay $0x3  }
0x3f1: {  	v35 =	vld [tilespmem:$0x230];
	[tilespmem:$0x1A220] =	vst v5  }
0x3f2: {  	v5 =	vld.idx.msk [tilespmem:v6+s6+$0x0], $0xffff  }
0x3f3: {  	v4 =	vadd.s32 $0x1000, v4;
	_ =	sdelay $0x3  }
0x3f4: {  	[tilespmem:$0x1A420] =	vst v5;
	v5 =	vsub.s32 v35, v0  }
0x3f5: {  	v6 =	vand.u32 $0x7F, v35;
	v4 =	vld.idx.msk [tilespmem:v4+s6+$0x0], $0xffff;
	v5 =	vand.u32 $0xFFFFFF80, v5  }
0x3f6: {  	v5 =	vor.u32 v6, v5;
	_ =	sdelay $0x3  }
0x3f7: {  	[tilespmem:$0x1A620] =	vst v4  }
0x3f8: {  	v4 =	vld.idx.msk [tilespmem:v5+s6+$0x0], $0xffff  }
0x3f9: {  	v6 =	vadd.s32 $0x800, v5;
	_ =	sdelay $0x3  }
0x3fa: {  	v36 =	vld [tilespmem:$0x240];
	[tilespmem:$0x1A230] =	vst v4  }
0x3fb: {  	v4 =	vld.idx.msk [tilespmem:v6+s6+$0x0], $0xffff  }
0x3fc: {  	v5 =	vadd.s32 $0x1000, v5;
	_ =	sdelay $0x3  }
0x3fd: {  	[tilespmem:$0x1A430] =	vst v4;
	v4 =	vsub.s32 v36, v0  }
0x3fe: {  	v6 =	vand.u32 $0x7F, v36;
	v5 =	vld.idx.msk [tilespmem:v5+s6+$0x0], $0xffff;
	v4 =	vand.u32 $0xFFFFFF80, v4  }
0x3ff: {  	v4 =	vor.u32 v6, v4;
	_ =	sdelay $0x3  }
0x400: {  	[tilespmem:$0x1A630] =	vst v5  }
0x401: {  	v5 =	vld.idx.msk [tilespmem:v4+s6+$0x0], $0xffff  }
0x402: {  	v6 =	vadd.s32 $0x800, v4;
	_ =	sdelay $0x3  }
0x403: {  	v37 =	vld [tilespmem:$0x250];
	[tilespmem:$0x1A240] =	vst v5  }
0x404: {  	v5 =	vld.idx.msk [tilespmem:v6+s6+$0x0], $0xffff  }
0x405: {  	v4 =	vadd.s32 $0x1000, v4;
	_ =	sdelay $0x3  }
0x406: {  	[tilespmem:$0x1A440] =	vst v5;
	v5 =	vsub.s32 v37, v0  }
0x407: {  	v6 =	vand.u32 $0x7F, v37;
	v4 =	vld.idx.msk [tilespmem:v4+s6+$0x0], $0xffff;
	v5 =	vand.u32 $0xFFFFFF80, v5  }
0x408: {  	v5 =	vor.u32 v6, v5;
	_ =	sdelay $0x3  }
0x409: {  	[tilespmem:$0x1A640] =	vst v4  }
0x40a: {  	v4 =	vld.idx.msk [tilespmem:v5+s6+$0x0], $0xffff  }
0x40b: {  	v6 =	vadd.s32 $0x800, v5;
	_ =	sdelay $0x3  }
0x40c: {  	v38 =	vld [tilespmem:$0x260];
	[tilespmem:$0x1A250] =	vst v4  }
0x40d: {  	v4 =	vld.idx.msk [tilespmem:v6+s6+$0x0], $0xffff  }
0x40e: {  	v5 =	vadd.s32 $0x1000, v5;
	_ =	sdelay $0x3  }
0x40f: {  	[tilespmem:$0x1A450] =	vst v4;
	v4 =	vsub.s32 v38, v0  }
0x410: {  	v6 =	vand.u32 $0x7F, v38;
	v5 =	vld.idx.msk [tilespmem:v5+s6+$0x0], $0xffff;
	v4 =	vand.u32 $0xFFFFFF80, v4  }
0x411: {  	v4 =	vor.u32 v6, v4;
	_ =	sdelay $0x3  }
0x412: {  	[tilespmem:$0x1A650] =	vst v5  }
0x413: {  	v5 =	vld.idx.msk [tilespmem:v4+s6+$0x0], $0xffff  }
0x414: {  	v6 =	vadd.s32 $0x800, v4;
	_ =	sdelay $0x3  }
0x415: {  	v39 =	vld [tilespmem:$0x270];
	[tilespmem:$0x1A260] =	vst v5  }
0x416: {  	v5 =	vld.idx.msk [tilespmem:v6+s6+$0x0], $0xffff  }
0x417: {  	v4 =	vadd.s32 $0x1000, v4;
	_ =	sdelay $0x3  }
0x418: {  	[tilespmem:$0x1A460] =	vst v5;
	v5 =	vsub.s32 v39, v0  }
0x419: {  	v6 =	vand.u32 $0x7F, v39;
	v4 =	vld.idx.msk [tilespmem:v4+s6+$0x0], $0xffff;
	v5 =	vand.u32 $0xFFFFFF80, v5  }
0x41a: {  	v5 =	vor.u32 v6, v5;
	_ =	sdelay $0x3  }
0x41b: {  	[tilespmem:$0x1A660] =	vst v4  }
0x41c: {  	v4 =	vld.idx.msk [tilespmem:v5+s6+$0x0], $0xffff  }
0x41d: {  	v6 =	vadd.s32 $0x800, v5;
	_ =	sdelay $0x3  }
0x41e: {  	[tilespmem:$0x1A270] =	vst v4  }
0x41f: {  	v4 =	vld.idx.msk [tilespmem:v6+s6+$0x0], $0xffff  }
0x420: {  	v5 =	vadd.s32 $0x1000, v5;
	_ =	sdelay $0x3  }
0x421: {  	[tilespmem:$0x1A470] =	vst v4  }
0x422: {  	v4 =	vld.idx.msk [tilespmem:v5+s6+$0x0], $0xffff;
	_ =	sdelay $0x4  }
0x423: {  	[tilespmem:$0x1A670] =	vst v4  }
0x424: {  	_ =	swait.ge [sflag:s22], $0x8000  }
0x425: {  	[sflag:s22] =	ssyncset.done $0x0  }
0x426: {  	s2 =	simm.s32 $0x8400;
	s9 =	rddreg [dreg:$0x17];
	[sflag:s22] =	ssyncadd.s32 $0xFFFF8000  }
0x427: {  	[hbm4b:s9+s3] =	stream.linear.scatter [tilespmem:s2], [sflag:$0x9], $0x8000, $0x38;
	[tilespmem:$0x1B800] =	vst v63  }
0x428: {  	_ =	swait.ge [sflag:s23], $0x8000  }
0x429: {  	[sflag:s23] =	ssyncset.done $0x0  }
0x42a: {  	[sflag:s23] =	ssyncadd.s32 $0xFFFF8000  }
0x42b: {  	v4 =	vld [tilespmem:$0x300];
	_ =	sdelay $0x4  }
0x42c: {  	v5 =	vshll.u32 v4, $0x1  }
0x42d: {  	v4 =	vand.u32 $0x7, v4;
	v5 =	vand.u32 $0xFFFFFFF0, v5  }
0x42e: {  	v4 =	vor.u32 v4, v5  }
0x42f: {  	v5 =	vperm.xlane v4, v1;
	_ =	sdelay $0x1  }
0x430: {  	v4 =	vperm.xlane v4, v3;
	v5 =	vadd.s32 v2, v5;
	_ =	sdelay $0x1  }
0x431: {  	v4 =	vadd.s32 v2, v4;
	_ =	sdelay $0x2  }
0x432: {  	[tilespmem:s30], [sflag:$0x5] =	stream.indirect_vreg.gather [hbm4b:s0+s3], $0x80, v5, vm0, $0xb8;
	[tilespmem:$0x1B800] =	vst v63  }
0x433: {  	s30 =	simm.s32 $0xC00  }
0x434: {  	[tilespmem:s30], [sflag:$0x5] =	stream.indirect_vreg.gather [hbm4b:s0+s3], $0x80, v4, vm0, $0xb8;
	[tilespmem:$0x1B800] =	vst v63  }
0x435: {  	v4 =	vld [tilespmem:$0x310];
	_ =	sdelay $0x4  }
0x436: {  	v5 =	vshll.u32 v4, $0x1  }
0x437: {  	v4 =	vand.u32 $0x7, v4;
	v5 =	vand.u32 $0xFFFFFFF0, v5  }
0x438: {  	v4 =	vor.u32 v4, v5  }
0x439: {  	v5 =	vperm.xlane v4, v1;
	_ =	sdelay $0x1  }
0x43a: {  	v4 =	vperm.xlane v4, v3;
	v5 =	vadd.s32 v2, v5;
	_ =	sdelay $0x1  }
0x43b: {  	v4 =	vadd.s32 v2, v4;
	_ =	sdelay $0x1  }
0x43c: {  	s31 =	simm.s32 $0x1400  }
0x43d: {  	[tilespmem:s31], [sflag:$0x5] =	stream.indirect_vreg.gather [hbm4b:s0+s3], $0x80, v5, vm0, $0xb8;
	[tilespmem:$0x1B800] =	vst v63  }
0x43e: {  	s30 =	simm.s32 $0x1C00  }
0x43f: {  	[tilespmem:s30], [sflag:$0x5] =	stream.indirect_vreg.gather [hbm4b:s0+s3], $0x80, v4, vm0, $0xb8;
	[tilespmem:$0x1B800] =	vst v63  }
0x440: {  	v4 =	vld [tilespmem:$0x320];
	_ =	sdelay $0x4  }
0x441: {  	v5 =	vshll.u32 v4, $0x1  }
0x442: {  	v4 =	vand.u32 $0x7, v4;
	v5 =	vand.u32 $0xFFFFFFF0, v5  }
0x443: {  	v4 =	vor.u32 v4, v5  }
0x444: {  	v5 =	vperm.xlane v4, v1;
	_ =	sdelay $0x1  }
0x445: {  	v4 =	vperm.xlane v4, v3;
	v5 =	vadd.s32 v2, v5;
	_ =	sdelay $0x1  }
0x446: {  	v4 =	vadd.s32 v2, v4;
	_ =	sdelay $0x1  }
0x447: {  	s31 =	simm.s32 $0x2400  }
0x448: {  	[tilespmem:s31], [sflag:$0x5] =	stream.indirect_vreg.gather [hbm4b:s0+s3], $0x80, v5, vm0, $0xb8;
	[tilespmem:$0x1B800] =	vst v63  }
0x449: {  	s30 =	simm.s32 $0x2C00  }
0x44a: {  	[tilespmem:s30], [sflag:$0x5] =	stream.indirect_vreg.gather [hbm4b:s0+s3], $0x80, v4, vm0, $0xb8;
	[tilespmem:$0x1B800] =	vst v63  }
0x44b: {  	v4 =	vld [tilespmem:$0x330];
	_ =	sdelay $0x4  }
0x44c: {  	v5 =	vshll.u32 v4, $0x1  }
0x44d: {  	v4 =	vand.u32 $0x7, v4;
	v5 =	vand.u32 $0xFFFFFFF0, v5  }
0x44e: {  	v4 =	vor.u32 v4, v5  }
0x44f: {  	v5 =	vperm.xlane v4, v1;
	_ =	sdelay $0x1  }
0x450: {  	v4 =	vperm.xlane v4, v3;
	v5 =	vadd.s32 v2, v5;
	_ =	sdelay $0x1  }
0x451: {  	v4 =	vadd.s32 v2, v4;
	_ =	sdelay $0x1  }
0x452: {  	s31 =	simm.s32 $0x3400  }
0x453: {  	[tilespmem:s31], [sflag:$0x5] =	stream.indirect_vreg.gather [hbm4b:s0+s3], $0x80, v5, vm0, $0xb8;
	[tilespmem:$0x1B800] =	vst v63  }
0x454: {  	s30 =	simm.s32 $0x3C00  }
0x455: {  	[tilespmem:s30], [sflag:$0x5] =	stream.indirect_vreg.gather [hbm4b:s0+s3], $0x80, v4, vm0, $0xb8;
	[tilespmem:$0x1B800] =	vst v63  }
0x456: {  	v4 =	vld [tilespmem:$0x340];
	_ =	sdelay $0x4  }
0x457: {  	v5 =	vshll.u32 v4, $0x1  }
0x458: {  	v4 =	vand.u32 $0x7, v4;
	v5 =	vand.u32 $0xFFFFFFF0, v5  }
0x459: {  	v4 =	vor.u32 v4, v5  }
0x45a: {  	v5 =	vperm.xlane v4, v1;
	_ =	sdelay $0x1  }
0x45b: {  	v4 =	vperm.xlane v4, v3;
	v5 =	vadd.s32 v2, v5;
	_ =	sdelay $0x1  }
0x45c: {  	v4 =	vadd.s32 v2, v4;
	_ =	sdelay $0x1  }
0x45d: {  	s31 =	simm.s32 $0x4400  }
0x45e: {  	[tilespmem:s31], [sflag:$0x5] =	stream.indirect_vreg.gather [hbm4b:s0+s3], $0x80, v5, vm0, $0xb8;
	[tilespmem:$0x1B800] =	vst v63  }
0x45f: {  	s30 =	simm.s32 $0x4C00  }
0x460: {  	[tilespmem:s30], [sflag:$0x5] =	stream.indirect_vreg.gather [hbm4b:s0+s3], $0x80, v4, vm0, $0xb8;
	[tilespmem:$0x1B800] =	vst v63  }
0x461: {  	v4 =	vld [tilespmem:$0x350];
	_ =	sdelay $0x4  }
0x462: {  	v5 =	vshll.u32 v4, $0x1  }
0x463: {  	v4 =	vand.u32 $0x7, v4;
	v5 =	vand.u32 $0xFFFFFFF0, v5  }
0x464: {  	v4 =	vor.u32 v4, v5  }
0x465: {  	v5 =	vperm.xlane v4, v1;
	_ =	sdelay $0x1  }
0x466: {  	v4 =	vperm.xlane v4, v3;
	v5 =	vadd.s32 v2, v5;
	_ =	sdelay $0x1  }
0x467: {  	v4 =	vadd.s32 v2, v4;
	_ =	sdelay $0x1  }
0x468: {  	s31 =	simm.s32 $0x5400  }
0x469: {  	[tilespmem:s31], [sflag:$0x5] =	stream.indirect_vreg.gather [hbm4b:s0+s3], $0x80, v5, vm0, $0xb8;
	[tilespmem:$0x1B800] =	vst v63  }
0x46a: {  	s30 =	simm.s32 $0x5C00  }
0x46b: {  	[tilespmem:s30], [sflag:$0x5] =	stream.indirect_vreg.gather [hbm4b:s0+s3], $0x80, v4, vm0, $0xb8;
	[tilespmem:$0x1B800] =	vst v63  }
0x46c: {  	v4 =	vld [tilespmem:$0x360];
	_ =	sdelay $0x4  }
0x46d: {  	v5 =	vshll.u32 v4, $0x1  }
0x46e: {  	v4 =	vand.u32 $0x7, v4;
	v5 =	vand.u32 $0xFFFFFFF0, v5  }
0x46f: {  	v4 =	vor.u32 v4, v5  }
0x470: {  	v5 =	vperm.xlane v4, v1;
	_ =	sdelay $0x1  }
0x471: {  	v4 =	vperm.xlane v4, v3;
	v5 =	vadd.s32 v2, v5;
	_ =	sdelay $0x1  }
0x472: {  	v4 =	vadd.s32 v2, v4;
	_ =	sdelay $0x1  }
0x473: {  	s31 =	simm.s32 $0x6400  }
0x474: {  	[tilespmem:s31], [sflag:$0x5] =	stream.indirect_vreg.gather [hbm4b:s0+s3], $0x80, v5, vm0, $0xb8;
	[tilespmem:$0x1B800] =	vst v63  }
0x475: {  	s30 =	simm.s32 $0x6C00  }
0x476: {  	[tilespmem:s30], [sflag:$0x5] =	stream.indirect_vreg.gather [hbm4b:s0+s3], $0x80, v4, vm0, $0xb8;
	[tilespmem:$0x1B800] =	vst v63  }
0x477: {  	v4 =	vld [tilespmem:$0x370];
	_ =	sdelay $0x4  }
0x478: {  	v5 =	vshll.u32 v4, $0x1  }
0x479: {  	v4 =	vand.u32 $0x7, v4;
	v5 =	vand.u32 $0xFFFFFFF0, v5  }
0x47a: {  	v4 =	vor.u32 v4, v5  }
0x47b: {  	v5 =	vperm.xlane v4, v1;
	_ =	sdelay $0x1  }
0x47c: {  	v4 =	vperm.xlane v4, v3;
	v5 =	vadd.s32 v2, v5;
	_ =	sdelay $0x1  }
0x47d: {  	v4 =	vadd.s32 v2, v4;
	_ =	sdelay $0x1  }
0x47e: {  	s31 =	simm.s32 $0x7400  }
0x47f: {  	[tilespmem:s31], [sflag:$0x5] =	stream.indirect_vreg.gather [hbm4b:s0+s3], $0x80, v5, vm0, $0xb8;
	[tilespmem:$0x1B800] =	vst v63  }
0x480: {  	s30 =	simm.s32 $0x7C00  }
0x481: {  	[tilespmem:s30], [sflag:$0x5] =	stream.indirect_vreg.gather [hbm4b:s0+s3], $0x80, v4, vm0, $0xb8;
	[tilespmem:$0x1B800] =	vst v63  }
0x482: {  	v4 =	vld [tilespmem:$0x280];
	_ =	sdelay $0x4  }
0x483: {  	v5 =	vsub.s32 v4, v0  }
0x484: {  	v4 =	vand.u32 $0x7F, v4;
	v5 =	vand.u32 $0xFFFFFF80, v5  }
0x485: {  	v4 =	vor.u32 v4, v5;
	_ =	sdelay $0x4  }
0x486: {  	v5 =	vld.idx.msk [tilespmem:v4+s6+$0x0], $0xffff  }
0x487: {  	v40 =	vadd.s32 $0x800, v4;
	_ =	sdelay $0x3  }
0x488: {  	v41 =	vld [tilespmem:$0x290];
	[tilespmem:$0x1A280] =	vst v5  }
0x489: {  	v5 =	vld.idx.msk [tilespmem:v40+s6+$0x0], $0xffff  }
0x48a: {  	v4 =	vadd.s32 $0x1000, v4;
	_ =	sdelay $0x3  }
0x48b: {  	[tilespmem:$0x1A480] =	vst v5;
	v5 =	vsub.s32 v41, v0  }
0x48c: {  	v6 =	vand.u32 $0x7F, v41;
	v4 =	vld.idx.msk [tilespmem:v4+s6+$0x0], $0xffff;
	v5 =	vand.u32 $0xFFFFFF80, v5  }
0x48d: {  	v5 =	vor.u32 v6, v5;
	_ =	sdelay $0x3  }
0x48e: {  	[tilespmem:$0x1A680] =	vst v4  }
0x48f: {  	v4 =	vld.idx.msk [tilespmem:v5+s6+$0x0], $0xffff  }
0x490: {  	v6 =	vadd.s32 $0x800, v5;
	_ =	sdelay $0x3  }
0x491: {  	v42 =	vld [tilespmem:$0x2A0];
	[tilespmem:$0x1A290] =	vst v4  }
0x492: {  	v4 =	vld.idx.msk [tilespmem:v6+s6+$0x0], $0xffff  }
0x493: {  	v5 =	vadd.s32 $0x1000, v5;
	_ =	sdelay $0x3  }
0x494: {  	[tilespmem:$0x1A490] =	vst v4;
	v4 =	vsub.s32 v42, v0  }
0x495: {  	v6 =	vand.u32 $0x7F, v42;
	v5 =	vld.idx.msk [tilespmem:v5+s6+$0x0], $0xffff;
	v4 =	vand.u32 $0xFFFFFF80, v4  }
0x496: {  	v4 =	vor.u32 v6, v4;
	_ =	sdelay $0x3  }
0x497: {  	[tilespmem:$0x1A690] =	vst v5  }
0x498: {  	v5 =	vld.idx.msk [tilespmem:v4+s6+$0x0], $0xffff  }
0x499: {  	v6 =	vadd.s32 $0x800, v4;
	_ =	sdelay $0x3  }
0x49a: {  	v43 =	vld [tilespmem:$0x2B0];
	[tilespmem:$0x1A2A0] =	vst v5  }
0x49b: {  	v5 =	vld.idx.msk [tilespmem:v6+s6+$0x0], $0xffff  }
0x49c: {  	v4 =	vadd.s32 $0x1000, v4;
	_ =	sdelay $0x3  }
0x49d: {  	[tilespmem:$0x1A4A0] =	vst v5;
	v5 =	vsub.s32 v43, v0  }
0x49e: {  	v6 =	vand.u32 $0x7F, v43;
	v4 =	vld.idx.msk [tilespmem:v4+s6+$0x0], $0xffff;
	v5 =	vand.u32 $0xFFFFFF80, v5  }
0x49f: {  	v5 =	vor.u32 v6, v5;
	_ =	sdelay $0x3  }
0x4a0: {  	[tilespmem:$0x1A6A0] =	vst v4  }
0x4a1: {  	v4 =	vld.idx.msk [tilespmem:v5+s6+$0x0], $0xffff  }
0x4a2: {  	v6 =	vadd.s32 $0x800, v5;
	_ =	sdelay $0x3  }
0x4a3: {  	v44 =	vld [tilespmem:$0x2C0];
	[tilespmem:$0x1A2B0] =	vst v4  }
0x4a4: {  	v4 =	vld.idx.msk [tilespmem:v6+s6+$0x0], $0xffff  }
0x4a5: {  	v5 =	vadd.s32 $0x1000, v5;
	_ =	sdelay $0x3  }
0x4a6: {  	[tilespmem:$0x1A4B0] =	vst v4;
	v4 =	vsub.s32 v44, v0  }
0x4a7: {  	v6 =	vand.u32 $0x7F, v44;
	v5 =	vld.idx.msk [tilespmem:v5+s6+$0x0], $0xffff;
	v4 =	vand.u32 $0xFFFFFF80, v4  }
0x4a8: {  	v4 =	vor.u32 v6, v4;
	_ =	sdelay $0x3  }
0x4a9: {  	[tilespmem:$0x1A6B0] =	vst v5  }
0x4aa: {  	v5 =	vld.idx.msk [tilespmem:v4+s6+$0x0], $0xffff  }
0x4ab: {  	v6 =	vadd.s32 $0x800, v4;
	_ =	sdelay $0x3  }
0x4ac: {  	v45 =	vld [tilespmem:$0x2D0];
	[tilespmem:$0x1A2C0] =	vst v5  }
0x4ad: {  	v5 =	vld.idx.msk [tilespmem:v6+s6+$0x0], $0xffff  }
0x4ae: {  	v4 =	vadd.s32 $0x1000, v4;
	_ =	sdelay $0x3  }
0x4af: {  	[tilespmem:$0x1A4C0] =	vst v5;
	v5 =	vsub.s32 v45, v0  }
0x4b0: {  	v6 =	vand.u32 $0x7F, v45;
	v4 =	vld.idx.msk [tilespmem:v4+s6+$0x0], $0xffff;
	v5 =	vand.u32 $0xFFFFFF80, v5  }
0x4b1: {  	v5 =	vor.u32 v6, v5;
	_ =	sdelay $0x3  }
0x4b2: {  	[tilespmem:$0x1A6C0] =	vst v4  }
0x4b3: {  	v4 =	vld.idx.msk [tilespmem:v5+s6+$0x0], $0xffff  }
0x4b4: {  	v6 =	vadd.s32 $0x800, v5;
	_ =	sdelay $0x3  }
0x4b5: {  	v46 =	vld [tilespmem:$0x2E0];
	[tilespmem:$0x1A2D0] =	vst v4  }
0x4b6: {  	v4 =	vld.idx.msk [tilespmem:v6+s6+$0x0], $0xffff  }
0x4b7: {  	v5 =	vadd.s32 $0x1000, v5;
	_ =	sdelay $0x3  }
0x4b8: {  	[tilespmem:$0x1A4D0] =	vst v4;
	v4 =	vsub.s32 v46, v0  }
0x4b9: {  	v6 =	vand.u32 $0x7F, v46;
	v5 =	vld.idx.msk [tilespmem:v5+s6+$0x0], $0xffff;
	v4 =	vand.u32 $0xFFFFFF80, v4  }
0x4ba: {  	v4 =	vor.u32 v6, v4;
	_ =	sdelay $0x3  }
0x4bb: {  	[tilespmem:$0x1A6D0] =	vst v5  }
0x4bc: {  	v5 =	vld.idx.msk [tilespmem:v4+s6+$0x0], $0xffff  }
0x4bd: {  	v6 =	vadd.s32 $0x800, v4;
	_ =	sdelay $0x3  }
0x4be: {  	v47 =	vld [tilespmem:$0x2F0];
	[tilespmem:$0x1A2E0] =	vst v5  }
0x4bf: {  	v5 =	vld.idx.msk [tilespmem:v6+s6+$0x0], $0xffff  }
0x4c0: {  	v4 =	vadd.s32 $0x1000, v4;
	_ =	sdelay $0x3  }
0x4c1: {  	[tilespmem:$0x1A4E0] =	vst v5;
	v5 =	vsub.s32 v47, v0  }
0x4c2: {  	v6 =	vand.u32 $0x7F, v47;
	v4 =	vld.idx.msk [tilespmem:v4+s6+$0x0], $0xffff;
	v5 =	vand.u32 $0xFFFFFF80, v5  }
0x4c3: {  	v5 =	vor.u32 v6, v5;
	_ =	sdelay $0x3  }
0x4c4: {  	[tilespmem:$0x1A6E0] =	vst v4  }
0x4c5: {  	v4 =	vld.idx.msk [tilespmem:v5+s6+$0x0], $0xffff  }
0x4c6: {  	v6 =	vadd.s32 $0x800, v5;
	_ =	sdelay $0x3  }
0x4c7: {  	[tilespmem:$0x1A2F0] =	vst v4  }
0x4c8: {  	v4 =	vld.idx.msk [tilespmem:v6+s6+$0x0], $0xffff  }
0x4c9: {  	v5 =	vadd.s32 $0x1000, v5;
	_ =	sdelay $0x3  }
0x4ca: {  	[tilespmem:$0x1A4F0] =	vst v4  }
0x4cb: {  	v4 =	vld.idx.msk [tilespmem:v5+s6+$0x0], $0xffff;
	_ =	sdelay $0x4  }
0x4cc: {  	[tilespmem:$0x1A6F0] =	vst v4  }
0x4cd: {  	_ =	swait.ge [sflag:s26], $0x8000  }
0x4ce: {  	[sflag:s26] =	ssyncset.done $0x0  }
0x4cf: {  	s31 =	rddreg [dreg:$0x18];
	[sflag:s26] =	ssyncadd.s32 $0xFFFF8000  }
0x4d0: {  	[hbm4b:s31+s3] =	stream.linear.scatter [tilespmem:s4], [sflag:$0xA], $0x8000, $0x38;
	[tilespmem:$0x1B800] =	vst v63  }
0x4d1: {  	_ =	swait.ge [sflag:s25], $0x8000  }
0x4d2: {  	[sflag:s25] =	ssyncset.done $0x0  }
0x4d3: {  	[sflag:s25] =	ssyncadd.s32 $0xFFFF8000  }
0x4d4: {  	v4 =	vld [tilespmem:$0x380];
	_ =	sdelay $0x4  }
0x4d5: {  	v5 =	vshll.u32 v4, $0x1  }
0x4d6: {  	v4 =	vand.u32 $0x7, v4;
	v5 =	vand.u32 $0xFFFFFFF0, v5  }
0x4d7: {  	v4 =	vor.u32 v4, v5  }
0x4d8: {  	v5 =	vperm.xlane v4, v1;
	_ =	sdelay $0x1  }
0x4d9: {  	v4 =	vperm.xlane v4, v3;
	v5 =	vadd.s32 v2, v5;
	_ =	sdelay $0x1  }
0x4da: {  	v4 =	vadd.s32 v2, v4;
	_ =	sdelay $0x2  }
0x4db: {  	[tilespmem:s2], [sflag:$0x6] =	stream.indirect_vreg.gather [hbm4b:s0+s3], $0x80, v5, vm0, $0xb8;
	[tilespmem:$0x1B800] =	vst v63  }
0x4dc: {  	s30 =	simm.s32 $0x8C00  }
0x4dd: {  	[tilespmem:s30], [sflag:$0x6] =	stream.indirect_vreg.gather [hbm4b:s0+s3], $0x80, v4, vm0, $0xb8;
	[tilespmem:$0x1B800] =	vst v63  }
0x4de: {  	v4 =	vld [tilespmem:$0x390];
	_ =	sdelay $0x4  }
0x4df: {  	v5 =	vshll.u32 v4, $0x1  }
0x4e0: {  	v4 =	vand.u32 $0x7, v4;
	v5 =	vand.u32 $0xFFFFFFF0, v5  }
0x4e1: {  	v4 =	vor.u32 v4, v5  }
0x4e2: {  	v5 =	vperm.xlane v4, v1;
	_ =	sdelay $0x1  }
0x4e3: {  	v4 =	vperm.xlane v4, v3;
	v5 =	vadd.s32 v2, v5;
	_ =	sdelay $0x1  }
0x4e4: {  	v4 =	vadd.s32 v2, v4;
	_ =	sdelay $0x1  }
0x4e5: {  	s31 =	simm.s32 $0x9400  }
0x4e6: {  	[tilespmem:s31], [sflag:$0x6] =	stream.indirect_vreg.gather [hbm4b:s0+s3], $0x80, v5, vm0, $0xb8;
	[tilespmem:$0x1B800] =	vst v63  }
0x4e7: {  	s2 =	simm.s32 $0x9C00  }
0x4e8: {  	[tilespmem:s2], [sflag:$0x6] =	stream.indirect_vreg.gather [hbm4b:s0+s3], $0x80, v4, vm0, $0xb8;
	[tilespmem:$0x1B800] =	vst v63  }
0x4e9: {  	v4 =	vld [tilespmem:$0x3A0];
	_ =	sdelay $0x4  }
0x4ea: {  	v5 =	vshll.u32 v4, $0x1  }
0x4eb: {  	v4 =	vand.u32 $0x7, v4;
	v5 =	vand.u32 $0xFFFFFFF0, v5  }
0x4ec: {  	v4 =	vor.u32 v4, v5  }
0x4ed: {  	v5 =	vperm.xlane v4, v1;
	_ =	sdelay $0x1  }
0x4ee: {  	v4 =	vperm.xlane v4, v3;
	v5 =	vadd.s32 v2, v5;
	_ =	sdelay $0x1  }
0x4ef: {  	v4 =	vadd.s32 v2, v4;
	_ =	sdelay $0x1  }
0x4f0: {  	s26 =	simm.s32 $0xA400  }
0x4f1: {  	[tilespmem:s26], [sflag:$0x6] =	stream.indirect_vreg.gather [hbm4b:s0+s3], $0x80, v5, vm0, $0xb8;
	[tilespmem:$0x1B800] =	vst v63  }
0x4f2: {  	s30 =	simm.s32 $0xAC00  }
0x4f3: {  	[tilespmem:s30], [sflag:$0x6] =	stream.indirect_vreg.gather [hbm4b:s0+s3], $0x80, v4, vm0, $0xb8;
	[tilespmem:$0x1B800] =	vst v63  }
0x4f4: {  	v4 =	vld [tilespmem:$0x3B0];
	_ =	sdelay $0x4  }
0x4f5: {  	v5 =	vshll.u32 v4, $0x1  }
0x4f6: {  	v4 =	vand.u32 $0x7, v4;
	v5 =	vand.u32 $0xFFFFFFF0, v5  }
0x4f7: {  	v4 =	vor.u32 v4, v5  }
0x4f8: {  	v5 =	vperm.xlane v4, v1;
	_ =	sdelay $0x1  }
0x4f9: {  	v4 =	vperm.xlane v4, v3;
	v5 =	vadd.s32 v2, v5;
	_ =	sdelay $0x1  }
0x4fa: {  	v4 =	vadd.s32 v2, v4;
	_ =	sdelay $0x1  }
0x4fb: {  	s31 =	simm.s32 $0xB400  }
0x4fc: {  	[tilespmem:s31], [sflag:$0x6] =	stream.indirect_vreg.gather [hbm4b:s0+s3], $0x80, v5, vm0, $0xb8;
	[tilespmem:$0x1B800] =	vst v63  }
0x4fd: {  	s2 =	simm.s32 $0xBC00  }
0x4fe: {  	[tilespmem:s2], [sflag:$0x6] =	stream.indirect_vreg.gather [hbm4b:s0+s3], $0x80, v4, vm0, $0xb8;
	[tilespmem:$0x1B800] =	vst v63  }
0x4ff: {  	v4 =	vld [tilespmem:$0x3C0];
	_ =	sdelay $0x4  }
0x500: {  	v5 =	vshll.u32 v4, $0x1  }
0x501: {  	v4 =	vand.u32 $0x7, v4;
	v5 =	vand.u32 $0xFFFFFFF0, v5  }
0x502: {  	v4 =	vor.u32 v4, v5  }
0x503: {  	v5 =	vperm.xlane v4, v1;
	_ =	sdelay $0x1  }
0x504: {  	v4 =	vperm.xlane v4, v3;
	v5 =	vadd.s32 v2, v5;
	_ =	sdelay $0x1  }
0x505: {  	v4 =	vadd.s32 v2, v4;
	_ =	sdelay $0x1  }
0x506: {  	s26 =	simm.s32 $0xC400  }
0x507: {  	[tilespmem:s26], [sflag:$0x6] =	stream.indirect_vreg.gather [hbm4b:s0+s3], $0x80, v5, vm0, $0xb8;
	[tilespmem:$0x1B800] =	vst v63  }
0x508: {  	s30 =	simm.s32 $0xCC00  }
0x509: {  	[tilespmem:s30], [sflag:$0x6] =	stream.indirect_vreg.gather [hbm4b:s0+s3], $0x80, v4, vm0, $0xb8;
	[tilespmem:$0x1B800] =	vst v63  }
0x50a: {  	v4 =	vld [tilespmem:$0x3D0];
	_ =	sdelay $0x4  }
0x50b: {  	v5 =	vshll.u32 v4, $0x1  }
0x50c: {  	v4 =	vand.u32 $0x7, v4;
	v5 =	vand.u32 $0xFFFFFFF0, v5  }
0x50d: {  	v4 =	vor.u32 v4, v5  }
0x50e: {  	v5 =	vperm.xlane v4, v1;
	_ =	sdelay $0x1  }
0x50f: {  	v4 =	vperm.xlane v4, v3;
	v5 =	vadd.s32 v2, v5;
	_ =	sdelay $0x1  }
0x510: {  	v4 =	vadd.s32 v2, v4;
	_ =	sdelay $0x1  }
0x511: {  	s31 =	simm.s32 $0xD400  }
0x512: {  	[tilespmem:s31], [sflag:$0x6] =	stream.indirect_vreg.gather [hbm4b:s0+s3], $0x80, v5, vm0, $0xb8;
	[tilespmem:$0x1B800] =	vst v63  }
0x513: {  	s2 =	simm.s32 $0xDC00  }
0x514: {  	[tilespmem:s2], [sflag:$0x6] =	stream.indirect_vreg.gather [hbm4b:s0+s3], $0x80, v4, vm0, $0xb8;
	[tilespmem:$0x1B800] =	vst v63  }
0x515: {  	v4 =	vld [tilespmem:$0x3E0];
	_ =	sdelay $0x4  }
0x516: {  	v5 =	vshll.u32 v4, $0x1  }
0x517: {  	v4 =	vand.u32 $0x7, v4;
	v5 =	vand.u32 $0xFFFFFFF0, v5  }
0x518: {  	v4 =	vor.u32 v4, v5  }
0x519: {  	v5 =	vperm.xlane v4, v1;
	_ =	sdelay $0x1  }
0x51a: {  	v4 =	vperm.xlane v4, v3;
	v5 =	vadd.s32 v2, v5;
	_ =	sdelay $0x1  }
0x51b: {  	v4 =	vadd.s32 v2, v4;
	_ =	sdelay $0x1  }
0x51c: {  	s26 =	simm.s32 $0xE400  }
0x51d: {  	[tilespmem:s26], [sflag:$0x6] =	stream.indirect_vreg.gather [hbm4b:s0+s3], $0x80, v5, vm0, $0xb8;
	[tilespmem:$0x1B800] =	vst v63  }
0x51e: {  	s30 =	simm.s32 $0xEC00  }
0x51f: {  	[tilespmem:s30], [sflag:$0x6] =	stream.indirect_vreg.gather [hbm4b:s0+s3], $0x80, v4, vm0, $0xb8;
	[tilespmem:$0x1B800] =	vst v63  }
0x520: {  	v4 =	vld [tilespmem:$0x3F0];
	_ =	sdelay $0x4  }
0x521: {  	v5 =	vshll.u32 v4, $0x1  }
0x522: {  	v4 =	vand.u32 $0x7, v4;
	v5 =	vand.u32 $0xFFFFFFF0, v5  }
0x523: {  	v4 =	vor.u32 v4, v5  }
0x524: {  	v5 =	vperm.xlane v4, v1;
	_ =	sdelay $0x1  }
0x525: {  	v4 =	vperm.xlane v4, v3;
	v5 =	vadd.s32 v2, v5;
	_ =	sdelay $0x1  }
0x526: {  	v4 =	vadd.s32 v2, v4;
	_ =	sdelay $0x1  }
0x527: {  	s31 =	simm.s32 $0xF400  }
0x528: {  	[tilespmem:s31], [sflag:$0x6] =	stream.indirect_vreg.gather [hbm4b:s0+s3], $0x80, v5, vm0, $0xb8;
	[tilespmem:$0x1B800] =	vst v63  }
0x529: {  	s2 =	simm.s32 $0xFC00  }
0x52a: {  	[tilespmem:s2], [sflag:$0x6] =	stream.indirect_vreg.gather [hbm4b:s0+s3], $0x80, v4, vm0, $0xb8;
	[tilespmem:$0x1B800] =	vst v63  }
0x52b: {  	v4 =	vld [tilespmem:$0x300];
	_ =	sdelay $0x4  }
0x52c: {  	v5 =	vsub.s32 v4, v0  }
0x52d: {  	v4 =	vand.u32 $0x7F, v4;
	v5 =	vand.u32 $0xFFFFFF80, v5  }
0x52e: {  	v4 =	vor.u32 v4, v5;
	_ =	sdelay $0x4  }
0x52f: {  	v5 =	vld.idx.msk [tilespmem:v4+s6+$0x0], $0xffff  }
0x530: {  	v48 =	vadd.s32 $0x800, v4;
	_ =	sdelay $0x3  }
0x531: {  	v49 =	vld [tilespmem:$0x310];
	[tilespmem:$0x1A300] =	vst v5  }
0x532: {  	v5 =	vld.idx.msk [tilespmem:v48+s6+$0x0], $0xffff  }
0x533: {  	v4 =	vadd.s32 $0x1000, v4;
	_ =	sdelay $0x3  }
0x534: {  	[tilespmem:$0x1A500] =	vst v5;
	v5 =	vsub.s32 v49, v0  }
0x535: {  	v6 =	vand.u32 $0x7F, v49;
	v4 =	vld.idx.msk [tilespmem:v4+s6+$0x0], $0xffff;
	v5 =	vand.u32 $0xFFFFFF80, v5  }
0x536: {  	v5 =	vor.u32 v6, v5;
	_ =	sdelay $0x3  }
0x537: {  	[tilespmem:$0x1A700] =	vst v4  }
0x538: {  	v4 =	vld.idx.msk [tilespmem:v5+s6+$0x0], $0xffff  }
0x539: {  	v6 =	vadd.s32 $0x800, v5;
	_ =	sdelay $0x3  }
0x53a: {  	v50 =	vld [tilespmem:$0x320];
	[tilespmem:$0x1A310] =	vst v4  }
0x53b: {  	v4 =	vld.idx.msk [tilespmem:v6+s6+$0x0], $0xffff  }
0x53c: {  	v5 =	vadd.s32 $0x1000, v5;
	_ =	sdelay $0x3  }
0x53d: {  	[tilespmem:$0x1A510] =	vst v4;
	v4 =	vsub.s32 v50, v0  }
0x53e: {  	v6 =	vand.u32 $0x7F, v50;
	v5 =	vld.idx.msk [tilespmem:v5+s6+$0x0], $0xffff;
	v4 =	vand.u32 $0xFFFFFF80, v4  }
0x53f: {  	v4 =	vor.u32 v6, v4;
	_ =	sdelay $0x3  }
0x540: {  	[tilespmem:$0x1A710] =	vst v5  }
0x541: {  	v5 =	vld.idx.msk [tilespmem:v4+s6+$0x0], $0xffff  }
0x542: {  	v6 =	vadd.s32 $0x800, v4;
	_ =	sdelay $0x3  }
0x543: {  	v51 =	vld [tilespmem:$0x330];
	[tilespmem:$0x1A320] =	vst v5  }
0x544: {  	v5 =	vld.idx.msk [tilespmem:v6+s6+$0x0], $0xffff  }
0x545: {  	v4 =	vadd.s32 $0x1000, v4;
	_ =	sdelay $0x3  }
0x546: {  	[tilespmem:$0x1A520] =	vst v5;
	v5 =	vsub.s32 v51, v0  }
0x547: {  	v6 =	vand.u32 $0x7F, v51;
	v4 =	vld.idx.msk [tilespmem:v4+s6+$0x0], $0xffff;
	v5 =	vand.u32 $0xFFFFFF80, v5  }
0x548: {  	v5 =	vor.u32 v6, v5;
	_ =	sdelay $0x3  }
0x549: {  	[tilespmem:$0x1A720] =	vst v4  }
0x54a: {  	v4 =	vld.idx.msk [tilespmem:v5+s6+$0x0], $0xffff  }
0x54b: {  	v6 =	vadd.s32 $0x800, v5;
	_ =	sdelay $0x3  }
0x54c: {  	v52 =	vld [tilespmem:$0x340];
	[tilespmem:$0x1A330] =	vst v4  }
0x54d: {  	v4 =	vld.idx.msk [tilespmem:v6+s6+$0x0], $0xffff  }
0x54e: {  	v5 =	vadd.s32 $0x1000, v5;
	_ =	sdelay $0x3  }
0x54f: {  	[tilespmem:$0x1A530] =	vst v4;
	v4 =	vsub.s32 v52, v0  }
0x550: {  	v6 =	vand.u32 $0x7F, v52;
	v5 =	vld.idx.msk [tilespmem:v5+s6+$0x0], $0xffff;
	v4 =	vand.u32 $0xFFFFFF80, v4  }
0x551: {  	v4 =	vor.u32 v6, v4;
	_ =	sdelay $0x3  }
0x552: {  	[tilespmem:$0x1A730] =	vst v5  }
0x553: {  	v5 =	vld.idx.msk [tilespmem:v4+s6+$0x0], $0xffff  }
0x554: {  	v6 =	vadd.s32 $0x800, v4;
	_ =	sdelay $0x3  }
0x555: {  	v53 =	vld [tilespmem:$0x350];
	[tilespmem:$0x1A340] =	vst v5  }
0x556: {  	v5 =	vld.idx.msk [tilespmem:v6+s6+$0x0], $0xffff  }
0x557: {  	v4 =	vadd.s32 $0x1000, v4;
	_ =	sdelay $0x3  }
0x558: {  	[tilespmem:$0x1A540] =	vst v5;
	v5 =	vsub.s32 v53, v0  }
0x559: {  	v6 =	vand.u32 $0x7F, v53;
	v4 =	vld.idx.msk [tilespmem:v4+s6+$0x0], $0xffff;
	v5 =	vand.u32 $0xFFFFFF80, v5  }
0x55a: {  	v5 =	vor.u32 v6, v5;
	_ =	sdelay $0x3  }
0x55b: {  	[tilespmem:$0x1A740] =	vst v4  }
0x55c: {  	v4 =	vld.idx.msk [tilespmem:v5+s6+$0x0], $0xffff  }
0x55d: {  	v6 =	vadd.s32 $0x800, v5;
	_ =	sdelay $0x3  }
0x55e: {  	v54 =	vld [tilespmem:$0x360];
	[tilespmem:$0x1A350] =	vst v4  }
0x55f: {  	v4 =	vld.idx.msk [tilespmem:v6+s6+$0x0], $0xffff  }
0x560: {  	v5 =	vadd.s32 $0x1000, v5;
	_ =	sdelay $0x3  }
0x561: {  	[tilespmem:$0x1A550] =	vst v4;
	v4 =	vsub.s32 v54, v0  }
0x562: {  	v6 =	vand.u32 $0x7F, v54;
	v5 =	vld.idx.msk [tilespmem:v5+s6+$0x0], $0xffff;
	v4 =	vand.u32 $0xFFFFFF80, v4  }
0x563: {  	v4 =	vor.u32 v6, v4;
	_ =	sdelay $0x3  }
0x564: {  	[tilespmem:$0x1A750] =	vst v5  }
0x565: {  	v5 =	vld.idx.msk [tilespmem:v4+s6+$0x0], $0xffff  }
0x566: {  	v6 =	vadd.s32 $0x800, v4;
	_ =	sdelay $0x3  }
0x567: {  	v55 =	vld [tilespmem:$0x370];
	[tilespmem:$0x1A360] =	vst v5  }
0x568: {  	v5 =	vld.idx.msk [tilespmem:v6+s6+$0x0], $0xffff  }
0x569: {  	v4 =	vadd.s32 $0x1000, v4;
	_ =	sdelay $0x3  }
0x56a: {  	[tilespmem:$0x1A560] =	vst v5;
	v5 =	vsub.s32 v55, v0  }
0x56b: {  	v6 =	vand.u32 $0x7F, v55;
	v4 =	vld.idx.msk [tilespmem:v4+s6+$0x0], $0xffff;
	v5 =	vand.u32 $0xFFFFFF80, v5  }
0x56c: {  	v5 =	vor.u32 v6, v5;
	_ =	sdelay $0x3  }
0x56d: {  	[tilespmem:$0x1A760] =	vst v4  }
0x56e: {  	v4 =	vld.idx.msk [tilespmem:v5+s6+$0x0], $0xffff  }
0x56f: {  	v6 =	vadd.s32 $0x800, v5;
	_ =	sdelay $0x3  }
0x570: {  	[tilespmem:$0x1A370] =	vst v4  }
0x571: {  	v4 =	vld.idx.msk [tilespmem:v6+s6+$0x0], $0xffff  }
0x572: {  	v5 =	vadd.s32 $0x1000, v5;
	_ =	sdelay $0x3  }
0x573: {  	[tilespmem:$0x1A570] =	vst v4  }
0x574: {  	v4 =	vld.idx.msk [tilespmem:v5+s6+$0x0], $0xffff;
	_ =	sdelay $0x4  }
0x575: {  	[tilespmem:$0x1A770] =	vst v4  }
0x576: {  	_ =	swait.ge [sflag:s8], $0x8000  }
0x577: {  	[sflag:s8] =	ssyncset.done $0x0  }
0x578: {  	s9 =	simm.s32 $0x400;
	s26 =	rddreg [dreg:$0x19];
	[sflag:s8] =	ssyncadd.s32 $0xFFFF8000  }
0x579: {  	[hbm4b:s26+s3] =	stream.linear.scatter [tilespmem:s9], [sflag:$0x8], $0x8000, $0x38;
	[tilespmem:$0x1B800] =	vst v63  }
0x57a: {  	v4 =	vld [tilespmem:$0x380];
	_ =	sdelay $0x4  }
0x57b: {  	v5 =	vsub.s32 v4, v0  }
0x57c: {  	v4 =	vand.u32 $0x7F, v4;
	v5 =	vand.u32 $0xFFFFFF80, v5  }
0x57d: {  	v4 =	vor.u32 v4, v5;
	_ =	sdelay $0x4  }
0x57e: {  	v5 =	vld.idx.msk [tilespmem:v4+s6+$0x0], $0xffff  }
0x57f: {  	v56 =	vadd.s32 $0x800, v4;
	_ =	sdelay $0x3  }
0x580: {  	v57 =	vld [tilespmem:$0x390];
	[tilespmem:$0x1A380] =	vst v5  }
0x581: {  	v5 =	vld.idx.msk [tilespmem:v56+s6+$0x0], $0xffff  }
0x582: {  	v4 =	vadd.s32 $0x1000, v4;
	_ =	sdelay $0x3  }
0x583: {  	[tilespmem:$0x1A580] =	vst v5;
	v5 =	vsub.s32 v57, v0  }
0x584: {  	v6 =	vand.u32 $0x7F, v57;
	v4 =	vld.idx.msk [tilespmem:v4+s6+$0x0], $0xffff;
	v5 =	vand.u32 $0xFFFFFF80, v5  }
0x585: {  	v5 =	vor.u32 v6, v5;
	_ =	sdelay $0x3  }
0x586: {  	[tilespmem:$0x1A780] =	vst v4  }
0x587: {  	v4 =	vld.idx.msk [tilespmem:v5+s6+$0x0], $0xffff  }
0x588: {  	v6 =	vadd.s32 $0x800, v5;
	_ =	sdelay $0x3  }
0x589: {  	v58 =	vld [tilespmem:$0x3A0];
	[tilespmem:$0x1A390] =	vst v4  }
0x58a: {  	v4 =	vld.idx.msk [tilespmem:v6+s6+$0x0], $0xffff  }
0x58b: {  	v5 =	vadd.s32 $0x1000, v5;
	_ =	sdelay $0x3  }
0x58c: {  	[tilespmem:$0x1A590] =	vst v4;
	v4 =	vsub.s32 v58, v0  }
0x58d: {  	v6 =	vand.u32 $0x7F, v58;
	v5 =	vld.idx.msk [tilespmem:v5+s6+$0x0], $0xffff;
	v4 =	vand.u32 $0xFFFFFF80, v4  }
0x58e: {  	v4 =	vor.u32 v6, v4;
	_ =	sdelay $0x3  }
0x58f: {  	[tilespmem:$0x1A790] =	vst v5  }
0x590: {  	v5 =	vld.idx.msk [tilespmem:v4+s6+$0x0], $0xffff  }
0x591: {  	v6 =	vadd.s32 $0x800, v4;
	_ =	sdelay $0x3  }
0x592: {  	v59 =	vld [tilespmem:$0x3B0];
	[tilespmem:$0x1A3A0] =	vst v5  }
0x593: {  	v5 =	vld.idx.msk [tilespmem:v6+s6+$0x0], $0xffff  }
0x594: {  	v4 =	vadd.s32 $0x1000, v4;
	_ =	sdelay $0x3  }
0x595: {  	[tilespmem:$0x1A5A0] =	vst v5;
	v5 =	vsub.s32 v59, v0  }
0x596: {  	v6 =	vand.u32 $0x7F, v59;
	v4 =	vld.idx.msk [tilespmem:v4+s6+$0x0], $0xffff;
	v5 =	vand.u32 $0xFFFFFF80, v5  }
0x597: {  	v5 =	vor.u32 v6, v5;
	_ =	sdelay $0x3  }
0x598: {  	[tilespmem:$0x1A7A0] =	vst v4  }
0x599: {  	v4 =	vld.idx.msk [tilespmem:v5+s6+$0x0], $0xffff  }
0x59a: {  	v6 =	vadd.s32 $0x800, v5;
	_ =	sdelay $0x3  }
0x59b: {  	v60 =	vld [tilespmem:$0x3C0];
	[tilespmem:$0x1A3B0] =	vst v4  }
0x59c: {  	v4 =	vld.idx.msk [tilespmem:v6+s6+$0x0], $0xffff  }
0x59d: {  	v5 =	vadd.s32 $0x1000, v5;
	_ =	sdelay $0x3  }
0x59e: {  	[tilespmem:$0x1A5B0] =	vst v4;
	v4 =	vsub.s32 v60, v0  }
0x59f: {  	v6 =	vand.u32 $0x7F, v60;
	v5 =	vld.idx.msk [tilespmem:v5+s6+$0x0], $0xffff;
	v4 =	vand.u32 $0xFFFFFF80, v4  }
0x5a0: {  	v4 =	vor.u32 v6, v4;
	_ =	sdelay $0x3  }
0x5a1: {  	[tilespmem:$0x1A7B0] =	vst v5  }
0x5a2: {  	v5 =	vld.idx.msk [tilespmem:v4+s6+$0x0], $0xffff  }
0x5a3: {  	v6 =	vadd.s32 $0x800, v4;
	_ =	sdelay $0x3  }
0x5a4: {  	v61 =	vld [tilespmem:$0x3D0];
	[tilespmem:$0x1A3C0] =	vst v5  }
0x5a5: {  	v5 =	vld.idx.msk [tilespmem:v6+s6+$0x0], $0xffff  }
0x5a6: {  	v4 =	vadd.s32 $0x1000, v4;
	_ =	sdelay $0x3  }
0x5a7: {  	[tilespmem:$0x1A5C0] =	vst v5;
	v5 =	vsub.s32 v61, v0  }
0x5a8: {  	v6 =	vand.u32 $0x7F, v61;
	v4 =	vld.idx.msk [tilespmem:v4+s6+$0x0], $0xffff;
	v5 =	vand.u32 $0xFFFFFF80, v5  }
0x5a9: {  	v5 =	vor.u32 v6, v5;
	_ =	sdelay $0x3  }
0x5aa: {  	[tilespmem:$0x1A7C0] =	vst v4  }
0x5ab: {  	v4 =	vld.idx.msk [tilespmem:v5+s6+$0x0], $0xffff  }
0x5ac: {  	v6 =	vadd.s32 $0x800, v5;
	_ =	sdelay $0x3  }
0x5ad: {  	v62 =	vld [tilespmem:$0x3E0];
	[tilespmem:$0x1A3D0] =	vst v4  }
0x5ae: {  	v4 =	vld.idx.msk [tilespmem:v6+s6+$0x0], $0xffff  }
0x5af: {  	v5 =	vadd.s32 $0x1000, v5;
	_ =	sdelay $0x3  }
0x5b0: {  	[tilespmem:$0x1A5D0] =	vst v4;
	v4 =	vsub.s32 v62, v0  }
0x5b1: {  	v6 =	vand.u32 $0x7F, v62;
	v5 =	vld.idx.msk [tilespmem:v5+s6+$0x0], $0xffff;
	v4 =	vand.u32 $0xFFFFFF80, v4  }
0x5b2: {  	v4 =	vor.u32 v6, v4;
	_ =	sdelay $0x3  }
0x5b3: {  	[tilespmem:$0x1A7D0] =	vst v5  }
0x5b4: {  	v5 =	vld.idx.msk [tilespmem:v4+s6+$0x0], $0xffff  }
0x5b5: {  	v6 =	vadd.s32 $0x800, v4;
	_ =	sdelay $0x3  }
0x5b6: {  	v63 =	vld [tilespmem:$0x3F0];
	[tilespmem:$0x1A3E0] =	vst v5  }
0x5b7: {  	v5 =	vld.idx.msk [tilespmem:v6+s6+$0x0], $0xffff  }
0x5b8: {  	v4 =	vadd.s32 $0x1000, v4;
	_ =	sdelay $0x3  }
0x5b9: {  	[tilespmem:$0x1A5E0] =	vst v5;
	v5 =	vsub.s32 v63, v0  }
0x5ba: {  	v6 =	vand.u32 $0x7F, v63;
	v4 =	vld.idx.msk [tilespmem:v4+s6+$0x0], $0xffff;
	v5 =	vand.u32 $0xFFFFFF80, v5  }
0x5bb: {  	v5 =	vor.u32 v6, v5;
	_ =	sdelay $0x3  }
0x5bc: {  	[tilespmem:$0x1A7E0] =	vst v4  }
0x5bd: {  	v4 =	vld.idx.msk [tilespmem:v5+s6+$0x0], $0xffff  }
0x5be: {  	v6 =	vadd.s32 $0x800, v5;
	_ =	sdelay $0x3  }
0x5bf: {  	[tilespmem:$0x1A3F0] =	vst v4  }
0x5c0: {  	v4 =	vld.idx.msk [tilespmem:v6+s6+$0x0], $0xffff  }
0x5c1: {  	v5 =	vadd.s32 $0x1000, v5;
	_ =	sdelay $0x3  }
0x5c2: {  	[tilespmem:$0x1A5F0] =	vst v4  }
0x5c3: {  	v4 =	vld.idx.msk [tilespmem:v5+s6+$0x0], $0xffff;
	_ =	sdelay $0x1  }
0x5c4: {  	s30 =	rddreg [dreg:$0x1a]  }
0x5c5: {  	s31 =	sld [smem:$0x7FB]  }
0x5c6: {  	s1 =	rddreg [dreg:$0x1b]  }
0x5c7: {  	s2 =	sld [smem:$0x7FC];
	[tilespmem:$0x1A7F0] =	vst v4  }
0x5c8: {  	[hbm4b:s30+s3] =	stream.linear.scatter [tilespmem:s31], [sflag:$0x4], $0x200, $0x38;
	[tilespmem:$0x1B800] =	vst v63  }
0x5c9: {  	s26 =	sld [smem:$0x7FD]  }
0x5ca: {  	[hbm4b:s1+s3] =	stream.linear.scatter [tilespmem:s2], [sflag:$0x4], $0x200, $0x38;
	[tilespmem:$0x1B800] =	vst v63  }
0x5cb: {  	s9 =	rddreg [dreg:$0x1c]  }
0x5cc: {  	[hbm4b:s9+s3] =	stream.linear.scatter [tilespmem:s26], [sflag:$0x4], $0x200, $0x38;
	[tilespmem:$0x1B800] =	vst v63  }
0x5cd: {  	_ =	swait.ge [sflag:s22], $0x8000  }
0x5ce: {  	[sflag:s22] =	ssyncset.done $0x0  }
0x5cf: {  	s4 =	simm.s32 $0x8400;
	s31 =	rddreg [dreg:$0x1d];
	[sflag:s22] =	ssyncadd.s32 $0xFFFF8000  }
0x5d0: {  	[hbm4b:s31+s3] =	stream.linear.scatter [tilespmem:s4], [sflag:$0x9], $0x8000, $0x38;
	[tilespmem:$0x1B800] =	vst v63  }
0x5d1: {  	_ =	swait.ge [sflag:s23], $0x8000  }
0x5d2: {  	[sflag:s23] =	ssyncset.done $0x0  }
0x5d3: {  	[sflag:s23] =	ssyncadd.s32 $0xFFFF8000  }
0x5d4: {  	_ =	swait.ge [sflag:s25], $0x8000  }
0x5d5: {  	[sflag:s25] =	ssyncset.done $0x0  }
0x5d6: {  	[sflag:s25] =	ssyncadd.s32 $0xFFFF8000  }
0x5d7: {  	_ =	swait.ge [sflag:s7], $0x8000  }
0x5d8: {  	[sflag:s7] =	ssyncset.done $0x0  }
0x5d9: {  	[sflag:s7] =	ssyncadd.s32 $0xFFFF8000  }
0x5da: {  	_ =	swait.ge [sflag:s18], $0x800  }
0x5db: {  	[sflag:s18] =	ssyncset.done $0x0  }
0x5dc: {  	[sflag:s18] =	ssyncadd.s32 $0xFFFFF800  }
0x5dd: {  	_ =	swait.ge [sflag:s28], $0x800  }
0x5de: {  	[sflag:s28] =	ssyncset.done $0x0  }
0x5df: {  	[sflag:s28] =	ssyncadd.s32 $0xFFFFF800  }
0x5e0: {  	_ =	swait.ge [sflag:s29], $0x200  }
0x5e1: {  	[sflag:s29] =	ssyncset.done $0x0  }
0x5e2: {  	[sflag:s29] =	ssyncadd.s32 $0xFFFFFE00  }
0x5e3: {  	_ =	swait.ge [sflag:s29], $0x200  }
0x5e4: {  	[sflag:s29] =	ssyncset.done $0x0  }
0x5e5: {  	[sflag:s29] =	ssyncadd.s32 $0xFFFFFE00  }
0x5e6: {  	_ =	swait.ge [sflag:s29], $0x200  }
0x5e7: {  	[sflag:s29] =	ssyncset.done $0x0  }
0x5e8: {  	[sflag:s29] =	ssyncadd.s32 $0xFFFFFE00  }
0x5e9: {  	_ =	swait.ge [sflag:s29], $0x200  }
0x5ea: {  	[sflag:s29] =	ssyncset.done $0x0  }
0x5eb: {  	[sflag:s29] =	ssyncadd.s32 $0xFFFFFE00  }
0x5ec: {  	p0 =	sne.s32 s5, $0x1;
	_ =	swait.ge [sflag:s29], $0x200  }
.Ltmp0:
0x5ed: {  	[sflag:s29] =	ssyncset.done $0x0;
	(pc) =	sbr.rel @p0 .LBB2_1-.Ltmp0, $4  }
0x5ee: {  	[sflag:s29] =	ssyncadd.s32 $0xFFFFFE00  }
0x5ef: {  	_ =	swait.ge [sflag:s29], $0x200  }
0x5f0: {  	[sflag:s29] =	ssyncset.done $0x0  }
0x5f1: {  	s5 =	sadd.s32 $0xFFFFFFFF, s5;
	[sflag:s29] =	ssyncadd.s32 $0xFFFFFE00  }
0x5f2: {  	_ =	sfence.sel $0x180000  }
0x5f3: {  	[bflag:$0x0] =	sbarrier.arrive $0xFFFF  }
0x5f4: {  	_ =	strace $0x90000047  }
0x5f5: {  	s0 =	stileid.u32;
	[bflag:$0x2] =	sbarrier.arrive $0xFFFF  }
0x5f6: {  	p0 =	sne.s32 s0, $0x0;
	s0 =	rddreg [dreg:$0x9]  }
0x5f7: {  	s0 =	sadd.s32 @!p0 $0x100000, s0  }
0x5f8: {  	[sflag:s0] =	ssyncadd.tile.s32 @!p0 $0x1;
	_ =	shalt  }
.Lfunc_end2:
_tile_overlayer_lowered:
.L_overlay_start_2:
0x5f9: {  	(tag) =	ssettag $0x2  }
0x5fa: {  	s0 =	rddreg [dreg:$0x0];
	s2 =	stileid.u32  }
0x5fb: {  	s1 =	rddreg [dreg:$0x1];
	p0 =	sne.s32 s2, $0x0  }
0x5fc: {  	s3 =	rddreg [dreg:$0x2];
	[bflag:$0x3] =	sbarrier.arrive $0xFFFF;
	s2 =	simm.s32 @!p0 $0x1C0B  }
0x5fd: {  	[timem:s3], [sflag:s2] =	dma.local @!p0 [hbm:s0], s1  }
0x5fe: {  	s0 =	simm.s32 @!p0 $0xB  }
0x5ff: {  	_ =	swait.ge @!p0 [sflag:s0], s1  }
0x600: {  	s1 =	ssub.s32 @!p0 $0x0, s1;
	[sflag:s0] =	ssyncset.done @!p0 $0x0  }
0x601: {  	[sflag:s0] =	ssyncadd.s32 @!p0 s1  }
0x602: {  	[bflag:$0x3] =	sbarrier.arrive $0xFFFF  }
0x603: {  	_ =	shalt  }

</sc_bundles>
